<compile_context>
chip_gen: v7x
topology: tpu7x:2x2x1
jax: 0.10.2.dev20260603
libtpu: 0.0.44.dev20260713+nightly
codegen_flags: <defaults>
</compile_context>

<pallas_src>
import dataclasses
import functools

import jax
import jax.numpy as jnp
from jax import lax
from jax.experimental import pallas as pl
from jax.experimental.pallas import tpu as pltpu
from jax.experimental.pallas import tpu_sc as plsc

B, N, FE, M, H, K = 4, 4096, 16, 3072, 64, 64
TM = 256
TR = 256
BM = B * M


def _topk_body(pix_ref, los_ref, vals_ref, idx_ref, gidxt_ref, wk_ref):
    b = pl.program_id(0)
    cos = jnp.dot(pix_ref[...], los_ref[0],
                  preferred_element_type=jnp.float32)
    wk_ref[...] = jnp.clip(cos, -1.0, 1.0)
    iota = lax.broadcasted_iota(jnp.int32, (TM, N), 1)
    lanek = lax.broadcasted_iota(jnp.int32, (TM, K), 1)

    def body(k, carry):
        ov, oi = carry
        mx = jnp.max(wk_ref[...], axis=1, keepdims=True)
        am = jnp.min(jnp.where(wk_ref[...] == mx, iota, N), axis=1,
                     keepdims=True)
        ov = jnp.where(lanek == k, mx, ov)
        oi = jnp.where(lanek == k, am, oi)
        wk_ref[...] = jnp.where(iota == am, -2.0, wk_ref[...])
        return ov, oi

    init = (jnp.zeros((TM, K), jnp.float32),
            jnp.zeros((TM, K), jnp.int32))
    ov, oi = lax.fori_loop(0, K, body, init)
    vals_ref[...] = jnp.transpose(ov, (1, 0))
    idx_ref[0] = oi
    gidxt_ref[...] = jnp.transpose(oi + b * N, (1, 0))


def _run_topk(r_pix, r_losT, interpret=False):
    grid = (B, M // TM)
    return pl.pallas_call(
        _topk_body,
        grid=grid,
        in_specs=[
            pl.BlockSpec((TM, 3), lambda b, mt: (mt, 0)),
            pl.BlockSpec((1, 3, N), lambda b, mt: (b, 0, 0)),
        ],
        out_specs=[
            pl.BlockSpec((K, TM), lambda b, mt: (0, b * (M // TM) + mt)),
            pl.BlockSpec((1, TM, K), lambda b, mt: (b, mt, 0)),
            pl.BlockSpec((K, TM), lambda b, mt: (0, b * (M // TM) + mt)),
        ],
        out_shape=[
            jax.ShapeDtypeStruct((K, BM), jnp.float32),
            jax.ShapeDtypeStruct((B, M, K), jnp.int32),
            jax.ShapeDtypeStruct((K, BM), jnp.int32),
        ],
        scratch_shapes=[pltpu.VMEM((TM, N), jnp.float32)],
        interpret=interpret,
    )(r_pix, r_losT)


def _sc_gather(x_pad, gidx_flat):
    num_idx = gidx_flat.shape[0]
    window = 128
    lanes = x_pad.shape[1]
    idx2d = gidx_flat.reshape(1, num_idx)
    mesh = plsc.VectorSubcoreMesh(core_axis_name="core",
                                  subcore_axis_name="subcore")

    @functools.partial(
        pl.kernel,
        out_type=jax.ShapeDtypeStruct((num_idx, lanes), jnp.float32),
        mesh=mesh)
    def gather_kernel(x_hbm, i_hbm, o_hbm):
        def body(i_vmem, o_vmem):
            pltpu.sync_copy(x_hbm.at[i_vmem.at[0]], o_vmem)

        pltpu.emit_pipeline(
            body,
            grid=(num_idx // window,),
            in_specs=[pl.BlockSpec((1, window), index_map=lambda i: (0, i))],
            out_specs=[pl.BlockSpec((window, lanes),
                                    index_map=lambda i: (i, 0))],
            core_axis_name=("core", "subcore"),
            dimension_semantics=(pltpu.PARALLEL,),
        )(i_hbm, o_hbm)

    return gather_kernel(x_pad, idx2d)


def _sc_gather2(x128, gidxt):
    CH = 256
    XROWS = N * FE // 128
    mesh = plsc.VectorSubcoreMesh(core_axis_name="core",
                                  subcore_axis_name="subcore")
    cp = pltpu.CompilerParams()
    if "needs_layout_passes" in pltpu.CompilerParams.__dataclass_fields__:
        cp = dataclasses.replace(cp, needs_layout_passes=False)

    @functools.partial(
        pl.kernel,
        out_type=jax.ShapeDtypeStruct((FE, K * BM), jnp.float32),
        mesh=mesh,
        compiler_params=cp,
        scratch_types=[
            pltpu.VMEM((XROWS, 128), jnp.float32),
            pltpu.VMEM((M,), jnp.int32),
            pltpu.VMEM((FE, CH), jnp.float32),
        ])
    def gk(x_hbm, i_hbm, o_hbm, xb, ib, chb):
        wid = lax.axis_index("core") * 16 + lax.axis_index("subcore")
        iota16 = lax.broadcasted_iota(jnp.int32, (16,), 0)

        @pl.loop(0, B)
        def _b(b):
            pltpu.sync_copy(x_hbm.at[pl.ds(b * XROWS, XROWS)], xb)

            @pl.loop(0, 2)
            def _kk(kk):
                k = wid * 2 + kk
                pltpu.sync_copy(i_hbm.at[pl.ds(k * BM + b * M, M)], ib)

                @pl.loop(0, M // CH)
                def _c(c):
                    for g in range(CH // 16):
                        nloc = ib[pl.ds(c * CH + g * 16, 16)] - b * N
                        rowv = lax.shift_right_logical(nloc, 3)
                        colb = (nloc & 7) * FE
                        ocol = iota16 + g * 16
                        for col in range(FE):
                            v = plsc.load_gather(
                                xb, [rowv, colb + col])
                            plsc.store_scatter(
                                chb, [jnp.full((16,), col, jnp.int32), ocol],
                                v)
                    base = k * BM + b * M + c * CH
                    pltpu.sync_copy(chb, o_hbm.at[:, pl.ds(base, CH)])

    return gk(x128, gidxt)


def _arccos(v):
    a = jnp.abs(v)
    p = jnp.float32(-0.0012624911)
    p = p * a + jnp.float32(0.0066700901)
    p = p * a + jnp.float32(-0.0170881256)
    p = p * a + jnp.float32(0.0308918810)
    p = p * a + jnp.float32(-0.0501743046)
    p = p * a + jnp.float32(0.0889789874)
    p = p * a + jnp.float32(-0.2145988016)
    p = p * a + jnp.float32(1.5707963050)
    r = jnp.sqrt(jnp.maximum(1.0 - a, 0.0)) * p
    return jnp.where(v < 0, jnp.float32(3.1415927410125732) - r, r)


def _mlp_body(xt_ref, valst_ref, w1at_ref, w1dt_ref, b1t_ref, w2t_ref,
              b2_ref, out_ref, lgt_ref):
    dT = _arccos(jnp.clip(valst_ref[...], -1.0, 1.0))
    w1at = w1at_ref[...]
    w1dt = w1dt_ref[...]
    b1t = b1t_ref[...]
    w2t = w2t_ref[...]
    for k in range(K):
        xk = xt_ref[:, k, :]
        a1k = jnp.dot(w1at, xk, preferred_element_type=jnp.float32)
        hk = jnp.maximum(a1k + w1dt * dT[k:k + 1, :] + b1t, 0.0)
        lgt_ref[k:k + 1, :] = jnp.sum(hk * w2t, axis=0, keepdims=True)
    lgt = lgt_ref[...] + b2_ref[0, 0]
    mx = jnp.max(lgt, axis=0, keepdims=True)
    e = jnp.exp(lgt - mx)
    wT = e / jnp.sum(e, axis=0, keepdims=True)
    poolT = jnp.zeros((FE, TR), jnp.float32)
    for k in range(K):
        poolT = poolT + wT[k:k + 1, :] * xt_ref[:, k, :]
    out_ref[...] = jnp.transpose(poolT, (1, 0))


def _run_mlp(xt3, valst, W1aT, w1dT, b1T, W2c, b2, interpret=False):
    grid = (BM // TR,)
    return pl.pallas_call(
        _mlp_body,
        grid=grid,
        in_specs=[
            pl.BlockSpec((FE, K, TR), lambda r: (0, 0, r)),
            pl.BlockSpec((K, TR), lambda r: (0, r)),
            pl.BlockSpec((H, FE), lambda r: (0, 0)),
            pl.BlockSpec((H, 1), lambda r: (0, 0)),
            pl.BlockSpec((H, 1), lambda r: (0, 0)),
            pl.BlockSpec((H, 1), lambda r: (0, 0)),
            pl.BlockSpec((1, 1), lambda r: (0, 0)),
        ],
        out_specs=pl.BlockSpec((TR, FE), lambda r: (r, 0)),
        out_shape=jax.ShapeDtypeStruct((BM, FE), jnp.float32),
        scratch_shapes=[pltpu.VMEM((K, TR), jnp.float32)],
        interpret=interpret,
    )(xt3, valst, W1aT, w1dT, b1T, W2c, b2)


def _sph_to_cart(theta, phi):
    st = jnp.sin(theta)
    return jnp.stack([st * jnp.cos(phi), st * jnp.sin(phi),
                      jnp.cos(theta)], axis=-1)


def kernel(x, los_theta_phi, pix_theta_phi, W1, b1, W2, b2):
    r_los = _sph_to_cart(los_theta_phi[..., 0], los_theta_phi[..., 1])
    r_pix = _sph_to_cart(pix_theta_phi[:, 0], pix_theta_phi[:, 1])
    r_losT = jnp.transpose(r_los, (0, 2, 1))

    valst, idx, gidxt = _run_topk(r_pix, r_losT)

    xgT = _sc_gather2(x.reshape(B * N * FE // 128, 128),
                      gidxt.reshape(K * BM))
    xt3 = xgT.reshape(FE, K, BM)

    W1aT = jnp.transpose(W1[:FE, :], (1, 0))
    w1dT = jnp.transpose(W1[FE:FE + 1, :], (1, 0))
    pooled = _run_mlp(xt3, valst, W1aT, w1dT,
                      b1.reshape(H, 1), W2, b2.reshape(1, 1))
    return pooled.reshape(B, M, FE), idx

# --- scband reference (transcript-rebuilt; emitter-appended) ---
"""Pipeline reference for scband-sparse-healpix-sampler-20486994002609 (READ-ONLY COPY).

The authoritative reference and input builder live on the scoring server;
editing this copy changes nothing except your own understanding.
"""

import jax, jax.numpy as jnp
import numpy as np

K_NEIGH = 64

def sph_to_cart(theta, phi):
    st = jnp.sin(theta)
    x = st * jnp.cos(phi)
    y = st * jnp.sin(phi)
    z = jnp.cos(theta)
    return jnp.stack([x, y, z], axis=-1)

def setup_inputs(seed: int = 0) -> dict:
    key = jax.random.key(seed)
    ks = jax.random.split(key, 8)
    B, N, Fe, M, H = 4, 4096, 16, 3072, 64
    x = jax.random.normal(ks[0], (B, N, Fe), dtype=jnp.float32)
    los_theta_phi = jax.random.uniform(ks[1], (B, N, 2), dtype=jnp.float32) * jnp.array([np.pi, 2.0 * np.pi], dtype=np.float32)
    pix_theta_phi = jax.random.uniform(ks[2], (M, 2), dtype=jnp.float32) * jnp.array([np.pi, 2.0 * np.pi], dtype=np.float32)
    W1 = jax.random.normal(ks[3], (Fe + 1, H), dtype=jnp.float32) * 0.1
    b1 = jnp.zeros((H,), dtype=jnp.float32)
    W2 = jax.random.normal(ks[4], (H, 1), dtype=jnp.float32) * 0.1
    b2 = jnp.zeros((1,), dtype=jnp.float32)
    return {"x": x, "los_theta_phi": los_theta_phi, "pix_theta_phi": pix_theta_phi, "W1": W1, "b1": b1, "W2": W2, "b2": b2}

def reference(x, los_theta_phi, pix_theta_phi, W1, b1, W2, b2):
    B, N, Fe = x.shape
    M = pix_theta_phi.shape[0]
    K = min(K_NEIGH, N)
    r_los = sph_to_cart(los_theta_phi[..., 0], los_theta_phi[..., 1])  # [B,N,3]
    r_pix = sph_to_cart(pix_theta_phi[:, 0], pix_theta_phi[:, 1])     # [M,3]
    cos = jnp.einsum('bnc,mc->bnm', r_los, r_pix)
    cos = jnp.clip(cos, -1.0, 1.0)
    cos_permuted = jnp.transpose(cos, (0, 2, 1))  # [B,M,N]
    topk_vals, topk_idx = jax.lax.top_k(cos_permuted, K)  # [B,M,K]
    x_gather = jax.vmap(lambda xb, ib: xb[ib])(x, topk_idx)  # [B,M,K,Fe]
    d_neighbors = jnp.arccos(jnp.clip(topk_vals, -1.0, 1.0))
    feat = jnp.concatenate([x_gather, d_neighbors[..., None]], axis=-1)  # [B,M,K,Fe+1]
    h = jax.nn.relu(feat @ W1 + b1)
    logits = (h @ W2 + b2)[..., 0]  # [B,M,K]
    logits_max = jnp.max(logits, axis=2, keepdims=True)
    weights = jax.nn.softmax(logits - logits_max, axis=2)
    pooled = jnp.sum(weights[..., None] * x_gather, axis=2)  # [B,M,Fe]
    return pooled, topk_idx

if __name__ == "__main__":
    import jax
    _d = setup_inputs()
    print(jax.jit(kernel)(*tuple(_d.values())))

</pallas_src>

<mosaic_0001>
#map = affine_map<(d0, d1) -> (0, 0)>
#map1 = affine_map<(d0, d1) -> (0)>
module attributes {stable_mosaic.version = 14 : i64} {
  func.func @gk(%arg0: i32, %arg1: i32, %arg2: memref<2048x128xf32, #tpu.memory_space<hbm>>, %arg3: memref<786432xi32, #tpu.memory_space<hbm>>, %arg4: memref<16x786432xf32, #tpu.memory_space<hbm>>, %arg5: memref<512x128xf32, #tpu.memory_space<vmem>>, %arg6: memref<3072xi32, #tpu.memory_space<vmem>>, %arg7: memref<16x256xf32, #tpu.memory_space<vmem>>) attributes {dimension_semantics = [#tpu.dimension_semantics<core_parallel>, #tpu.dimension_semantics<subcore_parallel>], iteration_bounds = array<i64: 2, 16>, scalar_prefetch = 0 : i64, scratch_operands = 3 : i64, tpu.core_type = #tpu.core_type<sc_vector_subcore>, window_params = [{transform_indices = #map}, {transform_indices = #map1}, {transform_indices = #map}]} {
    %mul3A = arith.constant 16 : i32
    %mul3A_0 = arith.muli %arg0, %mul3A : i32
    %add3A = arith.addi %mul3A_0, %arg1 : i32
    %iota3A = tpu.iota {dimensions = array<i32: 0>} : vector<16xi32>
    %scan3A = arith.constant 0 : i32
    %scan3A_1 = arith.constant 4 : i32
    %scan3A_2 = arith.addi %scan3A, %scan3A_1 : i32
    %scan3A_3 = arith.constant 1 : i32
    scf.for %scan3A_5 = %scan3A to %scan3A_2 step %scan3A_3  : i32 {
      %mul3A_6 = arith.constant 1 : i32
      %mul3A_7 = arith.muli %scan3A_5, %mul3A_6 : i32
      %add3A_8 = arith.constant 0 : i32
      %add3A_9 = arith.addi %add3A_8, %mul3A_7 : i32
      %mul3A_10 = arith.constant 512 : i32
      %mul3A_11 = arith.muli %add3A_9, %mul3A_10 : i32
      "tpu.region"() ({
        %run_scoped3A = tpu.sem_alloc : memref<!tpu.dma_semaphore, #tpu.memory_space<semaphore_mem>>
        %dma_start3A = arith.constant 0 : i32
        %dma_start3A_17 = tpu.memref_slice %arg2[%mul3A_11, %dma_start3A] : memref<2048x128xf32, #tpu.memory_space<hbm>> -> memref<512x128xf32, #tpu.memory_space<hbm>>
        %dma_start3A_18 = arith.constant 0 : i32
        %dma_start3A_19 = tpu.memref_slice %arg2[%mul3A_11, %dma_start3A_18] : memref<2048x128xf32, #tpu.memory_space<hbm>> -> memref<512x128xf32, #tpu.memory_space<hbm>>
        tpu.enqueue_dma source(%dma_start3A_19 : memref<512x128xf32, #tpu.memory_space<hbm>>) target(%arg5 : memref<512x128xf32, #tpu.memory_space<vmem>>) target_semaphore(%run_scoped3A : memref<!tpu.dma_semaphore, #tpu.memory_space<semaphore_mem>>)
        %dma_wait3A = arith.constant 0 : i32
        %dma_wait3A_20 = tpu.memref_slice %arg2[%mul3A_11, %dma_wait3A] : memref<2048x128xf32, #tpu.memory_space<hbm>> -> memref<512x128xf32, #tpu.memory_space<hbm>>
        %dma_wait3A_21 = arith.constant 0 : i32
        %dma_wait3A_22 = tpu.memref_slice %arg2[%mul3A_11, %dma_wait3A_21] : memref<2048x128xf32, #tpu.memory_space<hbm>> -> memref<512x128xf32, #tpu.memory_space<hbm>>
        tpu.wait_dma2 semaphore(%run_scoped3A : memref<!tpu.dma_semaphore, #tpu.memory_space<semaphore_mem>>) src(%dma_wait3A_22 : memref<512x128xf32, #tpu.memory_space<hbm>>) dst(%arg5 : memref<512x128xf32, #tpu.memory_space<vmem>>)
        tpu.yield
      }) : () -> ()
      %scan3A_12 = arith.constant 0 : i32
      %scan3A_13 = arith.constant 2 : i32
      %scan3A_14 = arith.addi %scan3A_12, %scan3A_13 : i32
      %scan3A_15 = arith.constant 1 : i32
      scf.for %scan3A_17 = %scan3A_12 to %scan3A_14 step %scan3A_15  : i32 {
        %mul3A_18 = arith.constant 1 : i32
        %mul3A_19 = arith.muli %scan3A_17, %mul3A_18 : i32
        %add3A_20 = arith.constant 0 : i32
        %add3A_21 = arith.addi %add3A_20, %mul3A_19 : i32
        %mul3A_22 = arith.constant 2 : i32
        %mul3A_23 = arith.muli %add3A, %mul3A_22 : i32
        %add3A_24 = arith.addi %mul3A_23, %add3A_21 : i32
        %mul3A_25 = arith.constant 12288 : i32
        %mul3A_26 = arith.muli %add3A_24, %mul3A_25 : i32
        %mul3A_27 = arith.constant 3072 : i32
        %mul3A_28 = arith.muli %add3A_9, %mul3A_27 : i32
        %add3A_29 = arith.addi %mul3A_26, %mul3A_28 : i32
        "tpu.region"() ({
          %run_scoped3A = tpu.sem_alloc : memref<!tpu.dma_semaphore, #tpu.memory_space<semaphore_mem>>
          %dma_start3A = tpu.memref_slice %arg3[%add3A_29] : memref<786432xi32, #tpu.memory_space<hbm>> -> memref<3072xi32, #tpu.memory_space<hbm>>
          %dma_start3A_35 = tpu.memref_slice %arg3[%add3A_29] : memref<786432xi32, #tpu.memory_space<hbm>> -> memref<3072xi32, #tpu.memory_space<hbm>>
          tpu.enqueue_dma source(%dma_start3A_35 : memref<3072xi32, #tpu.memory_space<hbm>>) target(%arg6 : memref<3072xi32, #tpu.memory_space<vmem>>) target_semaphore(%run_scoped3A : memref<!tpu.dma_semaphore, #tpu.memory_space<semaphore_mem>>)
          %dma_wait3A = tpu.memref_slice %arg3[%add3A_29] : memref<786432xi32, #tpu.memory_space<hbm>> -> memref<3072xi32, #tpu.memory_space<hbm>>
          %dma_wait3A_36 = tpu.memref_slice %arg3[%add3A_29] : memref<786432xi32, #tpu.memory_space<hbm>> -> memref<3072xi32, #tpu.memory_space<hbm>>
          tpu.wait_dma2 semaphore(%run_scoped3A : memref<!tpu.dma_semaphore, #tpu.memory_space<semaphore_mem>>) src(%dma_wait3A_36 : memref<3072xi32, #tpu.memory_space<hbm>>) dst(%arg6 : memref<3072xi32, #tpu.memory_space<vmem>>)
          tpu.yield
        }) : () -> ()
        %scan3A_30 = arith.constant 0 : i32
        %scan3A_31 = arith.constant 12 : i32
        %scan3A_32 = arith.addi %scan3A_30, %scan3A_31 : i32
        %scan3A_33 = arith.constant 1 : i32
        scf.for %scan3A_35 = %scan3A_30 to %scan3A_32 step %scan3A_33  : i32 {
          %mul3A_36 = arith.constant 1 : i32
          %mul3A_37 = arith.muli %scan3A_35, %mul3A_36 : i32
          %add3A_38 = arith.constant 0 : i32
          %add3A_39 = arith.addi %add3A_38, %mul3A_37 : i32
          %mul3A_40 = arith.constant 256 : i32
          %mul3A_41 = arith.muli %add3A_39, %mul3A_40 : i32
          %add3A_42 = arith.constant 0 : i32
          %add3A_43 = arith.addi %mul3A_41, %add3A_42 : i32
          %get3A = arith.index_cast %add3A_43 : i32 to index
          %get3A_44 = tpu.vector_load %arg6[%get3A] {strides = array<i32>} : memref<3072xi32, #tpu.memory_space<vmem>>, vector<16xi32>,
          %mul3A_45 = arith.constant 4096 : i32
          %mul3A_46 = arith.muli %add3A_9, %mul3A_45 : i32
          %sub3A = vector.broadcast %mul3A_46 : i32 to vector<16xi32>
          %sub3A_47 = arith.subi %get3A_44, %sub3A : vector<16xi32>
          %shift_right_logical3A = arith.constant 3 : i32
          %shift_right_logical3A_48 = vector.broadcast %shift_right_logical3A : i32 to vector<16xi32>
          %shift_right_logical3A_49 = arith.shrui %sub3A_47, %shift_right_logical3A_48 : vector<16xi32>
          %and3A = arith.constant 7 : i32
          %and3A_50 = vector.broadcast %and3A : i32 to vector<16xi32>
          %and3A_51 = arith.andi %sub3A_47, %and3A_50 : vector<16xi32>
          %mul3A_52 = arith.constant 16 : i32
          %mul3A_53 = vector.broadcast %mul3A_52 : i32 to vector<16xi32>
          %mul3A_54 = arith.muli %and3A_51, %mul3A_53 : vector<16xi32>
          %add3A_55 = arith.constant 0 : i32
          %add3A_56 = vector.broadcast %add3A_55 : i32 to vector<16xi32>
          %add3A_57 = arith.addi %iota3A, %add3A_56 : vector<16xi32>
          %add3A_58 = arith.constant 0 : i32
          %add3A_59 = vector.broadcast %add3A_58 : i32 to vector<16xi32>
          %add3A_60 = arith.addi %mul3A_54, %add3A_59 : vector<16xi32>
          %gather3A = tpu.vector_load_idx %arg5[%shift_right_logical3A_49, %add3A_60] : memref<512x128xf32, #tpu.memory_space<vmem>>[vector<16xi32>, vector<16xi32>], vector<16xf32>,
          %broadcast_in_dim3A = arith.constant 0 : i32
          %broadcast_in_dim3A_61 = vector.broadcast %broadcast_in_dim3A : i32 to vector<16xi32>
          tpu.vector_store_idx %arg7[%broadcast_in_dim3A_61, %add3A_57], %gather3A : memref<16x256xf32, #tpu.memory_space<vmem>>[vector<16xi32>, vector<16xi32>], vector<16xf32>,
          %add3A_62 = arith.constant 1 : i32
          %add3A_63 = vector.broadcast %add3A_62 : i32 to vector<16xi32>
          %add3A_64 = arith.addi %mul3A_54, %add3A_63 : vector<16xi32>
          %gather3A_65 = tpu.vector_load_idx %arg5[%shift_right_logical3A_49, %add3A_64] : memref<512x128xf32, #tpu.memory_space<vmem>>[vector<16xi32>, vector<16xi32>], vector<16xf32>,
          %broadcast_in_dim3A_66 = arith.constant 1 : i32
          %broadcast_in_dim3A_67 = vector.broadcast %broadcast_in_dim3A_66 : i32 to vector<16xi32>
          tpu.vector_store_idx %arg7[%broadcast_in_dim3A_67, %add3A_57], %gather3A_65 : memref<16x256xf32, #tpu.memory_space<vmem>>[vector<16xi32>, vector<16xi32>], vector<16xf32>,
          %add3A_68 = arith.constant 2 : i32
          %add3A_69 = vector.broadcast %add3A_68 : i32 to vector<16xi32>
          %add3A_70 = arith.addi %mul3A_54, %add3A_69 : vector<16xi32>
          %gather3A_71 = tpu.vector_load_idx %arg5[%shift_right_logical3A_49, %add3A_70] : memref<512x128xf32, #tpu.memory_space<vmem>>[vector<16xi32>, vector<16xi32>], vector<16xf32>,
          %broadcast_in_dim3A_72 = arith.constant 2 : i32
          %broadcast_in_dim3A_73 = vector.broadcast %broadcast_in_dim3A_72 : i32 to vector<16xi32>
          tpu.vector_store_idx %arg7[%broadcast_in_dim3A_73, %add3A_57], %gather3A_71 : memref<16x256xf32, #tpu.memory_space<vmem>>[vector<16xi32>, vector<16xi32>], vector<16xf32>,
          %add3A_74 = arith.constant 3 : i32
          %add3A_75 = vector.broadcast %add3A_74 : i32 to vector<16xi32>
          %add3A_76 = arith.addi %mul3A_54, %add3A_75 : vector<16xi32>
          %gather3A_77 = tpu.vector_load_idx %arg5[%shift_right_logical3A_49, %add3A_76] : memref<512x128xf32, #tpu.memory_space<vmem>>[vector<16xi32>, vector<16xi32>], vector<16xf32>,
          %broadcast_in_dim3A_78 = arith.constant 3 : i32
          %broadcast_in_dim3A_79 = vector.broadcast %broadcast_in_dim3A_78 : i32 to vector<16xi32>
          tpu.vector_store_idx %arg7[%broadcast_in_dim3A_79, %add3A_57], %gather3A_77 : memref<16x256xf32, #tpu.memory_space<vmem>>[vector<16xi32>, vector<16xi32>], vector<16xf32>,
          %add3A_80 = arith.constant 4 : i32
          %add3A_81 = vector.broadcast %add3A_80 : i32 to vector<16xi32>
          %add3A_82 = arith.addi %mul3A_54, %add3A_81 : vector<16xi32>
          %gather3A_83 = tpu.vector_load_idx %arg5[%shift_right_logical3A_49, %add3A_82] : memref<512x128xf32, #tpu.memory_space<vmem>>[vector<16xi32>, vector<16xi32>], vector<16xf32>,
          %broadcast_in_dim3A_84 = arith.constant 4 : i32
          %broadcast_in_dim3A_85 = vector.broadcast %broadcast_in_dim3A_84 : i32 to vector<16xi32>
          tpu.vector_store_idx %arg7[%broadcast_in_dim3A_85, %add3A_57], %gather3A_83 : memref<16x256xf32, #tpu.memory_space<vmem>>[vector<16xi32>, vector<16xi32>], vector<16xf32>,
          %add3A_86 = arith.constant 5 : i32
          %add3A_87 = vector.broadcast %add3A_86 : i32 to vector<16xi32>
          %add3A_88 = arith.addi %mul3A_54, %add3A_87 : vector<16xi32>
          %gather3A_89 = tpu.vector_load_idx %arg5[%shift_right_logical3A_49, %add3A_88] : memref<512x128xf32, #tpu.memory_space<vmem>>[vector<16xi32>, vector<16xi32>], vector<16xf32>,
          %broadcast_in_dim3A_90 = arith.constant 5 : i32
          %broadcast_in_dim3A_91 = vector.broadcast %broadcast_in_dim3A_90 : i32 to vector<16xi32>
          tpu.vector_store_idx %arg7[%broadcast_in_dim3A_91, %add3A_57], %gather3A_89 : memref<16x256xf32, #tpu.memory_space<vmem>>[vector<16xi32>, vector<16xi32>], vector<16xf32>,
          %add3A_92 = arith.constant 6 : i32
          %add3A_93 = vector.broadcast %add3A_92 : i32 to vector<16xi32>
          %add3A_94 = arith.addi %mul3A_54, %add3A_93 : vector<16xi32>
          %gather3A_95 = tpu.vector_load_idx %arg5[%shift_right_logical3A_49, %add3A_94] : memref<512x128xf32, #tpu.memory_space<vmem>>[vector<16xi32>, vector<16xi32>], vector<16xf32>,
          %broadcast_in_dim3A_96 = arith.constant 6 : i32
          %broadcast_in_dim3A_97 = vector.broadcast %broadcast_in_dim3A_96 : i32 to vector<16xi32>
          tpu.vector_store_idx %arg7[%broadcast_in_dim3A_97, %add3A_57], %gather3A_95 : memref<16x256xf32, #tpu.memory_space<vmem>>[vector<16xi32>, vector<16xi32>], vector<16xf32>,
          %add3A_98 = arith.constant 7 : i32
          %add3A_99 = vector.broadcast %add3A_98 : i32 to vector<16xi32>
          %add3A_100 = arith.addi %mul3A_54, %add3A_99 : vector<16xi32>
          %gather3A_101 = tpu.vector_load_idx %arg5[%shift_right_logical3A_49, %add3A_100] : memref<512x128xf32, #tpu.memory_space<vmem>>[vector<16xi32>, vector<16xi32>], vector<16xf32>,
          %broadcast_in_dim3A_102 = arith.constant 7 : i32
          %broadcast_in_dim3A_103 = vector.broadcast %broadcast_in_dim3A_102 : i32 to vector<16xi32>
          tpu.vector_store_idx %arg7[%broadcast_in_dim3A_103, %add3A_57], %gather3A_101 : memref<16x256xf32, #tpu.memory_space<vmem>>[vector<16xi32>, vector<16xi32>], vector<16xf32>,
          %add3A_104 = arith.constant 8 : i32
          %add3A_105 = vector.broadcast %add3A_104 : i32 to vector<16xi32>
          %add3A_106 = arith.addi %mul3A_54, %add3A_105 : vector<16xi32>
          %gather3A_107 = tpu.vector_load_idx %arg5[%shift_right_logical3A_49, %add3A_106] : memref<512x128xf32, #tpu.memory_space<vmem>>[vector<16xi32>, vector<16xi32>], vector<16xf32>,
          %broadcast_in_dim3A_108 = arith.constant 8 : i32
          %broadcast_in_dim3A_109 = vector.broadcast %broadcast_in_dim3A_108 : i32 to vector<16xi32>
          tpu.vector_store_idx %arg7[%broadcast_in_dim3A_109, %add3A_57], %gather3A_107 : memref<16x256xf32, #tpu.memory_space<vmem>>[vector<16xi32>, vector<16xi32>], vector<16xf32>,
          %add3A_110 = arith.constant 9 : i32
          %add3A_111 = vector.broadcast %add3A_110 : i32 to vector<16xi32>
          %add3A_112 = arith.addi %mul3A_54, %add3A_111 : vector<16xi32>
          %gather3A_113 = tpu.vector_load_idx %arg5[%shift_right_logical3A_49, %add3A_112] : memref<512x128xf32, #tpu.memory_space<vmem>>[vector<16xi32>, vector<16xi32>], vector<16xf32>,
          %broadcast_in_dim3A_114 = arith.constant 9 : i32
          %broadcast_in_dim3A_115 = vector.broadcast %broadcast_in_dim3A_114 : i32 to vector<16xi32>
          tpu.vector_store_idx %arg7[%broadcast_in_dim3A_115, %add3A_57], %gather3A_113 : memref<16x256xf32, #tpu.memory_space<vmem>>[vector<16xi32>, vector<16xi32>], vector<16xf32>,
          %add3A_116 = arith.constant 10 : i32
          %add3A_117 = vector.broadcast %add3A_116 : i32 to vector<16xi32>
          %add3A_118 = arith.addi %mul3A_54, %add3A_117 : vector<16xi32>
          %gather3A_119 = tpu.vector_load_idx %arg5[%shift_right_logical3A_49, %add3A_118] : memref<512x128xf32, #tpu.memory_space<vmem>>[vector<16xi32>, vector<16xi32>], vector<16xf32>,
          %broadcast_in_dim3A_120 = arith.constant 10 : i32
          %broadcast_in_dim3A_121 = vector.broadcast %broadcast_in_dim3A_120 : i32 to vector<16xi32>
          tpu.vector_store_idx %arg7[%broadcast_in_dim3A_121, %add3A_57], %gather3A_119 : memref<16x256xf32, #tpu.memory_space<vmem>>[vector<16xi32>, vector<16xi32>], vector<16xf32>,
          %add3A_122 = arith.constant 11 : i32
          %add3A_123 = vector.broadcast %add3A_122 : i32 to vector<16xi32>
          %add3A_124 = arith.addi %mul3A_54, %add3A_123 : vector<16xi32>
          %gather3A_125 = tpu.vector_load_idx %arg5[%shift_right_logical3A_49, %add3A_124] : memref<512x128xf32, #tpu.memory_space<vmem>>[vector<16xi32>, vector<16xi32>], vector<16xf32>,
          %broadcast_in_dim3A_126 = arith.constant 11 : i32
          %broadcast_in_dim3A_127 = vector.broadcast %broadcast_in_dim3A_126 : i32 to vector<16xi32>
          tpu.vector_store_idx %arg7[%broadcast_in_dim3A_127, %add3A_57], %gather3A_125 : memref<16x256xf32, #tpu.memory_space<vmem>>[vector<16xi32>, vector<16xi32>], vector<16xf32>,
          %add3A_128 = arith.constant 12 : i32
          %add3A_129 = vector.broadcast %add3A_128 : i32 to vector<16xi32>
          %add3A_130 = arith.addi %mul3A_54, %add3A_129 : vector<16xi32>
          %gather3A_131 = tpu.vector_load_idx %arg5[%shift_right_logical3A_49, %add3A_130] : memref<512x128xf32, #tpu.memory_space<vmem>>[vector<16xi32>, vector<16xi32>], vector<16xf32>,
          %broadcast_in_dim3A_132 = arith.constant 12 : i32
          %broadcast_in_dim3A_133 = vector.broadcast %broadcast_in_dim3A_132 : i32 to vector<16xi32>
          tpu.vector_store_idx %arg7[%broadcast_in_dim3A_133, %add3A_57], %gather3A_131 : memref<16x256xf32, #tpu.memory_space<vmem>>[vector<16xi32>, vector<16xi32>], vector<16xf32>,
          %add3A_134 = arith.constant 13 : i32
          %add3A_135 = vector.broadcast %add3A_134 : i32 to vector<16xi32>
          %add3A_136 = arith.addi %mul3A_54, %add3A_135 : vector<16xi32>
          %gather3A_137 = tpu.vector_load_idx %arg5[%shift_right_logical3A_49, %add3A_136] : memref<512x128xf32, #tpu.memory_space<vmem>>[vector<16xi32>, vector<16xi32>], vector<16xf32>,
          %broadcast_in_dim3A_138 = arith.constant 13 : i32
          %broadcast_in_dim3A_139 = vector.broadcast %broadcast_in_dim3A_138 : i32 to vector<16xi32>
          tpu.vector_store_idx %arg7[%broadcast_in_dim3A_139, %add3A_57], %gather3A_137 : memref<16x256xf32, #tpu.memory_space<vmem>>[vector<16xi32>, vector<16xi32>], vector<16xf32>,
          %add3A_140 = arith.constant 14 : i32
          %add3A_141 = vector.broadcast %add3A_140 : i32 to vector<16xi32>
          %add3A_142 = arith.addi %mul3A_54, %add3A_141 : vector<16xi32>
          %gather3A_143 = tpu.vector_load_idx %arg5[%shift_right_logical3A_49, %add3A_142] : memref<512x128xf32, #tpu.memory_space<vmem>>[vector<16xi32>, vector<16xi32>], vector<16xf32>,
          %broadcast_in_dim3A_144 = arith.constant 14 : i32
          %broadcast_in_dim3A_145 = vector.broadcast %broadcast_in_dim3A_144 : i32 to vector<16xi32>
          tpu.vector_store_idx %arg7[%broadcast_in_dim3A_145, %add3A_57], %gather3A_143 : memref<16x256xf32, #tpu.memory_space<vmem>>[vector<16xi32>, vector<16xi32>], vector<16xf32>,
          %add3A_146 = arith.constant 15 : i32
          %add3A_147 = vector.broadcast %add3A_146 : i32 to vector<16xi32>
          %add3A_148 = arith.addi %mul3A_54, %add3A_147 : vector<16xi32>
          %gather3A_149 = tpu.vector_load_idx %arg5[%shift_right_logical3A_49, %add3A_148] : memref<512x128xf32, #tpu.memory_space<vmem>>[vector<16xi32>, vector<16xi32>], vector<16xf32>,
          %broadcast_in_dim3A_150 = arith.constant 15 : i32
          %broadcast_in_dim3A_151 = vector.broadcast %broadcast_in_dim3A_150 : i32 to vector<16xi32>
          tpu.vector_store_idx %arg7[%broadcast_in_dim3A_151, %add3A_57], %gather3A_149 : memref<16x256xf32, #tpu.memory_space<vmem>>[vector<16xi32>, vector<16xi32>], vector<16xf32>,
          %mul3A_152 = arith.constant 256 : i32
          %mul3A_153 = arith.muli %add3A_39, %mul3A_152 : i32
          %add3A_154 = arith.constant 16 : i32
          %add3A_155 = arith.addi %mul3A_153, %add3A_154 : i32
          %get3A_156 = arith.index_cast %add3A_155 : i32 to index
          %get3A_157 = tpu.vector_load %arg6[%get3A_156] {strides = array<i32>} : memref<3072xi32, #tpu.memory_space<vmem>>, vector<16xi32>,
          %mul3A_158 = arith.constant 4096 : i32
          %mul3A_159 = arith.muli %add3A_9, %mul3A_158 : i32
          %sub3A_160 = vector.broadcast %mul3A_159 : i32 to vector<16xi32>
          %sub3A_161 = arith.subi %get3A_157, %sub3A_160 : vector<16xi32>
          %shift_right_logical3A_162 = arith.constant 3 : i32
          %shift_right_logical3A_163 = vector.broadcast %shift_right_logical3A_162 : i32 to vector<16xi32>
          %shift_right_logical3A_164 = arith.shrui %sub3A_161, %shift_right_logical3A_163 : vector<16xi32>
          %and3A_165 = arith.constant 7 : i32
          %and3A_166 = vector.broadcast %and3A_165 : i32 to vector<16xi32>
          %and3A_167 = arith.andi %sub3A_161, %and3A_166 : vector<16xi32>
          %mul3A_168 = arith.constant 16 : i32
          %mul3A_169 = vector.broadcast %mul3A_168 : i32 to vector<16xi32>
          %mul3A_170 = arith.muli %and3A_167, %mul3A_169 : vector<16xi32>
          %add3A_171 = arith.constant 16 : i32
          %add3A_172 = vector.broadcast %add3A_171 : i32 to vector<16xi32>
          %add3A_173 = arith.addi %iota3A, %add3A_172 : vector<16xi32>
          %add3A_174 = arith.constant 0 : i32
          %add3A_175 = vector.broadcast %add3A_174 : i32 to vector<16xi32>
          %add3A_176 = arith.addi %mul3A_170, %add3A_175 : vector<16xi32>
          %gather3A_177 = tpu.vector_load_idx %arg5[%shift_right_logical3A_164, %add3A_176] : memref<512x128xf32, #tpu.memory_space<vmem>>[vector<16xi32>, vector<16xi32>], vector<16xf32>,
          %broadcast_in_dim3A_178 = arith.constant 0 : i32
          %broadcast_in_dim3A_179 = vector.broadcast %broadcast_in_dim3A_178 : i32 to vector<16xi32>
          tpu.vector_store_idx %arg7[%broadcast_in_dim3A_179, %add3A_173], %gather3A_177 : memref<16x256xf32, #tpu.memory_space<vmem>>[vector<16xi32>, vector<16xi32>], vector<16xf32>,
          %add3A_180 = arith.constant 1 : i32
          %add3A_181 = vector.broadcast %add3A_180 : i32 to vector<16xi32>
          %add3A_182 = arith.addi %mul3A_170, %add3A_181 : vector<16xi32>
          %gather3A_183 = tpu.vector_load_idx %arg5[%shift_right_logical3A_164, %add3A_182] : memref<512x128xf32, #tpu.memory_space<vmem>>[vector<16xi32>, vector<16xi32>], vector<16xf32>,
          %broadcast_in_dim3A_184 = arith.constant 1 : i32
          %broadcast_in_dim3A_185 = vector.broadcast %broadcast_in_dim3A_184 : i32 to vector<16xi32>
          tpu.vector_store_idx %arg7[%broadcast_in_dim3A_185, %add3A_173], %gather3A_183 : memref<16x256xf32, #tpu.memory_space<vmem>>[vector<16xi32>, vector<16xi32>], vector<16xf32>,
          %add3A_186 = arith.constant 2 : i32
          %add3A_187 = vector.broadcast %add3A_186 : i32 to vector<16xi32>
          %add3A_188 = arith.addi %mul3A_170, %add3A_187 : vector<16xi32>
          %gather3A_189 = tpu.vector_load_idx %arg5[%shift_right_logical3A_164, %add3A_188] : memref<512x128xf32, #tpu.memory_space<vmem>>[vector<16xi32>, vector<16xi32>], vector<16xf32>,
          %broadcast_in_dim3A_190 = arith.constant 2 : i32
          %broadcast_in_dim3A_191 = vector.broadcast %broadcast_in_dim3A_190 : i32 to vector<16xi32>
          tpu.vector_store_idx %arg7[%broadcast_in_dim3A_191, %add3A_173], %gather3A_189 : memref<16x256xf32, #tpu.memory_space<vmem>>[vector<16xi32>, vector<16xi32>], vector<16xf32>,
          %add3A_192 = arith.constant 3 : i32
          %add3A_193 = vector.broadcast %add3A_192 : i32 to vector<16xi32>
          %add3A_194 = arith.addi %mul3A_170, %add3A_193 : vector<16xi32>
          %gather3A_195 = tpu.vector_load_idx %arg5[%shift_right_logical3A_164, %add3A_194] : memref<512x128xf32, #tpu.memory_space<vmem>>[vector<16xi32>, vector<16xi32>], vector<16xf32>,
          %broadcast_in_dim3A_196 = arith.constant 3 : i32
          %broadcast_in_dim3A_197 = vector.broadcast %broadcast_in_dim3A_196 : i32 to vector<16xi32>
          tpu.vector_store_idx %arg7[%broadcast_in_dim3A_197, %add3A_173], %gather3A_195 : memref<16x256xf32, #tpu.memory_space<vmem>>[vector<16xi32>, vector<16xi32>], vector<16xf32>,
          %add3A_198 = arith.constant 4 : i32
          %add3A_199 = vector.broadcast %add3A_198 : i32 to vector<16xi32>
          %add3A_200 = arith.addi %mul3A_170, %add3A_199 : vector<16xi32>
          %gather3A_201 = tpu.vector_load_idx %arg5[%shift_right_logical3A_164, %add3A_200] : memref<512x128xf32, #tpu.memory_space<vmem>>[vector<16xi32>, vector<16xi32>], vector<16xf32>,
          %broadcast_in_dim3A_202 = arith.constant 4 : i32
          %broadcast_in_dim3A_203 = vector.broadcast %broadcast_in_dim3A_202 : i32 to vector<16xi32>
          tpu.vector_store_idx %arg7[%broadcast_in_dim3A_203, %add3A_173], %gather3A_201 : memref<16x256xf32, #tpu.memory_space<vmem>>[vector<16xi32>, vector<16xi32>], vector<16xf32>,
          %add3A_204 = arith.constant 5 : i32
          %add3A_205 = vector.broadcast %add3A_204 : i32 to vector<16xi32>
          %add3A_206 = arith.addi %mul3A_170, %add3A_205 : vector<16xi32>
          %gather3A_207 = tpu.vector_load_idx %arg5[%shift_right_logical3A_164, %add3A_206] : memref<512x128xf32, #tpu.memory_space<vmem>>[vector<16xi32>, vector<16xi32>], vector<16xf32>,
          %broadcast_in_dim3A_208 = arith.constant 5 : i32
          %broadcast_in_dim3A_209 = vector.broadcast %broadcast_in_dim3A_208 : i32 to vector<16xi32>
          tpu.vector_store_idx %arg7[%broadcast_in_dim3A_209, %add3A_173], %gather3A_207 : memref<16x256xf32, #tpu.memory_space<vmem>>[vector<16xi32>, vector<16xi32>], vector<16xf32>,
          %add3A_210 = arith.constant 6 : i32
          %add3A_211 = vector.broadcast %add3A_210 : i32 to vector<16xi32>
          %add3A_212 = arith.addi %mul3A_170, %add3A_211 : vector<16xi32>
          %gather3A_213 = tpu.vector_load_idx %arg5[%shift_right_logical3A_164, %add3A_212] : memref<512x128xf32, #tpu.memory_space<vmem>>[vector<16xi32>, vector<16xi32>], vector<16xf32>,
          %broadcast_in_dim3A_214 = arith.constant 6 : i32
          %broadcast_in_dim3A_215 = vector.broadcast %broadcast_in_dim3A_214 : i32 to vector<16xi32>
          tpu.vector_store_idx %arg7[%broadcast_in_dim3A_215, %add3A_173], %gather3A_213 : memref<16x256xf32, #tpu.memory_space<vmem>>[vector<16xi32>, vector<16xi32>], vector<16xf32>,
          %add3A_216 = arith.constant 7 : i32
          %add3A_217 = vector.broadcast %add3A_216 : i32 to vector<16xi32>
          %add3A_218 = arith.addi %mul3A_170, %add3A_217 : vector<16xi32>
          %gather3A_219 = tpu.vector_load_idx %arg5[%shift_right_logical3A_164, %add3A_218] : memref<512x128xf32, #tpu.memory_space<vmem>>[vector<16xi32>, vector<16xi32>], vector<16xf32>,
          %broadcast_in_dim3A_220 = arith.constant 7 : i32
          %broadcast_in_dim3A_221 = vector.broadcast %broadcast_in_dim3A_220 : i32 to vector<16xi32>
          tpu.vector_store_idx %arg7[%broadcast_in_dim3A_221, %add3A_173], %gather3A_219 : memref<16x256xf32, #tpu.memory_space<vmem>>[vector<16xi32>, vector<16xi32>], vector<16xf32>,
          %add3A_222 = arith.constant 8 : i32
          %add3A_223 = vector.broadcast %add3A_222 : i32 to vector<16xi32>
          %add3A_224 = arith.addi %mul3A_170, %add3A_223 : vector<16xi32>
          %gather3A_225 = tpu.vector_load_idx %arg5[%shift_right_logical3A_164, %add3A_224] : memref<512x128xf32, #tpu.memory_space<vmem>>[vector<16xi32>, vector<16xi32>], vector<16xf32>,
          %broadcast_in_dim3A_226 = arith.constant 8 : i32
          %broadcast_in_dim3A_227 = vector.broadcast %broadcast_in_dim3A_226 : i32 to vector<16xi32>
          tpu.vector_store_idx %arg7[%broadcast_in_dim3A_227, %add3A_173], %gather3A_225 : memref<16x256xf32, #tpu.memory_space<vmem>>[vector<16xi32>, vector<16xi32>], vector<16xf32>,
          %add3A_228 = arith.constant 9 : i32
          %add3A_229 = vector.broadcast %add3A_228 : i32 to vector<16xi32>
          %add3A_230 = arith.addi %mul3A_170, %add3A_229 : vector<16xi32>
          %gather3A_231 = tpu.vector_load_idx %arg5[%shift_right_logical3A_164, %add3A_230] : memref<512x128xf32, #tpu.memory_space<vmem>>[vector<16xi32>, vector<16xi32>], vector<16xf32>,
          %broadcast_in_dim3A_232 = arith.constant 9 : i32
          %broadcast_in_dim3A_233 = vector.broadcast %broadcast_in_dim3A_232 : i32 to vector<16xi32>
          tpu.vector_store_idx %arg7[%broadcast_in_dim3A_233, %add3A_173], %gather3A_231 : memref<16x256xf32, #tpu.memory_space<vmem>>[vector<16xi32>, vector<16xi32>], vector<16xf32>,
          %add3A_234 = arith.constant 10 : i32
          %add3A_235 = vector.broadcast %add3A_234 : i32 to vector<16xi32>
          %add3A_236 = arith.addi %mul3A_170, %add3A_235 : vector<16xi32>
          %gather3A_237 = tpu.vector_load_idx %arg5[%shift_right_logical3A_164, %add3A_236] : memref<512x128xf32, #tpu.memory_space<vmem>>[vector<16xi32>, vector<16xi32>], vector<16xf32>,
          %broadcast_in_dim3A_238 = arith.constant 10 : i32
          %broadcast_in_dim3A_239 = vector.broadcast %broadcast_in_dim3A_238 : i32 to vector<16xi32>
          tpu.vector_store_idx %arg7[%broadcast_in_dim3A_239, %add3A_173], %gather3A_237 : memref<16x256xf32, #tpu.memory_space<vmem>>[vector<16xi32>, vector<16xi32>], vector<16xf32>,
          %add3A_240 = arith.constant 11 : i32
          %add3A_241 = vector.broadcast %add3A_240 : i32 to vector<16xi32>
          %add3A_242 = arith.addi %mul3A_170, %add3A_241 : vector<16xi32>
          %gather3A_243 = tpu.vector_load_idx %arg5[%shift_right_logical3A_164, %add3A_242] : memref<512x128xf32, #tpu.memory_space<vmem>>[vector<16xi32>, vector<16xi32>], vector<16xf32>,
          %broadcast_in_dim3A_244 = arith.constant 11 : i32
          %broadcast_in_dim3A_245 = vector.broadcast %broadcast_in_dim3A_244 : i32 to vector<16xi32>
          tpu.vector_store_idx %arg7[%broadcast_in_dim3A_245, %add3A_173], %gather3A_243 : memref<16x256xf32, #tpu.memory_space<vmem>>[vector<16xi32>, vector<16xi32>], vector<16xf32>,
          %add3A_246 = arith.constant 12 : i32
          %add3A_247 = vector.broadcast %add3A_246 : i32 to vector<16xi32>
          %add3A_248 = arith.addi %mul3A_170, %add3A_247 : vector<16xi32>
          %gather3A_249 = tpu.vector_load_idx %arg5[%shift_right_logical3A_164, %add3A_248] : memref<512x128xf32, #tpu.memory_space<vmem>>[vector<16xi32>, vector<16xi32>], vector<16xf32>,
          %broadcast_in_dim3A_250 = arith.constant 12 : i32
          %broadcast_in_dim3A_251 = vector.broadcast %broadcast_in_dim3A_250 : i32 to vector<16xi32>
          tpu.vector_store_idx %arg7[%broadcast_in_dim3A_251, %add3A_173], %gather3A_249 : memref<16x256xf32, #tpu.memory_space<vmem>>[vector<16xi32>, vector<16xi32>], vector<16xf32>,
          %add3A_252 = arith.constant 13 : i32
          %add3A_253 = vector.broadcast %add3A_252 : i32 to vector<16xi32>
          %add3A_254 = arith.addi %mul3A_170, %add3A_253 : vector<16xi32>
          %gather3A_255 = tpu.vector_load_idx %arg5[%shift_right_logical3A_164, %add3A_254] : memref<512x128xf32, #tpu.memory_space<vmem>>[vector<16xi32>, vector<16xi32>], vector<16xf32>,
          %broadcast_in_dim3A_256 = arith.constant 13 : i32
          %broadcast_in_dim3A_257 = vector.broadcast %broadcast_in_dim3A_256 : i32 to vector<16xi32>
          tpu.vector_store_idx %arg7[%broadcast_in_dim3A_257, %add3A_173], %gather3A_255 : memref<16x256xf32, #tpu.memory_space<vmem>>[vector<16xi32>, vector<16xi32>], vector<16xf32>,
          %add3A_258 = arith.constant 14 : i32
          %add3A_259 = vector.broadcast %add3A_258 : i32 to vector<16xi32>
          %add3A_260 = arith.addi %mul3A_170, %add3A_259 : vector<16xi32>
          %gather3A_261 = tpu.vector_load_idx %arg5[%shift_right_logical3A_164, %add3A_260] : memref<512x128xf32, #tpu.memory_space<vmem>>[vector<16xi32>, vector<16xi32>], vector<16xf32>,
          %broadcast_in_dim3A_262 = arith.constant 14 : i32
          %broadcast_in_dim3A_263 = vector.broadcast %broadcast_in_dim3A_262 : i32 to vector<16xi32>
          tpu.vector_store_idx %arg7[%broadcast_in_dim3A_263, %add3A_173], %gather3A_261 : memref<16x256xf32, #tpu.memory_space<vmem>>[vector<16xi32>, vector<16xi32>], vector<16xf32>,
          %add3A_264 = arith.constant 15 : i32
          %add3A_265 = vector.broadcast %add3A_264 : i32 to vector<16xi32>
          %add3A_266 = arith.addi %mul3A_170, %add3A_265 : vector<16xi32>
          %gather3A_267 = tpu.vector_load_idx %arg5[%shift_right_logical3A_164, %add3A_266] : memref<512x128xf32, #tpu.memory_space<vmem>>[vector<16xi32>, vector<16xi32>], vector<16xf32>,
          %broadcast_in_dim3A_268 = arith.constant 15 : i32
          %broadcast_in_dim3A_269 = vector.broadcast %broadcast_in_dim3A_268 : i32 to vector<16xi32>
          tpu.vector_store_idx %arg7[%broadcast_in_dim3A_269, %add3A_173], %gather3A_267 : memref<16x256xf32, #tpu.memory_space<vmem>>[vector<16xi32>, vector<16xi32>], vector<16xf32>,
          %mul3A_270 = arith.constant 256 : i32
          %mul3A_271 = arith.muli %add3A_39, %mul3A_270 : i32
          %add3A_272 = arith.constant 32 : i32
          %add3A_273 = arith.addi %mul3A_271, %add3A_272 : i32
          %get3A_274 = arith.index_cast %add3A_273 : i32 to index
          %get3A_275 = tpu.vector_load %arg6[%get3A_274] {strides = array<i32>} : memref<3072xi32, #tpu.memory_space<vmem>>, vector<16xi32>,
          %mul3A_276 = arith.constant 4096 : i32
          %mul3A_277 = arith.muli %add3A_9, %mul3A_276 : i32
          %sub3A_278 = vector.broadcast %mul3A_277 : i32 to vector<16xi32>
          %sub3A_279 = arith.subi %get3A_275, %sub3A_278 : vector<16xi32>
          %shift_right_logical3A_280 = arith.constant 3 : i32
          %shift_right_logical3A_281 = vector.broadcast %shift_right_logical3A_280 : i32 to vector<16xi32>
          %shift_right_logical3A_282 = arith.shrui %sub3A_279, %shift_right_logical3A_281 : vector<16xi32>
          %and3A_283 = arith.constant 7 : i32
          %and3A_284 = vector.broadcast %and3A_283 : i32 to vector<16xi32>
          %and3A_285 = arith.andi %sub3A_279, %and3A_284 : vector<16xi32>
          %mul3A_286 = arith.constant 16 : i32
          %mul3A_287 = vector.broadcast %mul3A_286 : i32 to vector<16xi32>
          %mul3A_288 = arith.muli %and3A_285, %mul3A_287 : vector<16xi32>
          %add3A_289 = arith.constant 32 : i32
          %add3A_290 = vector.broadcast %add3A_289 : i32 to vector<16xi32>
          %add3A_291 = arith.addi %iota3A, %add3A_290 : vector<16xi32>
          %add3A_292 = arith.constant 0 : i32
          %add3A_293 = vector.broadcast %add3A_292 : i32 to vector<16xi32>
          %add3A_294 = arith.addi %mul3A_288, %add3A_293 : vector<16xi32>
          %gather3A_295 = tpu.vector_load_idx %arg5[%shift_right_logical3A_282, %add3A_294] : memref<512x128xf32, #tpu.memory_space<vmem>>[vector<16xi32>, vector<16xi32>], vector<16xf32>,
          %broadcast_in_dim3A_296 = arith.constant 0 : i32
          %broadcast_in_dim3A_297 = vector.broadcast %broadcast_in_dim3A_296 : i32 to vector<16xi32>
          tpu.vector_store_idx %arg7[%broadcast_in_dim3A_297, %add3A_291], %gather3A_295 : memref<16x256xf32, #tpu.memory_space<vmem>>[vector<16xi32>, vector<16xi32>], vector<16xf32>,
          %add3A_298 = arith.constant 1 : i32
          %add3A_299 = vector.broadcast %add3A_298 : i32 to vector<16xi32>
          %add3A_300 = arith.addi %mul3A_288, %add3A_299 : vector<16xi32>
          %gather3A_301 = tpu.vector_load_idx %arg5[%shift_right_logical3A_282, %add3A_300] : memref<512x128xf32, #tpu.memory_space<vmem>>[vector<16xi32>, vector<16xi32>], vector<16xf32>,
          %broadcast_in_dim3A_302 = arith.constant 1 : i32
          %broadcast_in_dim3A_303 = vector.broadcast %broadcast_in_dim3A_302 : i32 to vector<16xi32>
          tpu.vector_store_idx %arg7[%broadcast_in_dim3A_303, %add3A_291], %gather3A_301 : memref<16x256xf32, #tpu.memory_space<vmem>>[vector<16xi32>, vector<16xi32>], vector<16xf32>,
          %add3A_304 = arith.constant 2 : i32
          %add3A_305 = vector.broadcast %add3A_304 : i32 to vector<16xi32>
          %add3A_306 = arith.addi %mul3A_288, %add3A_305 : vector<16xi32>
          %gather3A_307 = tpu.vector_load_idx %arg5[%shift_right_logical3A_282, %add3A_306] : memref<512x128xf32, #tpu.memory_space<vmem>>[vector<16xi32>, vector<16xi32>], vector<16xf32>,
          %broadcast_in_dim3A_308 = arith.constant 2 : i32
          %broadcast_in_dim3A_309 = vector.broadcast %broadcast_in_dim3A_308 : i32 to vector<16xi32>
          tpu.vector_store_idx %arg7[%broadcast_in_dim3A_309, %add3A_291], %gather3A_307 : memref<16x256xf32, #tpu.memory_space<vmem>>[vector<16xi32>, vector<16xi32>], vector<16xf32>,
          %add3A_310 = arith.constant 3 : i32
          %add3A_311 = vector.broadcast %add3A_310 : i32 to vector<16xi32>
          %add3A_312 = arith.addi %mul3A_288, %add3A_311 : vector<16xi32>
          %gather3A_313 = tpu.vector_load_idx %arg5[%shift_right_logical3A_282, %add3A_312] : memref<512x128xf32, #tpu.memory_space<vmem>>[vector<16xi32>, vector<16xi32>], vector<16xf32>,
          %broadcast_in_dim3A_314 = arith.constant 3 : i32
          %broadcast_in_dim3A_315 = vector.broadcast %broadcast_in_dim3A_314 : i32 to vector<16xi32>
          tpu.vector_store_idx %arg7[%broadcast_in_dim3A_315, %add3A_291], %gather3A_313 : memref<16x256xf32, #tpu.memory_space<vmem>>[vector<16xi32>, vector<16xi32>], vector<16xf32>,
          %add3A_316 = arith.constant 4 : i32
          %add3A_317 = vector.broadcast %add3A_316 : i32 to vector<16xi32>
          %add3A_318 = arith.addi %mul3A_288, %add3A_317 : vector<16xi32>
          %gather3A_319 = tpu.vector_load_idx %arg5[%shift_right_logical3A_282, %add3A_318] : memref<512x128xf32, #tpu.memory_space<vmem>>[vector<16xi32>, vector<16xi32>], vector<16xf32>,
          %broadcast_in_dim3A_320 = arith.constant 4 : i32
          %broadcast_in_dim3A_321 = vector.broadcast %broadcast_in_dim3A_320 : i32 to vector<16xi32>
          tpu.vector_store_idx %arg7[%broadcast_in_dim3A_321, %add3A_291], %gather3A_319 : memref<16x256xf32, #tpu.memory_space<vmem>>[vector<16xi32>, vector<16xi32>], vector<16xf32>,
          %add3A_322 = arith.constant 5 : i32
          %add3A_323 = vector.broadcast %add3A_322 : i32 to vector<16xi32>
          %add3A_324 = arith.addi %mul3A_288, %add3A_323 : vector<16xi32>
          %gather3A_325 = tpu.vector_load_idx %arg5[%shift_right_logical3A_282, %add3A_324] : memref<512x128xf32, #tpu.memory_space<vmem>>[vector<16xi32>, vector<16xi32>], vector<16xf32>,
          %broadcast_in_dim3A_326 = arith.constant 5 : i32
          %broadcast_in_dim3A_327 = vector.broadcast %broadcast_in_dim3A_326 : i32 to vector<16xi32>
          tpu.vector_store_idx %arg7[%broadcast_in_dim3A_327, %add3A_291], %gather3A_325 : memref<16x256xf32, #tpu.memory_space<vmem>>[vector<16xi32>, vector<16xi32>], vector<16xf32>,
          %add3A_328 = arith.constant 6 : i32
          %add3A_329 = vector.broadcast %add3A_328 : i32 to vector<16xi32>
          %add3A_330 = arith.addi %mul3A_288, %add3A_329 : vector<16xi32>
          %gather3A_331 = tpu.vector_load_idx %arg5[%shift_right_logical3A_282, %add3A_330] : memref<512x128xf32, #tpu.memory_space<vmem>>[vector<16xi32>, vector<16xi32>], vector<16xf32>,
          %broadcast_in_dim3A_332 = arith.constant 6 : i32
          %broadcast_in_dim3A_333 = vector.broadcast %broadcast_in_dim3A_332 : i32 to vector<16xi32>
          tpu.vector_store_idx %arg7[%broadcast_in_dim3A_333, %add3A_291], %gather3A_331 : memref<16x256xf32, #tpu.memory_space<vmem>>[vector<16xi32>, vector<16xi32>], vector<16xf32>,
          %add3A_334 = arith.constant 7 : i32
          %add3A_335 = vector.broadcast %add3A_334 : i32 to vector<16xi32>
          %add3A_336 = arith.addi %mul3A_288, %add3A_335 : vector<16xi32>
          %gather3A_337 = tpu.vector_load_idx %arg5[%shift_right_logical3A_282, %add3A_336] : memref<512x128xf32, #tpu.memory_space<vmem>>[vector<16xi32>, vector<16xi32>], vector<16xf32>,
          %broadcast_in_dim3A_338 = arith.constant 7 : i32
          %broadcast_in_dim3A_339 = vector.broadcast %broadcast_in_dim3A_338 : i32 to vector<16xi32>
          tpu.vector_store_idx %arg7[%broadcast_in_dim3A_339, %add3A_291], %gather3A_337 : memref<16x256xf32, #tpu.memory_space<vmem>>[vector<16xi32>, vector<16xi32>], vector<16xf32>,
          %add3A_340 = arith.constant 8 : i32
          %add3A_341 = vector.broadcast %add3A_340 : i32 to vector<16xi32>
          %add3A_342 = arith.addi %mul3A_288, %add3A_341 : vector<16xi32>
          %gather3A_343 = tpu.vector_load_idx %arg5[%shift_right_logical3A_282, %add3A_342] : memref<512x128xf32, #tpu.memory_space<vmem>>[vector<16xi32>, vector<16xi32>], vector<16xf32>,
          %broadcast_in_dim3A_344 = arith.constant 8 : i32
          %broadcast_in_dim3A_345 = vector.broadcast %broadcast_in_dim3A_344 : i32 to vector<16xi32>
          tpu.vector_store_idx %arg7[%broadcast_in_dim3A_345, %add3A_291], %gather3A_343 : memref<16x256xf32, #tpu.memory_space<vmem>>[vector<16xi32>, vector<16xi32>], vector<16xf32>,
          %add3A_346 = arith.constant 9 : i32
          %add3A_347 = vector.broadcast %add3A_346 : i32 to vector<16xi32>
          %add3A_348 = arith.addi %mul3A_288, %add3A_347 : vector<16xi32>
          %gather3A_349 = tpu.vector_load_idx %arg5[%shift_right_logical3A_282, %add3A_348] : memref<512x128xf32, #tpu.memory_space<vmem>>[vector<16xi32>, vector<16xi32>], vector<16xf32>,
          %broadcast_in_dim3A_350 = arith.constant 9 : i32
          %broadcast_in_dim3A_351 = vector.broadcast %broadcast_in_dim3A_350 : i32 to vector<16xi32>
          tpu.vector_store_idx %arg7[%broadcast_in_dim3A_351, %add3A_291], %gather3A_349 : memref<16x256xf32, #tpu.memory_space<vmem>>[vector<16xi32>, vector<16xi32>], vector<16xf32>,
          %add3A_352 = arith.constant 10 : i32
          %add3A_353 = vector.broadcast %add3A_352 : i32 to vector<16xi32>
          %add3A_354 = arith.addi %mul3A_288, %add3A_353 : vector<16xi32>
          %gather3A_355 = tpu.vector_load_idx %arg5[%shift_right_logical3A_282, %add3A_354] : memref<512x128xf32, #tpu.memory_space<vmem>>[vector<16xi32>, vector<16xi32>], vector<16xf32>,
          %broadcast_in_dim3A_356 = arith.constant 10 : i32
          %broadcast_in_dim3A_357 = vector.broadcast %broadcast_in_dim3A_356 : i32 to vector<16xi32>
          tpu.vector_store_idx %arg7[%broadcast_in_dim3A_357, %add3A_291], %gather3A_355 : memref<16x256xf32, #tpu.memory_space<vmem>>[vector<16xi32>, vector<16xi32>], vector<16xf32>,
          %add3A_358 = arith.constant 11 : i32
          %add3A_359 = vector.broadcast %add3A_358 : i32 to vector<16xi32>
          %add3A_360 = arith.addi %mul3A_288, %add3A_359 : vector<16xi32>
          %gather3A_361 = tpu.vector_load_idx %arg5[%shift_right_logical3A_282, %add3A_360] : memref<512x128xf32, #tpu.memory_space<vmem>>[vector<16xi32>, vector<16xi32>], vector<16xf32>,
          %broadcast_in_dim3A_362 = arith.constant 11 : i32
          %broadcast_in_dim3A_363 = vector.broadcast %broadcast_in_dim3A_362 : i32 to vector<16xi32>
          tpu.vector_store_idx %arg7[%broadcast_in_dim3A_363, %add3A_291], %gather3A_361 : memref<16x256xf32, #tpu.memory_space<vmem>>[vector<16xi32>, vector<16xi32>], vector<16xf32>,
          %add3A_364 = arith.constant 12 : i32
          %add3A_365 = vector.broadcast %add3A_364 : i32 to vector<16xi32>
          %add3A_366 = arith.addi %mul3A_288, %add3A_365 : vector<16xi32>
          %gather3A_367 = tpu.vector_load_idx %arg5[%shift_right_logical3A_282, %add3A_366] : memref<512x128xf32, #tpu.memory_space<vmem>>[vector<16xi32>, vector<16xi32>], vector<16xf32>,
          %broadcast_in_dim3A_368 = arith.constant 12 : i32
          %broadcast_in_dim3A_369 = vector.broadcast %broadcast_in_dim3A_368 : i32 to vector<16xi32>
          tpu.vector_store_idx %arg7[%broadcast_in_dim3A_369, %add3A_291], %gather3A_367 : memref<16x256xf32, #tpu.memory_space<vmem>>[vector<16xi32>, vector<16xi32>], vector<16xf32>,
          %add3A_370 = arith.constant 13 : i32
          %add3A_371 = vector.broadcast %add3A_370 : i32 to vector<16xi32>
          %add3A_372 = arith.addi %mul3A_288, %add3A_371 : vector<16xi32>
          %gather3A_373 = tpu.vector_load_idx %arg5[%shift_right_logical3A_282, %add3A_372] : memref<512x128xf32, #tpu.memory_space<vmem>>[vector<16xi32>, vector<16xi32>], vector<16xf32>,
          %broadcast_in_dim3A_374 = arith.constant 13 : i32
          %broadcast_in_dim3A_375 = vector.broadcast %broadcast_in_dim3A_374 : i32 to vector<16xi32>
          tpu.vector_store_idx %arg7[%broadcast_in_dim3A_375, %add3A_291], %gather3A_373 : memref<16x256xf32, #tpu.memory_space<vmem>>[vector<16xi32>, vector<16xi32>], vector<16xf32>,
          %add3A_376 = arith.constant 14 : i32
          %add3A_377 = vector.broadcast %add3A_376 : i32 to vector<16xi32>
          %add3A_378 = arith.addi %mul3A_288, %add3A_377 : vector<16xi32>
          %gather3A_379 = tpu.vector_load_idx %arg5[%shift_right_logical3A_282, %add3A_378] : memref<512x128xf32, #tpu.memory_space<vmem>>[vector<16xi32>, vector<16xi32>], vector<16xf32>,
          %broadcast_in_dim3A_380 = arith.constant 14 : i32
          %broadcast_in_dim3A_381 = vector.broadcast %broadcast_in_dim3A_380 : i32 to vector<16xi32>
          tpu.vector_store_idx %arg7[%broadcast_in_dim3A_381, %add3A_291], %gather3A_379 : memref<16x256xf32, #tpu.memory_space<vmem>>[vector<16xi32>, vector<16xi32>], vector<16xf32>,
          %add3A_382 = arith.constant 15 : i32
          %add3A_383 = vector.broadcast %add3A_382 : i32 to vector<16xi32>
          %add3A_384 = arith.addi %mul3A_288, %add3A_383 : vector<16xi32>
          %gather3A_385 = tpu.vector_load_idx %arg5[%shift_right_logical3A_282, %add3A_384] : memref<512x128xf32, #tpu.memory_space<vmem>>[vector<16xi32>, vector<16xi32>], vector<16xf32>,
          %broadcast_in_dim3A_386 = arith.constant 15 : i32
          %broadcast_in_dim3A_387 = vector.broadcast %broadcast_in_dim3A_386 : i32 to vector<16xi32>
          tpu.vector_store_idx %arg7[%broadcast_in_dim3A_387, %add3A_291], %gather3A_385 : memref<16x256xf32, #tpu.memory_space<vmem>>[vector<16xi32>, vector<16xi32>], vector<16xf32>,
          %mul3A_388 = arith.constant 256 : i32
          %mul3A_389 = arith.muli %add3A_39, %mul3A_388 : i32
          %add3A_390 = arith.constant 48 : i32
          %add3A_391 = arith.addi %mul3A_389, %add3A_390 : i32
          %get3A_392 = arith.index_cast %add3A_391 : i32 to index
          %get3A_393 = tpu.vector_load %arg6[%get3A_392] {strides = array<i32>} : memref<3072xi32, #tpu.memory_space<vmem>>, vector<16xi32>,
          %mul3A_394 = arith.constant 4096 : i32
          %mul3A_395 = arith.muli %add3A_9, %mul3A_394 : i32
          %sub3A_396 = vector.broadcast %mul3A_395 : i32 to vector<16xi32>
          %sub3A_397 = arith.subi %get3A_393, %sub3A_396 : vector<16xi32>
          %shift_right_logical3A_398 = arith.constant 3 : i32
          %shift_right_logical3A_399 = vector.broadcast %shift_right_logical3A_398 : i32 to vector<16xi32>
          %shift_right_logical3A_400 = arith.shrui %sub3A_397, %shift_right_logical3A_399 : vector<16xi32>
          %and3A_401 = arith.constant 7 : i32
          %and3A_402 = vector.broadcast %and3A_401 : i32 to vector<16xi32>
          %and3A_403 = arith.andi %sub3A_397, %and3A_402 : vector<16xi32>
          %mul3A_404 = arith.constant 16 : i32
          %mul3A_405 = vector.broadcast %mul3A_404 : i32 to vector<16xi32>
          %mul3A_406 = arith.muli %and3A_403, %mul3A_405 : vector<16xi32>
          %add3A_407 = arith.constant 48 : i32
          %add3A_408 = vector.broadcast %add3A_407 : i32 to vector<16xi32>
          %add3A_409 = arith.addi %iota3A, %add3A_408 : vector<16xi32>
          %add3A_410 = arith.constant 0 : i32
          %add3A_411 = vector.broadcast %add3A_410 : i32 to vector<16xi32>
          %add3A_412 = arith.addi %mul3A_406, %add3A_411 : vector<16xi32>
          %gather3A_413 = tpu.vector_load_idx %arg5[%shift_right_logical3A_400, %add3A_412] : memref<512x128xf32, #tpu.memory_space<vmem>>[vector<16xi32>, vector<16xi32>], vector<16xf32>,
          %broadcast_in_dim3A_414 = arith.constant 0 : i32
          %broadcast_in_dim3A_415 = vector.broadcast %broadcast_in_dim3A_414 : i32 to vector<16xi32>
          tpu.vector_store_idx %arg7[%broadcast_in_dim3A_415, %add3A_409], %gather3A_413 : memref<16x256xf32, #tpu.memory_space<vmem>>[vector<16xi32>, vector<16xi32>], vector<16xf32>,
          %add3A_416 = arith.constant 1 : i32
          %add3A_417 = vector.broadcast %add3A_416 : i32 to vector<16xi32>
          %add3A_418 = arith.addi %mul3A_406, %add3A_417 : vector<16xi32>
          %gather3A_419 = tpu.vector_load_idx %arg5[%shift_right_logical3A_400, %add3A_418] : memref<512x128xf32, #tpu.memory_space<vmem>>[vector<16xi32>, vector<16xi32>], vector<16xf32>,
          %broadcast_in_dim3A_420 = arith.constant 1 : i32
          %broadcast_in_dim3A_421 = vector.broadcast %broadcast_in_dim3A_420 : i32 to vector<16xi32>
          tpu.vector_store_idx %arg7[%broadcast_in_dim3A_421, %add3A_409], %gather3A_419 : memref<16x256xf32, #tpu.memory_space<vmem>>[vector<16xi32>, vector<16xi32>], vector<16xf32>,
          %add3A_422 = arith.constant 2 : i32
          %add3A_423 = vector.broadcast %add3A_422 : i32 to vector<16xi32>
          %add3A_424 = arith.addi %mul3A_406, %add3A_423 : vector<16xi32>
          %gather3A_425 = tpu.vector_load_idx %arg5[%shift_right_logical3A_400, %add3A_424] : memref<512x128xf32, #tpu.memory_space<vmem>>[vector<16xi32>, vector<16xi32>], vector<16xf32>,
          %broadcast_in_dim3A_426 = arith.constant 2 : i32
          %broadcast_in_dim3A_427 = vector.broadcast %broadcast_in_dim3A_426 : i32 to vector<16xi32>
          tpu.vector_store_idx %arg7[%broadcast_in_dim3A_427, %add3A_409], %gather3A_425 : memref<16x256xf32, #tpu.memory_space<vmem>>[vector<16xi32>, vector<16xi32>], vector<16xf32>,
          %add3A_428 = arith.constant 3 : i32
          %add3A_429 = vector.broadcast %add3A_428 : i32 to vector<16xi32>
          %add3A_430 = arith.addi %mul3A_406, %add3A_429 : vector<16xi32>
          %gather3A_431 = tpu.vector_load_idx %arg5[%shift_right_logical3A_400, %add3A_430] : memref<512x128xf32, #tpu.memory_space<vmem>>[vector<16xi32>, vector<16xi32>], vector<16xf32>,
          %broadcast_in_dim3A_432 = arith.constant 3 : i32
          %broadcast_in_dim3A_433 = vector.broadcast %broadcast_in_dim3A_432 : i32 to vector<16xi32>
          tpu.vector_store_idx %arg7[%broadcast_in_dim3A_433, %add3A_409], %gather3A_431 : memref<16x256xf32, #tpu.memory_space<vmem>>[vector<16xi32>, vector<16xi32>], vector<16xf32>,
          %add3A_434 = arith.constant 4 : i32
          %add3A_435 = vector.broadcast %add3A_434 : i32 to vector<16xi32>
          %add3A_436 = arith.addi %mul3A_406, %add3A_435 : vector<16xi32>
          %gather3A_437 = tpu.vector_load_idx %arg5[%shift_right_logical3A_400, %add3A_436] : memref<512x128xf32, #tpu.memory_space<vmem>>[vector<16xi32>, vector<16xi32>], vector<16xf32>,
          %broadcast_in_dim3A_438 = arith.constant 4 : i32
          %broadcast_in_dim3A_439 = vector.broadcast %broadcast_in_dim3A_438 : i32 to vector<16xi32>
          tpu.vector_store_idx %arg7[%broadcast_in_dim3A_439, %add3A_409], %gather3A_437 : memref<16x256xf32, #tpu.memory_space<vmem>>[vector<16xi32>, vector<16xi32>], vector<16xf32>,
          %add3A_440 = arith.constant 5 : i32
          %add3A_441 = vector.broadcast %add3A_440 : i32 to vector<16xi32>
          %add3A_442 = arith.addi %mul3A_406, %add3A_441 : vector<16xi32>
          %gather3A_443 = tpu.vector_load_idx %arg5[%shift_right_logical3A_400, %add3A_442] : memref<512x128xf32, #tpu.memory_space<vmem>>[vector<16xi32>, vector<16xi32>], vector<16xf32>,
          %broadcast_in_dim3A_444 = arith.constant 5 : i32
          %broadcast_in_dim3A_445 = vector.broadcast %broadcast_in_dim3A_444 : i32 to vector<16xi32>
          tpu.vector_store_idx %arg7[%broadcast_in_dim3A_445, %add3A_409], %gather3A_443 : memref<16x256xf32, #tpu.memory_space<vmem>>[vector<16xi32>, vector<16xi32>], vector<16xf32>,
          %add3A_446 = arith.constant 6 : i32
          %add3A_447 = vector.broadcast %add3A_446 : i32 to vector<16xi32>
          %add3A_448 = arith.addi %mul3A_406, %add3A_447 : vector<16xi32>
          %gather3A_449 = tpu.vector_load_idx %arg5[%shift_right_logical3A_400, %add3A_448] : memref<512x128xf32, #tpu.memory_space<vmem>>[vector<16xi32>, vector<16xi32>], vector<16xf32>,
          %broadcast_in_dim3A_450 = arith.constant 6 : i32
          %broadcast_in_dim3A_451 = vector.broadcast %broadcast_in_dim3A_450 : i32 to vector<16xi32>
          tpu.vector_store_idx %arg7[%broadcast_in_dim3A_451, %add3A_409], %gather3A_449 : memref<16x256xf32, #tpu.memory_space<vmem>>[vector<16xi32>, vector<16xi32>], vector<16xf32>,
          %add3A_452 = arith.constant 7 : i32
          %add3A_453 = vector.broadcast %add3A_452 : i32 to vector<16xi32>
          %add3A_454 = arith.addi %mul3A_406, %add3A_453 : vector<16xi32>
          %gather3A_455 = tpu.vector_load_idx %arg5[%shift_right_logical3A_400, %add3A_454] : memref<512x128xf32, #tpu.memory_space<vmem>>[vector<16xi32>, vector<16xi32>], vector<16xf32>,
          %broadcast_in_dim3A_456 = arith.constant 7 : i32
          %broadcast_in_dim3A_457 = vector.broadcast %broadcast_in_dim3A_456 : i32 to vector<16xi32>
          tpu.vector_store_idx %arg7[%broadcast_in_dim3A_457, %add3A_409], %gather3A_455 : memref<16x256xf32, #tpu.memory_space<vmem>>[vector<16xi32>, vector<16xi32>], vector<16xf32>,
          %add3A_458 = arith.constant 8 : i32
          %add3A_459 = vector.broadcast %add3A_458 : i32 to vector<16xi32>
          %add3A_460 = arith.addi %mul3A_406, %add3A_459 : vector<16xi32>
          %gather3A_461 = tpu.vector_load_idx %arg5[%shift_right_logical3A_400, %add3A_460] : memref<512x128xf32, #tpu.memory_space<vmem>>[vector<16xi32>, vector<16xi32>], vector<16xf32>,
          %broadcast_in_dim3A_462 = arith.constant 8 : i32
          %broadcast_in_dim3A_463 = vector.broadcast %broadcast_in_dim3A_462 : i32 to vector<16xi32>
          tpu.vector_store_idx %arg7[%broadcast_in_dim3A_463, %add3A_409], %gather3A_461 : memref<16x256xf32, #tpu.memory_space<vmem>>[vector<16xi32>, vector<16xi32>], vector<16xf32>,
          %add3A_464 = arith.constant 9 : i32
          %add3A_465 = vector.broadcast %add3A_464 : i32 to vector<16xi32>
          %add3A_466 = arith.addi %mul3A_406, %add3A_465 : vector<16xi32>
          %gather3A_467 = tpu.vector_load_idx %arg5[%shift_right_logical3A_400, %add3A_466] : memref<512x128xf32, #tpu.memory_space<vmem>>[vector<16xi32>, vector<16xi32>], vector<16xf32>,
          %broadcast_in_dim3A_468 = arith.constant 9 : i32
          %broadcast_in_dim3A_469 = vector.broadcast %broadcast_in_dim3A_468 : i32 to vector<16xi32>
          tpu.vector_store_idx %arg7[%broadcast_in_dim3A_469, %add3A_409], %gather3A_467 : memref<16x256xf32, #tpu.memory_space<vmem>>[vector<16xi32>, vector<16xi32>], vector<16xf32>,
          %add3A_470 = arith.constant 10 : i32
          %add3A_471 = vector.broadcast %add3A_470 : i32 to vector<16xi32>
          %add3A_472 = arith.addi %mul3A_406, %add3A_471 : vector<16xi32>
          %gather3A_473 = tpu.vector_load_idx %arg5[%shift_right_logical3A_400, %add3A_472] : memref<512x128xf32, #tpu.memory_space<vmem>>[vector<16xi32>, vector<16xi32>], vector<16xf32>,
          %broadcast_in_dim3A_474 = arith.constant 10 : i32
          %broadcast_in_dim3A_475 = vector.broadcast %broadcast_in_dim3A_474 : i32 to vector<16xi32>
          tpu.vector_store_idx %arg7[%broadcast_in_dim3A_475, %add3A_409], %gather3A_473 : memref<16x256xf32, #tpu.memory_space<vmem>>[vector<16xi32>, vector<16xi32>], vector<16xf32>,
          %add3A_476 = arith.constant 11 : i32
          %add3A_477 = vector.broadcast %add3A_476 : i32 to vector<16xi32>
          %add3A_478 = arith.addi %mul3A_406, %add3A_477 : vector<16xi32>
          %gather3A_479 = tpu.vector_load_idx %arg5[%shift_right_logical3A_400, %add3A_478] : memref<512x128xf32, #tpu.memory_space<vmem>>[vector<16xi32>, vector<16xi32>], vector<16xf32>,
          %broadcast_in_dim3A_480 = arith.constant 11 : i32
          %broadcast_in_dim3A_481 = vector.broadcast %broadcast_in_dim3A_480 : i32 to vector<16xi32>
          tpu.vector_store_idx %arg7[%broadcast_in_dim3A_481, %add3A_409], %gather3A_479 : memref<16x256xf32, #tpu.memory_space<vmem>>[vector<16xi32>, vector<16xi32>], vector<16xf32>,
          %add3A_482 = arith.constant 12 : i32
          %add3A_483 = vector.broadcast %add3A_482 : i32 to vector<16xi32>
          %add3A_484 = arith.addi %mul3A_406, %add3A_483 : vector<16xi32>
          %gather3A_485 = tpu.vector_load_idx %arg5[%shift_right_logical3A_400, %add3A_484] : memref<512x128xf32, #tpu.memory_space<vmem>>[vector<16xi32>, vector<16xi32>], vector<16xf32>,
          %broadcast_in_dim3A_486 = arith.constant 12 : i32
          %broadcast_in_dim3A_487 = vector.broadcast %broadcast_in_dim3A_486 : i32 to vector<16xi32>
          tpu.vector_store_idx %arg7[%broadcast_in_dim3A_487, %add3A_409], %gather3A_485 : memref<16x256xf32, #tpu.memory_space<vmem>>[vector<16xi32>, vector<16xi32>], vector<16xf32>,
          %add3A_488 = arith.constant 13 : i32
          %add3A_489 = vector.broadcast %add3A_488 : i32 to vector<16xi32>
          %add3A_490 = arith.addi %mul3A_406, %add3A_489 : vector<16xi32>
          %gather3A_491 = tpu.vector_load_idx %arg5[%shift_right_logical3A_400, %add3A_490] : memref<512x128xf32, #tpu.memory_space<vmem>>[vector<16xi32>, vector<16xi32>], vector<16xf32>,
          %broadcast_in_dim3A_492 = arith.constant 13 : i32
          %broadcast_in_dim3A_493 = vector.broadcast %broadcast_in_dim3A_492 : i32 to vector<16xi32>
          tpu.vector_store_idx %arg7[%broadcast_in_dim3A_493, %add3A_409], %gather3A_491 : memref<16x256xf32, #tpu.memory_space<vmem>>[vector<16xi32>, vector<16xi32>], vector<16xf32>,
          %add3A_494 = arith.constant 14 : i32
          %add3A_495 = vector.broadcast %add3A_494 : i32 to vector<16xi32>
          %add3A_496 = arith.addi %mul3A_406, %add3A_495 : vector<16xi32>
          %gather3A_497 = tpu.vector_load_idx %arg5[%shift_right_logical3A_400, %add3A_496] : memref<512x128xf32, #tpu.memory_space<vmem>>[vector<16xi32>, vector<16xi32>], vector<16xf32>,
          %broadcast_in_dim3A_498 = arith.constant 14 : i32
          %broadcast_in_dim3A_499 = vector.broadcast %broadcast_in_dim3A_498 : i32 to vector<16xi32>
          tpu.vector_store_idx %arg7[%broadcast_in_dim3A_499, %add3A_409], %gather3A_497 : memref<16x256xf32, #tpu.memory_space<vmem>>[vector<16xi32>, vector<16xi32>], vector<16xf32>,
          %add3A_500 = arith.constant 15 : i32
          %add3A_501 = vector.broadcast %add3A_500 : i32 to vector<16xi32>
          %add3A_502 = arith.addi %mul3A_406, %add3A_501 : vector<16xi32>
          %gather3A_503 = tpu.vector_load_idx %arg5[%shift_right_logical3A_400, %add3A_502] : memref<512x128xf32, #tpu.memory_space<vmem>>[vector<16xi32>, vector<16xi32>], vector<16xf32>,
          %broadcast_in_dim3A_504 = arith.constant 15 : i32
          %broadcast_in_dim3A_505 = vector.broadcast %broadcast_in_dim3A_504 : i32 to vector<16xi32>
          tpu.vector_store_idx %arg7[%broadcast_in_dim3A_505, %add3A_409], %gather3A_503 : memref<16x256xf32, #tpu.memory_space<vmem>>[vector<16xi32>, vector<16xi32>], vector<16xf32>,
          %mul3A_506 = arith.constant 256 : i32
          %mul3A_507 = arith.muli %add3A_39, %mul3A_506 : i32
          %add3A_508 = arith.constant 64 : i32
          %add3A_509 = arith.addi %mul3A_507, %add3A_508 : i32
          %get3A_510 = arith.index_cast %add3A_509 : i32 to index
          %get3A_511 = tpu.vector_load %arg6[%get3A_510] {strides = array<i32>} : memref<3072xi32, #tpu.memory_space<vmem>>, vector<16xi32>,
          %mul3A_512 = arith.constant 4096 : i32
          %mul3A_513 = arith.muli %add3A_9, %mul3A_512 : i32
          %sub3A_514 = vector.broadcast %mul3A_513 : i32 to vector<16xi32>
          %sub3A_515 = arith.subi %get3A_511, %sub3A_514 : vector<16xi32>
          %shift_right_logical3A_516 = arith.constant 3 : i32
          %shift_right_logical3A_517 = vector.broadcast %shift_right_logical3A_516 : i32 to vector<16xi32>
          %shift_right_logical3A_518 = arith.shrui %sub3A_515, %shift_right_logical3A_517 : vector<16xi32>
          %and3A_519 = arith.constant 7 : i32
          %and3A_520 = vector.broadcast %and3A_519 : i32 to vector<16xi32>
          %and3A_521 = arith.andi %sub3A_515, %and3A_520 : vector<16xi32>
          %mul3A_522 = arith.constant 16 : i32
          %mul3A_523 = vector.broadcast %mul3A_522 : i32 to vector<16xi32>
          %mul3A_524 = arith.muli %and3A_521, %mul3A_523 : vector<16xi32>
          %add3A_525 = arith.constant 64 : i32
          %add3A_526 = vector.broadcast %add3A_525 : i32 to vector<16xi32>
          %add3A_527 = arith.addi %iota3A, %add3A_526 : vector<16xi32>
          %add3A_528 = arith.constant 0 : i32
          %add3A_529 = vector.broadcast %add3A_528 : i32 to vector<16xi32>
          %add3A_530 = arith.addi %mul3A_524, %add3A_529 : vector<16xi32>
          %gather3A_531 = tpu.vector_load_idx %arg5[%shift_right_logical3A_518, %add3A_530] : memref<512x128xf32, #tpu.memory_space<vmem>>[vector<16xi32>, vector<16xi32>], vector<16xf32>,
          %broadcast_in_dim3A_532 = arith.constant 0 : i32
          %broadcast_in_dim3A_533 = vector.broadcast %broadcast_in_dim3A_532 : i32 to vector<16xi32>
          tpu.vector_store_idx %arg7[%broadcast_in_dim3A_533, %add3A_527], %gather3A_531 : memref<16x256xf32, #tpu.memory_space<vmem>>[vector<16xi32>, vector<16xi32>], vector<16xf32>,
          %add3A_534 = arith.constant 1 : i32
          %add3A_535 = vector.broadcast %add3A_534 : i32 to vector<16xi32>
          %add3A_536 = arith.addi %mul3A_524, %add3A_535 : vector<16xi32>
          %gather3A_537 = tpu.vector_load_idx %arg5[%shift_right_logical3A_518, %add3A_536] : memref<512x128xf32, #tpu.memory_space<vmem>>[vector<16xi32>, vector<16xi32>], vector<16xf32>,
          %broadcast_in_dim3A_538 = arith.constant 1 : i32
          %broadcast_in_dim3A_539 = vector.broadcast %broadcast_in_dim3A_538 : i32 to vector<16xi32>
          tpu.vector_store_idx %arg7[%broadcast_in_dim3A_539, %add3A_527], %gather3A_537 : memref<16x256xf32, #tpu.memory_space<vmem>>[vector<16xi32>, vector<16xi32>], vector<16xf32>,
          %add3A_540 = arith.constant 2 : i32
          %add3A_541 = vector.broadcast %add3A_540 : i32 to vector<16xi32>
          %add3A_542 = arith.addi %mul3A_524, %add3A_541 : vector<16xi32>
          %gather3A_543 = tpu.vector_load_idx %arg5[%shift_right_logical3A_518, %add3A_542] : memref<512x128xf32, #tpu.memory_space<vmem>>[vector<16xi32>, vector<16xi32>], vector<16xf32>,
          %broadcast_in_dim3A_544 = arith.constant 2 : i32
          %broadcast_in_dim3A_545 = vector.broadcast %broadcast_in_dim3A_544 : i32 to vector<16xi32>
          tpu.vector_store_idx %arg7[%broadcast_in_dim3A_545, %add3A_527], %gather3A_543 : memref<16x256xf32, #tpu.memory_space<vmem>>[vector<16xi32>, vector<16xi32>], vector<16xf32>,
          %add3A_546 = arith.constant 3 : i32
          %add3A_547 = vector.broadcast %add3A_546 : i32 to vector<16xi32>
          %add3A_548 = arith.addi %mul3A_524, %add3A_547 : vector<16xi32>
          %gather3A_549 = tpu.vector_load_idx %arg5[%shift_right_logical3A_518, %add3A_548] : memref<512x128xf32, #tpu.memory_space<vmem>>[vector<16xi32>, vector<16xi32>], vector<16xf32>,
          %broadcast_in_dim3A_550 = arith.constant 3 : i32
          %broadcast_in_dim3A_551 = vector.broadcast %broadcast_in_dim3A_550 : i32 to vector<16xi32>
          tpu.vector_store_idx %arg7[%broadcast_in_dim3A_551, %add3A_527], %gather3A_549 : memref<16x256xf32, #tpu.memory_space<vmem>>[vector<16xi32>, vector<16xi32>], vector<16xf32>,
          %add3A_552 = arith.constant 4 : i32
          %add3A_553 = vector.broadcast %add3A_552 : i32 to vector<16xi32>
          %add3A_554 = arith.addi %mul3A_524, %add3A_553 : vector<16xi32>
          %gather3A_555 = tpu.vector_load_idx %arg5[%shift_right_logical3A_518, %add3A_554] : memref<512x128xf32, #tpu.memory_space<vmem>>[vector<16xi32>, vector<16xi32>], vector<16xf32>,
          %broadcast_in_dim3A_556 = arith.constant 4 : i32
          %broadcast_in_dim3A_557 = vector.broadcast %broadcast_in_dim3A_556 : i32 to vector<16xi32>
          tpu.vector_store_idx %arg7[%broadcast_in_dim3A_557, %add3A_527], %gather3A_555 : memref<16x256xf32, #tpu.memory_space<vmem>>[vector<16xi32>, vector<16xi32>], vector<16xf32>,
          %add3A_558 = arith.constant 5 : i32
          %add3A_559 = vector.broadcast %add3A_558 : i32 to vector<16xi32>
          %add3A_560 = arith.addi %mul3A_524, %add3A_559 : vector<16xi32>
          %gather3A_561 = tpu.vector_load_idx %arg5[%shift_right_logical3A_518, %add3A_560] : memref<512x128xf32, #tpu.memory_space<vmem>>[vector<16xi32>, vector<16xi32>], vector<16xf32>,
          %broadcast_in_dim3A_562 = arith.constant 5 : i32
          %broadcast_in_dim3A_563 = vector.broadcast %broadcast_in_dim3A_562 : i32 to vector<16xi32>
          tpu.vector_store_idx %arg7[%broadcast_in_dim3A_563, %add3A_527], %gather3A_561 : memref<16x256xf32, #tpu.memory_space<vmem>>[vector<16xi32>, vector<16xi32>], vector<16xf32>,
          %add3A_564 = arith.constant 6 : i32
          %add3A_565 = vector.broadcast %add3A_564 : i32 to vector<16xi32>
          %add3A_566 = arith.addi %mul3A_524, %add3A_565 : vector<16xi32>
          %gather3A_567 = tpu.vector_load_idx %arg5[%shift_right_logical3A_518, %add3A_566] : memref<512x128xf32, #tpu.memory_space<vmem>>[vector<16xi32>, vector<16xi32>], vector<16xf32>,
          %broadcast_in_dim3A_568 = arith.constant 6 : i32
          %broadcast_in_dim3A_569 = vector.broadcast %broadcast_in_dim3A_568 : i32 to vector<16xi32>
          tpu.vector_store_idx %arg7[%broadcast_in_dim3A_569, %add3A_527], %gather3A_567 : memref<16x256xf32, #tpu.memory_space<vmem>>[vector<16xi32>, vector<16xi32>], vector<16xf32>,
          %add3A_570 = arith.constant 7 : i32
          %add3A_571 = vector.broadcast %add3A_570 : i32 to vector<16xi32>
          %add3A_572 = arith.addi %mul3A_524, %add3A_571 : vector<16xi32>
          %gather3A_573 = tpu.vector_load_idx %arg5[%shift_right_logical3A_518, %add3A_572] : memref<512x128xf32, #tpu.memory_space<vmem>>[vector<16xi32>, vector<16xi32>], vector<16xf32>,
          %broadcast_in_dim3A_574 = arith.constant 7 : i32
          %broadcast_in_dim3A_575 = vector.broadcast %broadcast_in_dim3A_574 : i32 to vector<16xi32>
          tpu.vector_store_idx %arg7[%broadcast_in_dim3A_575, %add3A_527], %gather3A_573 : memref<16x256xf32, #tpu.memory_space<vmem>>[vector<16xi32>, vector<16xi32>], vector<16xf32>,
          %add3A_576 = arith.constant 8 : i32
          %add3A_577 = vector.broadcast %add3A_576 : i32 to vector<16xi32>
          %add3A_578 = arith.addi %mul3A_524, %add3A_577 : vector<16xi32>
          %gather3A_579 = tpu.vector_load_idx %arg5[%shift_right_logical3A_518, %add3A_578] : memref<512x128xf32, #tpu.memory_space<vmem>>[vector<16xi32>, vector<16xi32>], vector<16xf32>,
          %broadcast_in_dim3A_580 = arith.constant 8 : i32
          %broadcast_in_dim3A_581 = vector.broadcast %broadcast_in_dim3A_580 : i32 to vector<16xi32>
          tpu.vector_store_idx %arg7[%broadcast_in_dim3A_581, %add3A_527], %gather3A_579 : memref<16x256xf32, #tpu.memory_space<vmem>>[vector<16xi32>, vector<16xi32>], vector<16xf32>,
          %add3A_582 = arith.constant 9 : i32
          %add3A_583 = vector.broadcast %add3A_582 : i32 to vector<16xi32>
          %add3A_584 = arith.addi %mul3A_524, %add3A_583 : vector<16xi32>
          %gather3A_585 = tpu.vector_load_idx %arg5[%shift_right_logical3A_518, %add3A_584] : memref<512x128xf32, #tpu.memory_space<vmem>>[vector<16xi32>, vector<16xi32>], vector<16xf32>,
          %broadcast_in_dim3A_586 = arith.constant 9 : i32
          %broadcast_in_dim3A_587 = vector.broadcast %broadcast_in_dim3A_586 : i32 to vector<16xi32>
          tpu.vector_store_idx %arg7[%broadcast_in_dim3A_587, %add3A_527], %gather3A_585 : memref<16x256xf32, #tpu.memory_space<vmem>>[vector<16xi32>, vector<16xi32>], vector<16xf32>,
          %add3A_588 = arith.constant 10 : i32
          %add3A_589 = vector.broadcast %add3A_588 : i32 to vector<16xi32>
          %add3A_590 = arith.addi %mul3A_524, %add3A_589 : vector<16xi32>
          %gather3A_591 = tpu.vector_load_idx %arg5[%shift_right_logical3A_518, %add3A_590] : memref<512x128xf32, #tpu.memory_space<vmem>>[vector<16xi32>, vector<16xi32>], vector<16xf32>,
          %broadcast_in_dim3A_592 = arith.constant 10 : i32
          %broadcast_in_dim3A_593 = vector.broadcast %broadcast_in_dim3A_592 : i32 to vector<16xi32>
          tpu.vector_store_idx %arg7[%broadcast_in_dim3A_593, %add3A_527], %gather3A_591 : memref<16x256xf32, #tpu.memory_space<vmem>>[vector<16xi32>, vector<16xi32>], vector<16xf32>,
          %add3A_594 = arith.constant 11 : i32
          %add3A_595 = vector.broadcast %add3A_594 : i32 to vector<16xi32>
          %add3A_596 = arith.addi %mul3A_524, %add3A_595 : vector<16xi32>
          %gather3A_597 = tpu.vector_load_idx %arg5[%shift_right_logical3A_518, %add3A_596] : memref<512x128xf32, #tpu.memory_space<vmem>>[vector<16xi32>, vector<16xi32>], vector<16xf32>,
          %broadcast_in_dim3A_598 = arith.constant 11 : i32
          %broadcast_in_dim3A_599 = vector.broadcast %broadcast_in_dim3A_598 : i32 to vector<16xi32>
          tpu.vector_store_idx %arg7[%broadcast_in_dim3A_599, %add3A_527], %gather3A_597 : memref<16x256xf32, #tpu.memory_space<vmem>>[vector<16xi32>, vector<16xi32>], vector<16xf32>,
          %add3A_600 = arith.constant 12 : i32
          %add3A_601 = vector.broadcast %add3A_600 : i32 to vector<16xi32>
          %add3A_602 = arith.addi %mul3A_524, %add3A_601 : vector<16xi32>
          %gather3A_603 = tpu.vector_load_idx %arg5[%shift_right_logical3A_518, %add3A_602] : memref<512x128xf32, #tpu.memory_space<vmem>>[vector<16xi32>, vector<16xi32>], vector<16xf32>,
          %broadcast_in_dim3A_604 = arith.constant 12 : i32
          %broadcast_in_dim3A_605 = vector.broadcast %broadcast_in_dim3A_604 : i32 to vector<16xi32>
          tpu.vector_store_idx %arg7[%broadcast_in_dim3A_605, %add3A_527], %gather3A_603 : memref<16x256xf32, #tpu.memory_space<vmem>>[vector<16xi32>, vector<16xi32>], vector<16xf32>,
          %add3A_606 = arith.constant 13 : i32
          %add3A_607 = vector.broadcast %add3A_606 : i32 to vector<16xi32>
          %add3A_608 = arith.addi %mul3A_524, %add3A_607 : vector<16xi32>
          %gather3A_609 = tpu.vector_load_idx %arg5[%shift_right_logical3A_518, %add3A_608] : memref<512x128xf32, #tpu.memory_space<vmem>>[vector<16xi32>, vector<16xi32>], vector<16xf32>,
          %broadcast_in_dim3A_610 = arith.constant 13 : i32
          %broadcast_in_dim3A_611 = vector.broadcast %broadcast_in_dim3A_610 : i32 to vector<16xi32>
          tpu.vector_store_idx %arg7[%broadcast_in_dim3A_611, %add3A_527], %gather3A_609 : memref<16x256xf32, #tpu.memory_space<vmem>>[vector<16xi32>, vector<16xi32>], vector<16xf32>,
          %add3A_612 = arith.constant 14 : i32
          %add3A_613 = vector.broadcast %add3A_612 : i32 to vector<16xi32>
          %add3A_614 = arith.addi %mul3A_524, %add3A_613 : vector<16xi32>
          %gather3A_615 = tpu.vector_load_idx %arg5[%shift_right_logical3A_518, %add3A_614] : memref<512x128xf32, #tpu.memory_space<vmem>>[vector<16xi32>, vector<16xi32>], vector<16xf32>,
          %broadcast_in_dim3A_616 = arith.constant 14 : i32
          %broadcast_in_dim3A_617 = vector.broadcast %broadcast_in_dim3A_616 : i32 to vector<16xi32>
          tpu.vector_store_idx %arg7[%broadcast_in_dim3A_617, %add3A_527], %gather3A_615 : memref<16x256xf32, #tpu.memory_space<vmem>>[vector<16xi32>, vector<16xi32>], vector<16xf32>,
          %add3A_618 = arith.constant 15 : i32
          %add3A_619 = vector.broadcast %add3A_618 : i32 to vector<16xi32>
          %add3A_620 = arith.addi %mul3A_524, %add3A_619 : vector<16xi32>
          %gather3A_621 = tpu.vector_load_idx %arg5[%shift_right_logical3A_518, %add3A_620] : memref<512x128xf32, #tpu.memory_space<vmem>>[vector<16xi32>, vector<16xi32>], vector<16xf32>,
          %broadcast_in_dim3A_622 = arith.constant 15 : i32
          %broadcast_in_dim3A_623 = vector.broadcast %broadcast_in_dim3A_622 : i32 to vector<16xi32>
          tpu.vector_store_idx %arg7[%broadcast_in_dim3A_623, %add3A_527], %gather3A_621 : memref<16x256xf32, #tpu.memory_space<vmem>>[vector<16xi32>, vector<16xi32>], vector<16xf32>,
          %mul3A_624 = arith.constant 256 : i32
          %mul3A_625 = arith.muli %add3A_39, %mul3A_624 : i32
          %add3A_626 = arith.constant 80 : i32
          %add3A_627 = arith.addi %mul3A_625, %add3A_626 : i32
          %get3A_628 = arith.index_cast %add3A_627 : i32 to index
          %get3A_629 = tpu.vector_load %arg6[%get3A_628] {strides = array<i32>} : memref<3072xi32, #tpu.memory_space<vmem>>, vector<16xi32>,
          %mul3A_630 = arith.constant 4096 : i32
          %mul3A_631 = arith.muli %add3A_9, %mul3A_630 : i32
          %sub3A_632 = vector.broadcast %mul3A_631 : i32 to vector<16xi32>
          %sub3A_633 = arith.subi %get3A_629, %sub3A_632 : vector<16xi32>
          %shift_right_logical3A_634 = arith.constant 3 : i32
          %shift_right_logical3A_635 = vector.broadcast %shift_right_logical3A_634 : i32 to vector<16xi32>
          %shift_right_logical3A_636 = arith.shrui %sub3A_633, %shift_right_logical3A_635 : vector<16xi32>
          %and3A_637 = arith.constant 7 : i32
          %and3A_638 = vector.broadcast %and3A_637 : i32 to vector<16xi32>
          %and3A_639 = arith.andi %sub3A_633, %and3A_638 : vector<16xi32>
          %mul3A_640 = arith.constant 16 : i32
          %mul3A_641 = vector.broadcast %mul3A_640 : i32 to vector<16xi32>
          %mul3A_642 = arith.muli %and3A_639, %mul3A_641 : vector<16xi32>
          %add3A_643 = arith.constant 80 : i32
          %add3A_644 = vector.broadcast %add3A_643 : i32 to vector<16xi32>
          %add3A_645 = arith.addi %iota3A, %add3A_644 : vector<16xi32>
          %add3A_646 = arith.constant 0 : i32
          %add3A_647 = vector.broadcast %add3A_646 : i32 to vector<16xi32>
          %add3A_648 = arith.addi %mul3A_642, %add3A_647 : vector<16xi32>
          %gather3A_649 = tpu.vector_load_idx %arg5[%shift_right_logical3A_636, %add3A_648] : memref<512x128xf32, #tpu.memory_space<vmem>>[vector<16xi32>, vector<16xi32>], vector<16xf32>,
          %broadcast_in_dim3A_650 = arith.constant 0 : i32
          %broadcast_in_dim3A_651 = vector.broadcast %broadcast_in_dim3A_650 : i32 to vector<16xi32>
          tpu.vector_store_idx %arg7[%broadcast_in_dim3A_651, %add3A_645], %gather3A_649 : memref<16x256xf32, #tpu.memory_space<vmem>>[vector<16xi32>, vector<16xi32>], vector<16xf32>,
          %add3A_652 = arith.constant 1 : i32
          %add3A_653 = vector.broadcast %add3A_652 : i32 to vector<16xi32>
          %add3A_654 = arith.addi %mul3A_642, %add3A_653 : vector<16xi32>
          %gather3A_655 = tpu.vector_load_idx %arg5[%shift_right_logical3A_636, %add3A_654] : memref<512x128xf32, #tpu.memory_space<vmem>>[vector<16xi32>, vector<16xi32>], vector<16xf32>,
          %broadcast_in_dim3A_656 = arith.constant 1 : i32
          %broadcast_in_dim3A_657 = vector.broadcast %broadcast_in_dim3A_656 : i32 to vector<16xi32>
          tpu.vector_store_idx %arg7[%broadcast_in_dim3A_657, %add3A_645], %gather3A_655 : memref<16x256xf32, #tpu.memory_space<vmem>>[vector<16xi32>, vector<16xi32>], vector<16xf32>,
          %add3A_658 = arith.constant 2 : i32
          %add3A_659 = vector.broadcast %add3A_658 : i32 to vector<16xi32>
          %add3A_660 = arith.addi %mul3A_642, %add3A_659 : vector<16xi32>
          %gather3A_661 = tpu.vector_load_idx %arg5[%shift_right_logical3A_636, %add3A_660] : memref<512x128xf32, #tpu.memory_space<vmem>>[vector<16xi32>, vector<16xi32>], vector<16xf32>,
          %broadcast_in_dim3A_662 = arith.constant 2 : i32
          %broadcast_in_dim3A_663 = vector.broadcast %broadcast_in_dim3A_662 : i32 to vector<16xi32>
          tpu.vector_store_idx %arg7[%broadcast_in_dim3A_663, %add3A_645], %gather3A_661 : memref<16x256xf32, #tpu.memory_space<vmem>>[vector<16xi32>, vector<16xi32>], vector<16xf32>,
          %add3A_664 = arith.constant 3 : i32
          %add3A_665 = vector.broadcast %add3A_664 : i32 to vector<16xi32>
          %add3A_666 = arith.addi %mul3A_642, %add3A_665 : vector<16xi32>
          %gather3A_667 = tpu.vector_load_idx %arg5[%shift_right_logical3A_636, %add3A_666] : memref<512x128xf32, #tpu.memory_space<vmem>>[vector<16xi32>, vector<16xi32>], vector<16xf32>,
          %broadcast_in_dim3A_668 = arith.constant 3 : i32
          %broadcast_in_dim3A_669 = vector.broadcast %broadcast_in_dim3A_668 : i32 to vector<16xi32>
          tpu.vector_store_idx %arg7[%broadcast_in_dim3A_669, %add3A_645], %gather3A_667 : memref<16x256xf32, #tpu.memory_space<vmem>>[vector<16xi32>, vector<16xi32>], vector<16xf32>,
          %add3A_670 = arith.constant 4 : i32
          %add3A_671 = vector.broadcast %add3A_670 : i32 to vector<16xi32>
          %add3A_672 = arith.addi %mul3A_642, %add3A_671 : vector<16xi32>
          %gather3A_673 = tpu.vector_load_idx %arg5[%shift_right_logical3A_636, %add3A_672] : memref<512x128xf32, #tpu.memory_space<vmem>>[vector<16xi32>, vector<16xi32>], vector<16xf32>,
          %broadcast_in_dim3A_674 = arith.constant 4 : i32
          %broadcast_in_dim3A_675 = vector.broadcast %broadcast_in_dim3A_674 : i32 to vector<16xi32>
          tpu.vector_store_idx %arg7[%broadcast_in_dim3A_675, %add3A_645], %gather3A_673 : memref<16x256xf32, #tpu.memory_space<vmem>>[vector<16xi32>, vector<16xi32>], vector<16xf32>,
          %add3A_676 = arith.constant 5 : i32
          %add3A_677 = vector.broadcast %add3A_676 : i32 to vector<16xi32>
          %add3A_678 = arith.addi %mul3A_642, %add3A_677 : vector<16xi32>
          %gather3A_679 = tpu.vector_load_idx %arg5[%shift_right_logical3A_636, %add3A_678] : memref<512x128xf32, #tpu.memory_space<vmem>>[vector<16xi32>, vector<16xi32>], vector<16xf32>,
          %broadcast_in_dim3A_680 = arith.constant 5 : i32
          %broadcast_in_dim3A_681 = vector.broadcast %broadcast_in_dim3A_680 : i32 to vector<16xi32>
          tpu.vector_store_idx %arg7[%broadcast_in_dim3A_681, %add3A_645], %gather3A_679 : memref<16x256xf32, #tpu.memory_space<vmem>>[vector<16xi32>, vector<16xi32>], vector<16xf32>,
          %add3A_682 = arith.constant 6 : i32
          %add3A_683 = vector.broadcast %add3A_682 : i32 to vector<16xi32>
          %add3A_684 = arith.addi %mul3A_642, %add3A_683 : vector<16xi32>
          %gather3A_685 = tpu.vector_load_idx %arg5[%shift_right_logical3A_636, %add3A_684] : memref<512x128xf32, #tpu.memory_space<vmem>>[vector<16xi32>, vector<16xi32>], vector<16xf32>,
          %broadcast_in_dim3A_686 = arith.constant 6 : i32
          %broadcast_in_dim3A_687 = vector.broadcast %broadcast_in_dim3A_686 : i32 to vector<16xi32>
          tpu.vector_store_idx %arg7[%broadcast_in_dim3A_687, %add3A_645], %gather3A_685 : memref<16x256xf32, #tpu.memory_space<vmem>>[vector<16xi32>, vector<16xi32>], vector<16xf32>,
          %add3A_688 = arith.constant 7 : i32
          %add3A_689 = vector.broadcast %add3A_688 : i32 to vector<16xi32>
          %add3A_690 = arith.addi %mul3A_642, %add3A_689 : vector<16xi32>
          %gather3A_691 = tpu.vector_load_idx %arg5[%shift_right_logical3A_636, %add3A_690] : memref<512x128xf32, #tpu.memory_space<vmem>>[vector<16xi32>, vector<16xi32>], vector<16xf32>,
          %broadcast_in_dim3A_692 = arith.constant 7 : i32
          %broadcast_in_dim3A_693 = vector.broadcast %broadcast_in_dim3A_692 : i32 to vector<16xi32>
          tpu.vector_store_idx %arg7[%broadcast_in_dim3A_693, %add3A_645], %gather3A_691 : memref<16x256xf32, #tpu.memory_space<vmem>>[vector<16xi32>, vector<16xi32>], vector<16xf32>,
          %add3A_694 = arith.constant 8 : i32
          %add3A_695 = vector.broadcast %add3A_694 : i32 to vector<16xi32>
          %add3A_696 = arith.addi %mul3A_642, %add3A_695 : vector<16xi32>
          %gather3A_697 = tpu.vector_load_idx %arg5[%shift_right_logical3A_636, %add3A_696] : memref<512x128xf32, #tpu.memory_space<vmem>>[vector<16xi32>, vector<16xi32>], vector<16xf32>,
          %broadcast_in_dim3A_698 = arith.constant 8 : i32
          %broadcast_in_dim3A_699 = vector.broadcast %broadcast_in_dim3A_698 : i32 to vector<16xi32>
          tpu.vector_store_idx %arg7[%broadcast_in_dim3A_699, %add3A_645], %gather3A_697 : memref<16x256xf32, #tpu.memory_space<vmem>>[vector<16xi32>, vector<16xi32>], vector<16xf32>,
          %add3A_700 = arith.constant 9 : i32
          %add3A_701 = vector.broadcast %add3A_700 : i32 to vector<16xi32>
          %add3A_702 = arith.addi %mul3A_642, %add3A_701 : vector<16xi32>
          %gather3A_703 = tpu.vector_load_idx %arg5[%shift_right_logical3A_636, %add3A_702] : memref<512x128xf32, #tpu.memory_space<vmem>>[vector<16xi32>, vector<16xi32>], vector<16xf32>,
          %broadcast_in_dim3A_704 = arith.constant 9 : i32
          %broadcast_in_dim3A_705 = vector.broadcast %broadcast_in_dim3A_704 : i32 to vector<16xi32>
          tpu.vector_store_idx %arg7[%broadcast_in_dim3A_705, %add3A_645], %gather3A_703 : memref<16x256xf32, #tpu.memory_space<vmem>>[vector<16xi32>, vector<16xi32>], vector<16xf32>,
          %add3A_706 = arith.constant 10 : i32
          %add3A_707 = vector.broadcast %add3A_706 : i32 to vector<16xi32>
          %add3A_708 = arith.addi %mul3A_642, %add3A_707 : vector<16xi32>
          %gather3A_709 = tpu.vector_load_idx %arg5[%shift_right_logical3A_636, %add3A_708] : memref<512x128xf32, #tpu.memory_space<vmem>>[vector<16xi32>, vector<16xi32>], vector<16xf32>,
          %broadcast_in_dim3A_710 = arith.constant 10 : i32
          %broadcast_in_dim3A_711 = vector.broadcast %broadcast_in_dim3A_710 : i32 to vector<16xi32>
          tpu.vector_store_idx %arg7[%broadcast_in_dim3A_711, %add3A_645], %gather3A_709 : memref<16x256xf32, #tpu.memory_space<vmem>>[vector<16xi32>, vector<16xi32>], vector<16xf32>,
          %add3A_712 = arith.constant 11 : i32
          %add3A_713 = vector.broadcast %add3A_712 : i32 to vector<16xi32>
          %add3A_714 = arith.addi %mul3A_642, %add3A_713 : vector<16xi32>
          %gather3A_715 = tpu.vector_load_idx %arg5[%shift_right_logical3A_636, %add3A_714] : memref<512x128xf32, #tpu.memory_space<vmem>>[vector<16xi32>, vector<16xi32>], vector<16xf32>,
          %broadcast_in_dim3A_716 = arith.constant 11 : i32
          %broadcast_in_dim3A_717 = vector.broadcast %broadcast_in_dim3A_716 : i32 to vector<16xi32>
          tpu.vector_store_idx %arg7[%broadcast_in_dim3A_717, %add3A_645], %gather3A_715 : memref<16x256xf32, #tpu.memory_space<vmem>>[vector<16xi32>, vector<16xi32>], vector<16xf32>,
          %add3A_718 = arith.constant 12 : i32
          %add3A_719 = vector.broadcast %add3A_718 : i32 to vector<16xi32>
          %add3A_720 = arith.addi %mul3A_642, %add3A_719 : vector<16xi32>
          %gather3A_721 = tpu.vector_load_idx %arg5[%shift_right_logical3A_636, %add3A_720] : memref<512x128xf32, #tpu.memory_space<vmem>>[vector<16xi32>, vector<16xi32>], vector<16xf32>,
          %broadcast_in_dim3A_722 = arith.constant 12 : i32
          %broadcast_in_dim3A_723 = vector.broadcast %broadcast_in_dim3A_722 : i32 to vector<16xi32>
          tpu.vector_store_idx %arg7[%broadcast_in_dim3A_723, %add3A_645], %gather3A_721 : memref<16x256xf32, #tpu.memory_space<vmem>>[vector<16xi32>, vector<16xi32>], vector<16xf32>,
          %add3A_724 = arith.constant 13 : i32
          %add3A_725 = vector.broadcast %add3A_724 : i32 to vector<16xi32>
          %add3A_726 = arith.addi %mul3A_642, %add3A_725 : vector<16xi32>
          %gather3A_727 = tpu.vector_load_idx %arg5[%shift_right_logical3A_636, %add3A_726] : memref<512x128xf32, #tpu.memory_space<vmem>>[vector<16xi32>, vector<16xi32>], vector<16xf32>,
          %broadcast_in_dim3A_728 = arith.constant 13 : i32
          %broadcast_in_dim3A_729 = vector.broadcast %broadcast_in_dim3A_728 : i32 to vector<16xi32>
          tpu.vector_store_idx %arg7[%broadcast_in_dim3A_729, %add3A_645], %gather3A_727 : memref<16x256xf32, #tpu.memory_space<vmem>>[vector<16xi32>, vector<16xi32>], vector<16xf32>,
          %add3A_730 = arith.constant 14 : i32
          %add3A_731 = vector.broadcast %add3A_730 : i32 to vector<16xi32>
          %add3A_732 = arith.addi %mul3A_642, %add3A_731 : vector<16xi32>
          %gather3A_733 = tpu.vector_load_idx %arg5[%shift_right_logical3A_636, %add3A_732] : memref<512x128xf32, #tpu.memory_space<vmem>>[vector<16xi32>, vector<16xi32>], vector<16xf32>,
          %broadcast_in_dim3A_734 = arith.constant 14 : i32
          %broadcast_in_dim3A_735 = vector.broadcast %broadcast_in_dim3A_734 : i32 to vector<16xi32>
          tpu.vector_store_idx %arg7[%broadcast_in_dim3A_735, %add3A_645], %gather3A_733 : memref<16x256xf32, #tpu.memory_space<vmem>>[vector<16xi32>, vector<16xi32>], vector<16xf32>,
          %add3A_736 = arith.constant 15 : i32
          %add3A_737 = vector.broadcast %add3A_736 : i32 to vector<16xi32>
          %add3A_738 = arith.addi %mul3A_642, %add3A_737 : vector<16xi32>
          %gather3A_739 = tpu.vector_load_idx %arg5[%shift_right_logical3A_636, %add3A_738] : memref<512x128xf32, #tpu.memory_space<vmem>>[vector<16xi32>, vector<16xi32>], vector<16xf32>,
          %broadcast_in_dim3A_740 = arith.constant 15 : i32
          %broadcast_in_dim3A_741 = vector.broadcast %broadcast_in_dim3A_740 : i32 to vector<16xi32>
          tpu.vector_store_idx %arg7[%broadcast_in_dim3A_741, %add3A_645], %gather3A_739 : memref<16x256xf32, #tpu.memory_space<vmem>>[vector<16xi32>, vector<16xi32>], vector<16xf32>,
          %mul3A_742 = arith.constant 256 : i32
          %mul3A_743 = arith.muli %add3A_39, %mul3A_742 : i32
          %add3A_744 = arith.constant 96 : i32
          %add3A_745 = arith.addi %mul3A_743, %add3A_744 : i32
          %get3A_746 = arith.index_cast %add3A_745 : i32 to index
          %get3A_747 = tpu.vector_load %arg6[%get3A_746] {strides = array<i32>} : memref<3072xi32, #tpu.memory_space<vmem>>, vector<16xi32>,
          %mul3A_748 = arith.constant 4096 : i32
          %mul3A_749 = arith.muli %add3A_9, %mul3A_748 : i32
          %sub3A_750 = vector.broadcast %mul3A_749 : i32 to vector<16xi32>
          %sub3A_751 = arith.subi %get3A_747, %sub3A_750 : vector<16xi32>
          %shift_right_logical3A_752 = arith.constant 3 : i32
          %shift_right_logical3A_753 = vector.broadcast %shift_right_logical3A_752 : i32 to vector<16xi32>
          %shift_right_logical3A_754 = arith.shrui %sub3A_751, %shift_right_logical3A_753 : vector<16xi32>
          %and3A_755 = arith.constant 7 : i32
          %and3A_756 = vector.broadcast %and3A_755 : i32 to vector<16xi32>
          %and3A_757 = arith.andi %sub3A_751, %and3A_756 : vector<16xi32>
          %mul3A_758 = arith.constant 16 : i32
          %mul3A_759 = vector.broadcast %mul3A_758 : i32 to vector<16xi32>
          %mul3A_760 = arith.muli %and3A_757, %mul3A_759 : vector<16xi32>
          %add3A_761 = arith.constant 96 : i32
          %add3A_762 = vector.broadcast %add3A_761 : i32 to vector<16xi32>
          %add3A_763 = arith.addi %iota3A, %add3A_762 : vector<16xi32>
          %add3A_764 = arith.constant 0 : i32
          %add3A_765 = vector.broadcast %add3A_764 : i32 to vector<16xi32>
          %add3A_766 = arith.addi %mul3A_760, %add3A_765 : vector<16xi32>
          %gather3A_767 = tpu.vector_load_idx %arg5[%shift_right_logical3A_754, %add3A_766] : memref<512x128xf32, #tpu.memory_space<vmem>>[vector<16xi32>, vector<16xi32>], vector<16xf32>,
          %broadcast_in_dim3A_768 = arith.constant 0 : i32
          %broadcast_in_dim3A_769 = vector.broadcast %broadcast_in_dim3A_768 : i32 to vector<16xi32>
          tpu.vector_store_idx %arg7[%broadcast_in_dim3A_769, %add3A_763], %gather3A_767 : memref<16x256xf32, #tpu.memory_space<vmem>>[vector<16xi32>, vector<16xi32>], vector<16xf32>,
          %add3A_770 = arith.constant 1 : i32
          %add3A_771 = vector.broadcast %add3A_770 : i32 to vector<16xi32>
          %add3A_772 = arith.addi %mul3A_760, %add3A_771 : vector<16xi32>
          %gather3A_773 = tpu.vector_load_idx %arg5[%shift_right_logical3A_754, %add3A_772] : memref<512x128xf32, #tpu.memory_space<vmem>>[vector<16xi32>, vector<16xi32>], vector<16xf32>,
          %broadcast_in_dim3A_774 = arith.constant 1 : i32
          %broadcast_in_dim3A_775 = vector.broadcast %broadcast_in_dim3A_774 : i32 to vector<16xi32>
          tpu.vector_store_idx %arg7[%broadcast_in_dim3A_775, %add3A_763], %gather3A_773 : memref<16x256xf32, #tpu.memory_space<vmem>>[vector<16xi32>, vector<16xi32>], vector<16xf32>,
          %add3A_776 = arith.constant 2 : i32
          %add3A_777 = vector.broadcast %add3A_776 : i32 to vector<16xi32>
          %add3A_778 = arith.addi %mul3A_760, %add3A_777 : vector<16xi32>
          %gather3A_779 = tpu.vector_load_idx %arg5[%shift_right_logical3A_754, %add3A_778] : memref<512x128xf32, #tpu.memory_space<vmem>>[vector<16xi32>, vector<16xi32>], vector<16xf32>,
          %broadcast_in_dim3A_780 = arith.constant 2 : i32
          %broadcast_in_dim3A_781 = vector.broadcast %broadcast_in_dim3A_780 : i32 to vector<16xi32>
          tpu.vector_store_idx %arg7[%broadcast_in_dim3A_781, %add3A_763], %gather3A_779 : memref<16x256xf32, #tpu.memory_space<vmem>>[vector<16xi32>, vector<16xi32>], vector<16xf32>,
          %add3A_782 = arith.constant 3 : i32
          %add3A_783 = vector.broadcast %add3A_782 : i32 to vector<16xi32>
          %add3A_784 = arith.addi %mul3A_760, %add3A_783 : vector<16xi32>
          %gather3A_785 = tpu.vector_load_idx %arg5[%shift_right_logical3A_754, %add3A_784] : memref<512x128xf32, #tpu.memory_space<vmem>>[vector<16xi32>, vector<16xi32>], vector<16xf32>,
          %broadcast_in_dim3A_786 = arith.constant 3 : i32
          %broadcast_in_dim3A_787 = vector.broadcast %broadcast_in_dim3A_786 : i32 to vector<16xi32>
          tpu.vector_store_idx %arg7[%broadcast_in_dim3A_787, %add3A_763], %gather3A_785 : memref<16x256xf32, #tpu.memory_space<vmem>>[vector<16xi32>, vector<16xi32>], vector<16xf32>,
          %add3A_788 = arith.constant 4 : i32
          %add3A_789 = vector.broadcast %add3A_788 : i32 to vector<16xi32>
          %add3A_790 = arith.addi %mul3A_760, %add3A_789 : vector<16xi32>
          %gather3A_791 = tpu.vector_load_idx %arg5[%shift_right_logical3A_754, %add3A_790] : memref<512x128xf32, #tpu.memory_space<vmem>>[vector<16xi32>, vector<16xi32>], vector<16xf32>,
          %broadcast_in_dim3A_792 = arith.constant 4 : i32
          %broadcast_in_dim3A_793 = vector.broadcast %broadcast_in_dim3A_792 : i32 to vector<16xi32>
          tpu.vector_store_idx %arg7[%broadcast_in_dim3A_793, %add3A_763], %gather3A_791 : memref<16x256xf32, #tpu.memory_space<vmem>>[vector<16xi32>, vector<16xi32>], vector<16xf32>,
          %add3A_794 = arith.constant 5 : i32
          %add3A_795 = vector.broadcast %add3A_794 : i32 to vector<16xi32>
          %add3A_796 = arith.addi %mul3A_760, %add3A_795 : vector<16xi32>
          %gather3A_797 = tpu.vector_load_idx %arg5[%shift_right_logical3A_754, %add3A_796] : memref<512x128xf32, #tpu.memory_space<vmem>>[vector<16xi32>, vector<16xi32>], vector<16xf32>,
          %broadcast_in_dim3A_798 = arith.constant 5 : i32
          %broadcast_in_dim3A_799 = vector.broadcast %broadcast_in_dim3A_798 : i32 to vector<16xi32>
          tpu.vector_store_idx %arg7[%broadcast_in_dim3A_799, %add3A_763], %gather3A_797 : memref<16x256xf32, #tpu.memory_space<vmem>>[vector<16xi32>, vector<16xi32>], vector<16xf32>,
          %add3A_800 = arith.constant 6 : i32
          %add3A_801 = vector.broadcast %add3A_800 : i32 to vector<16xi32>
          %add3A_802 = arith.addi %mul3A_760, %add3A_801 : vector<16xi32>
          %gather3A_803 = tpu.vector_load_idx %arg5[%shift_right_logical3A_754, %add3A_802] : memref<512x128xf32, #tpu.memory_space<vmem>>[vector<16xi32>, vector<16xi32>], vector<16xf32>,
          %broadcast_in_dim3A_804 = arith.constant 6 : i32
          %broadcast_in_dim3A_805 = vector.broadcast %broadcast_in_dim3A_804 : i32 to vector<16xi32>
          tpu.vector_store_idx %arg7[%broadcast_in_dim3A_805, %add3A_763], %gather3A_803 : memref<16x256xf32, #tpu.memory_space<vmem>>[vector<16xi32>, vector<16xi32>], vector<16xf32>,
          %add3A_806 = arith.constant 7 : i32
          %add3A_807 = vector.broadcast %add3A_806 : i32 to vector<16xi32>
          %add3A_808 = arith.addi %mul3A_760, %add3A_807 : vector<16xi32>
          %gather3A_809 = tpu.vector_load_idx %arg5[%shift_right_logical3A_754, %add3A_808] : memref<512x128xf32, #tpu.memory_space<vmem>>[vector<16xi32>, vector<16xi32>], vector<16xf32>,
          %broadcast_in_dim3A_810 = arith.constant 7 : i32
          %broadcast_in_dim3A_811 = vector.broadcast %broadcast_in_dim3A_810 : i32 to vector<16xi32>
          tpu.vector_store_idx %arg7[%broadcast_in_dim3A_811, %add3A_763], %gather3A_809 : memref<16x256xf32, #tpu.memory_space<vmem>>[vector<16xi32>, vector<16xi32>], vector<16xf32>,
          %add3A_812 = arith.constant 8 : i32
          %add3A_813 = vector.broadcast %add3A_812 : i32 to vector<16xi32>
          %add3A_814 = arith.addi %mul3A_760, %add3A_813 : vector<16xi32>
          %gather3A_815 = tpu.vector_load_idx %arg5[%shift_right_logical3A_754, %add3A_814] : memref<512x128xf32, #tpu.memory_space<vmem>>[vector<16xi32>, vector<16xi32>], vector<16xf32>,
          %broadcast_in_dim3A_816 = arith.constant 8 : i32
          %broadcast_in_dim3A_817 = vector.broadcast %broadcast_in_dim3A_816 : i32 to vector<16xi32>
          tpu.vector_store_idx %arg7[%broadcast_in_dim3A_817, %add3A_763], %gather3A_815 : memref<16x256xf32, #tpu.memory_space<vmem>>[vector<16xi32>, vector<16xi32>], vector<16xf32>,
          %add3A_818 = arith.constant 9 : i32
          %add3A_819 = vector.broadcast %add3A_818 : i32 to vector<16xi32>
          %add3A_820 = arith.addi %mul3A_760, %add3A_819 : vector<16xi32>
          %gather3A_821 = tpu.vector_load_idx %arg5[%shift_right_logical3A_754, %add3A_820] : memref<512x128xf32, #tpu.memory_space<vmem>>[vector<16xi32>, vector<16xi32>], vector<16xf32>,
          %broadcast_in_dim3A_822 = arith.constant 9 : i32
          %broadcast_in_dim3A_823 = vector.broadcast %broadcast_in_dim3A_822 : i32 to vector<16xi32>
          tpu.vector_store_idx %arg7[%broadcast_in_dim3A_823, %add3A_763], %gather3A_821 : memref<16x256xf32, #tpu.memory_space<vmem>>[vector<16xi32>, vector<16xi32>], vector<16xf32>,
          %add3A_824 = arith.constant 10 : i32
          %add3A_825 = vector.broadcast %add3A_824 : i32 to vector<16xi32>
          %add3A_826 = arith.addi %mul3A_760, %add3A_825 : vector<16xi32>
          %gather3A_827 = tpu.vector_load_idx %arg5[%shift_right_logical3A_754, %add3A_826] : memref<512x128xf32, #tpu.memory_space<vmem>>[vector<16xi32>, vector<16xi32>], vector<16xf32>,
          %broadcast_in_dim3A_828 = arith.constant 10 : i32
          %broadcast_in_dim3A_829 = vector.broadcast %broadcast_in_dim3A_828 : i32 to vector<16xi32>
          tpu.vector_store_idx %arg7[%broadcast_in_dim3A_829, %add3A_763], %gather3A_827 : memref<16x256xf32, #tpu.memory_space<vmem>>[vector<16xi32>, vector<16xi32>], vector<16xf32>,
          %add3A_830 = arith.constant 11 : i32
          %add3A_831 = vector.broadcast %add3A_830 : i32 to vector<16xi32>
          %add3A_832 = arith.addi %mul3A_760, %add3A_831 : vector<16xi32>
          %gather3A_833 = tpu.vector_load_idx %arg5[%shift_right_logical3A_754, %add3A_832] : memref<512x128xf32, #tpu.memory_space<vmem>>[vector<16xi32>, vector<16xi32>], vector<16xf32>,
          %broadcast_in_dim3A_834 = arith.constant 11 : i32
          %broadcast_in_dim3A_835 = vector.broadcast %broadcast_in_dim3A_834 : i32 to vector<16xi32>
          tpu.vector_store_idx %arg7[%broadcast_in_dim3A_835, %add3A_763], %gather3A_833 : memref<16x256xf32, #tpu.memory_space<vmem>>[vector<16xi32>, vector<16xi32>], vector<16xf32>,
          %add3A_836 = arith.constant 12 : i32
          %add3A_837 = vector.broadcast %add3A_836 : i32 to vector<16xi32>
          %add3A_838 = arith.addi %mul3A_760, %add3A_837 : vector<16xi32>
          %gather3A_839 = tpu.vector_load_idx %arg5[%shift_right_logical3A_754, %add3A_838] : memref<512x128xf32, #tpu.memory_space<vmem>>[vector<16xi32>, vector<16xi32>], vector<16xf32>,
          %broadcast_in_dim3A_840 = arith.constant 12 : i32
          %broadcast_in_dim3A_841 = vector.broadcast %broadcast_in_dim3A_840 : i32 to vector<16xi32>
          tpu.vector_store_idx %arg7[%broadcast_in_dim3A_841, %add3A_763], %gather3A_839 : memref<16x256xf32, #tpu.memory_space<vmem>>[vector<16xi32>, vector<16xi32>], vector<16xf32>,
          %add3A_842 = arith.constant 13 : i32
          %add3A_843 = vector.broadcast %add3A_842 : i32 to vector<16xi32>
          %add3A_844 = arith.addi %mul3A_760, %add3A_843 : vector<16xi32>
          %gather3A_845 = tpu.vector_load_idx %arg5[%shift_right_logical3A_754, %add3A_844] : memref<512x128xf32, #tpu.memory_space<vmem>>[vector<16xi32>, vector<16xi32>], vector<16xf32>,
          %broadcast_in_dim3A_846 = arith.constant 13 : i32
          %broadcast_in_dim3A_847 = vector.broadcast %broadcast_in_dim3A_846 : i32 to vector<16xi32>
          tpu.vector_store_idx %arg7[%broadcast_in_dim3A_847, %add3A_763], %gather3A_845 : memref<16x256xf32, #tpu.memory_space<vmem>>[vector<16xi32>, vector<16xi32>], vector<16xf32>,
          %add3A_848 = arith.constant 14 : i32
          %add3A_849 = vector.broadcast %add3A_848 : i32 to vector<16xi32>
          %add3A_850 = arith.addi %mul3A_760, %add3A_849 : vector<16xi32>
          %gather3A_851 = tpu.vector_load_idx %arg5[%shift_right_logical3A_754, %add3A_850] : memref<512x128xf32, #tpu.memory_space<vmem>>[vector<16xi32>, vector<16xi32>], vector<16xf32>,
          %broadcast_in_dim3A_852 = arith.constant 14 : i32
          %broadcast_in_dim3A_853 = vector.broadcast %broadcast_in_dim3A_852 : i32 to vector<16xi32>
          tpu.vector_store_idx %arg7[%broadcast_in_dim3A_853, %add3A_763], %gather3A_851 : memref<16x256xf32, #tpu.memory_space<vmem>>[vector<16xi32>, vector<16xi32>], vector<16xf32>,
          %add3A_854 = arith.constant 15 : i32
          %add3A_855 = vector.broadcast %add3A_854 : i32 to vector<16xi32>
          %add3A_856 = arith.addi %mul3A_760, %add3A_855 : vector<16xi32>
          %gather3A_857 = tpu.vector_load_idx %arg5[%shift_right_logical3A_754, %add3A_856] : memref<512x128xf32, #tpu.memory_space<vmem>>[vector<16xi32>, vector<16xi32>], vector<16xf32>,
          %broadcast_in_dim3A_858 = arith.constant 15 : i32
          %broadcast_in_dim3A_859 = vector.broadcast %broadcast_in_dim3A_858 : i32 to vector<16xi32>
          tpu.vector_store_idx %arg7[%broadcast_in_dim3A_859, %add3A_763], %gather3A_857 : memref<16x256xf32, #tpu.memory_space<vmem>>[vector<16xi32>, vector<16xi32>], vector<16xf32>,
          %mul3A_860 = arith.constant 256 : i32
          %mul3A_861 = arith.muli %add3A_39, %mul3A_860 : i32
          %add3A_862 = arith.constant 112 : i32
          %add3A_863 = arith.addi %mul3A_861, %add3A_862 : i32
          %get3A_864 = arith.index_cast %add3A_863 : i32 to index
          %get3A_865 = tpu.vector_load %arg6[%get3A_864] {strides = array<i32>} : memref<3072xi32, #tpu.memory_space<vmem>>, vector<16xi32>,
          %mul3A_866 = arith.constant 4096 : i32
          %mul3A_867 = arith.muli %add3A_9, %mul3A_866 : i32
          %sub3A_868 = vector.broadcast %mul3A_867 : i32 to vector<16xi32>
          %sub3A_869 = arith.subi %get3A_865, %sub3A_868 : vector<16xi32>
          %shift_right_logical3A_870 = arith.constant 3 : i32
          %shift_right_logical3A_871 = vector.broadcast %shift_right_logical3A_870 : i32 to vector<16xi32>
          %shift_right_logical3A_872 = arith.shrui %sub3A_869, %shift_right_logical3A_871 : vector<16xi32>
          %and3A_873 = arith.constant 7 : i32
          %and3A_874 = vector.broadcast %and3A_873 : i32 to vector<16xi32>
          %and3A_875 = arith.andi %sub3A_869, %and3A_874 : vector<16xi32>
          %mul3A_876 = arith.constant 16 : i32
          %mul3A_877 = vector.broadcast %mul3A_876 : i32 to vector<16xi32>
          %mul3A_878 = arith.muli %and3A_875, %mul3A_877 : vector<16xi32>
          %add3A_879 = arith.constant 112 : i32
          %add3A_880 = vector.broadcast %add3A_879 : i32 to vector<16xi32>
          %add3A_881 = arith.addi %iota3A, %add3A_880 : vector<16xi32>
          %add3A_882 = arith.constant 0 : i32
          %add3A_883 = vector.broadcast %add3A_882 : i32 to vector<16xi32>
          %add3A_884 = arith.addi %mul3A_878, %add3A_883 : vector<16xi32>
          %gather3A_885 = tpu.vector_load_idx %arg5[%shift_right_logical3A_872, %add3A_884] : memref<512x128xf32, #tpu.memory_space<vmem>>[vector<16xi32>, vector<16xi32>], vector<16xf32>,
          %broadcast_in_dim3A_886 = arith.constant 0 : i32
          %broadcast_in_dim3A_887 = vector.broadcast %broadcast_in_dim3A_886 : i32 to vector<16xi32>
          tpu.vector_store_idx %arg7[%broadcast_in_dim3A_887, %add3A_881], %gather3A_885 : memref<16x256xf32, #tpu.memory_space<vmem>>[vector<16xi32>, vector<16xi32>], vector<16xf32>,
          %add3A_888 = arith.constant 1 : i32
          %add3A_889 = vector.broadcast %add3A_888 : i32 to vector<16xi32>
          %add3A_890 = arith.addi %mul3A_878, %add3A_889 : vector<16xi32>
          %gather3A_891 = tpu.vector_load_idx %arg5[%shift_right_logical3A_872, %add3A_890] : memref<512x128xf32, #tpu.memory_space<vmem>>[vector<16xi32>, vector<16xi32>], vector<16xf32>,
          %broadcast_in_dim3A_892 = arith.constant 1 : i32
          %broadcast_in_dim3A_893 = vector.broadcast %broadcast_in_dim3A_892 : i32 to vector<16xi32>
          tpu.vector_store_idx %arg7[%broadcast_in_dim3A_893, %add3A_881], %gather3A_891 : memref<16x256xf32, #tpu.memory_space<vmem>>[vector<16xi32>, vector<16xi32>], vector<16xf32>,
          %add3A_894 = arith.constant 2 : i32
          %add3A_895 = vector.broadcast %add3A_894 : i32 to vector<16xi32>
          %add3A_896 = arith.addi %mul3A_878, %add3A_895 : vector<16xi32>
          %gather3A_897 = tpu.vector_load_idx %arg5[%shift_right_logical3A_872, %add3A_896] : memref<512x128xf32, #tpu.memory_space<vmem>>[vector<16xi32>, vector<16xi32>], vector<16xf32>,
          %broadcast_in_dim3A_898 = arith.constant 2 : i32
          %broadcast_in_dim3A_899 = vector.broadcast %broadcast_in_dim3A_898 : i32 to vector<16xi32>
          tpu.vector_store_idx %arg7[%broadcast_in_dim3A_899, %add3A_881], %gather3A_897 : memref<16x256xf32, #tpu.memory_space<vmem>>[vector<16xi32>, vector<16xi32>], vector<16xf32>,
          %add3A_900 = arith.constant 3 : i32
          %add3A_901 = vector.broadcast %add3A_900 : i32 to vector<16xi32>
          %add3A_902 = arith.addi %mul3A_878, %add3A_901 : vector<16xi32>
          %gather3A_903 = tpu.vector_load_idx %arg5[%shift_right_logical3A_872, %add3A_902] : memref<512x128xf32, #tpu.memory_space<vmem>>[vector<16xi32>, vector<16xi32>], vector<16xf32>,
          %broadcast_in_dim3A_904 = arith.constant 3 : i32
          %broadcast_in_dim3A_905 = vector.broadcast %broadcast_in_dim3A_904 : i32 to vector<16xi32>
          tpu.vector_store_idx %arg7[%broadcast_in_dim3A_905, %add3A_881], %gather3A_903 : memref<16x256xf32, #tpu.memory_space<vmem>>[vector<16xi32>, vector<16xi32>], vector<16xf32>,
          %add3A_906 = arith.constant 4 : i32
          %add3A_907 = vector.broadcast %add3A_906 : i32 to vector<16xi32>
          %add3A_908 = arith.addi %mul3A_878, %add3A_907 : vector<16xi32>
          %gather3A_909 = tpu.vector_load_idx %arg5[%shift_right_logical3A_872, %add3A_908] : memref<512x128xf32, #tpu.memory_space<vmem>>[vector<16xi32>, vector<16xi32>], vector<16xf32>,
          %broadcast_in_dim3A_910 = arith.constant 4 : i32
          %broadcast_in_dim3A_911 = vector.broadcast %broadcast_in_dim3A_910 : i32 to vector<16xi32>
          tpu.vector_store_idx %arg7[%broadcast_in_dim3A_911, %add3A_881], %gather3A_909 : memref<16x256xf32, #tpu.memory_space<vmem>>[vector<16xi32>, vector<16xi32>], vector<16xf32>,
          %add3A_912 = arith.constant 5 : i32
          %add3A_913 = vector.broadcast %add3A_912 : i32 to vector<16xi32>
          %add3A_914 = arith.addi %mul3A_878, %add3A_913 : vector<16xi32>
          %gather3A_915 = tpu.vector_load_idx %arg5[%shift_right_logical3A_872, %add3A_914] : memref<512x128xf32, #tpu.memory_space<vmem>>[vector<16xi32>, vector<16xi32>], vector<16xf32>,
          %broadcast_in_dim3A_916 = arith.constant 5 : i32
          %broadcast_in_dim3A_917 = vector.broadcast %broadcast_in_dim3A_916 : i32 to vector<16xi32>
          tpu.vector_store_idx %arg7[%broadcast_in_dim3A_917, %add3A_881], %gather3A_915 : memref<16x256xf32, #tpu.memory_space<vmem>>[vector<16xi32>, vector<16xi32>], vector<16xf32>,
          %add3A_918 = arith.constant 6 : i32
          %add3A_919 = vector.broadcast %add3A_918 : i32 to vector<16xi32>
          %add3A_920 = arith.addi %mul3A_878, %add3A_919 : vector<16xi32>
          %gather3A_921 = tpu.vector_load_idx %arg5[%shift_right_logical3A_872, %add3A_920] : memref<512x128xf32, #tpu.memory_space<vmem>>[vector<16xi32>, vector<16xi32>], vector<16xf32>,
          %broadcast_in_dim3A_922 = arith.constant 6 : i32
          %broadcast_in_dim3A_923 = vector.broadcast %broadcast_in_dim3A_922 : i32 to vector<16xi32>
          tpu.vector_store_idx %arg7[%broadcast_in_dim3A_923, %add3A_881], %gather3A_921 : memref<16x256xf32, #tpu.memory_space<vmem>>[vector<16xi32>, vector<16xi32>], vector<16xf32>,
          %add3A_924 = arith.constant 7 : i32
          %add3A_925 = vector.broadcast %add3A_924 : i32 to vector<16xi32>
          %add3A_926 = arith.addi %mul3A_878, %add3A_925 : vector<16xi32>
          %gather3A_927 = tpu.vector_load_idx %arg5[%shift_right_logical3A_872, %add3A_926] : memref<512x128xf32, #tpu.memory_space<vmem>>[vector<16xi32>, vector<16xi32>], vector<16xf32>,
          %broadcast_in_dim3A_928 = arith.constant 7 : i32
          %broadcast_in_dim3A_929 = vector.broadcast %broadcast_in_dim3A_928 : i32 to vector<16xi32>
          tpu.vector_store_idx %arg7[%broadcast_in_dim3A_929, %add3A_881], %gather3A_927 : memref<16x256xf32, #tpu.memory_space<vmem>>[vector<16xi32>, vector<16xi32>], vector<16xf32>,
          %add3A_930 = arith.constant 8 : i32
          %add3A_931 = vector.broadcast %add3A_930 : i32 to vector<16xi32>
          %add3A_932 = arith.addi %mul3A_878, %add3A_931 : vector<16xi32>
          %gather3A_933 = tpu.vector_load_idx %arg5[%shift_right_logical3A_872, %add3A_932] : memref<512x128xf32, #tpu.memory_space<vmem>>[vector<16xi32>, vector<16xi32>], vector<16xf32>,
          %broadcast_in_dim3A_934 = arith.constant 8 : i32
          %broadcast_in_dim3A_935 = vector.broadcast %broadcast_in_dim3A_934 : i32 to vector<16xi32>
          tpu.vector_store_idx %arg7[%broadcast_in_dim3A_935, %add3A_881], %gather3A_933 : memref<16x256xf32, #tpu.memory_space<vmem>>[vector<16xi32>, vector<16xi32>], vector<16xf32>,
          %add3A_936 = arith.constant 9 : i32
          %add3A_937 = vector.broadcast %add3A_936 : i32 to vector<16xi32>
          %add3A_938 = arith.addi %mul3A_878, %add3A_937 : vector<16xi32>
          %gather3A_939 = tpu.vector_load_idx %arg5[%shift_right_logical3A_872, %add3A_938] : memref<512x128xf32, #tpu.memory_space<vmem>>[vector<16xi32>, vector<16xi32>], vector<16xf32>,
          %broadcast_in_dim3A_940 = arith.constant 9 : i32
          %broadcast_in_dim3A_941 = vector.broadcast %broadcast_in_dim3A_940 : i32 to vector<16xi32>
          tpu.vector_store_idx %arg7[%broadcast_in_dim3A_941, %add3A_881], %gather3A_939 : memref<16x256xf32, #tpu.memory_space<vmem>>[vector<16xi32>, vector<16xi32>], vector<16xf32>,
          %add3A_942 = arith.constant 10 : i32
          %add3A_943 = vector.broadcast %add3A_942 : i32 to vector<16xi32>
          %add3A_944 = arith.addi %mul3A_878, %add3A_943 : vector<16xi32>
          %gather3A_945 = tpu.vector_load_idx %arg5[%shift_right_logical3A_872, %add3A_944] : memref<512x128xf32, #tpu.memory_space<vmem>>[vector<16xi32>, vector<16xi32>], vector<16xf32>,
          %broadcast_in_dim3A_946 = arith.constant 10 : i32
          %broadcast_in_dim3A_947 = vector.broadcast %broadcast_in_dim3A_946 : i32 to vector<16xi32>
          tpu.vector_store_idx %arg7[%broadcast_in_dim3A_947, %add3A_881], %gather3A_945 : memref<16x256xf32, #tpu.memory_space<vmem>>[vector<16xi32>, vector<16xi32>], vector<16xf32>,
          %add3A_948 = arith.constant 11 : i32
          %add3A_949 = vector.broadcast %add3A_948 : i32 to vector<16xi32>
          %add3A_950 = arith.addi %mul3A_878, %add3A_949 : vector<16xi32>
          %gather3A_951 = tpu.vector_load_idx %arg5[%shift_right_logical3A_872, %add3A_950] : memref<512x128xf32, #tpu.memory_space<vmem>>[vector<16xi32>, vector<16xi32>], vector<16xf32>,
          %broadcast_in_dim3A_952 = arith.constant 11 : i32
          %broadcast_in_dim3A_953 = vector.broadcast %broadcast_in_dim3A_952 : i32 to vector<16xi32>
          tpu.vector_store_idx %arg7[%broadcast_in_dim3A_953, %add3A_881], %gather3A_951 : memref<16x256xf32, #tpu.memory_space<vmem>>[vector<16xi32>, vector<16xi32>], vector<16xf32>,
          %add3A_954 = arith.constant 12 : i32
          %add3A_955 = vector.broadcast %add3A_954 : i32 to vector<16xi32>
          %add3A_956 = arith.addi %mul3A_878, %add3A_955 : vector<16xi32>
          %gather3A_957 = tpu.vector_load_idx %arg5[%shift_right_logical3A_872, %add3A_956] : memref<512x128xf32, #tpu.memory_space<vmem>>[vector<16xi32>, vector<16xi32>], vector<16xf32>,
          %broadcast_in_dim3A_958 = arith.constant 12 : i32
          %broadcast_in_dim3A_959 = vector.broadcast %broadcast_in_dim3A_958 : i32 to vector<16xi32>
          tpu.vector_store_idx %arg7[%broadcast_in_dim3A_959, %add3A_881], %gather3A_957 : memref<16x256xf32, #tpu.memory_space<vmem>>[vector<16xi32>, vector<16xi32>], vector<16xf32>,
          %add3A_960 = arith.constant 13 : i32
          %add3A_961 = vector.broadcast %add3A_960 : i32 to vector<16xi32>
          %add3A_962 = arith.addi %mul3A_878, %add3A_961 : vector<16xi32>
          %gather3A_963 = tpu.vector_load_idx %arg5[%shift_right_logical3A_872, %add3A_962] : memref<512x128xf32, #tpu.memory_space<vmem>>[vector<16xi32>, vector<16xi32>], vector<16xf32>,
          %broadcast_in_dim3A_964 = arith.constant 13 : i32
          %broadcast_in_dim3A_965 = vector.broadcast %broadcast_in_dim3A_964 : i32 to vector<16xi32>
          tpu.vector_store_idx %arg7[%broadcast_in_dim3A_965, %add3A_881], %gather3A_963 : memref<16x256xf32, #tpu.memory_space<vmem>>[vector<16xi32>, vector<16xi32>], vector<16xf32>,
          %add3A_966 = arith.constant 14 : i32
          %add3A_967 = vector.broadcast %add3A_966 : i32 to vector<16xi32>
          %add3A_968 = arith.addi %mul3A_878, %add3A_967 : vector<16xi32>
          %gather3A_969 = tpu.vector_load_idx %arg5[%shift_right_logical3A_872, %add3A_968] : memref<512x128xf32, #tpu.memory_space<vmem>>[vector<16xi32>, vector<16xi32>], vector<16xf32>,
          %broadcast_in_dim3A_970 = arith.constant 14 : i32
          %broadcast_in_dim3A_971 = vector.broadcast %broadcast_in_dim3A_970 : i32 to vector<16xi32>
          tpu.vector_store_idx %arg7[%broadcast_in_dim3A_971, %add3A_881], %gather3A_969 : memref<16x256xf32, #tpu.memory_space<vmem>>[vector<16xi32>, vector<16xi32>], vector<16xf32>,
          %add3A_972 = arith.constant 15 : i32
          %add3A_973 = vector.broadcast %add3A_972 : i32 to vector<16xi32>
          %add3A_974 = arith.addi %mul3A_878, %add3A_973 : vector<16xi32>
          %gather3A_975 = tpu.vector_load_idx %arg5[%shift_right_logical3A_872, %add3A_974] : memref<512x128xf32, #tpu.memory_space<vmem>>[vector<16xi32>, vector<16xi32>], vector<16xf32>,
          %broadcast_in_dim3A_976 = arith.constant 15 : i32
          %broadcast_in_dim3A_977 = vector.broadcast %broadcast_in_dim3A_976 : i32 to vector<16xi32>
          tpu.vector_store_idx %arg7[%broadcast_in_dim3A_977, %add3A_881], %gather3A_975 : memref<16x256xf32, #tpu.memory_space<vmem>>[vector<16xi32>, vector<16xi32>], vector<16xf32>,
          %mul3A_978 = arith.constant 256 : i32
          %mul3A_979 = arith.muli %add3A_39, %mul3A_978 : i32
          %add3A_980 = arith.constant 128 : i32
          %add3A_981 = arith.addi %mul3A_979, %add3A_980 : i32
          %get3A_982 = arith.index_cast %add3A_981 : i32 to index
          %get3A_983 = tpu.vector_load %arg6[%get3A_982] {strides = array<i32>} : memref<3072xi32, #tpu.memory_space<vmem>>, vector<16xi32>,
          %mul3A_984 = arith.constant 4096 : i32
          %mul3A_985 = arith.muli %add3A_9, %mul3A_984 : i32
          %sub3A_986 = vector.broadcast %mul3A_985 : i32 to vector<16xi32>
          %sub3A_987 = arith.subi %get3A_983, %sub3A_986 : vector<16xi32>
          %shift_right_logical3A_988 = arith.constant 3 : i32
          %shift_right_logical3A_989 = vector.broadcast %shift_right_logical3A_988 : i32 to vector<16xi32>
          %shift_right_logical3A_990 = arith.shrui %sub3A_987, %shift_right_logical3A_989 : vector<16xi32>
          %and3A_991 = arith.constant 7 : i32
          %and3A_992 = vector.broadcast %and3A_991 : i32 to vector<16xi32>
          %and3A_993 = arith.andi %sub3A_987, %and3A_992 : vector<16xi32>
          %mul3A_994 = arith.constant 16 : i32
          %mul3A_995 = vector.broadcast %mul3A_994 : i32 to vector<16xi32>
          %mul3A_996 = arith.muli %and3A_993, %mul3A_995 : vector<16xi32>
          %add3A_997 = arith.constant 128 : i32
          %add3A_998 = vector.broadcast %add3A_997 : i32 to vector<16xi32>
          %add3A_999 = arith.addi %iota3A, %add3A_998 : vector<16xi32>
          %add3A_1000 = arith.constant 0 : i32
          %add3A_1001 = vector.broadcast %add3A_1000 : i32 to vector<16xi32>
          %add3A_1002 = arith.addi %mul3A_996, %add3A_1001 : vector<16xi32>
          %gather3A_1003 = tpu.vector_load_idx %arg5[%shift_right_logical3A_990, %add3A_1002] : memref<512x128xf32, #tpu.memory_space<vmem>>[vector<16xi32>, vector<16xi32>], vector<16xf32>,
          %broadcast_in_dim3A_1004 = arith.constant 0 : i32
          %broadcast_in_dim3A_1005 = vector.broadcast %broadcast_in_dim3A_1004 : i32 to vector<16xi32>
          tpu.vector_store_idx %arg7[%broadcast_in_dim3A_1005, %add3A_999], %gather3A_1003 : memref<16x256xf32, #tpu.memory_space<vmem>>[vector<16xi32>, vector<16xi32>], vector<16xf32>,
          %add3A_1006 = arith.constant 1 : i32
          %add3A_1007 = vector.broadcast %add3A_1006 : i32 to vector<16xi32>
          %add3A_1008 = arith.addi %mul3A_996, %add3A_1007 : vector<16xi32>
          %gather3A_1009 = tpu.vector_load_idx %arg5[%shift_right_logical3A_990, %add3A_1008] : memref<512x128xf32, #tpu.memory_space<vmem>>[vector<16xi32>, vector<16xi32>], vector<16xf32>,
          %broadcast_in_dim3A_1010 = arith.constant 1 : i32
          %broadcast_in_dim3A_1011 = vector.broadcast %broadcast_in_dim3A_1010 : i32 to vector<16xi32>
          tpu.vector_store_idx %arg7[%broadcast_in_dim3A_1011, %add3A_999], %gather3A_1009 : memref<16x256xf32, #tpu.memory_space<vmem>>[vector<16xi32>, vector<16xi32>], vector<16xf32>,
          %add3A_1012 = arith.constant 2 : i32
          %add3A_1013 = vector.broadcast %add3A_1012 : i32 to vector<16xi32>
          %add3A_1014 = arith.addi %mul3A_996, %add3A_1013 : vector<16xi32>
          %gather3A_1015 = tpu.vector_load_idx %arg5[%shift_right_logical3A_990, %add3A_1014] : memref<512x128xf32, #tpu.memory_space<vmem>>[vector<16xi32>, vector<16xi32>], vector<16xf32>,
          %broadcast_in_dim3A_1016 = arith.constant 2 : i32
          %broadcast_in_dim3A_1017 = vector.broadcast %broadcast_in_dim3A_1016 : i32 to vector<16xi32>
          tpu.vector_store_idx %arg7[%broadcast_in_dim3A_1017, %add3A_999], %gather3A_1015 : memref<16x256xf32, #tpu.memory_space<vmem>>[vector<16xi32>, vector<16xi32>], vector<16xf32>,
          %add3A_1018 = arith.constant 3 : i32
          %add3A_1019 = vector.broadcast %add3A_1018 : i32 to vector<16xi32>
          %add3A_1020 = arith.addi %mul3A_996, %add3A_1019 : vector<16xi32>
          %gather3A_1021 = tpu.vector_load_idx %arg5[%shift_right_logical3A_990, %add3A_1020] : memref<512x128xf32, #tpu.memory_space<vmem>>[vector<16xi32>, vector<16xi32>], vector<16xf32>,
          %broadcast_in_dim3A_1022 = arith.constant 3 : i32
          %broadcast_in_dim3A_1023 = vector.broadcast %broadcast_in_dim3A_1022 : i32 to vector<16xi32>
          tpu.vector_store_idx %arg7[%broadcast_in_dim3A_1023, %add3A_999], %gather3A_1021 : memref<16x256xf32, #tpu.memory_space<vmem>>[vector<16xi32>, vector<16xi32>], vector<16xf32>,
          %add3A_1024 = arith.constant 4 : i32
          %add3A_1025 = vector.broadcast %add3A_1024 : i32 to vector<16xi32>
          %add3A_1026 = arith.addi %mul3A_996, %add3A_1025 : vector<16xi32>
          %gather3A_1027 = tpu.vector_load_idx %arg5[%shift_right_logical3A_990, %add3A_1026] : memref<512x128xf32, #tpu.memory_space<vmem>>[vector<16xi32>, vector<16xi32>], vector<16xf32>,
          %broadcast_in_dim3A_1028 = arith.constant 4 : i32
          %broadcast_in_dim3A_1029 = vector.broadcast %broadcast_in_dim3A_1028 : i32 to vector<16xi32>
          tpu.vector_store_idx %arg7[%broadcast_in_dim3A_1029, %add3A_999], %gather3A_1027 : memref<16x256xf32, #tpu.memory_space<vmem>>[vector<16xi32>, vector<16xi32>], vector<16xf32>,
          %add3A_1030 = arith.constant 5 : i32
          %add3A_1031 = vector.broadcast %add3A_1030 : i32 to vector<16xi32>
          %add3A_1032 = arith.addi %mul3A_996, %add3A_1031 : vector<16xi32>
          %gather3A_1033 = tpu.vector_load_idx %arg5[%shift_right_logical3A_990, %add3A_1032] : memref<512x128xf32, #tpu.memory_space<vmem>>[vector<16xi32>, vector<16xi32>], vector<16xf32>,
          %broadcast_in_dim3A_1034 = arith.constant 5 : i32
          %broadcast_in_dim3A_1035 = vector.broadcast %broadcast_in_dim3A_1034 : i32 to vector<16xi32>
          tpu.vector_store_idx %arg7[%broadcast_in_dim3A_1035, %add3A_999], %gather3A_1033 : memref<16x256xf32, #tpu.memory_space<vmem>>[vector<16xi32>, vector<16xi32>], vector<16xf32>,
          %add3A_1036 = arith.constant 6 : i32
          %add3A_1037 = vector.broadcast %add3A_1036 : i32 to vector<16xi32>
          %add3A_1038 = arith.addi %mul3A_996, %add3A_1037 : vector<16xi32>
          %gather3A_1039 = tpu.vector_load_idx %arg5[%shift_right_logical3A_990, %add3A_1038] : memref<512x128xf32, #tpu.memory_space<vmem>>[vector<16xi32>, vector<16xi32>], vector<16xf32>,
          %broadcast_in_dim3A_1040 = arith.constant 6 : i32
          %broadcast_in_dim3A_1041 = vector.broadcast %broadcast_in_dim3A_1040 : i32 to vector<16xi32>
          tpu.vector_store_idx %arg7[%broadcast_in_dim3A_1041, %add3A_999], %gather3A_1039 : memref<16x256xf32, #tpu.memory_space<vmem>>[vector<16xi32>, vector<16xi32>], vector<16xf32>,
          %add3A_1042 = arith.constant 7 : i32
          %add3A_1043 = vector.broadcast %add3A_1042 : i32 to vector<16xi32>
          %add3A_1044 = arith.addi %mul3A_996, %add3A_1043 : vector<16xi32>
          %gather3A_1045 = tpu.vector_load_idx %arg5[%shift_right_logical3A_990, %add3A_1044] : memref<512x128xf32, #tpu.memory_space<vmem>>[vector<16xi32>, vector<16xi32>], vector<16xf32>,
          %broadcast_in_dim3A_1046 = arith.constant 7 : i32
          %broadcast_in_dim3A_1047 = vector.broadcast %broadcast_in_dim3A_1046 : i32 to vector<16xi32>
          tpu.vector_store_idx %arg7[%broadcast_in_dim3A_1047, %add3A_999], %gather3A_1045 : memref<16x256xf32, #tpu.memory_space<vmem>>[vector<16xi32>, vector<16xi32>], vector<16xf32>,
          %add3A_1048 = arith.constant 8 : i32
          %add3A_1049 = vector.broadcast %add3A_1048 : i32 to vector<16xi32>
          %add3A_1050 = arith.addi %mul3A_996, %add3A_1049 : vector<16xi32>
          %gather3A_1051 = tpu.vector_load_idx %arg5[%shift_right_logical3A_990, %add3A_1050] : memref<512x128xf32, #tpu.memory_space<vmem>>[vector<16xi32>, vector<16xi32>], vector<16xf32>,
          %broadcast_in_dim3A_1052 = arith.constant 8 : i32
          %broadcast_in_dim3A_1053 = vector.broadcast %broadcast_in_dim3A_1052 : i32 to vector<16xi32>
          tpu.vector_store_idx %arg7[%broadcast_in_dim3A_1053, %add3A_999], %gather3A_1051 : memref<16x256xf32, #tpu.memory_space<vmem>>[vector<16xi32>, vector<16xi32>], vector<16xf32>,
          %add3A_1054 = arith.constant 9 : i32
          %add3A_1055 = vector.broadcast %add3A_1054 : i32 to vector<16xi32>
          %add3A_1056 = arith.addi %mul3A_996, %add3A_1055 : vector<16xi32>
          %gather3A_1057 = tpu.vector_load_idx %arg5[%shift_right_logical3A_990, %add3A_1056] : memref<512x128xf32, #tpu.memory_space<vmem>>[vector<16xi32>, vector<16xi32>], vector<16xf32>,
          %broadcast_in_dim3A_1058 = arith.constant 9 : i32
          %broadcast_in_dim3A_1059 = vector.broadcast %broadcast_in_dim3A_1058 : i32 to vector<16xi32>
          tpu.vector_store_idx %arg7[%broadcast_in_dim3A_1059, %add3A_999], %gather3A_1057 : memref<16x256xf32, #tpu.memory_space<vmem>>[vector<16xi32>, vector<16xi32>], vector<16xf32>,
          %add3A_1060 = arith.constant 10 : i32
          %add3A_1061 = vector.broadcast %add3A_1060 : i32 to vector<16xi32>
          %add3A_1062 = arith.addi %mul3A_996, %add3A_1061 : vector<16xi32>
          %gather3A_1063 = tpu.vector_load_idx %arg5[%shift_right_logical3A_990, %add3A_1062] : memref<512x128xf32, #tpu.memory_space<vmem>>[vector<16xi32>, vector<16xi32>], vector<16xf32>,
          %broadcast_in_dim3A_1064 = arith.constant 10 : i32
          %broadcast_in_dim3A_1065 = vector.broadcast %broadcast_in_dim3A_1064 : i32 to vector<16xi32>
          tpu.vector_store_idx %arg7[%broadcast_in_dim3A_1065, %add3A_999], %gather3A_1063 : memref<16x256xf32, #tpu.memory_space<vmem>>[vector<16xi32>, vector<16xi32>], vector<16xf32>,
          %add3A_1066 = arith.constant 11 : i32
          %add3A_1067 = vector.broadcast %add3A_1066 : i32 to vector<16xi32>
          %add3A_1068 = arith.addi %mul3A_996, %add3A_1067 : vector<16xi32>
          %gather3A_1069 = tpu.vector_load_idx %arg5[%shift_right_logical3A_990, %add3A_1068] : memref<512x128xf32, #tpu.memory_space<vmem>>[vector<16xi32>, vector<16xi32>], vector<16xf32>,
          %broadcast_in_dim3A_1070 = arith.constant 11 : i32
          %broadcast_in_dim3A_1071 = vector.broadcast %broadcast_in_dim3A_1070 : i32 to vector<16xi32>
          tpu.vector_store_idx %arg7[%broadcast_in_dim3A_1071, %add3A_999], %gather3A_1069 : memref<16x256xf32, #tpu.memory_space<vmem>>[vector<16xi32>, vector<16xi32>], vector<16xf32>,
          %add3A_1072 = arith.constant 12 : i32
          %add3A_1073 = vector.broadcast %add3A_1072 : i32 to vector<16xi32>
          %add3A_1074 = arith.addi %mul3A_996, %add3A_1073 : vector<16xi32>
          %gather3A_1075 = tpu.vector_load_idx %arg5[%shift_right_logical3A_990, %add3A_1074] : memref<512x128xf32, #tpu.memory_space<vmem>>[vector<16xi32>, vector<16xi32>], vector<16xf32>,
          %broadcast_in_dim3A_1076 = arith.constant 12 : i32
          %broadcast_in_dim3A_1077 = vector.broadcast %broadcast_in_dim3A_1076 : i32 to vector<16xi32>
          tpu.vector_store_idx %arg7[%broadcast_in_dim3A_1077, %add3A_999], %gather3A_1075 : memref<16x256xf32, #tpu.memory_space<vmem>>[vector<16xi32>, vector<16xi32>], vector<16xf32>,
          %add3A_1078 = arith.constant 13 : i32
          %add3A_1079 = vector.broadcast %add3A_1078 : i32 to vector<16xi32>
          %add3A_1080 = arith.addi %mul3A_996, %add3A_1079 : vector<16xi32>
          %gather3A_1081 = tpu.vector_load_idx %arg5[%shift_right_logical3A_990, %add3A_1080] : memref<512x128xf32, #tpu.memory_space<vmem>>[vector<16xi32>, vector<16xi32>], vector<16xf32>,
          %broadcast_in_dim3A_1082 = arith.constant 13 : i32
          %broadcast_in_dim3A_1083 = vector.broadcast %broadcast_in_dim3A_1082 : i32 to vector<16xi32>
          tpu.vector_store_idx %arg7[%broadcast_in_dim3A_1083, %add3A_999], %gather3A_1081 : memref<16x256xf32, #tpu.memory_space<vmem>>[vector<16xi32>, vector<16xi32>], vector<16xf32>,
          %add3A_1084 = arith.constant 14 : i32
          %add3A_1085 = vector.broadcast %add3A_1084 : i32 to vector<16xi32>
          %add3A_1086 = arith.addi %mul3A_996, %add3A_1085 : vector<16xi32>
          %gather3A_1087 = tpu.vector_load_idx %arg5[%shift_right_logical3A_990, %add3A_1086] : memref<512x128xf32, #tpu.memory_space<vmem>>[vector<16xi32>, vector<16xi32>], vector<16xf32>,
          %broadcast_in_dim3A_1088 = arith.constant 14 : i32
          %broadcast_in_dim3A_1089 = vector.broadcast %broadcast_in_dim3A_1088 : i32 to vector<16xi32>
          tpu.vector_store_idx %arg7[%broadcast_in_dim3A_1089, %add3A_999], %gather3A_1087 : memref<16x256xf32, #tpu.memory_space<vmem>>[vector<16xi32>, vector<16xi32>], vector<16xf32>,
          %add3A_1090 = arith.constant 15 : i32
          %add3A_1091 = vector.broadcast %add3A_1090 : i32 to vector<16xi32>
          %add3A_1092 = arith.addi %mul3A_996, %add3A_1091 : vector<16xi32>
          %gather3A_1093 = tpu.vector_load_idx %arg5[%shift_right_logical3A_990, %add3A_1092] : memref<512x128xf32, #tpu.memory_space<vmem>>[vector<16xi32>, vector<16xi32>], vector<16xf32>,
          %broadcast_in_dim3A_1094 = arith.constant 15 : i32
          %broadcast_in_dim3A_1095 = vector.broadcast %broadcast_in_dim3A_1094 : i32 to vector<16xi32>
          tpu.vector_store_idx %arg7[%broadcast_in_dim3A_1095, %add3A_999], %gather3A_1093 : memref<16x256xf32, #tpu.memory_space<vmem>>[vector<16xi32>, vector<16xi32>], vector<16xf32>,
          %mul3A_1096 = arith.constant 256 : i32
          %mul3A_1097 = arith.muli %add3A_39, %mul3A_1096 : i32
          %add3A_1098 = arith.constant 144 : i32
          %add3A_1099 = arith.addi %mul3A_1097, %add3A_1098 : i32
          %get3A_1100 = arith.index_cast %add3A_1099 : i32 to index
          %get3A_1101 = tpu.vector_load %arg6[%get3A_1100] {strides = array<i32>} : memref<3072xi32, #tpu.memory_space<vmem>>, vector<16xi32>,
          %mul3A_1102 = arith.constant 4096 : i32
          %mul3A_1103 = arith.muli %add3A_9, %mul3A_1102 : i32
          %sub3A_1104 = vector.broadcast %mul3A_1103 : i32 to vector<16xi32>
          %sub3A_1105 = arith.subi %get3A_1101, %sub3A_1104 : vector<16xi32>
          %shift_right_logical3A_1106 = arith.constant 3 : i32
          %shift_right_logical3A_1107 = vector.broadcast %shift_right_logical3A_1106 : i32 to vector<16xi32>
          %shift_right_logical3A_1108 = arith.shrui %sub3A_1105, %shift_right_logical3A_1107 : vector<16xi32>
          %and3A_1109 = arith.constant 7 : i32
          %and3A_1110 = vector.broadcast %and3A_1109 : i32 to vector<16xi32>
          %and3A_1111 = arith.andi %sub3A_1105, %and3A_1110 : vector<16xi32>
          %mul3A_1112 = arith.constant 16 : i32
          %mul3A_1113 = vector.broadcast %mul3A_1112 : i32 to vector<16xi32>
          %mul3A_1114 = arith.muli %and3A_1111, %mul3A_1113 : vector<16xi32>
          %add3A_1115 = arith.constant 144 : i32
          %add3A_1116 = vector.broadcast %add3A_1115 : i32 to vector<16xi32>
          %add3A_1117 = arith.addi %iota3A, %add3A_1116 : vector<16xi32>
          %add3A_1118 = arith.constant 0 : i32
          %add3A_1119 = vector.broadcast %add3A_1118 : i32 to vector<16xi32>
          %add3A_1120 = arith.addi %mul3A_1114, %add3A_1119 : vector<16xi32>
          %gather3A_1121 = tpu.vector_load_idx %arg5[%shift_right_logical3A_1108, %add3A_1120] : memref<512x128xf32, #tpu.memory_space<vmem>>[vector<16xi32>, vector<16xi32>], vector<16xf32>,
          %broadcast_in_dim3A_1122 = arith.constant 0 : i32
          %broadcast_in_dim3A_1123 = vector.broadcast %broadcast_in_dim3A_1122 : i32 to vector<16xi32>
          tpu.vector_store_idx %arg7[%broadcast_in_dim3A_1123, %add3A_1117], %gather3A_1121 : memref<16x256xf32, #tpu.memory_space<vmem>>[vector<16xi32>, vector<16xi32>], vector<16xf32>,
          %add3A_1124 = arith.constant 1 : i32
          %add3A_1125 = vector.broadcast %add3A_1124 : i32 to vector<16xi32>
          %add3A_1126 = arith.addi %mul3A_1114, %add3A_1125 : vector<16xi32>
          %gather3A_1127 = tpu.vector_load_idx %arg5[%shift_right_logical3A_1108, %add3A_1126] : memref<512x128xf32, #tpu.memory_space<vmem>>[vector<16xi32>, vector<16xi32>], vector<16xf32>,
          %broadcast_in_dim3A_1128 = arith.constant 1 : i32
          %broadcast_in_dim3A_1129 = vector.broadcast %broadcast_in_dim3A_1128 : i32 to vector<16xi32>
          tpu.vector_store_idx %arg7[%broadcast_in_dim3A_1129, %add3A_1117], %gather3A_1127 : memref<16x256xf32, #tpu.memory_space<vmem>>[vector<16xi32>, vector<16xi32>], vector<16xf32>,
          %add3A_1130 = arith.constant 2 : i32
          %add3A_1131 = vector.broadcast %add3A_1130 : i32 to vector<16xi32>
          %add3A_1132 = arith.addi %mul3A_1114, %add3A_1131 : vector<16xi32>
          %gather3A_1133 = tpu.vector_load_idx %arg5[%shift_right_logical3A_1108, %add3A_1132] : memref<512x128xf32, #tpu.memory_space<vmem>>[vector<16xi32>, vector<16xi32>], vector<16xf32>,
          %broadcast_in_dim3A_1134 = arith.constant 2 : i32
          %broadcast_in_dim3A_1135 = vector.broadcast %broadcast_in_dim3A_1134 : i32 to vector<16xi32>
          tpu.vector_store_idx %arg7[%broadcast_in_dim3A_1135, %add3A_1117], %gather3A_1133 : memref<16x256xf32, #tpu.memory_space<vmem>>[vector<16xi32>, vector<16xi32>], vector<16xf32>,
          %add3A_1136 = arith.constant 3 : i32
          %add3A_1137 = vector.broadcast %add3A_1136 : i32 to vector<16xi32>
          %add3A_1138 = arith.addi %mul3A_1114, %add3A_1137 : vector<16xi32>
          %gather3A_1139 = tpu.vector_load_idx %arg5[%shift_right_logical3A_1108, %add3A_1138] : memref<512x128xf32, #tpu.memory_space<vmem>>[vector<16xi32>, vector<16xi32>], vector<16xf32>,
          %broadcast_in_dim3A_1140 = arith.constant 3 : i32
          %broadcast_in_dim3A_1141 = vector.broadcast %broadcast_in_dim3A_1140 : i32 to vector<16xi32>
          tpu.vector_store_idx %arg7[%broadcast_in_dim3A_1141, %add3A_1117], %gather3A_1139 : memref<16x256xf32, #tpu.memory_space<vmem>>[vector<16xi32>, vector<16xi32>], vector<16xf32>,
          %add3A_1142 = arith.constant 4 : i32
          %add3A_1143 = vector.broadcast %add3A_1142 : i32 to vector<16xi32>
          %add3A_1144 = arith.addi %mul3A_1114, %add3A_1143 : vector<16xi32>
          %gather3A_1145 = tpu.vector_load_idx %arg5[%shift_right_logical3A_1108, %add3A_1144] : memref<512x128xf32, #tpu.memory_space<vmem>>[vector<16xi32>, vector<16xi32>], vector<16xf32>,
          %broadcast_in_dim3A_1146 = arith.constant 4 : i32
          %broadcast_in_dim3A_1147 = vector.broadcast %broadcast_in_dim3A_1146 : i32 to vector<16xi32>
          tpu.vector_store_idx %arg7[%broadcast_in_dim3A_1147, %add3A_1117], %gather3A_1145 : memref<16x256xf32, #tpu.memory_space<vmem>>[vector<16xi32>, vector<16xi32>], vector<16xf32>,
          %add3A_1148 = arith.constant 5 : i32
          %add3A_1149 = vector.broadcast %add3A_1148 : i32 to vector<16xi32>
          %add3A_1150 = arith.addi %mul3A_1114, %add3A_1149 : vector<16xi32>
          %gather3A_1151 = tpu.vector_load_idx %arg5[%shift_right_logical3A_1108, %add3A_1150] : memref<512x128xf32, #tpu.memory_space<vmem>>[vector<16xi32>, vector<16xi32>], vector<16xf32>,
          %broadcast_in_dim3A_1152 = arith.constant 5 : i32
          %broadcast_in_dim3A_1153 = vector.broadcast %broadcast_in_dim3A_1152 : i32 to vector<16xi32>
          tpu.vector_store_idx %arg7[%broadcast_in_dim3A_1153, %add3A_1117], %gather3A_1151 : memref<16x256xf32, #tpu.memory_space<vmem>>[vector<16xi32>, vector<16xi32>], vector<16xf32>,
          %add3A_1154 = arith.constant 6 : i32
          %add3A_1155 = vector.broadcast %add3A_1154 : i32 to vector<16xi32>
          %add3A_1156 = arith.addi %mul3A_1114, %add3A_1155 : vector<16xi32>
          %gather3A_1157 = tpu.vector_load_idx %arg5[%shift_right_logical3A_1108, %add3A_1156] : memref<512x128xf32, #tpu.memory_space<vmem>>[vector<16xi32>, vector<16xi32>], vector<16xf32>,
          %broadcast_in_dim3A_1158 = arith.constant 6 : i32
          %broadcast_in_dim3A_1159 = vector.broadcast %broadcast_in_dim3A_1158 : i32 to vector<16xi32>
          tpu.vector_store_idx %arg7[%broadcast_in_dim3A_1159, %add3A_1117], %gather3A_1157 : memref<16x256xf32, #tpu.memory_space<vmem>>[vector<16xi32>, vector<16xi32>], vector<16xf32>,
          %add3A_1160 = arith.constant 7 : i32
          %add3A_1161 = vector.broadcast %add3A_1160 : i32 to vector<16xi32>
          %add3A_1162 = arith.addi %mul3A_1114, %add3A_1161 : vector<16xi32>
          %gather3A_1163 = tpu.vector_load_idx %arg5[%shift_right_logical3A_1108, %add3A_1162] : memref<512x128xf32, #tpu.memory_space<vmem>>[vector<16xi32>, vector<16xi32>], vector<16xf32>,
          %broadcast_in_dim3A_1164 = arith.constant 7 : i32
          %broadcast_in_dim3A_1165 = vector.broadcast %broadcast_in_dim3A_1164 : i32 to vector<16xi32>
          tpu.vector_store_idx %arg7[%broadcast_in_dim3A_1165, %add3A_1117], %gather3A_1163 : memref<16x256xf32, #tpu.memory_space<vmem>>[vector<16xi32>, vector<16xi32>], vector<16xf32>,
          %add3A_1166 = arith.constant 8 : i32
          %add3A_1167 = vector.broadcast %add3A_1166 : i32 to vector<16xi32>
          %add3A_1168 = arith.addi %mul3A_1114, %add3A_1167 : vector<16xi32>
          %gather3A_1169 = tpu.vector_load_idx %arg5[%shift_right_logical3A_1108, %add3A_1168] : memref<512x128xf32, #tpu.memory_space<vmem>>[vector<16xi32>, vector<16xi32>], vector<16xf32>,
          %broadcast_in_dim3A_1170 = arith.constant 8 : i32
          %broadcast_in_dim3A_1171 = vector.broadcast %broadcast_in_dim3A_1170 : i32 to vector<16xi32>
          tpu.vector_store_idx %arg7[%broadcast_in_dim3A_1171, %add3A_1117], %gather3A_1169 : memref<16x256xf32, #tpu.memory_space<vmem>>[vector<16xi32>, vector<16xi32>], vector<16xf32>,
          %add3A_1172 = arith.constant 9 : i32
          %add3A_1173 = vector.broadcast %add3A_1172 : i32 to vector<16xi32>
          %add3A_1174 = arith.addi %mul3A_1114, %add3A_1173 : vector<16xi32>
          %gather3A_1175 = tpu.vector_load_idx %arg5[%shift_right_logical3A_1108, %add3A_1174] : memref<512x128xf32, #tpu.memory_space<vmem>>[vector<16xi32>, vector<16xi32>], vector<16xf32>,
          %broadcast_in_dim3A_1176 = arith.constant 9 : i32
          %broadcast_in_dim3A_1177 = vector.broadcast %broadcast_in_dim3A_1176 : i32 to vector<16xi32>
          tpu.vector_store_idx %arg7[%broadcast_in_dim3A_1177, %add3A_1117], %gather3A_1175 : memref<16x256xf32, #tpu.memory_space<vmem>>[vector<16xi32>, vector<16xi32>], vector<16xf32>,
          %add3A_1178 = arith.constant 10 : i32
          %add3A_1179 = vector.broadcast %add3A_1178 : i32 to vector<16xi32>
          %add3A_1180 = arith.addi %mul3A_1114, %add3A_1179 : vector<16xi32>
          %gather3A_1181 = tpu.vector_load_idx %arg5[%shift_right_logical3A_1108, %add3A_1180] : memref<512x128xf32, #tpu.memory_space<vmem>>[vector<16xi32>, vector<16xi32>], vector<16xf32>,
          %broadcast_in_dim3A_1182 = arith.constant 10 : i32
          %broadcast_in_dim3A_1183 = vector.broadcast %broadcast_in_dim3A_1182 : i32 to vector<16xi32>
          tpu.vector_store_idx %arg7[%broadcast_in_dim3A_1183, %add3A_1117], %gather3A_1181 : memref<16x256xf32, #tpu.memory_space<vmem>>[vector<16xi32>, vector<16xi32>], vector<16xf32>,
          %add3A_1184 = arith.constant 11 : i32
          %add3A_1185 = vector.broadcast %add3A_1184 : i32 to vector<16xi32>
          %add3A_1186 = arith.addi %mul3A_1114, %add3A_1185 : vector<16xi32>
          %gather3A_1187 = tpu.vector_load_idx %arg5[%shift_right_logical3A_1108, %add3A_1186] : memref<512x128xf32, #tpu.memory_space<vmem>>[vector<16xi32>, vector<16xi32>], vector<16xf32>,
          %broadcast_in_dim3A_1188 = arith.constant 11 : i32
          %broadcast_in_dim3A_1189 = vector.broadcast %broadcast_in_dim3A_1188 : i32 to vector<16xi32>
          tpu.vector_store_idx %arg7[%broadcast_in_dim3A_1189, %add3A_1117], %gather3A_1187 : memref<16x256xf32, #tpu.memory_space<vmem>>[vector<16xi32>, vector<16xi32>], vector<16xf32>,
          %add3A_1190 = arith.constant 12 : i32
          %add3A_1191 = vector.broadcast %add3A_1190 : i32 to vector<16xi32>
          %add3A_1192 = arith.addi %mul3A_1114, %add3A_1191 : vector<16xi32>
          %gather3A_1193 = tpu.vector_load_idx %arg5[%shift_right_logical3A_1108, %add3A_1192] : memref<512x128xf32, #tpu.memory_space<vmem>>[vector<16xi32>, vector<16xi32>], vector<16xf32>,
          %broadcast_in_dim3A_1194 = arith.constant 12 : i32
          %broadcast_in_dim3A_1195 = vector.broadcast %broadcast_in_dim3A_1194 : i32 to vector<16xi32>
          tpu.vector_store_idx %arg7[%broadcast_in_dim3A_1195, %add3A_1117], %gather3A_1193 : memref<16x256xf32, #tpu.memory_space<vmem>>[vector<16xi32>, vector<16xi32>], vector<16xf32>,
          %add3A_1196 = arith.constant 13 : i32
          %add3A_1197 = vector.broadcast %add3A_1196 : i32 to vector<16xi32>
          %add3A_1198 = arith.addi %mul3A_1114, %add3A_1197 : vector<16xi32>
          %gather3A_1199 = tpu.vector_load_idx %arg5[%shift_right_logical3A_1108, %add3A_1198] : memref<512x128xf32, #tpu.memory_space<vmem>>[vector<16xi32>, vector<16xi32>], vector<16xf32>,
          %broadcast_in_dim3A_1200 = arith.constant 13 : i32
          %broadcast_in_dim3A_1201 = vector.broadcast %broadcast_in_dim3A_1200 : i32 to vector<16xi32>
          tpu.vector_store_idx %arg7[%broadcast_in_dim3A_1201, %add3A_1117], %gather3A_1199 : memref<16x256xf32, #tpu.memory_space<vmem>>[vector<16xi32>, vector<16xi32>], vector<16xf32>,
          %add3A_1202 = arith.constant 14 : i32
          %add3A_1203 = vector.broadcast %add3A_1202 : i32 to vector<16xi32>
          %add3A_1204 = arith.addi %mul3A_1114, %add3A_1203 : vector<16xi32>
          %gather3A_1205 = tpu.vector_load_idx %arg5[%shift_right_logical3A_1108, %add3A_1204] : memref<512x128xf32, #tpu.memory_space<vmem>>[vector<16xi32>, vector<16xi32>], vector<16xf32>,
          %broadcast_in_dim3A_1206 = arith.constant 14 : i32
          %broadcast_in_dim3A_1207 = vector.broadcast %broadcast_in_dim3A_1206 : i32 to vector<16xi32>
          tpu.vector_store_idx %arg7[%broadcast_in_dim3A_1207, %add3A_1117], %gather3A_1205 : memref<16x256xf32, #tpu.memory_space<vmem>>[vector<16xi32>, vector<16xi32>], vector<16xf32>,
          %add3A_1208 = arith.constant 15 : i32
          %add3A_1209 = vector.broadcast %add3A_1208 : i32 to vector<16xi32>
          %add3A_1210 = arith.addi %mul3A_1114, %add3A_1209 : vector<16xi32>
          %gather3A_1211 = tpu.vector_load_idx %arg5[%shift_right_logical3A_1108, %add3A_1210] : memref<512x128xf32, #tpu.memory_space<vmem>>[vector<16xi32>, vector<16xi32>], vector<16xf32>,
          %broadcast_in_dim3A_1212 = arith.constant 15 : i32
          %broadcast_in_dim3A_1213 = vector.broadcast %broadcast_in_dim3A_1212 : i32 to vector<16xi32>
          tpu.vector_store_idx %arg7[%broadcast_in_dim3A_1213, %add3A_1117], %gather3A_1211 : memref<16x256xf32, #tpu.memory_space<vmem>>[vector<16xi32>, vector<16xi32>], vector<16xf32>,
          %mul3A_1214 = arith.constant 256 : i32
          %mul3A_1215 = arith.muli %add3A_39, %mul3A_1214 : i32
          %add3A_1216 = arith.constant 160 : i32
          %add3A_1217 = arith.addi %mul3A_1215, %add3A_1216 : i32
          %get3A_1218 = arith.index_cast %add3A_1217 : i32 to index
          %get3A_1219 = tpu.vector_load %arg6[%get3A_1218] {strides = array<i32>} : memref<3072xi32, #tpu.memory_space<vmem>>, vector<16xi32>,
          %mul3A_1220 = arith.constant 4096 : i32
          %mul3A_1221 = arith.muli %add3A_9, %mul3A_1220 : i32
          %sub3A_1222 = vector.broadcast %mul3A_1221 : i32 to vector<16xi32>
          %sub3A_1223 = arith.subi %get3A_1219, %sub3A_1222 : vector<16xi32>
          %shift_right_logical3A_1224 = arith.constant 3 : i32
          %shift_right_logical3A_1225 = vector.broadcast %shift_right_logical3A_1224 : i32 to vector<16xi32>
          %shift_right_logical3A_1226 = arith.shrui %sub3A_1223, %shift_right_logical3A_1225 : vector<16xi32>
          %and3A_1227 = arith.constant 7 : i32
          %and3A_1228 = vector.broadcast %and3A_1227 : i32 to vector<16xi32>
          %and3A_1229 = arith.andi %sub3A_1223, %and3A_1228 : vector<16xi32>
          %mul3A_1230 = arith.constant 16 : i32
          %mul3A_1231 = vector.broadcast %mul3A_1230 : i32 to vector<16xi32>
          %mul3A_1232 = arith.muli %and3A_1229, %mul3A_1231 : vector<16xi32>
          %add3A_1233 = arith.constant 160 : i32
          %add3A_1234 = vector.broadcast %add3A_1233 : i32 to vector<16xi32>
          %add3A_1235 = arith.addi %iota3A, %add3A_1234 : vector<16xi32>
          %add3A_1236 = arith.constant 0 : i32
          %add3A_1237 = vector.broadcast %add3A_1236 : i32 to vector<16xi32>
          %add3A_1238 = arith.addi %mul3A_1232, %add3A_1237 : vector<16xi32>
          %gather3A_1239 = tpu.vector_load_idx %arg5[%shift_right_logical3A_1226, %add3A_1238] : memref<512x128xf32, #tpu.memory_space<vmem>>[vector<16xi32>, vector<16xi32>], vector<16xf32>,
          %broadcast_in_dim3A_1240 = arith.constant 0 : i32
          %broadcast_in_dim3A_1241 = vector.broadcast %broadcast_in_dim3A_1240 : i32 to vector<16xi32>
          tpu.vector_store_idx %arg7[%broadcast_in_dim3A_1241, %add3A_1235], %gather3A_1239 : memref<16x256xf32, #tpu.memory_space<vmem>>[vector<16xi32>, vector<16xi32>], vector<16xf32>,
          %add3A_1242 = arith.constant 1 : i32
          %add3A_1243 = vector.broadcast %add3A_1242 : i32 to vector<16xi32>
          %add3A_1244 = arith.addi %mul3A_1232, %add3A_1243 : vector<16xi32>
          %gather3A_1245 = tpu.vector_load_idx %arg5[%shift_right_logical3A_1226, %add3A_1244] : memref<512x128xf32, #tpu.memory_space<vmem>>[vector<16xi32>, vector<16xi32>], vector<16xf32>,
          %broadcast_in_dim3A_1246 = arith.constant 1 : i32
          %broadcast_in_dim3A_1247 = vector.broadcast %broadcast_in_dim3A_1246 : i32 to vector<16xi32>
          tpu.vector_store_idx %arg7[%broadcast_in_dim3A_1247, %add3A_1235], %gather3A_1245 : memref<16x256xf32, #tpu.memory_space<vmem>>[vector<16xi32>, vector<16xi32>], vector<16xf32>,
          %add3A_1248 = arith.constant 2 : i32
          %add3A_1249 = vector.broadcast %add3A_1248 : i32 to vector<16xi32>
          %add3A_1250 = arith.addi %mul3A_1232, %add3A_1249 : vector<16xi32>
          %gather3A_1251 = tpu.vector_load_idx %arg5[%shift_right_logical3A_1226, %add3A_1250] : memref<512x128xf32, #tpu.memory_space<vmem>>[vector<16xi32>, vector<16xi32>], vector<16xf32>,
          %broadcast_in_dim3A_1252 = arith.constant 2 : i32
          %broadcast_in_dim3A_1253 = vector.broadcast %broadcast_in_dim3A_1252 : i32 to vector<16xi32>
          tpu.vector_store_idx %arg7[%broadcast_in_dim3A_1253, %add3A_1235], %gather3A_1251 : memref<16x256xf32, #tpu.memory_space<vmem>>[vector<16xi32>, vector<16xi32>], vector<16xf32>,
          %add3A_1254 = arith.constant 3 : i32
          %add3A_1255 = vector.broadcast %add3A_1254 : i32 to vector<16xi32>
          %add3A_1256 = arith.addi %mul3A_1232, %add3A_1255 : vector<16xi32>
          %gather3A_1257 = tpu.vector_load_idx %arg5[%shift_right_logical3A_1226, %add3A_1256] : memref<512x128xf32, #tpu.memory_space<vmem>>[vector<16xi32>, vector<16xi32>], vector<16xf32>,
          %broadcast_in_dim3A_1258 = arith.constant 3 : i32
          %broadcast_in_dim3A_1259 = vector.broadcast %broadcast_in_dim3A_1258 : i32 to vector<16xi32>
          tpu.vector_store_idx %arg7[%broadcast_in_dim3A_1259, %add3A_1235], %gather3A_1257 : memref<16x256xf32, #tpu.memory_space<vmem>>[vector<16xi32>, vector<16xi32>], vector<16xf32>,
          %add3A_1260 = arith.constant 4 : i32
          %add3A_1261 = vector.broadcast %add3A_1260 : i32 to vector<16xi32>
          %add3A_1262 = arith.addi %mul3A_1232, %add3A_1261 : vector<16xi32>
          %gather3A_1263 = tpu.vector_load_idx %arg5[%shift_right_logical3A_1226, %add3A_1262] : memref<512x128xf32, #tpu.memory_space<vmem>>[vector<16xi32>, vector<16xi32>], vector<16xf32>,
          %broadcast_in_dim3A_1264 = arith.constant 4 : i32
          %broadcast_in_dim3A_1265 = vector.broadcast %broadcast_in_dim3A_1264 : i32 to vector<16xi32>
          tpu.vector_store_idx %arg7[%broadcast_in_dim3A_1265, %add3A_1235], %gather3A_1263 : memref<16x256xf32, #tpu.memory_space<vmem>>[vector<16xi32>, vector<16xi32>], vector<16xf32>,
          %add3A_1266 = arith.constant 5 : i32
          %add3A_1267 = vector.broadcast %add3A_1266 : i32 to vector<16xi32>
          %add3A_1268 = arith.addi %mul3A_1232, %add3A_1267 : vector<16xi32>
          %gather3A_1269 = tpu.vector_load_idx %arg5[%shift_right_logical3A_1226, %add3A_1268] : memref<512x128xf32, #tpu.memory_space<vmem>>[vector<16xi32>, vector<16xi32>], vector<16xf32>,
          %broadcast_in_dim3A_1270 = arith.constant 5 : i32
          %broadcast_in_dim3A_1271 = vector.broadcast %broadcast_in_dim3A_1270 : i32 to vector<16xi32>
          tpu.vector_store_idx %arg7[%broadcast_in_dim3A_1271, %add3A_1235], %gather3A_1269 : memref<16x256xf32, #tpu.memory_space<vmem>>[vector<16xi32>, vector<16xi32>], vector<16xf32>,
          %add3A_1272 = arith.constant 6 : i32
          %add3A_1273 = vector.broadcast %add3A_1272 : i32 to vector<16xi32>
          %add3A_1274 = arith.addi %mul3A_1232, %add3A_1273 : vector<16xi32>
          %gather3A_1275 = tpu.vector_load_idx %arg5[%shift_right_logical3A_1226, %add3A_1274] : memref<512x128xf32, #tpu.memory_space<vmem>>[vector<16xi32>, vector<16xi32>], vector<16xf32>,
          %broadcast_in_dim3A_1276 = arith.constant 6 : i32
          %broadcast_in_dim3A_1277 = vector.broadcast %broadcast_in_dim3A_1276 : i32 to vector<16xi32>
          tpu.vector_store_idx %arg7[%broadcast_in_dim3A_1277, %add3A_1235], %gather3A_1275 : memref<16x256xf32, #tpu.memory_space<vmem>>[vector<16xi32>, vector<16xi32>], vector<16xf32>,
          %add3A_1278 = arith.constant 7 : i32
          %add3A_1279 = vector.broadcast %add3A_1278 : i32 to vector<16xi32>
          %add3A_1280 = arith.addi %mul3A_1232, %add3A_1279 : vector<16xi32>
          %gather3A_1281 = tpu.vector_load_idx %arg5[%shift_right_logical3A_1226, %add3A_1280] : memref<512x128xf32, #tpu.memory_space<vmem>>[vector<16xi32>, vector<16xi32>], vector<16xf32>,
          %broadcast_in_dim3A_1282 = arith.constant 7 : i32
          %broadcast_in_dim3A_1283 = vector.broadcast %broadcast_in_dim3A_1282 : i32 to vector<16xi32>
          tpu.vector_store_idx %arg7[%broadcast_in_dim3A_1283, %add3A_1235], %gather3A_1281 : memref<16x256xf32, #tpu.memory_space<vmem>>[vector<16xi32>, vector<16xi32>], vector<16xf32>,
          %add3A_1284 = arith.constant 8 : i32
          %add3A_1285 = vector.broadcast %add3A_1284 : i32 to vector<16xi32>
          %add3A_1286 = arith.addi %mul3A_1232, %add3A_1285 : vector<16xi32>
          %gather3A_1287 = tpu.vector_load_idx %arg5[%shift_right_logical3A_1226, %add3A_1286] : memref<512x128xf32, #tpu.memory_space<vmem>>[vector<16xi32>, vector<16xi32>], vector<16xf32>,
          %broadcast_in_dim3A_1288 = arith.constant 8 : i32
          %broadcast_in_dim3A_1289 = vector.broadcast %broadcast_in_dim3A_1288 : i32 to vector<16xi32>
          tpu.vector_store_idx %arg7[%broadcast_in_dim3A_1289, %add3A_1235], %gather3A_1287 : memref<16x256xf32, #tpu.memory_space<vmem>>[vector<16xi32>, vector<16xi32>], vector<16xf32>,
          %add3A_1290 = arith.constant 9 : i32
          %add3A_1291 = vector.broadcast %add3A_1290 : i32 to vector<16xi32>
          %add3A_1292 = arith.addi %mul3A_1232, %add3A_1291 : vector<16xi32>
          %gather3A_1293 = tpu.vector_load_idx %arg5[%shift_right_logical3A_1226, %add3A_1292] : memref<512x128xf32, #tpu.memory_space<vmem>>[vector<16xi32>, vector<16xi32>], vector<16xf32>,
          %broadcast_in_dim3A_1294 = arith.constant 9 : i32
          %broadcast_in_dim3A_1295 = vector.broadcast %broadcast_in_dim3A_1294 : i32 to vector<16xi32>
          tpu.vector_store_idx %arg7[%broadcast_in_dim3A_1295, %add3A_1235], %gather3A_1293 : memref<16x256xf32, #tpu.memory_space<vmem>>[vector<16xi32>, vector<16xi32>], vector<16xf32>,
          %add3A_1296 = arith.constant 10 : i32
          %add3A_1297 = vector.broadcast %add3A_1296 : i32 to vector<16xi32>
          %add3A_1298 = arith.addi %mul3A_1232, %add3A_1297 : vector<16xi32>
          %gather3A_1299 = tpu.vector_load_idx %arg5[%shift_right_logical3A_1226, %add3A_1298] : memref<512x128xf32, #tpu.memory_space<vmem>>[vector<16xi32>, vector<16xi32>], vector<16xf32>,
          %broadcast_in_dim3A_1300 = arith.constant 10 : i32
          %broadcast_in_dim3A_1301 = vector.broadcast %broadcast_in_dim3A_1300 : i32 to vector<16xi32>
          tpu.vector_store_idx %arg7[%broadcast_in_dim3A_1301, %add3A_1235], %gather3A_1299 : memref<16x256xf32, #tpu.memory_space<vmem>>[vector<16xi32>, vector<16xi32>], vector<16xf32>,
          %add3A_1302 = arith.constant 11 : i32
          %add3A_1303 = vector.broadcast %add3A_1302 : i32 to vector<16xi32>
          %add3A_1304 = arith.addi %mul3A_1232, %add3A_1303 : vector<16xi32>
          %gather3A_1305 = tpu.vector_load_idx %arg5[%shift_right_logical3A_1226, %add3A_1304] : memref<512x128xf32, #tpu.memory_space<vmem>>[vector<16xi32>, vector<16xi32>], vector<16xf32>,
          %broadcast_in_dim3A_1306 = arith.constant 11 : i32
          %broadcast_in_dim3A_1307 = vector.broadcast %broadcast_in_dim3A_1306 : i32 to vector<16xi32>
          tpu.vector_store_idx %arg7[%broadcast_in_dim3A_1307, %add3A_1235], %gather3A_1305 : memref<16x256xf32, #tpu.memory_space<vmem>>[vector<16xi32>, vector<16xi32>], vector<16xf32>,
          %add3A_1308 = arith.constant 12 : i32
          %add3A_1309 = vector.broadcast %add3A_1308 : i32 to vector<16xi32>
          %add3A_1310 = arith.addi %mul3A_1232, %add3A_1309 : vector<16xi32>
          %gather3A_1311 = tpu.vector_load_idx %arg5[%shift_right_logical3A_1226, %add3A_1310] : memref<512x128xf32, #tpu.memory_space<vmem>>[vector<16xi32>, vector<16xi32>], vector<16xf32>,
          %broadcast_in_dim3A_1312 = arith.constant 12 : i32
          %broadcast_in_dim3A_1313 = vector.broadcast %broadcast_in_dim3A_1312 : i32 to vector<16xi32>
          tpu.vector_store_idx %arg7[%broadcast_in_dim3A_1313, %add3A_1235], %gather3A_1311 : memref<16x256xf32, #tpu.memory_space<vmem>>[vector<16xi32>, vector<16xi32>], vector<16xf32>,
          %add3A_1314 = arith.constant 13 : i32
          %add3A_1315 = vector.broadcast %add3A_1314 : i32 to vector<16xi32>
          %add3A_1316 = arith.addi %mul3A_1232, %add3A_1315 : vector<16xi32>
          %gather3A_1317 = tpu.vector_load_idx %arg5[%shift_right_logical3A_1226, %add3A_1316] : memref<512x128xf32, #tpu.memory_space<vmem>>[vector<16xi32>, vector<16xi32>], vector<16xf32>,
          %broadcast_in_dim3A_1318 = arith.constant 13 : i32
          %broadcast_in_dim3A_1319 = vector.broadcast %broadcast_in_dim3A_1318 : i32 to vector<16xi32>
          tpu.vector_store_idx %arg7[%broadcast_in_dim3A_1319, %add3A_1235], %gather3A_1317 : memref<16x256xf32, #tpu.memory_space<vmem>>[vector<16xi32>, vector<16xi32>], vector<16xf32>,
          %add3A_1320 = arith.constant 14 : i32
          %add3A_1321 = vector.broadcast %add3A_1320 : i32 to vector<16xi32>
          %add3A_1322 = arith.addi %mul3A_1232, %add3A_1321 : vector<16xi32>
          %gather3A_1323 = tpu.vector_load_idx %arg5[%shift_right_logical3A_1226, %add3A_1322] : memref<512x128xf32, #tpu.memory_space<vmem>>[vector<16xi32>, vector<16xi32>], vector<16xf32>,
          %broadcast_in_dim3A_1324 = arith.constant 14 : i32
          %broadcast_in_dim3A_1325 = vector.broadcast %broadcast_in_dim3A_1324 : i32 to vector<16xi32>
          tpu.vector_store_idx %arg7[%broadcast_in_dim3A_1325, %add3A_1235], %gather3A_1323 : memref<16x256xf32, #tpu.memory_space<vmem>>[vector<16xi32>, vector<16xi32>], vector<16xf32>,
          %add3A_1326 = arith.constant 15 : i32
          %add3A_1327 = vector.broadcast %add3A_1326 : i32 to vector<16xi32>
          %add3A_1328 = arith.addi %mul3A_1232, %add3A_1327 : vector<16xi32>
          %gather3A_1329 = tpu.vector_load_idx %arg5[%shift_right_logical3A_1226, %add3A_1328] : memref<512x128xf32, #tpu.memory_space<vmem>>[vector<16xi32>, vector<16xi32>], vector<16xf32>,
          %broadcast_in_dim3A_1330 = arith.constant 15 : i32
          %broadcast_in_dim3A_1331 = vector.broadcast %broadcast_in_dim3A_1330 : i32 to vector<16xi32>
          tpu.vector_store_idx %arg7[%broadcast_in_dim3A_1331, %add3A_1235], %gather3A_1329 : memref<16x256xf32, #tpu.memory_space<vmem>>[vector<16xi32>, vector<16xi32>], vector<16xf32>,
          %mul3A_1332 = arith.constant 256 : i32
          %mul3A_1333 = arith.muli %add3A_39, %mul3A_1332 : i32
          %add3A_1334 = arith.constant 176 : i32
          %add3A_1335 = arith.addi %mul3A_1333, %add3A_1334 : i32
          %get3A_1336 = arith.index_cast %add3A_1335 : i32 to index
          %get3A_1337 = tpu.vector_load %arg6[%get3A_1336] {strides = array<i32>} : memref<3072xi32, #tpu.memory_space<vmem>>, vector<16xi32>,
          %mul3A_1338 = arith.constant 4096 : i32
          %mul3A_1339 = arith.muli %add3A_9, %mul3A_1338 : i32
          %sub3A_1340 = vector.broadcast %mul3A_1339 : i32 to vector<16xi32>
          %sub3A_1341 = arith.subi %get3A_1337, %sub3A_1340 : vector<16xi32>
          %shift_right_logical3A_1342 = arith.constant 3 : i32
          %shift_right_logical3A_1343 = vector.broadcast %shift_right_logical3A_1342 : i32 to vector<16xi32>
          %shift_right_logical3A_1344 = arith.shrui %sub3A_1341, %shift_right_logical3A_1343 : vector<16xi32>
          %and3A_1345 = arith.constant 7 : i32
          %and3A_1346 = vector.broadcast %and3A_1345 : i32 to vector<16xi32>
          %and3A_1347 = arith.andi %sub3A_1341, %and3A_1346 : vector<16xi32>
          %mul3A_1348 = arith.constant 16 : i32
          %mul3A_1349 = vector.broadcast %mul3A_1348 : i32 to vector<16xi32>
          %mul3A_1350 = arith.muli %and3A_1347, %mul3A_1349 : vector<16xi32>
          %add3A_1351 = arith.constant 176 : i32
          %add3A_1352 = vector.broadcast %add3A_1351 : i32 to vector<16xi32>
          %add3A_1353 = arith.addi %iota3A, %add3A_1352 : vector<16xi32>
          %add3A_1354 = arith.constant 0 : i32
          %add3A_1355 = vector.broadcast %add3A_1354 : i32 to vector<16xi32>
          %add3A_1356 = arith.addi %mul3A_1350, %add3A_1355 : vector<16xi32>
          %gather3A_1357 = tpu.vector_load_idx %arg5[%shift_right_logical3A_1344, %add3A_1356] : memref<512x128xf32, #tpu.memory_space<vmem>>[vector<16xi32>, vector<16xi32>], vector<16xf32>,
          %broadcast_in_dim3A_1358 = arith.constant 0 : i32
          %broadcast_in_dim3A_1359 = vector.broadcast %broadcast_in_dim3A_1358 : i32 to vector<16xi32>
          tpu.vector_store_idx %arg7[%broadcast_in_dim3A_1359, %add3A_1353], %gather3A_1357 : memref<16x256xf32, #tpu.memory_space<vmem>>[vector<16xi32>, vector<16xi32>], vector<16xf32>,
          %add3A_1360 = arith.constant 1 : i32
          %add3A_1361 = vector.broadcast %add3A_1360 : i32 to vector<16xi32>
          %add3A_1362 = arith.addi %mul3A_1350, %add3A_1361 : vector<16xi32>
          %gather3A_1363 = tpu.vector_load_idx %arg5[%shift_right_logical3A_1344, %add3A_1362] : memref<512x128xf32, #tpu.memory_space<vmem>>[vector<16xi32>, vector<16xi32>], vector<16xf32>,
          %broadcast_in_dim3A_1364 = arith.constant 1 : i32
          %broadcast_in_dim3A_1365 = vector.broadcast %broadcast_in_dim3A_1364 : i32 to vector<16xi32>
          tpu.vector_store_idx %arg7[%broadcast_in_dim3A_1365, %add3A_1353], %gather3A_1363 : memref<16x256xf32, #tpu.memory_space<vmem>>[vector<16xi32>, vector<16xi32>], vector<16xf32>,
          %add3A_1366 = arith.constant 2 : i32
          %add3A_1367 = vector.broadcast %add3A_1366 : i32 to vector<16xi32>
          %add3A_1368 = arith.addi %mul3A_1350, %add3A_1367 : vector<16xi32>
          %gather3A_1369 = tpu.vector_load_idx %arg5[%shift_right_logical3A_1344, %add3A_1368] : memref<512x128xf32, #tpu.memory_space<vmem>>[vector<16xi32>, vector<16xi32>], vector<16xf32>,
          %broadcast_in_dim3A_1370 = arith.constant 2 : i32
          %broadcast_in_dim3A_1371 = vector.broadcast %broadcast_in_dim3A_1370 : i32 to vector<16xi32>
          tpu.vector_store_idx %arg7[%broadcast_in_dim3A_1371, %add3A_1353], %gather3A_1369 : memref<16x256xf32, #tpu.memory_space<vmem>>[vector<16xi32>, vector<16xi32>], vector<16xf32>,
          %add3A_1372 = arith.constant 3 : i32
          %add3A_1373 = vector.broadcast %add3A_1372 : i32 to vector<16xi32>
          %add3A_1374 = arith.addi %mul3A_1350, %add3A_1373 : vector<16xi32>
          %gather3A_1375 = tpu.vector_load_idx %arg5[%shift_right_logical3A_1344, %add3A_1374] : memref<512x128xf32, #tpu.memory_space<vmem>>[vector<16xi32>, vector<16xi32>], vector<16xf32>,
          %broadcast_in_dim3A_1376 = arith.constant 3 : i32
          %broadcast_in_dim3A_1377 = vector.broadcast %broadcast_in_dim3A_1376 : i32 to vector<16xi32>
          tpu.vector_store_idx %arg7[%broadcast_in_dim3A_1377, %add3A_1353], %gather3A_1375 : memref<16x256xf32, #tpu.memory_space<vmem>>[vector<16xi32>, vector<16xi32>], vector<16xf32>,
          %add3A_1378 = arith.constant 4 : i32
          %add3A_1379 = vector.broadcast %add3A_1378 : i32 to vector<16xi32>
          %add3A_1380 = arith.addi %mul3A_1350, %add3A_1379 : vector<16xi32>
          %gather3A_1381 = tpu.vector_load_idx %arg5[%shift_right_logical3A_1344, %add3A_1380] : memref<512x128xf32, #tpu.memory_space<vmem>>[vector<16xi32>, vector<16xi32>], vector<16xf32>,
          %broadcast_in_dim3A_1382 = arith.constant 4 : i32
          %broadcast_in_dim3A_1383 = vector.broadcast %broadcast_in_dim3A_1382 : i32 to vector<16xi32>
          tpu.vector_store_idx %arg7[%broadcast_in_dim3A_1383, %add3A_1353], %gather3A_1381 : memref<16x256xf32, #tpu.memory_space<vmem>>[vector<16xi32>, vector<16xi32>], vector<16xf32>,
          %add3A_1384 = arith.constant 5 : i32
          %add3A_1385 = vector.broadcast %add3A_1384 : i32 to vector<16xi32>
          %add3A_1386 = arith.addi %mul3A_1350, %add3A_1385 : vector<16xi32>
          %gather3A_1387 = tpu.vector_load_idx %arg5[%shift_right_logical3A_1344, %add3A_1386] : memref<512x128xf32, #tpu.memory_space<vmem>>[vector<16xi32>, vector<16xi32>], vector<16xf32>,
          %broadcast_in_dim3A_1388 = arith.constant 5 : i32
          %broadcast_in_dim3A_1389 = vector.broadcast %broadcast_in_dim3A_1388 : i32 to vector<16xi32>
          tpu.vector_store_idx %arg7[%broadcast_in_dim3A_1389, %add3A_1353], %gather3A_1387 : memref<16x256xf32, #tpu.memory_space<vmem>>[vector<16xi32>, vector<16xi32>], vector<16xf32>,
          %add3A_1390 = arith.constant 6 : i32
          %add3A_1391 = vector.broadcast %add3A_1390 : i32 to vector<16xi32>
          %add3A_1392 = arith.addi %mul3A_1350, %add3A_1391 : vector<16xi32>
          %gather3A_1393 = tpu.vector_load_idx %arg5[%shift_right_logical3A_1344, %add3A_1392] : memref<512x128xf32, #tpu.memory_space<vmem>>[vector<16xi32>, vector<16xi32>], vector<16xf32>,
          %broadcast_in_dim3A_1394 = arith.constant 6 : i32
          %broadcast_in_dim3A_1395 = vector.broadcast %broadcast_in_dim3A_1394 : i32 to vector<16xi32>
          tpu.vector_store_idx %arg7[%broadcast_in_dim3A_1395, %add3A_1353], %gather3A_1393 : memref<16x256xf32, #tpu.memory_space<vmem>>[vector<16xi32>, vector<16xi32>], vector<16xf32>,
          %add3A_1396 = arith.constant 7 : i32
          %add3A_1397 = vector.broadcast %add3A_1396 : i32 to vector<16xi32>
          %add3A_1398 = arith.addi %mul3A_1350, %add3A_1397 : vector<16xi32>
          %gather3A_1399 = tpu.vector_load_idx %arg5[%shift_right_logical3A_1344, %add3A_1398] : memref<512x128xf32, #tpu.memory_space<vmem>>[vector<16xi32>, vector<16xi32>], vector<16xf32>,
          %broadcast_in_dim3A_1400 = arith.constant 7 : i32
          %broadcast_in_dim3A_1401 = vector.broadcast %broadcast_in_dim3A_1400 : i32 to vector<16xi32>
          tpu.vector_store_idx %arg7[%broadcast_in_dim3A_1401, %add3A_1353], %gather3A_1399 : memref<16x256xf32, #tpu.memory_space<vmem>>[vector<16xi32>, vector<16xi32>], vector<16xf32>,
          %add3A_1402 = arith.constant 8 : i32
          %add3A_1403 = vector.broadcast %add3A_1402 : i32 to vector<16xi32>
          %add3A_1404 = arith.addi %mul3A_1350, %add3A_1403 : vector<16xi32>
          %gather3A_1405 = tpu.vector_load_idx %arg5[%shift_right_logical3A_1344, %add3A_1404] : memref<512x128xf32, #tpu.memory_space<vmem>>[vector<16xi32>, vector<16xi32>], vector<16xf32>,
          %broadcast_in_dim3A_1406 = arith.constant 8 : i32
          %broadcast_in_dim3A_1407 = vector.broadcast %broadcast_in_dim3A_1406 : i32 to vector<16xi32>
          tpu.vector_store_idx %arg7[%broadcast_in_dim3A_1407, %add3A_1353], %gather3A_1405 : memref<16x256xf32, #tpu.memory_space<vmem>>[vector<16xi32>, vector<16xi32>], vector<16xf32>,
          %add3A_1408 = arith.constant 9 : i32
          %add3A_1409 = vector.broadcast %add3A_1408 : i32 to vector<16xi32>
          %add3A_1410 = arith.addi %mul3A_1350, %add3A_1409 : vector<16xi32>
          %gather3A_1411 = tpu.vector_load_idx %arg5[%shift_right_logical3A_1344, %add3A_1410] : memref<512x128xf32, #tpu.memory_space<vmem>>[vector<16xi32>, vector<16xi32>], vector<16xf32>,
          %broadcast_in_dim3A_1412 = arith.constant 9 : i32
          %broadcast_in_dim3A_1413 = vector.broadcast %broadcast_in_dim3A_1412 : i32 to vector<16xi32>
          tpu.vector_store_idx %arg7[%broadcast_in_dim3A_1413, %add3A_1353], %gather3A_1411 : memref<16x256xf32, #tpu.memory_space<vmem>>[vector<16xi32>, vector<16xi32>], vector<16xf32>,
          %add3A_1414 = arith.constant 10 : i32
          %add3A_1415 = vector.broadcast %add3A_1414 : i32 to vector<16xi32>
          %add3A_1416 = arith.addi %mul3A_1350, %add3A_1415 : vector<16xi32>
          %gather3A_1417 = tpu.vector_load_idx %arg5[%shift_right_logical3A_1344, %add3A_1416] : memref<512x128xf32, #tpu.memory_space<vmem>>[vector<16xi32>, vector<16xi32>], vector<16xf32>,
          %broadcast_in_dim3A_1418 = arith.constant 10 : i32
          %broadcast_in_dim3A_1419 = vector.broadcast %broadcast_in_dim3A_1418 : i32 to vector<16xi32>
          tpu.vector_store_idx %arg7[%broadcast_in_dim3A_1419, %add3A_1353], %gather3A_1417 : memref<16x256xf32, #tpu.memory_space<vmem>>[vector<16xi32>, vector<16xi32>], vector<16xf32>,
          %add3A_1420 = arith.constant 11 : i32
          %add3A_1421 = vector.broadcast %add3A_1420 : i32 to vector<16xi32>
          %add3A_1422 = arith.addi %mul3A_1350, %add3A_1421 : vector<16xi32>
          %gather3A_1423 = tpu.vector_load_idx %arg5[%shift_right_logical3A_1344, %add3A_1422] : memref<512x128xf32, #tpu.memory_space<vmem>>[vector<16xi32>, vector<16xi32>], vector<16xf32>,
          %broadcast_in_dim3A_1424 = arith.constant 11 : i32
          %broadcast_in_dim3A_1425 = vector.broadcast %broadcast_in_dim3A_1424 : i32 to vector<16xi32>
          tpu.vector_store_idx %arg7[%broadcast_in_dim3A_1425, %add3A_1353], %gather3A_1423 : memref<16x256xf32, #tpu.memory_space<vmem>>[vector<16xi32>, vector<16xi32>], vector<16xf32>,
          %add3A_1426 = arith.constant 12 : i32
          %add3A_1427 = vector.broadcast %add3A_1426 : i32 to vector<16xi32>
          %add3A_1428 = arith.addi %mul3A_1350, %add3A_1427 : vector<16xi32>
          %gather3A_1429 = tpu.vector_load_idx %arg5[%shift_right_logical3A_1344, %add3A_1428] : memref<512x128xf32, #tpu.memory_space<vmem>>[vector<16xi32>, vector<16xi32>], vector<16xf32>,
          %broadcast_in_dim3A_1430 = arith.constant 12 : i32
          %broadcast_in_dim3A_1431 = vector.broadcast %broadcast_in_dim3A_1430 : i32 to vector<16xi32>
          tpu.vector_store_idx %arg7[%broadcast_in_dim3A_1431, %add3A_1353], %gather3A_1429 : memref<16x256xf32, #tpu.memory_space<vmem>>[vector<16xi32>, vector<16xi32>], vector<16xf32>,
          %add3A_1432 = arith.constant 13 : i32
          %add3A_1433 = vector.broadcast %add3A_1432 : i32 to vector<16xi32>
          %add3A_1434 = arith.addi %mul3A_1350, %add3A_1433 : vector<16xi32>
          %gather3A_1435 = tpu.vector_load_idx %arg5[%shift_right_logical3A_1344, %add3A_1434] : memref<512x128xf32, #tpu.memory_space<vmem>>[vector<16xi32>, vector<16xi32>], vector<16xf32>,
          %broadcast_in_dim3A_1436 = arith.constant 13 : i32
          %broadcast_in_dim3A_1437 = vector.broadcast %broadcast_in_dim3A_1436 : i32 to vector<16xi32>
          tpu.vector_store_idx %arg7[%broadcast_in_dim3A_1437, %add3A_1353], %gather3A_1435 : memref<16x256xf32, #tpu.memory_space<vmem>>[vector<16xi32>, vector<16xi32>], vector<16xf32>,
          %add3A_1438 = arith.constant 14 : i32
          %add3A_1439 = vector.broadcast %add3A_1438 : i32 to vector<16xi32>
          %add3A_1440 = arith.addi %mul3A_1350, %add3A_1439 : vector<16xi32>
          %gather3A_1441 = tpu.vector_load_idx %arg5[%shift_right_logical3A_1344, %add3A_1440] : memref<512x128xf32, #tpu.memory_space<vmem>>[vector<16xi32>, vector<16xi32>], vector<16xf32>,
          %broadcast_in_dim3A_1442 = arith.constant 14 : i32
          %broadcast_in_dim3A_1443 = vector.broadcast %broadcast_in_dim3A_1442 : i32 to vector<16xi32>
          tpu.vector_store_idx %arg7[%broadcast_in_dim3A_1443, %add3A_1353], %gather3A_1441 : memref<16x256xf32, #tpu.memory_space<vmem>>[vector<16xi32>, vector<16xi32>], vector<16xf32>,
          %add3A_1444 = arith.constant 15 : i32
          %add3A_1445 = vector.broadcast %add3A_1444 : i32 to vector<16xi32>
          %add3A_1446 = arith.addi %mul3A_1350, %add3A_1445 : vector<16xi32>
          %gather3A_1447 = tpu.vector_load_idx %arg5[%shift_right_logical3A_1344, %add3A_1446] : memref<512x128xf32, #tpu.memory_space<vmem>>[vector<16xi32>, vector<16xi32>], vector<16xf32>,
          %broadcast_in_dim3A_1448 = arith.constant 15 : i32
          %broadcast_in_dim3A_1449 = vector.broadcast %broadcast_in_dim3A_1448 : i32 to vector<16xi32>
          tpu.vector_store_idx %arg7[%broadcast_in_dim3A_1449, %add3A_1353], %gather3A_1447 : memref<16x256xf32, #tpu.memory_space<vmem>>[vector<16xi32>, vector<16xi32>], vector<16xf32>,
          %mul3A_1450 = arith.constant 256 : i32
          %mul3A_1451 = arith.muli %add3A_39, %mul3A_1450 : i32
          %add3A_1452 = arith.constant 192 : i32
          %add3A_1453 = arith.addi %mul3A_1451, %add3A_1452 : i32
          %get3A_1454 = arith.index_cast %add3A_1453 : i32 to index
          %get3A_1455 = tpu.vector_load %arg6[%get3A_1454] {strides = array<i32>} : memref<3072xi32, #tpu.memory_space<vmem>>, vector<16xi32>,
          %mul3A_1456 = arith.constant 4096 : i32
          %mul3A_1457 = arith.muli %add3A_9, %mul3A_1456 : i32
          %sub3A_1458 = vector.broadcast %mul3A_1457 : i32 to vector<16xi32>
          %sub3A_1459 = arith.subi %get3A_1455, %sub3A_1458 : vector<16xi32>
          %shift_right_logical3A_1460 = arith.constant 3 : i32
          %shift_right_logical3A_1461 = vector.broadcast %shift_right_logical3A_1460 : i32 to vector<16xi32>
          %shift_right_logical3A_1462 = arith.shrui %sub3A_1459, %shift_right_logical3A_1461 : vector<16xi32>
          %and3A_1463 = arith.constant 7 : i32
          %and3A_1464 = vector.broadcast %and3A_1463 : i32 to vector<16xi32>
          %and3A_1465 = arith.andi %sub3A_1459, %and3A_1464 : vector<16xi32>
          %mul3A_1466 = arith.constant 16 : i32
          %mul3A_1467 = vector.broadcast %mul3A_1466 : i32 to vector<16xi32>
          %mul3A_1468 = arith.muli %and3A_1465, %mul3A_1467 : vector<16xi32>
          %add3A_1469 = arith.constant 192 : i32
          %add3A_1470 = vector.broadcast %add3A_1469 : i32 to vector<16xi32>
          %add3A_1471 = arith.addi %iota3A, %add3A_1470 : vector<16xi32>
          %add3A_1472 = arith.constant 0 : i32
          %add3A_1473 = vector.broadcast %add3A_1472 : i32 to vector<16xi32>
          %add3A_1474 = arith.addi %mul3A_1468, %add3A_1473 : vector<16xi32>
          %gather3A_1475 = tpu.vector_load_idx %arg5[%shift_right_logical3A_1462, %add3A_1474] : memref<512x128xf32, #tpu.memory_space<vmem>>[vector<16xi32>, vector<16xi32>], vector<16xf32>,
          %broadcast_in_dim3A_1476 = arith.constant 0 : i32
          %broadcast_in_dim3A_1477 = vector.broadcast %broadcast_in_dim3A_1476 : i32 to vector<16xi32>
          tpu.vector_store_idx %arg7[%broadcast_in_dim3A_1477, %add3A_1471], %gather3A_1475 : memref<16x256xf32, #tpu.memory_space<vmem>>[vector<16xi32>, vector<16xi32>], vector<16xf32>,
          %add3A_1478 = arith.constant 1 : i32
          %add3A_1479 = vector.broadcast %add3A_1478 : i32 to vector<16xi32>
          %add3A_1480 = arith.addi %mul3A_1468, %add3A_1479 : vector<16xi32>
          %gather3A_1481 = tpu.vector_load_idx %arg5[%shift_right_logical3A_1462, %add3A_1480] : memref<512x128xf32, #tpu.memory_space<vmem>>[vector<16xi32>, vector<16xi32>], vector<16xf32>,
          %broadcast_in_dim3A_1482 = arith.constant 1 : i32
          %broadcast_in_dim3A_1483 = vector.broadcast %broadcast_in_dim3A_1482 : i32 to vector<16xi32>
          tpu.vector_store_idx %arg7[%broadcast_in_dim3A_1483, %add3A_1471], %gather3A_1481 : memref<16x256xf32, #tpu.memory_space<vmem>>[vector<16xi32>, vector<16xi32>], vector<16xf32>,
          %add3A_1484 = arith.constant 2 : i32
          %add3A_1485 = vector.broadcast %add3A_1484 : i32 to vector<16xi32>
          %add3A_1486 = arith.addi %mul3A_1468, %add3A_1485 : vector<16xi32>
          %gather3A_1487 = tpu.vector_load_idx %arg5[%shift_right_logical3A_1462, %add3A_1486] : memref<512x128xf32, #tpu.memory_space<vmem>>[vector<16xi32>, vector<16xi32>], vector<16xf32>,
          %broadcast_in_dim3A_1488 = arith.constant 2 : i32
          %broadcast_in_dim3A_1489 = vector.broadcast %broadcast_in_dim3A_1488 : i32 to vector<16xi32>
          tpu.vector_store_idx %arg7[%broadcast_in_dim3A_1489, %add3A_1471], %gather3A_1487 : memref<16x256xf32, #tpu.memory_space<vmem>>[vector<16xi32>, vector<16xi32>], vector<16xf32>,
          %add3A_1490 = arith.constant 3 : i32
          %add3A_1491 = vector.broadcast %add3A_1490 : i32 to vector<16xi32>
          %add3A_1492 = arith.addi %mul3A_1468, %add3A_1491 : vector<16xi32>
          %gather3A_1493 = tpu.vector_load_idx %arg5[%shift_right_logical3A_1462, %add3A_1492] : memref<512x128xf32, #tpu.memory_space<vmem>>[vector<16xi32>, vector<16xi32>], vector<16xf32>,
          %broadcast_in_dim3A_1494 = arith.constant 3 : i32
          %broadcast_in_dim3A_1495 = vector.broadcast %broadcast_in_dim3A_1494 : i32 to vector<16xi32>
          tpu.vector_store_idx %arg7[%broadcast_in_dim3A_1495, %add3A_1471], %gather3A_1493 : memref<16x256xf32, #tpu.memory_space<vmem>>[vector<16xi32>, vector<16xi32>], vector<16xf32>,
          %add3A_1496 = arith.constant 4 : i32
          %add3A_1497 = vector.broadcast %add3A_1496 : i32 to vector<16xi32>
          %add3A_1498 = arith.addi %mul3A_1468, %add3A_1497 : vector<16xi32>
          %gather3A_1499 = tpu.vector_load_idx %arg5[%shift_right_logical3A_1462, %add3A_1498] : memref<512x128xf32, #tpu.memory_space<vmem>>[vector<16xi32>, vector<16xi32>], vector<16xf32>,
          %broadcast_in_dim3A_1500 = arith.constant 4 : i32
          %broadcast_in_dim3A_1501 = vector.broadcast %broadcast_in_dim3A_1500 : i32 to vector<16xi32>
          tpu.vector_store_idx %arg7[%broadcast_in_dim3A_1501, %add3A_1471], %gather3A_1499 : memref<16x256xf32, #tpu.memory_space<vmem>>[vector<16xi32>, vector<16xi32>], vector<16xf32>,
          %add3A_1502 = arith.constant 5 : i32
          %add3A_1503 = vector.broadcast %add3A_1502 : i32 to vector<16xi32>
          %add3A_1504 = arith.addi %mul3A_1468, %add3A_1503 : vector<16xi32>
          %gather3A_1505 = tpu.vector_load_idx %arg5[%shift_right_logical3A_1462, %add3A_1504] : memref<512x128xf32, #tpu.memory_space<vmem>>[vector<16xi32>, vector<16xi32>], vector<16xf32>,
          %broadcast_in_dim3A_1506 = arith.constant 5 : i32
          %broadcast_in_dim3A_1507 = vector.broadcast %broadcast_in_dim3A_1506 : i32 to vector<16xi32>
          tpu.vector_store_idx %arg7[%broadcast_in_dim3A_1507, %add3A_1471], %gather3A_1505 : memref<16x256xf32, #tpu.memory_space<vmem>>[vector<16xi32>, vector<16xi32>], vector<16xf32>,
          %add3A_1508 = arith.constant 6 : i32
          %add3A_1509 = vector.broadcast %add3A_1508 : i32 to vector<16xi32>
          %add3A_1510 = arith.addi %mul3A_1468, %add3A_1509 : vector<16xi32>
          %gather3A_1511 = tpu.vector_load_idx %arg5[%shift_right_logical3A_1462, %add3A_1510] : memref<512x128xf32, #tpu.memory_space<vmem>>[vector<16xi32>, vector<16xi32>], vector<16xf32>,
          %broadcast_in_dim3A_1512 = arith.constant 6 : i32
          %broadcast_in_dim3A_1513 = vector.broadcast %broadcast_in_dim3A_1512 : i32 to vector<16xi32>
          tpu.vector_store_idx %arg7[%broadcast_in_dim3A_1513, %add3A_1471], %gather3A_1511 : memref<16x256xf32, #tpu.memory_space<vmem>>[vector<16xi32>, vector<16xi32>], vector<16xf32>,
          %add3A_1514 = arith.constant 7 : i32
          %add3A_1515 = vector.broadcast %add3A_1514 : i32 to vector<16xi32>
          %add3A_1516 = arith.addi %mul3A_1468, %add3A_1515 : vector<16xi32>
          %gather3A_1517 = tpu.vector_load_idx %arg5[%shift_right_logical3A_1462, %add3A_1516] : memref<512x128xf32, #tpu.memory_space<vmem>>[vector<16xi32>, vector<16xi32>], vector<16xf32>,
          %broadcast_in_dim3A_1518 = arith.constant 7 : i32
          %broadcast_in_dim3A_1519 = vector.broadcast %broadcast_in_dim3A_1518 : i32 to vector<16xi32>
          tpu.vector_store_idx %arg7[%broadcast_in_dim3A_1519, %add3A_1471], %gather3A_1517 : memref<16x256xf32, #tpu.memory_space<vmem>>[vector<16xi32>, vector<16xi32>], vector<16xf32>,
          %add3A_1520 = arith.constant 8 : i32
          %add3A_1521 = vector.broadcast %add3A_1520 : i32 to vector<16xi32>
          %add3A_1522 = arith.addi %mul3A_1468, %add3A_1521 : vector<16xi32>
          %gather3A_1523 = tpu.vector_load_idx %arg5[%shift_right_logical3A_1462, %add3A_1522] : memref<512x128xf32, #tpu.memory_space<vmem>>[vector<16xi32>, vector<16xi32>], vector<16xf32>,
          %broadcast_in_dim3A_1524 = arith.constant 8 : i32
          %broadcast_in_dim3A_1525 = vector.broadcast %broadcast_in_dim3A_1524 : i32 to vector<16xi32>
          tpu.vector_store_idx %arg7[%broadcast_in_dim3A_1525, %add3A_1471], %gather3A_1523 : memref<16x256xf32, #tpu.memory_space<vmem>>[vector<16xi32>, vector<16xi32>], vector<16xf32>,
          %add3A_1526 = arith.constant 9 : i32
          %add3A_1527 = vector.broadcast %add3A_1526 : i32 to vector<16xi32>
          %add3A_1528 = arith.addi %mul3A_1468, %add3A_1527 : vector<16xi32>
          %gather3A_1529 = tpu.vector_load_idx %arg5[%shift_right_logical3A_1462, %add3A_1528] : memref<512x128xf32, #tpu.memory_space<vmem>>[vector<16xi32>, vector<16xi32>], vector<16xf32>,
          %broadcast_in_dim3A_1530 = arith.constant 9 : i32
          %broadcast_in_dim3A_1531 = vector.broadcast %broadcast_in_dim3A_1530 : i32 to vector<16xi32>
          tpu.vector_store_idx %arg7[%broadcast_in_dim3A_1531, %add3A_1471], %gather3A_1529 : memref<16x256xf32, #tpu.memory_space<vmem>>[vector<16xi32>, vector<16xi32>], vector<16xf32>,
          %add3A_1532 = arith.constant 10 : i32
          %add3A_1533 = vector.broadcast %add3A_1532 : i32 to vector<16xi32>
          %add3A_1534 = arith.addi %mul3A_1468, %add3A_1533 : vector<16xi32>
          %gather3A_1535 = tpu.vector_load_idx %arg5[%shift_right_logical3A_1462, %add3A_1534] : memref<512x128xf32, #tpu.memory_space<vmem>>[vector<16xi32>, vector<16xi32>], vector<16xf32>,
          %broadcast_in_dim3A_1536 = arith.constant 10 : i32
          %broadcast_in_dim3A_1537 = vector.broadcast %broadcast_in_dim3A_1536 : i32 to vector<16xi32>
          tpu.vector_store_idx %arg7[%broadcast_in_dim3A_1537, %add3A_1471], %gather3A_1535 : memref<16x256xf32, #tpu.memory_space<vmem>>[vector<16xi32>, vector<16xi32>], vector<16xf32>,
          %add3A_1538 = arith.constant 11 : i32
          %add3A_1539 = vector.broadcast %add3A_1538 : i32 to vector<16xi32>
          %add3A_1540 = arith.addi %mul3A_1468, %add3A_1539 : vector<16xi32>
          %gather3A_1541 = tpu.vector_load_idx %arg5[%shift_right_logical3A_1462, %add3A_1540] : memref<512x128xf32, #tpu.memory_space<vmem>>[vector<16xi32>, vector<16xi32>], vector<16xf32>,
          %broadcast_in_dim3A_1542 = arith.constant 11 : i32
          %broadcast_in_dim3A_1543 = vector.broadcast %broadcast_in_dim3A_1542 : i32 to vector<16xi32>
          tpu.vector_store_idx %arg7[%broadcast_in_dim3A_1543, %add3A_1471], %gather3A_1541 : memref<16x256xf32, #tpu.memory_space<vmem>>[vector<16xi32>, vector<16xi32>], vector<16xf32>,
          %add3A_1544 = arith.constant 12 : i32
          %add3A_1545 = vector.broadcast %add3A_1544 : i32 to vector<16xi32>
          %add3A_1546 = arith.addi %mul3A_1468, %add3A_1545 : vector<16xi32>
          %gather3A_1547 = tpu.vector_load_idx %arg5[%shift_right_logical3A_1462, %add3A_1546] : memref<512x128xf32, #tpu.memory_space<vmem>>[vector<16xi32>, vector<16xi32>], vector<16xf32>,
          %broadcast_in_dim3A_1548 = arith.constant 12 : i32
          %broadcast_in_dim3A_1549 = vector.broadcast %broadcast_in_dim3A_1548 : i32 to vector<16xi32>
          tpu.vector_store_idx %arg7[%broadcast_in_dim3A_1549, %add3A_1471], %gather3A_1547 : memref<16x256xf32, #tpu.memory_space<vmem>>[vector<16xi32>, vector<16xi32>], vector<16xf32>,
          %add3A_1550 = arith.constant 13 : i32
          %add3A_1551 = vector.broadcast %add3A_1550 : i32 to vector<16xi32>
          %add3A_1552 = arith.addi %mul3A_1468, %add3A_1551 : vector<16xi32>
          %gather3A_1553 = tpu.vector_load_idx %arg5[%shift_right_logical3A_1462, %add3A_1552] : memref<512x128xf32, #tpu.memory_space<vmem>>[vector<16xi32>, vector<16xi32>], vector<16xf32>,
          %broadcast_in_dim3A_1554 = arith.constant 13 : i32
          %broadcast_in_dim3A_1555 = vector.broadcast %broadcast_in_dim3A_1554 : i32 to vector<16xi32>
          tpu.vector_store_idx %arg7[%broadcast_in_dim3A_1555, %add3A_1471], %gather3A_1553 : memref<16x256xf32, #tpu.memory_space<vmem>>[vector<16xi32>, vector<16xi32>], vector<16xf32>,
          %add3A_1556 = arith.constant 14 : i32
          %add3A_1557 = vector.broadcast %add3A_1556 : i32 to vector<16xi32>
          %add3A_1558 = arith.addi %mul3A_1468, %add3A_1557 : vector<16xi32>
          %gather3A_1559 = tpu.vector_load_idx %arg5[%shift_right_logical3A_1462, %add3A_1558] : memref<512x128xf32, #tpu.memory_space<vmem>>[vector<16xi32>, vector<16xi32>], vector<16xf32>,
          %broadcast_in_dim3A_1560 = arith.constant 14 : i32
          %broadcast_in_dim3A_1561 = vector.broadcast %broadcast_in_dim3A_1560 : i32 to vector<16xi32>
          tpu.vector_store_idx %arg7[%broadcast_in_dim3A_1561, %add3A_1471], %gather3A_1559 : memref<16x256xf32, #tpu.memory_space<vmem>>[vector<16xi32>, vector<16xi32>], vector<16xf32>,
          %add3A_1562 = arith.constant 15 : i32
          %add3A_1563 = vector.broadcast %add3A_1562 : i32 to vector<16xi32>
          %add3A_1564 = arith.addi %mul3A_1468, %add3A_1563 : vector<16xi32>
          %gather3A_1565 = tpu.vector_load_idx %arg5[%shift_right_logical3A_1462, %add3A_1564] : memref<512x128xf32, #tpu.memory_space<vmem>>[vector<16xi32>, vector<16xi32>], vector<16xf32>,
          %broadcast_in_dim3A_1566 = arith.constant 15 : i32
          %broadcast_in_dim3A_1567 = vector.broadcast %broadcast_in_dim3A_1566 : i32 to vector<16xi32>
          tpu.vector_store_idx %arg7[%broadcast_in_dim3A_1567, %add3A_1471], %gather3A_1565 : memref<16x256xf32, #tpu.memory_space<vmem>>[vector<16xi32>, vector<16xi32>], vector<16xf32>,
          %mul3A_1568 = arith.constant 256 : i32
          %mul3A_1569 = arith.muli %add3A_39, %mul3A_1568 : i32
          %add3A_1570 = arith.constant 208 : i32
          %add3A_1571 = arith.addi %mul3A_1569, %add3A_1570 : i32
          %get3A_1572 = arith.index_cast %add3A_1571 : i32 to index
          %get3A_1573 = tpu.vector_load %arg6[%get3A_1572] {strides = array<i32>} : memref<3072xi32, #tpu.memory_space<vmem>>, vector<16xi32>,
          %mul3A_1574 = arith.constant 4096 : i32
          %mul3A_1575 = arith.muli %add3A_9, %mul3A_1574 : i32
          %sub3A_1576 = vector.broadcast %mul3A_1575 : i32 to vector<16xi32>
          %sub3A_1577 = arith.subi %get3A_1573, %sub3A_1576 : vector<16xi32>
          %shift_right_logical3A_1578 = arith.constant 3 : i32
          %shift_right_logical3A_1579 = vector.broadcast %shift_right_logical3A_1578 : i32 to vector<16xi32>
          %shift_right_logical3A_1580 = arith.shrui %sub3A_1577, %shift_right_logical3A_1579 : vector<16xi32>
          %and3A_1581 = arith.constant 7 : i32
          %and3A_1582 = vector.broadcast %and3A_1581 : i32 to vector<16xi32>
          %and3A_1583 = arith.andi %sub3A_1577, %and3A_1582 : vector<16xi32>
          %mul3A_1584 = arith.constant 16 : i32
          %mul3A_1585 = vector.broadcast %mul3A_1584 : i32 to vector<16xi32>
          %mul3A_1586 = arith.muli %and3A_1583, %mul3A_1585 : vector<16xi32>
          %add3A_1587 = arith.constant 208 : i32
          %add3A_1588 = vector.broadcast %add3A_1587 : i32 to vector<16xi32>
          %add3A_1589 = arith.addi %iota3A, %add3A_1588 : vector<16xi32>
          %add3A_1590 = arith.constant 0 : i32
          %add3A_1591 = vector.broadcast %add3A_1590 : i32 to vector<16xi32>
          %add3A_1592 = arith.addi %mul3A_1586, %add3A_1591 : vector<16xi32>
          %gather3A_1593 = tpu.vector_load_idx %arg5[%shift_right_logical3A_1580, %add3A_1592] : memref<512x128xf32, #tpu.memory_space<vmem>>[vector<16xi32>, vector<16xi32>], vector<16xf32>,
          %broadcast_in_dim3A_1594 = arith.constant 0 : i32
          %broadcast_in_dim3A_1595 = vector.broadcast %broadcast_in_dim3A_1594 : i32 to vector<16xi32>
          tpu.vector_store_idx %arg7[%broadcast_in_dim3A_1595, %add3A_1589], %gather3A_1593 : memref<16x256xf32, #tpu.memory_space<vmem>>[vector<16xi32>, vector<16xi32>], vector<16xf32>,
          %add3A_1596 = arith.constant 1 : i32
          %add3A_1597 = vector.broadcast %add3A_1596 : i32 to vector<16xi32>
          %add3A_1598 = arith.addi %mul3A_1586, %add3A_1597 : vector<16xi32>
          %gather3A_1599 = tpu.vector_load_idx %arg5[%shift_right_logical3A_1580, %add3A_1598] : memref<512x128xf32, #tpu.memory_space<vmem>>[vector<16xi32>, vector<16xi32>], vector<16xf32>,
          %broadcast_in_dim3A_1600 = arith.constant 1 : i32
          %broadcast_in_dim3A_1601 = vector.broadcast %broadcast_in_dim3A_1600 : i32 to vector<16xi32>
          tpu.vector_store_idx %arg7[%broadcast_in_dim3A_1601, %add3A_1589], %gather3A_1599 : memref<16x256xf32, #tpu.memory_space<vmem>>[vector<16xi32>, vector<16xi32>], vector<16xf32>,
          %add3A_1602 = arith.constant 2 : i32
          %add3A_1603 = vector.broadcast %add3A_1602 : i32 to vector<16xi32>
          %add3A_1604 = arith.addi %mul3A_1586, %add3A_1603 : vector<16xi32>
          %gather3A_1605 = tpu.vector_load_idx %arg5[%shift_right_logical3A_1580, %add3A_1604] : memref<512x128xf32, #tpu.memory_space<vmem>>[vector<16xi32>, vector<16xi32>], vector<16xf32>,
          %broadcast_in_dim3A_1606 = arith.constant 2 : i32
          %broadcast_in_dim3A_1607 = vector.broadcast %broadcast_in_dim3A_1606 : i32 to vector<16xi32>
          tpu.vector_store_idx %arg7[%broadcast_in_dim3A_1607, %add3A_1589], %gather3A_1605 : memref<16x256xf32, #tpu.memory_space<vmem>>[vector<16xi32>, vector<16xi32>], vector<16xf32>,
          %add3A_1608 = arith.constant 3 : i32
          %add3A_1609 = vector.broadcast %add3A_1608 : i32 to vector<16xi32>
          %add3A_1610 = arith.addi %mul3A_1586, %add3A_1609 : vector<16xi32>
          %gather3A_1611 = tpu.vector_load_idx %arg5[%shift_right_logical3A_1580, %add3A_1610] : memref<512x128xf32, #tpu.memory_space<vmem>>[vector<16xi32>, vector<16xi32>], vector<16xf32>,
          %broadcast_in_dim3A_1612 = arith.constant 3 : i32
          %broadcast_in_dim3A_1613 = vector.broadcast %broadcast_in_dim3A_1612 : i32 to vector<16xi32>
          tpu.vector_store_idx %arg7[%broadcast_in_dim3A_1613, %add3A_1589], %gather3A_1611 : memref<16x256xf32, #tpu.memory_space<vmem>>[vector<16xi32>, vector<16xi32>], vector<16xf32>,
          %add3A_1614 = arith.constant 4 : i32
          %add3A_1615 = vector.broadcast %add3A_1614 : i32 to vector<16xi32>
          %add3A_1616 = arith.addi %mul3A_1586, %add3A_1615 : vector<16xi32>
          %gather3A_1617 = tpu.vector_load_idx %arg5[%shift_right_logical3A_1580, %add3A_1616] : memref<512x128xf32, #tpu.memory_space<vmem>>[vector<16xi32>, vector<16xi32>], vector<16xf32>,
          %broadcast_in_dim3A_1618 = arith.constant 4 : i32
          %broadcast_in_dim3A_1619 = vector.broadcast %broadcast_in_dim3A_1618 : i32 to vector<16xi32>
          tpu.vector_store_idx %arg7[%broadcast_in_dim3A_1619, %add3A_1589], %gather3A_1617 : memref<16x256xf32, #tpu.memory_space<vmem>>[vector<16xi32>, vector<16xi32>], vector<16xf32>,
          %add3A_1620 = arith.constant 5 : i32
          %add3A_1621 = vector.broadcast %add3A_1620 : i32 to vector<16xi32>
          %add3A_1622 = arith.addi %mul3A_1586, %add3A_1621 : vector<16xi32>
          %gather3A_1623 = tpu.vector_load_idx %arg5[%shift_right_logical3A_1580, %add3A_1622] : memref<512x128xf32, #tpu.memory_space<vmem>>[vector<16xi32>, vector<16xi32>], vector<16xf32>,
          %broadcast_in_dim3A_1624 = arith.constant 5 : i32
          %broadcast_in_dim3A_1625 = vector.broadcast %broadcast_in_dim3A_1624 : i32 to vector<16xi32>
          tpu.vector_store_idx %arg7[%broadcast_in_dim3A_1625, %add3A_1589], %gather3A_1623 : memref<16x256xf32, #tpu.memory_space<vmem>>[vector<16xi32>, vector<16xi32>], vector<16xf32>,
          %add3A_1626 = arith.constant 6 : i32
          %add3A_1627 = vector.broadcast %add3A_1626 : i32 to vector<16xi32>
          %add3A_1628 = arith.addi %mul3A_1586, %add3A_1627 : vector<16xi32>
          %gather3A_1629 = tpu.vector_load_idx %arg5[%shift_right_logical3A_1580, %add3A_1628] : memref<512x128xf32, #tpu.memory_space<vmem>>[vector<16xi32>, vector<16xi32>], vector<16xf32>,
          %broadcast_in_dim3A_1630 = arith.constant 6 : i32
          %broadcast_in_dim3A_1631 = vector.broadcast %broadcast_in_dim3A_1630 : i32 to vector<16xi32>
          tpu.vector_store_idx %arg7[%broadcast_in_dim3A_1631, %add3A_1589], %gather3A_1629 : memref<16x256xf32, #tpu.memory_space<vmem>>[vector<16xi32>, vector<16xi32>], vector<16xf32>,
          %add3A_1632 = arith.constant 7 : i32
          %add3A_1633 = vector.broadcast %add3A_1632 : i32 to vector<16xi32>
          %add3A_1634 = arith.addi %mul3A_1586, %add3A_1633 : vector<16xi32>
          %gather3A_1635 = tpu.vector_load_idx %arg5[%shift_right_logical3A_1580, %add3A_1634] : memref<512x128xf32, #tpu.memory_space<vmem>>[vector<16xi32>, vector<16xi32>], vector<16xf32>,
          %broadcast_in_dim3A_1636 = arith.constant 7 : i32
          %broadcast_in_dim3A_1637 = vector.broadcast %broadcast_in_dim3A_1636 : i32 to vector<16xi32>
          tpu.vector_store_idx %arg7[%broadcast_in_dim3A_1637, %add3A_1589], %gather3A_1635 : memref<16x256xf32, #tpu.memory_space<vmem>>[vector<16xi32>, vector<16xi32>], vector<16xf32>,
          %add3A_1638 = arith.constant 8 : i32
          %add3A_1639 = vector.broadcast %add3A_1638 : i32 to vector<16xi32>
          %add3A_1640 = arith.addi %mul3A_1586, %add3A_1639 : vector<16xi32>
          %gather3A_1641 = tpu.vector_load_idx %arg5[%shift_right_logical3A_1580, %add3A_1640] : memref<512x128xf32, #tpu.memory_space<vmem>>[vector<16xi32>, vector<16xi32>], vector<16xf32>,
          %broadcast_in_dim3A_1642 = arith.constant 8 : i32
          %broadcast_in_dim3A_1643 = vector.broadcast %broadcast_in_dim3A_1642 : i32 to vector<16xi32>
          tpu.vector_store_idx %arg7[%broadcast_in_dim3A_1643, %add3A_1589], %gather3A_1641 : memref<16x256xf32, #tpu.memory_space<vmem>>[vector<16xi32>, vector<16xi32>], vector<16xf32>,
          %add3A_1644 = arith.constant 9 : i32
          %add3A_1645 = vector.broadcast %add3A_1644 : i32 to vector<16xi32>
          %add3A_1646 = arith.addi %mul3A_1586, %add3A_1645 : vector<16xi32>
          %gather3A_1647 = tpu.vector_load_idx %arg5[%shift_right_logical3A_1580, %add3A_1646] : memref<512x128xf32, #tpu.memory_space<vmem>>[vector<16xi32>, vector<16xi32>], vector<16xf32>,
          %broadcast_in_dim3A_1648 = arith.constant 9 : i32
          %broadcast_in_dim3A_1649 = vector.broadcast %broadcast_in_dim3A_1648 : i32 to vector<16xi32>
          tpu.vector_store_idx %arg7[%broadcast_in_dim3A_1649, %add3A_1589], %gather3A_1647 : memref<16x256xf32, #tpu.memory_space<vmem>>[vector<16xi32>, vector<16xi32>], vector<16xf32>,
          %add3A_1650 = arith.constant 10 : i32
          %add3A_1651 = vector.broadcast %add3A_1650 : i32 to vector<16xi32>
          %add3A_1652 = arith.addi %mul3A_1586, %add3A_1651 : vector<16xi32>
          %gather3A_1653 = tpu.vector_load_idx %arg5[%shift_right_logical3A_1580, %add3A_1652] : memref<512x128xf32, #tpu.memory_space<vmem>>[vector<16xi32>, vector<16xi32>], vector<16xf32>,
          %broadcast_in_dim3A_1654 = arith.constant 10 : i32
          %broadcast_in_dim3A_1655 = vector.broadcast %broadcast_in_dim3A_1654 : i32 to vector<16xi32>
          tpu.vector_store_idx %arg7[%broadcast_in_dim3A_1655, %add3A_1589], %gather3A_1653 : memref<16x256xf32, #tpu.memory_space<vmem>>[vector<16xi32>, vector<16xi32>], vector<16xf32>,
          %add3A_1656 = arith.constant 11 : i32
          %add3A_1657 = vector.broadcast %add3A_1656 : i32 to vector<16xi32>
          %add3A_1658 = arith.addi %mul3A_1586, %add3A_1657 : vector<16xi32>
          %gather3A_1659 = tpu.vector_load_idx %arg5[%shift_right_logical3A_1580, %add3A_1658] : memref<512x128xf32, #tpu.memory_space<vmem>>[vector<16xi32>, vector<16xi32>], vector<16xf32>,
          %broadcast_in_dim3A_1660 = arith.constant 11 : i32
          %broadcast_in_dim3A_1661 = vector.broadcast %broadcast_in_dim3A_1660 : i32 to vector<16xi32>
          tpu.vector_store_idx %arg7[%broadcast_in_dim3A_1661, %add3A_1589], %gather3A_1659 : memref<16x256xf32, #tpu.memory_space<vmem>>[vector<16xi32>, vector<16xi32>], vector<16xf32>,
          %add3A_1662 = arith.constant 12 : i32
          %add3A_1663 = vector.broadcast %add3A_1662 : i32 to vector<16xi32>
          %add3A_1664 = arith.addi %mul3A_1586, %add3A_1663 : vector<16xi32>
          %gather3A_1665 = tpu.vector_load_idx %arg5[%shift_right_logical3A_1580, %add3A_1664] : memref<512x128xf32, #tpu.memory_space<vmem>>[vector<16xi32>, vector<16xi32>], vector<16xf32>,
          %broadcast_in_dim3A_1666 = arith.constant 12 : i32
          %broadcast_in_dim3A_1667 = vector.broadcast %broadcast_in_dim3A_1666 : i32 to vector<16xi32>
          tpu.vector_store_idx %arg7[%broadcast_in_dim3A_1667, %add3A_1589], %gather3A_1665 : memref<16x256xf32, #tpu.memory_space<vmem>>[vector<16xi32>, vector<16xi32>], vector<16xf32>,
          %add3A_1668 = arith.constant 13 : i32
          %add3A_1669 = vector.broadcast %add3A_1668 : i32 to vector<16xi32>
          %add3A_1670 = arith.addi %mul3A_1586, %add3A_1669 : vector<16xi32>
          %gather3A_1671 = tpu.vector_load_idx %arg5[%shift_right_logical3A_1580, %add3A_1670] : memref<512x128xf32, #tpu.memory_space<vmem>>[vector<16xi32>, vector<16xi32>], vector<16xf32>,
          %broadcast_in_dim3A_1672 = arith.constant 13 : i32
          %broadcast_in_dim3A_1673 = vector.broadcast %broadcast_in_dim3A_1672 : i32 to vector<16xi32>
          tpu.vector_store_idx %arg7[%broadcast_in_dim3A_1673, %add3A_1589], %gather3A_1671 : memref<16x256xf32, #tpu.memory_space<vmem>>[vector<16xi32>, vector<16xi32>], vector<16xf32>,
          %add3A_1674 = arith.constant 14 : i32
          %add3A_1675 = vector.broadcast %add3A_1674 : i32 to vector<16xi32>
          %add3A_1676 = arith.addi %mul3A_1586, %add3A_1675 : vector<16xi32>
          %gather3A_1677 = tpu.vector_load_idx %arg5[%shift_right_logical3A_1580, %add3A_1676] : memref<512x128xf32, #tpu.memory_space<vmem>>[vector<16xi32>, vector<16xi32>], vector<16xf32>,
          %broadcast_in_dim3A_1678 = arith.constant 14 : i32
          %broadcast_in_dim3A_1679 = vector.broadcast %broadcast_in_dim3A_1678 : i32 to vector<16xi32>
          tpu.vector_store_idx %arg7[%broadcast_in_dim3A_1679, %add3A_1589], %gather3A_1677 : memref<16x256xf32, #tpu.memory_space<vmem>>[vector<16xi32>, vector<16xi32>], vector<16xf32>,
          %add3A_1680 = arith.constant 15 : i32
          %add3A_1681 = vector.broadcast %add3A_1680 : i32 to vector<16xi32>
          %add3A_1682 = arith.addi %mul3A_1586, %add3A_1681 : vector<16xi32>
          %gather3A_1683 = tpu.vector_load_idx %arg5[%shift_right_logical3A_1580, %add3A_1682] : memref<512x128xf32, #tpu.memory_space<vmem>>[vector<16xi32>, vector<16xi32>], vector<16xf32>,
          %broadcast_in_dim3A_1684 = arith.constant 15 : i32
          %broadcast_in_dim3A_1685 = vector.broadcast %broadcast_in_dim3A_1684 : i32 to vector<16xi32>
          tpu.vector_store_idx %arg7[%broadcast_in_dim3A_1685, %add3A_1589], %gather3A_1683 : memref<16x256xf32, #tpu.memory_space<vmem>>[vector<16xi32>, vector<16xi32>], vector<16xf32>,
          %mul3A_1686 = arith.constant 256 : i32
          %mul3A_1687 = arith.muli %add3A_39, %mul3A_1686 : i32
          %add3A_1688 = arith.constant 224 : i32
          %add3A_1689 = arith.addi %mul3A_1687, %add3A_1688 : i32
          %get3A_1690 = arith.index_cast %add3A_1689 : i32 to index
          %get3A_1691 = tpu.vector_load %arg6[%get3A_1690] {strides = array<i32>} : memref<3072xi32, #tpu.memory_space<vmem>>, vector<16xi32>,
          %mul3A_1692 = arith.constant 4096 : i32
          %mul3A_1693 = arith.muli %add3A_9, %mul3A_1692 : i32
          %sub3A_1694 = vector.broadcast %mul3A_1693 : i32 to vector<16xi32>
          %sub3A_1695 = arith.subi %get3A_1691, %sub3A_1694 : vector<16xi32>
          %shift_right_logical3A_1696 = arith.constant 3 : i32
          %shift_right_logical3A_1697 = vector.broadcast %shift_right_logical3A_1696 : i32 to vector<16xi32>
          %shift_right_logical3A_1698 = arith.shrui %sub3A_1695, %shift_right_logical3A_1697 : vector<16xi32>
          %and3A_1699 = arith.constant 7 : i32
          %and3A_1700 = vector.broadcast %and3A_1699 : i32 to vector<16xi32>
          %and3A_1701 = arith.andi %sub3A_1695, %and3A_1700 : vector<16xi32>
          %mul3A_1702 = arith.constant 16 : i32
          %mul3A_1703 = vector.broadcast %mul3A_1702 : i32 to vector<16xi32>
          %mul3A_1704 = arith.muli %and3A_1701, %mul3A_1703 : vector<16xi32>
          %add3A_1705 = arith.constant 224 : i32
          %add3A_1706 = vector.broadcast %add3A_1705 : i32 to vector<16xi32>
          %add3A_1707 = arith.addi %iota3A, %add3A_1706 : vector<16xi32>
          %add3A_1708 = arith.constant 0 : i32
          %add3A_1709 = vector.broadcast %add3A_1708 : i32 to vector<16xi32>
          %add3A_1710 = arith.addi %mul3A_1704, %add3A_1709 : vector<16xi32>
          %gather3A_1711 = tpu.vector_load_idx %arg5[%shift_right_logical3A_1698, %add3A_1710] : memref<512x128xf32, #tpu.memory_space<vmem>>[vector<16xi32>, vector<16xi32>], vector<16xf32>,
          %broadcast_in_dim3A_1712 = arith.constant 0 : i32
          %broadcast_in_dim3A_1713 = vector.broadcast %broadcast_in_dim3A_1712 : i32 to vector<16xi32>
          tpu.vector_store_idx %arg7[%broadcast_in_dim3A_1713, %add3A_1707], %gather3A_1711 : memref<16x256xf32, #tpu.memory_space<vmem>>[vector<16xi32>, vector<16xi32>], vector<16xf32>,
          %add3A_1714 = arith.constant 1 : i32
          %add3A_1715 = vector.broadcast %add3A_1714 : i32 to vector<16xi32>
          %add3A_1716 = arith.addi %mul3A_1704, %add3A_1715 : vector<16xi32>
          %gather3A_1717 = tpu.vector_load_idx %arg5[%shift_right_logical3A_1698, %add3A_1716] : memref<512x128xf32, #tpu.memory_space<vmem>>[vector<16xi32>, vector<16xi32>], vector<16xf32>,
          %broadcast_in_dim3A_1718 = arith.constant 1 : i32
          %broadcast_in_dim3A_1719 = vector.broadcast %broadcast_in_dim3A_1718 : i32 to vector<16xi32>
          tpu.vector_store_idx %arg7[%broadcast_in_dim3A_1719, %add3A_1707], %gather3A_1717 : memref<16x256xf32, #tpu.memory_space<vmem>>[vector<16xi32>, vector<16xi32>], vector<16xf32>,
          %add3A_1720 = arith.constant 2 : i32
          %add3A_1721 = vector.broadcast %add3A_1720 : i32 to vector<16xi32>
          %add3A_1722 = arith.addi %mul3A_1704, %add3A_1721 : vector<16xi32>
          %gather3A_1723 = tpu.vector_load_idx %arg5[%shift_right_logical3A_1698, %add3A_1722] : memref<512x128xf32, #tpu.memory_space<vmem>>[vector<16xi32>, vector<16xi32>], vector<16xf32>,
          %broadcast_in_dim3A_1724 = arith.constant 2 : i32
          %broadcast_in_dim3A_1725 = vector.broadcast %broadcast_in_dim3A_1724 : i32 to vector<16xi32>
          tpu.vector_store_idx %arg7[%broadcast_in_dim3A_1725, %add3A_1707], %gather3A_1723 : memref<16x256xf32, #tpu.memory_space<vmem>>[vector<16xi32>, vector<16xi32>], vector<16xf32>,
          %add3A_1726 = arith.constant 3 : i32
          %add3A_1727 = vector.broadcast %add3A_1726 : i32 to vector<16xi32>
          %add3A_1728 = arith.addi %mul3A_1704, %add3A_1727 : vector<16xi32>
          %gather3A_1729 = tpu.vector_load_idx %arg5[%shift_right_logical3A_1698, %add3A_1728] : memref<512x128xf32, #tpu.memory_space<vmem>>[vector<16xi32>, vector<16xi32>], vector<16xf32>,
          %broadcast_in_dim3A_1730 = arith.constant 3 : i32
          %broadcast_in_dim3A_1731 = vector.broadcast %broadcast_in_dim3A_1730 : i32 to vector<16xi32>
          tpu.vector_store_idx %arg7[%broadcast_in_dim3A_1731, %add3A_1707], %gather3A_1729 : memref<16x256xf32, #tpu.memory_space<vmem>>[vector<16xi32>, vector<16xi32>], vector<16xf32>,
          %add3A_1732 = arith.constant 4 : i32
          %add3A_1733 = vector.broadcast %add3A_1732 : i32 to vector<16xi32>
          %add3A_1734 = arith.addi %mul3A_1704, %add3A_1733 : vector<16xi32>
          %gather3A_1735 = tpu.vector_load_idx %arg5[%shift_right_logical3A_1698, %add3A_1734] : memref<512x128xf32, #tpu.memory_space<vmem>>[vector<16xi32>, vector<16xi32>], vector<16xf32>,
          %broadcast_in_dim3A_1736 = arith.constant 4 : i32
          %broadcast_in_dim3A_1737 = vector.broadcast %broadcast_in_dim3A_1736 : i32 to vector<16xi32>
          tpu.vector_store_idx %arg7[%broadcast_in_dim3A_1737, %add3A_1707], %gather3A_1735 : memref<16x256xf32, #tpu.memory_space<vmem>>[vector<16xi32>, vector<16xi32>], vector<16xf32>,
          %add3A_1738 = arith.constant 5 : i32
          %add3A_1739 = vector.broadcast %add3A_1738 : i32 to vector<16xi32>
          %add3A_1740 = arith.addi %mul3A_1704, %add3A_1739 : vector<16xi32>
          %gather3A_1741 = tpu.vector_load_idx %arg5[%shift_right_logical3A_1698, %add3A_1740] : memref<512x128xf32, #tpu.memory_space<vmem>>[vector<16xi32>, vector<16xi32>], vector<16xf32>,
          %broadcast_in_dim3A_1742 = arith.constant 5 : i32
          %broadcast_in_dim3A_1743 = vector.broadcast %broadcast_in_dim3A_1742 : i32 to vector<16xi32>
          tpu.vector_store_idx %arg7[%broadcast_in_dim3A_1743, %add3A_1707], %gather3A_1741 : memref<16x256xf32, #tpu.memory_space<vmem>>[vector<16xi32>, vector<16xi32>], vector<16xf32>,
          %add3A_1744 = arith.constant 6 : i32
          %add3A_1745 = vector.broadcast %add3A_1744 : i32 to vector<16xi32>
          %add3A_1746 = arith.addi %mul3A_1704, %add3A_1745 : vector<16xi32>
          %gather3A_1747 = tpu.vector_load_idx %arg5[%shift_right_logical3A_1698, %add3A_1746] : memref<512x128xf32, #tpu.memory_space<vmem>>[vector<16xi32>, vector<16xi32>], vector<16xf32>,
          %broadcast_in_dim3A_1748 = arith.constant 6 : i32
          %broadcast_in_dim3A_1749 = vector.broadcast %broadcast_in_dim3A_1748 : i32 to vector<16xi32>
          tpu.vector_store_idx %arg7[%broadcast_in_dim3A_1749, %add3A_1707], %gather3A_1747 : memref<16x256xf32, #tpu.memory_space<vmem>>[vector<16xi32>, vector<16xi32>], vector<16xf32>,
          %add3A_1750 = arith.constant 7 : i32
          %add3A_1751 = vector.broadcast %add3A_1750 : i32 to vector<16xi32>
          %add3A_1752 = arith.addi %mul3A_1704, %add3A_1751 : vector<16xi32>
          %gather3A_1753 = tpu.vector_load_idx %arg5[%shift_right_logical3A_1698, %add3A_1752] : memref<512x128xf32, #tpu.memory_space<vmem>>[vector<16xi32>, vector<16xi32>], vector<16xf32>,
          %broadcast_in_dim3A_1754 = arith.constant 7 : i32
          %broadcast_in_dim3A_1755 = vector.broadcast %broadcast_in_dim3A_1754 : i32 to vector<16xi32>
          tpu.vector_store_idx %arg7[%broadcast_in_dim3A_1755, %add3A_1707], %gather3A_1753 : memref<16x256xf32, #tpu.memory_space<vmem>>[vector<16xi32>, vector<16xi32>], vector<16xf32>,
          %add3A_1756 = arith.constant 8 : i32
          %add3A_1757 = vector.broadcast %add3A_1756 : i32 to vector<16xi32>
          %add3A_1758 = arith.addi %mul3A_1704, %add3A_1757 : vector<16xi32>
          %gather3A_1759 = tpu.vector_load_idx %arg5[%shift_right_logical3A_1698, %add3A_1758] : memref<512x128xf32, #tpu.memory_space<vmem>>[vector<16xi32>, vector<16xi32>], vector<16xf32>,
          %broadcast_in_dim3A_1760 = arith.constant 8 : i32
          %broadcast_in_dim3A_1761 = vector.broadcast %broadcast_in_dim3A_1760 : i32 to vector<16xi32>
          tpu.vector_store_idx %arg7[%broadcast_in_dim3A_1761, %add3A_1707], %gather3A_1759 : memref<16x256xf32, #tpu.memory_space<vmem>>[vector<16xi32>, vector<16xi32>], vector<16xf32>,
          %add3A_1762 = arith.constant 9 : i32
          %add3A_1763 = vector.broadcast %add3A_1762 : i32 to vector<16xi32>
          %add3A_1764 = arith.addi %mul3A_1704, %add3A_1763 : vector<16xi32>
          %gather3A_1765 = tpu.vector_load_idx %arg5[%shift_right_logical3A_1698, %add3A_1764] : memref<512x128xf32, #tpu.memory_space<vmem>>[vector<16xi32>, vector<16xi32>], vector<16xf32>,
          %broadcast_in_dim3A_1766 = arith.constant 9 : i32
          %broadcast_in_dim3A_1767 = vector.broadcast %broadcast_in_dim3A_1766 : i32 to vector<16xi32>
          tpu.vector_store_idx %arg7[%broadcast_in_dim3A_1767, %add3A_1707], %gather3A_1765 : memref<16x256xf32, #tpu.memory_space<vmem>>[vector<16xi32>, vector<16xi32>], vector<16xf32>,
          %add3A_1768 = arith.constant 10 : i32
          %add3A_1769 = vector.broadcast %add3A_1768 : i32 to vector<16xi32>
          %add3A_1770 = arith.addi %mul3A_1704, %add3A_1769 : vector<16xi32>
          %gather3A_1771 = tpu.vector_load_idx %arg5[%shift_right_logical3A_1698, %add3A_1770] : memref<512x128xf32, #tpu.memory_space<vmem>>[vector<16xi32>, vector<16xi32>], vector<16xf32>,
          %broadcast_in_dim3A_1772 = arith.constant 10 : i32
          %broadcast_in_dim3A_1773 = vector.broadcast %broadcast_in_dim3A_1772 : i32 to vector<16xi32>
          tpu.vector_store_idx %arg7[%broadcast_in_dim3A_1773, %add3A_1707], %gather3A_1771 : memref<16x256xf32, #tpu.memory_space<vmem>>[vector<16xi32>, vector<16xi32>], vector<16xf32>,
          %add3A_1774 = arith.constant 11 : i32
          %add3A_1775 = vector.broadcast %add3A_1774 : i32 to vector<16xi32>
          %add3A_1776 = arith.addi %mul3A_1704, %add3A_1775 : vector<16xi32>
          %gather3A_1777 = tpu.vector_load_idx %arg5[%shift_right_logical3A_1698, %add3A_1776] : memref<512x128xf32, #tpu.memory_space<vmem>>[vector<16xi32>, vector<16xi32>], vector<16xf32>,
          %broadcast_in_dim3A_1778 = arith.constant 11 : i32
          %broadcast_in_dim3A_1779 = vector.broadcast %broadcast_in_dim3A_1778 : i32 to vector<16xi32>
          tpu.vector_store_idx %arg7[%broadcast_in_dim3A_1779, %add3A_1707], %gather3A_1777 : memref<16x256xf32, #tpu.memory_space<vmem>>[vector<16xi32>, vector<16xi32>], vector<16xf32>,
          %add3A_1780 = arith.constant 12 : i32
          %add3A_1781 = vector.broadcast %add3A_1780 : i32 to vector<16xi32>
          %add3A_1782 = arith.addi %mul3A_1704, %add3A_1781 : vector<16xi32>
          %gather3A_1783 = tpu.vector_load_idx %arg5[%shift_right_logical3A_1698, %add3A_1782] : memref<512x128xf32, #tpu.memory_space<vmem>>[vector<16xi32>, vector<16xi32>], vector<16xf32>,
          %broadcast_in_dim3A_1784 = arith.constant 12 : i32
          %broadcast_in_dim3A_1785 = vector.broadcast %broadcast_in_dim3A_1784 : i32 to vector<16xi32>
          tpu.vector_store_idx %arg7[%broadcast_in_dim3A_1785, %add3A_1707], %gather3A_1783 : memref<16x256xf32, #tpu.memory_space<vmem>>[vector<16xi32>, vector<16xi32>], vector<16xf32>,
          %add3A_1786 = arith.constant 13 : i32
          %add3A_1787 = vector.broadcast %add3A_1786 : i32 to vector<16xi32>
          %add3A_1788 = arith.addi %mul3A_1704, %add3A_1787 : vector<16xi32>
          %gather3A_1789 = tpu.vector_load_idx %arg5[%shift_right_logical3A_1698, %add3A_1788] : memref<512x128xf32, #tpu.memory_space<vmem>>[vector<16xi32>, vector<16xi32>], vector<16xf32>,
          %broadcast_in_dim3A_1790 = arith.constant 13 : i32
          %broadcast_in_dim3A_1791 = vector.broadcast %broadcast_in_dim3A_1790 : i32 to vector<16xi32>
          tpu.vector_store_idx %arg7[%broadcast_in_dim3A_1791, %add3A_1707], %gather3A_1789 : memref<16x256xf32, #tpu.memory_space<vmem>>[vector<16xi32>, vector<16xi32>], vector<16xf32>,
          %add3A_1792 = arith.constant 14 : i32
          %add3A_1793 = vector.broadcast %add3A_1792 : i32 to vector<16xi32>
          %add3A_1794 = arith.addi %mul3A_1704, %add3A_1793 : vector<16xi32>
          %gather3A_1795 = tpu.vector_load_idx %arg5[%shift_right_logical3A_1698, %add3A_1794] : memref<512x128xf32, #tpu.memory_space<vmem>>[vector<16xi32>, vector<16xi32>], vector<16xf32>,
          %broadcast_in_dim3A_1796 = arith.constant 14 : i32
          %broadcast_in_dim3A_1797 = vector.broadcast %broadcast_in_dim3A_1796 : i32 to vector<16xi32>
          tpu.vector_store_idx %arg7[%broadcast_in_dim3A_1797, %add3A_1707], %gather3A_1795 : memref<16x256xf32, #tpu.memory_space<vmem>>[vector<16xi32>, vector<16xi32>], vector<16xf32>,
          %add3A_1798 = arith.constant 15 : i32
          %add3A_1799 = vector.broadcast %add3A_1798 : i32 to vector<16xi32>
          %add3A_1800 = arith.addi %mul3A_1704, %add3A_1799 : vector<16xi32>
          %gather3A_1801 = tpu.vector_load_idx %arg5[%shift_right_logical3A_1698, %add3A_1800] : memref<512x128xf32, #tpu.memory_space<vmem>>[vector<16xi32>, vector<16xi32>], vector<16xf32>,
          %broadcast_in_dim3A_1802 = arith.constant 15 : i32
          %broadcast_in_dim3A_1803 = vector.broadcast %broadcast_in_dim3A_1802 : i32 to vector<16xi32>
          tpu.vector_store_idx %arg7[%broadcast_in_dim3A_1803, %add3A_1707], %gather3A_1801 : memref<16x256xf32, #tpu.memory_space<vmem>>[vector<16xi32>, vector<16xi32>], vector<16xf32>,
          %mul3A_1804 = arith.constant 256 : i32
          %mul3A_1805 = arith.muli %add3A_39, %mul3A_1804 : i32
          %add3A_1806 = arith.constant 240 : i32
          %add3A_1807 = arith.addi %mul3A_1805, %add3A_1806 : i32
          %get3A_1808 = arith.index_cast %add3A_1807 : i32 to index
          %get3A_1809 = tpu.vector_load %arg6[%get3A_1808] {strides = array<i32>} : memref<3072xi32, #tpu.memory_space<vmem>>, vector<16xi32>,
          %mul3A_1810 = arith.constant 4096 : i32
          %mul3A_1811 = arith.muli %add3A_9, %mul3A_1810 : i32
          %sub3A_1812 = vector.broadcast %mul3A_1811 : i32 to vector<16xi32>
          %sub3A_1813 = arith.subi %get3A_1809, %sub3A_1812 : vector<16xi32>
          %shift_right_logical3A_1814 = arith.constant 3 : i32
          %shift_right_logical3A_1815 = vector.broadcast %shift_right_logical3A_1814 : i32 to vector<16xi32>
          %shift_right_logical3A_1816 = arith.shrui %sub3A_1813, %shift_right_logical3A_1815 : vector<16xi32>
          %and3A_1817 = arith.constant 7 : i32
          %and3A_1818 = vector.broadcast %and3A_1817 : i32 to vector<16xi32>
          %and3A_1819 = arith.andi %sub3A_1813, %and3A_1818 : vector<16xi32>
          %mul3A_1820 = arith.constant 16 : i32
          %mul3A_1821 = vector.broadcast %mul3A_1820 : i32 to vector<16xi32>
          %mul3A_1822 = arith.muli %and3A_1819, %mul3A_1821 : vector<16xi32>
          %add3A_1823 = arith.constant 240 : i32
          %add3A_1824 = vector.broadcast %add3A_1823 : i32 to vector<16xi32>
          %add3A_1825 = arith.addi %iota3A, %add3A_1824 : vector<16xi32>
          %add3A_1826 = arith.constant 0 : i32
          %add3A_1827 = vector.broadcast %add3A_1826 : i32 to vector<16xi32>
          %add3A_1828 = arith.addi %mul3A_1822, %add3A_1827 : vector<16xi32>
          %gather3A_1829 = tpu.vector_load_idx %arg5[%shift_right_logical3A_1816, %add3A_1828] : memref<512x128xf32, #tpu.memory_space<vmem>>[vector<16xi32>, vector<16xi32>], vector<16xf32>,
          %broadcast_in_dim3A_1830 = arith.constant 0 : i32
          %broadcast_in_dim3A_1831 = vector.broadcast %broadcast_in_dim3A_1830 : i32 to vector<16xi32>
          tpu.vector_store_idx %arg7[%broadcast_in_dim3A_1831, %add3A_1825], %gather3A_1829 : memref<16x256xf32, #tpu.memory_space<vmem>>[vector<16xi32>, vector<16xi32>], vector<16xf32>,
          %add3A_1832 = arith.constant 1 : i32
          %add3A_1833 = vector.broadcast %add3A_1832 : i32 to vector<16xi32>
          %add3A_1834 = arith.addi %mul3A_1822, %add3A_1833 : vector<16xi32>
          %gather3A_1835 = tpu.vector_load_idx %arg5[%shift_right_logical3A_1816, %add3A_1834] : memref<512x128xf32, #tpu.memory_space<vmem>>[vector<16xi32>, vector<16xi32>], vector<16xf32>,
          %broadcast_in_dim3A_1836 = arith.constant 1 : i32
          %broadcast_in_dim3A_1837 = vector.broadcast %broadcast_in_dim3A_1836 : i32 to vector<16xi32>
          tpu.vector_store_idx %arg7[%broadcast_in_dim3A_1837, %add3A_1825], %gather3A_1835 : memref<16x256xf32, #tpu.memory_space<vmem>>[vector<16xi32>, vector<16xi32>], vector<16xf32>,
          %add3A_1838 = arith.constant 2 : i32
          %add3A_1839 = vector.broadcast %add3A_1838 : i32 to vector<16xi32>
          %add3A_1840 = arith.addi %mul3A_1822, %add3A_1839 : vector<16xi32>
          %gather3A_1841 = tpu.vector_load_idx %arg5[%shift_right_logical3A_1816, %add3A_1840] : memref<512x128xf32, #tpu.memory_space<vmem>>[vector<16xi32>, vector<16xi32>], vector<16xf32>,
          %broadcast_in_dim3A_1842 = arith.constant 2 : i32
          %broadcast_in_dim3A_1843 = vector.broadcast %broadcast_in_dim3A_1842 : i32 to vector<16xi32>
          tpu.vector_store_idx %arg7[%broadcast_in_dim3A_1843, %add3A_1825], %gather3A_1841 : memref<16x256xf32, #tpu.memory_space<vmem>>[vector<16xi32>, vector<16xi32>], vector<16xf32>,
          %add3A_1844 = arith.constant 3 : i32
          %add3A_1845 = vector.broadcast %add3A_1844 : i32 to vector<16xi32>
          %add3A_1846 = arith.addi %mul3A_1822, %add3A_1845 : vector<16xi32>
          %gather3A_1847 = tpu.vector_load_idx %arg5[%shift_right_logical3A_1816, %add3A_1846] : memref<512x128xf32, #tpu.memory_space<vmem>>[vector<16xi32>, vector<16xi32>], vector<16xf32>,
          %broadcast_in_dim3A_1848 = arith.constant 3 : i32
          %broadcast_in_dim3A_1849 = vector.broadcast %broadcast_in_dim3A_1848 : i32 to vector<16xi32>
          tpu.vector_store_idx %arg7[%broadcast_in_dim3A_1849, %add3A_1825], %gather3A_1847 : memref<16x256xf32, #tpu.memory_space<vmem>>[vector<16xi32>, vector<16xi32>], vector<16xf32>,
          %add3A_1850 = arith.constant 4 : i32
          %add3A_1851 = vector.broadcast %add3A_1850 : i32 to vector<16xi32>
          %add3A_1852 = arith.addi %mul3A_1822, %add3A_1851 : vector<16xi32>
          %gather3A_1853 = tpu.vector_load_idx %arg5[%shift_right_logical3A_1816, %add3A_1852] : memref<512x128xf32, #tpu.memory_space<vmem>>[vector<16xi32>, vector<16xi32>], vector<16xf32>,
          %broadcast_in_dim3A_1854 = arith.constant 4 : i32
          %broadcast_in_dim3A_1855 = vector.broadcast %broadcast_in_dim3A_1854 : i32 to vector<16xi32>
          tpu.vector_store_idx %arg7[%broadcast_in_dim3A_1855, %add3A_1825], %gather3A_1853 : memref<16x256xf32, #tpu.memory_space<vmem>>[vector<16xi32>, vector<16xi32>], vector<16xf32>,
          %add3A_1856 = arith.constant 5 : i32
          %add3A_1857 = vector.broadcast %add3A_1856 : i32 to vector<16xi32>
          %add3A_1858 = arith.addi %mul3A_1822, %add3A_1857 : vector<16xi32>
          %gather3A_1859 = tpu.vector_load_idx %arg5[%shift_right_logical3A_1816, %add3A_1858] : memref<512x128xf32, #tpu.memory_space<vmem>>[vector<16xi32>, vector<16xi32>], vector<16xf32>,
          %broadcast_in_dim3A_1860 = arith.constant 5 : i32
          %broadcast_in_dim3A_1861 = vector.broadcast %broadcast_in_dim3A_1860 : i32 to vector<16xi32>
          tpu.vector_store_idx %arg7[%broadcast_in_dim3A_1861, %add3A_1825], %gather3A_1859 : memref<16x256xf32, #tpu.memory_space<vmem>>[vector<16xi32>, vector<16xi32>], vector<16xf32>,
          %add3A_1862 = arith.constant 6 : i32
          %add3A_1863 = vector.broadcast %add3A_1862 : i32 to vector<16xi32>
          %add3A_1864 = arith.addi %mul3A_1822, %add3A_1863 : vector<16xi32>
          %gather3A_1865 = tpu.vector_load_idx %arg5[%shift_right_logical3A_1816, %add3A_1864] : memref<512x128xf32, #tpu.memory_space<vmem>>[vector<16xi32>, vector<16xi32>], vector<16xf32>,
          %broadcast_in_dim3A_1866 = arith.constant 6 : i32
          %broadcast_in_dim3A_1867 = vector.broadcast %broadcast_in_dim3A_1866 : i32 to vector<16xi32>
          tpu.vector_store_idx %arg7[%broadcast_in_dim3A_1867, %add3A_1825], %gather3A_1865 : memref<16x256xf32, #tpu.memory_space<vmem>>[vector<16xi32>, vector<16xi32>], vector<16xf32>,
          %add3A_1868 = arith.constant 7 : i32
          %add3A_1869 = vector.broadcast %add3A_1868 : i32 to vector<16xi32>
          %add3A_1870 = arith.addi %mul3A_1822, %add3A_1869 : vector<16xi32>
          %gather3A_1871 = tpu.vector_load_idx %arg5[%shift_right_logical3A_1816, %add3A_1870] : memref<512x128xf32, #tpu.memory_space<vmem>>[vector<16xi32>, vector<16xi32>], vector<16xf32>,
          %broadcast_in_dim3A_1872 = arith.constant 7 : i32
          %broadcast_in_dim3A_1873 = vector.broadcast %broadcast_in_dim3A_1872 : i32 to vector<16xi32>
          tpu.vector_store_idx %arg7[%broadcast_in_dim3A_1873, %add3A_1825], %gather3A_1871 : memref<16x256xf32, #tpu.memory_space<vmem>>[vector<16xi32>, vector<16xi32>], vector<16xf32>,
          %add3A_1874 = arith.constant 8 : i32
          %add3A_1875 = vector.broadcast %add3A_1874 : i32 to vector<16xi32>
          %add3A_1876 = arith.addi %mul3A_1822, %add3A_1875 : vector<16xi32>
          %gather3A_1877 = tpu.vector_load_idx %arg5[%shift_right_logical3A_1816, %add3A_1876] : memref<512x128xf32, #tpu.memory_space<vmem>>[vector<16xi32>, vector<16xi32>], vector<16xf32>,
          %broadcast_in_dim3A_1878 = arith.constant 8 : i32
          %broadcast_in_dim3A_1879 = vector.broadcast %broadcast_in_dim3A_1878 : i32 to vector<16xi32>
          tpu.vector_store_idx %arg7[%broadcast_in_dim3A_1879, %add3A_1825], %gather3A_1877 : memref<16x256xf32, #tpu.memory_space<vmem>>[vector<16xi32>, vector<16xi32>], vector<16xf32>,
          %add3A_1880 = arith.constant 9 : i32
          %add3A_1881 = vector.broadcast %add3A_1880 : i32 to vector<16xi32>
          %add3A_1882 = arith.addi %mul3A_1822, %add3A_1881 : vector<16xi32>
          %gather3A_1883 = tpu.vector_load_idx %arg5[%shift_right_logical3A_1816, %add3A_1882] : memref<512x128xf32, #tpu.memory_space<vmem>>[vector<16xi32>, vector<16xi32>], vector<16xf32>,
          %broadcast_in_dim3A_1884 = arith.constant 9 : i32
          %broadcast_in_dim3A_1885 = vector.broadcast %broadcast_in_dim3A_1884 : i32 to vector<16xi32>
          tpu.vector_store_idx %arg7[%broadcast_in_dim3A_1885, %add3A_1825], %gather3A_1883 : memref<16x256xf32, #tpu.memory_space<vmem>>[vector<16xi32>, vector<16xi32>], vector<16xf32>,
          %add3A_1886 = arith.constant 10 : i32
          %add3A_1887 = vector.broadcast %add3A_1886 : i32 to vector<16xi32>
          %add3A_1888 = arith.addi %mul3A_1822, %add3A_1887 : vector<16xi32>
          %gather3A_1889 = tpu.vector_load_idx %arg5[%shift_right_logical3A_1816, %add3A_1888] : memref<512x128xf32, #tpu.memory_space<vmem>>[vector<16xi32>, vector<16xi32>], vector<16xf32>,
          %broadcast_in_dim3A_1890 = arith.constant 10 : i32
          %broadcast_in_dim3A_1891 = vector.broadcast %broadcast_in_dim3A_1890 : i32 to vector<16xi32>
          tpu.vector_store_idx %arg7[%broadcast_in_dim3A_1891, %add3A_1825], %gather3A_1889 : memref<16x256xf32, #tpu.memory_space<vmem>>[vector<16xi32>, vector<16xi32>], vector<16xf32>,
          %add3A_1892 = arith.constant 11 : i32
          %add3A_1893 = vector.broadcast %add3A_1892 : i32 to vector<16xi32>
          %add3A_1894 = arith.addi %mul3A_1822, %add3A_1893 : vector<16xi32>
          %gather3A_1895 = tpu.vector_load_idx %arg5[%shift_right_logical3A_1816, %add3A_1894] : memref<512x128xf32, #tpu.memory_space<vmem>>[vector<16xi32>, vector<16xi32>], vector<16xf32>,
          %broadcast_in_dim3A_1896 = arith.constant 11 : i32
          %broadcast_in_dim3A_1897 = vector.broadcast %broadcast_in_dim3A_1896 : i32 to vector<16xi32>
          tpu.vector_store_idx %arg7[%broadcast_in_dim3A_1897, %add3A_1825], %gather3A_1895 : memref<16x256xf32, #tpu.memory_space<vmem>>[vector<16xi32>, vector<16xi32>], vector<16xf32>,
          %add3A_1898 = arith.constant 12 : i32
          %add3A_1899 = vector.broadcast %add3A_1898 : i32 to vector<16xi32>
          %add3A_1900 = arith.addi %mul3A_1822, %add3A_1899 : vector<16xi32>
          %gather3A_1901 = tpu.vector_load_idx %arg5[%shift_right_logical3A_1816, %add3A_1900] : memref<512x128xf32, #tpu.memory_space<vmem>>[vector<16xi32>, vector<16xi32>], vector<16xf32>,
          %broadcast_in_dim3A_1902 = arith.constant 12 : i32
          %broadcast_in_dim3A_1903 = vector.broadcast %broadcast_in_dim3A_1902 : i32 to vector<16xi32>
          tpu.vector_store_idx %arg7[%broadcast_in_dim3A_1903, %add3A_1825], %gather3A_1901 : memref<16x256xf32, #tpu.memory_space<vmem>>[vector<16xi32>, vector<16xi32>], vector<16xf32>,
          %add3A_1904 = arith.constant 13 : i32
          %add3A_1905 = vector.broadcast %add3A_1904 : i32 to vector<16xi32>
          %add3A_1906 = arith.addi %mul3A_1822, %add3A_1905 : vector<16xi32>
          %gather3A_1907 = tpu.vector_load_idx %arg5[%shift_right_logical3A_1816, %add3A_1906] : memref<512x128xf32, #tpu.memory_space<vmem>>[vector<16xi32>, vector<16xi32>], vector<16xf32>,
          %broadcast_in_dim3A_1908 = arith.constant 13 : i32
          %broadcast_in_dim3A_1909 = vector.broadcast %broadcast_in_dim3A_1908 : i32 to vector<16xi32>
          tpu.vector_store_idx %arg7[%broadcast_in_dim3A_1909, %add3A_1825], %gather3A_1907 : memref<16x256xf32, #tpu.memory_space<vmem>>[vector<16xi32>, vector<16xi32>], vector<16xf32>,
          %add3A_1910 = arith.constant 14 : i32
          %add3A_1911 = vector.broadcast %add3A_1910 : i32 to vector<16xi32>
          %add3A_1912 = arith.addi %mul3A_1822, %add3A_1911 : vector<16xi32>
          %gather3A_1913 = tpu.vector_load_idx %arg5[%shift_right_logical3A_1816, %add3A_1912] : memref<512x128xf32, #tpu.memory_space<vmem>>[vector<16xi32>, vector<16xi32>], vector<16xf32>,
          %broadcast_in_dim3A_1914 = arith.constant 14 : i32
          %broadcast_in_dim3A_1915 = vector.broadcast %broadcast_in_dim3A_1914 : i32 to vector<16xi32>
          tpu.vector_store_idx %arg7[%broadcast_in_dim3A_1915, %add3A_1825], %gather3A_1913 : memref<16x256xf32, #tpu.memory_space<vmem>>[vector<16xi32>, vector<16xi32>], vector<16xf32>,
          %add3A_1916 = arith.constant 15 : i32
          %add3A_1917 = vector.broadcast %add3A_1916 : i32 to vector<16xi32>
          %add3A_1918 = arith.addi %mul3A_1822, %add3A_1917 : vector<16xi32>
          %gather3A_1919 = tpu.vector_load_idx %arg5[%shift_right_logical3A_1816, %add3A_1918] : memref<512x128xf32, #tpu.memory_space<vmem>>[vector<16xi32>, vector<16xi32>], vector<16xf32>,
          %broadcast_in_dim3A_1920 = arith.constant 15 : i32
          %broadcast_in_dim3A_1921 = vector.broadcast %broadcast_in_dim3A_1920 : i32 to vector<16xi32>
          tpu.vector_store_idx %arg7[%broadcast_in_dim3A_1921, %add3A_1825], %gather3A_1919 : memref<16x256xf32, #tpu.memory_space<vmem>>[vector<16xi32>, vector<16xi32>], vector<16xf32>,
          %mul3A_1922 = arith.constant 12288 : i32
          %mul3A_1923 = arith.muli %add3A_24, %mul3A_1922 : i32
          %mul3A_1924 = arith.constant 3072 : i32
          %mul3A_1925 = arith.muli %add3A_9, %mul3A_1924 : i32
          %add3A_1926 = arith.addi %mul3A_1923, %mul3A_1925 : i32
          %mul3A_1927 = arith.constant 256 : i32
          %mul3A_1928 = arith.muli %add3A_39, %mul3A_1927 : i32
          %add3A_1929 = arith.addi %add3A_1926, %mul3A_1928 : i32
          "tpu.region"() ({
            %run_scoped3A = tpu.sem_alloc : memref<!tpu.dma_semaphore, #tpu.memory_space<semaphore_mem>>
            %dma_start3A = arith.constant 0 : i32
            %dma_start3A_1930 = tpu.memref_slice %arg4[%dma_start3A, %add3A_1929] : memref<16x786432xf32, #tpu.memory_space<hbm>> -> memref<16x256xf32, #tpu.memory_space<hbm>>
            %dma_start3A_1931 = arith.constant 0 : i32
            %dma_start3A_1932 = tpu.memref_slice %arg4[%dma_start3A_1931, %add3A_1929] : memref<16x786432xf32, #tpu.memory_space<hbm>> -> memref<16x256xf32, #tpu.memory_space<hbm>>
            tpu.enqueue_dma source(%arg7 : memref<16x256xf32, #tpu.memory_space<vmem>>) target(%dma_start3A_1932 : memref<16x256xf32, #tpu.memory_space<hbm>>) target_semaphore(%run_scoped3A : memref<!tpu.dma_semaphore, #tpu.memory_space<semaphore_mem>>)
            %dma_wait3A = arith.constant 0 : i32
            %dma_wait3A_1933 = tpu.memref_slice %arg4[%dma_wait3A, %add3A_1929] : memref<16x786432xf32, #tpu.memory_space<hbm>> -> memref<16x256xf32, #tpu.memory_space<hbm>>
            %dma_wait3A_1934 = arith.constant 0 : i32
            %dma_wait3A_1935 = tpu.memref_slice %arg4[%dma_wait3A_1934, %add3A_1929] : memref<16x786432xf32, #tpu.memory_space<hbm>> -> memref<16x256xf32, #tpu.memory_space<hbm>>
            tpu.wait_dma2 semaphore(%run_scoped3A : memref<!tpu.dma_semaphore, #tpu.memory_space<semaphore_mem>>) src(%arg7 : memref<16x256xf32, #tpu.memory_space<vmem>>) dst(%dma_wait3A_1935 : memref<16x256xf32, #tpu.memory_space<hbm>>)
            tpu.yield
          }) : () -> ()
        }
        %scan3A_34 = arith.constant 12 : i32
      }
      %scan3A_16 = arith.constant 2 : i32
    }
    %scan3A_4 = arith.constant 4 : i32
    return
  }
}

module attributes {stable_mosaic.version = 14 : i64} {
  func.func @_topk_body(%arg0: i32, %arg1: i32, %arg2: memref<256x3xf32, #tpu.memory_space<vmem>>, %arg3: memref<1x3x4096xf32, #tpu.memory_space<vmem>>, %arg4: memref<64x256xf32, #tpu.memory_space<vmem>>, %arg5: memref<1x256x64xi32, #tpu.memory_space<vmem>>, %arg6: memref<64x256xi32, #tpu.memory_space<vmem>>, %arg7: memref<256x4096xf32, #tpu.memory_space<vmem>>) attributes {dimension_semantics = [#tpu.dimension_semantics<arbitrary>, #tpu.dimension_semantics<arbitrary>], iteration_bounds = array<i64: 4, 12>, scalar_prefetch = 0 : i64, scratch_operands = 1 : i64, tpu.core_type = #tpu.core_type<tc>, window_params = [{transform_indices = @transform_0, window_bounds = array<i64: 256, 3>}, {transform_indices = @transform_1, window_bounds = array<i64: 1, 3, 4096>}, {transform_indices = @transform_2, window_bounds = array<i64: 64, 256>}, {transform_indices = @transform_3, window_bounds = array<i64: 1, 256, 64>}, {transform_indices = @transform_4, window_bounds = array<i64: 64, 256>}]} {
    %get3A = arith.constant 0 : index
    %get3A_0 = arith.constant 0 : index
    %get3A_1 = vector.load %arg2[%get3A, %get3A_0] : memref<256x3xf32, #tpu.memory_space<vmem>>, vector<256x3xf32>
    %get3A_2 = arith.constant 0 : index
    %get3A_3 = arith.constant 0 : index
    %get3A_4 = arith.constant 0 : index
    %get3A_5 = vector.load %arg3[%get3A_2, %get3A_3, %get3A_4] : memref<1x3x4096xf32, #tpu.memory_space<vmem>>, vector<1x3x4096xf32>
    %get3A_6 = vector.shape_cast %get3A_5 : vector<1x3x4096xf32> to vector<3x4096xf32>
    %dot_general3A = arith.constant dense<0.000000e+00> : vector<256x4096xf32>
    %dot_general3A_7 = tpu.matmul %get3A_1, %get3A_6, %dot_general3A {dimension_numbers = #tpu.dot_dimension_numbers<[1], [0], [0], [1], [0, 0, 1, 1], [], []>, transpose_lhs_hint = false} : vector<256x3xf32>, vector<3x4096xf32>, vector<256x4096xf32> -> vector<256x4096xf32>
    %jit3A = arith.constant -1.000000e+00 : f32
    %jit3A_8 = arith.constant 1.000000e+00 : f32
    %max3A = vector.broadcast %jit3A : f32 to vector<256x4096xf32>
    %max3A_9 = arith.maximumf %max3A, %dot_general3A_7 : vector<256x4096xf32>
    %min3A = vector.broadcast %jit3A_8 : f32 to vector<256x4096xf32>
    %min3A_10 = arith.minimumf %min3A, %max3A_9 : vector<256x4096xf32>
    %swap3A = arith.constant 0 : index
    %swap3A_11 = arith.constant 0 : index
    %swap3A_12 = vector.load %arg7[%swap3A, %swap3A_11] : memref<256x4096xf32, #tpu.memory_space<vmem>>, vector<256x4096xf32>
    tpu.vector_store %arg7[%swap3A, %swap3A_11], %min3A_10 {strides = array<i32>} : memref<256x4096xf32, #tpu.memory_space<vmem>>, vector<256x4096xf32>,
    %iota3A = tpu.iota {dimensions = array<i32: 1>} : vector<256x4096xi32>
    %iota3A_13 = tpu.iota {dimensions = array<i32: 1>} : vector<256x64xi32>
    %broadcast_in_dim3A = arith.constant 0.000000e+00 : f32
    %broadcast_in_dim3A_14 = vector.broadcast %broadcast_in_dim3A : f32 to vector<256x64xf32>
    %broadcast_in_dim3A_15 = arith.constant 0 : i32
    %broadcast_in_dim3A_16 = vector.broadcast %broadcast_in_dim3A_15 : i32 to vector<256x64xi32>
    %scan3A = arith.constant 0 : i32
    %scan3A_17 = arith.constant 64 : i32
    %scan3A_18 = arith.addi %scan3A, %scan3A_17 : i32
    %scan3A_19 = arith.constant 1 : i32
    %scan3A_20:2 = scf.for %scan3A_37 = %scan3A to %scan3A_18 step %scan3A_19 iter_args(%scan3A_38 = %broadcast_in_dim3A_14, %scan3A_39 = %broadcast_in_dim3A_16) -> (vector<256x64xf32>, vector<256x64xi32>)  : i32 {
      %get3A_40 = arith.constant 0 : index
      %get3A_41 = arith.constant 0 : index
      %get3A_42 = vector.load %arg7[%get3A_40, %get3A_41] : memref<256x4096xf32, #tpu.memory_space<vmem>>, vector<256x4096xf32>
      %reduce_max3A = arith.constant dense<0xFF800000> : vector<256xf32>
      %reduce_max3A_43 = vector.multi_reduction <maximumf>, %get3A_42, %reduce_max3A [1] : vector<256x4096xf32> to vector<256xf32>
      %broadcast_in_dim3A_44 = vector.shape_cast %reduce_max3A_43 : vector<256xf32> to vector<256x1xf32>
      %get3A_45 = arith.constant 0 : index
      %get3A_46 = arith.constant 0 : index
      %get3A_47 = vector.load %arg7[%get3A_45, %get3A_46] : memref<256x4096xf32, #tpu.memory_space<vmem>>, vector<256x4096xf32>
      %eq3A = vector.broadcast %broadcast_in_dim3A_44 : vector<256x1xf32> to vector<256x4096xf32>
      %eq3A_48 = arith.cmpf oeq, %get3A_47, %eq3A : vector<256x4096xf32>
      %jit3A_49 = arith.constant 4096 : i32
      %broadcast_in_dim3A_50 = vector.broadcast %jit3A_49 : i32 to vector<256x4096xi32>
      %select_n3A = arith.select %eq3A_48, %iota3A, %broadcast_in_dim3A_50 : vector<256x4096xi1>, vector<256x4096xi32>
      %reduce_min3A = arith.constant dense<2147483647> : vector<256xi32>
      %reduce_min3A_51 = vector.multi_reduction <minsi>, %select_n3A, %reduce_min3A [1] : vector<256x4096xi32> to vector<256xi32>
      %broadcast_in_dim3A_52 = vector.shape_cast %reduce_min3A_51 : vector<256xi32> to vector<256x1xi32>
      %eq3A_53 = vector.broadcast %scan3A_37 : i32 to vector<256x64xi32>
      %eq3A_54 = arith.cmpi eq, %iota3A_13, %eq3A_53 : vector<256x64xi32>
      %broadcast_in_dim3A_55 = vector.shape_cast %broadcast_in_dim3A_44 : vector<256x1xf32> to vector<256x1xf32>
      %broadcast_in_dim3A_56 = vector.broadcast %broadcast_in_dim3A_55 : vector<256x1xf32> to vector<256x64xf32>
      %select_n3A_57 = arith.select %eq3A_54, %broadcast_in_dim3A_56, %scan3A_38 : vector<256x64xi1>, vector<256x64xf32>
      %eq3A_58 = vector.broadcast %scan3A_37 : i32 to vector<256x64xi32>
      %eq3A_59 = arith.cmpi eq, %iota3A_13, %eq3A_58 : vector<256x64xi32>
      %broadcast_in_dim3A_60 = vector.shape_cast %broadcast_in_dim3A_52 : vector<256x1xi32> to vector<256x1xi32>
      %broadcast_in_dim3A_61 = vector.broadcast %broadcast_in_dim3A_60 : vector<256x1xi32> to vector<256x64xi32>
      %select_n3A_62 = arith.select %eq3A_59, %broadcast_in_dim3A_61, %scan3A_39 : vector<256x64xi1>, vector<256x64xi32>
      %eq3A_63 = vector.broadcast %broadcast_in_dim3A_52 : vector<256x1xi32> to vector<256x4096xi32>
      %eq3A_64 = arith.cmpi eq, %iota3A, %eq3A_63 : vector<256x4096xi32>
      %get3A_65 = arith.constant 0 : index
      %get3A_66 = arith.constant 0 : index
      %get3A_67 = vector.load %arg7[%get3A_65, %get3A_66] : memref<256x4096xf32, #tpu.memory_space<vmem>>, vector<256x4096xf32>
      %jit3A_68 = arith.constant -2.000000e+00 : f32
      %broadcast_in_dim3A_69 = vector.broadcast %jit3A_68 : f32 to vector<256x4096xf32>
      %select_n3A_70 = arith.select %eq3A_64, %broadcast_in_dim3A_69, %get3A_67 : vector<256x4096xi1>, vector<256x4096xf32>
      %swap3A_71 = arith.constant 0 : index
      %swap3A_72 = arith.constant 0 : index
      %swap3A_73 = vector.load %arg7[%swap3A_71, %swap3A_72] : memref<256x4096xf32, #tpu.memory_space<vmem>>, vector<256x4096xf32>
      tpu.vector_store %arg7[%swap3A_71, %swap3A_72], %select_n3A_70 {strides = array<i32>} : memref<256x4096xf32, #tpu.memory_space<vmem>>, vector<256x4096xf32>,
      scf.yield %select_n3A_57, %select_n3A_62 : vector<256x64xf32>, vector<256x64xi32>
    }
    %scan3A_21 = arith.constant 64 : i32
    %transpose3A = tpu.transpose %scan3A_20#0, [1, 0] : vector<256x64xf32> -> vector<64x256xf32>
    %swap3A_22 = arith.constant 0 : index
    %swap3A_23 = arith.constant 0 : index
    %swap3A_24 = vector.load %arg4[%swap3A_22, %swap3A_23] : memref<64x256xf32, #tpu.memory_space<vmem>>, vector<64x256xf32>
    tpu.vector_store %arg4[%swap3A_22, %swap3A_23], %transpose3A {strides = array<i32>} : memref<64x256xf32, #tpu.memory_space<vmem>>, vector<64x256xf32>,
    %swap3A_25 = arith.constant 0 : index
    %swap3A_26 = arith.constant 0 : index
    %swap3A_27 = arith.constant 0 : index
    %swap3A_28 = vector.load %arg5[%swap3A_25, %swap3A_26, %swap3A_27] : memref<1x256x64xi32, #tpu.memory_space<vmem>>, vector<1x256x64xi32>
    %swap3A_29 = vector.shape_cast %swap3A_28 : vector<1x256x64xi32> to vector<256x64xi32>
    %swap3A_30 = vector.shape_cast %scan3A_20#1 : vector<256x64xi32> to vector<1x256x64xi32>
    tpu.vector_store %arg5[%swap3A_25, %swap3A_26, %swap3A_27], %swap3A_30 {strides = array<i32>} : memref<1x256x64xi32, #tpu.memory_space<vmem>>, vector<1x256x64xi32>,
    %mul3A = arith.constant 4096 : i32
    %mul3A_31 = arith.muli %arg0, %mul3A : i32
    %add3A = vector.broadcast %mul3A_31 : i32 to vector<256x64xi32>
    %add3A_32 = arith.addi %scan3A_20#1, %add3A : vector<256x64xi32>
    %transpose3A_33 = tpu.transpose %add3A_32, [1, 0] : vector<256x64xi32> -> vector<64x256xi32>
    %swap3A_34 = arith.constant 0 : index
    %swap3A_35 = arith.constant 0 : index
    %swap3A_36 = vector.load %arg6[%swap3A_34, %swap3A_35] : memref<64x256xi32, #tpu.memory_space<vmem>>, vector<64x256xi32>
    tpu.vector_store %arg6[%swap3A_34, %swap3A_35], %transpose3A_33 {strides = array<i32>} : memref<64x256xi32, #tpu.memory_space<vmem>>, vector<64x256xi32>,
    return
  }
  func.func @transform_0(%arg0: i32, %arg1: i32) -> (i32, i32) {
    %c0_i32 = arith.constant 0 : i32
    %c0_i32_0 = arith.constant 0 : i32
    return %arg1, %c0_i32 : i32, i32
  }
  func.func @transform_1(%arg0: i32, %arg1: i32) -> (i32, i32, i32) {
    %c0_i32 = arith.constant 0 : i32
    %c0_i32_0 = arith.constant 0 : i32
    %c0_i32_1 = arith.constant 0 : i32
    return %arg0, %c0_i32, %c0_i32_0 : i32, i32, i32
  }
  func.func @transform_2(%arg0: i32, %arg1: i32) -> (i32, i32) {
    %mul3A = arith.constant 12 : i32
    %mul3A_0 = arith.muli %arg0, %mul3A : i32
    %add3A = arith.addi %mul3A_0, %arg1 : i32
    %c0_i32 = arith.constant 0 : i32
    %c0_i32_1 = arith.constant 0 : i32
    return %c0_i32, %add3A : i32, i32
  }
  func.func @transform_3(%arg0: i32, %arg1: i32) -> (i32, i32, i32) {
    %c0_i32 = arith.constant 0 : i32
    %c0_i32_0 = arith.constant 0 : i32
    return %arg0, %arg1, %c0_i32 : i32, i32, i32
  }
  func.func @transform_4(%arg0: i32, %arg1: i32) -> (i32, i32) {
    %mul3A = arith.constant 12 : i32
    %mul3A_0 = arith.muli %arg0, %mul3A : i32
    %add3A = arith.addi %mul3A_0, %arg1 : i32
    %c0_i32 = arith.constant 0 : i32
    %c0_i32_1 = arith.constant 0 : i32
    return %c0_i32, %add3A : i32, i32
  }
}

module attributes {stable_mosaic.version = 14 : i64} {
  func.func @_mlp_body(%arg0: i32, %arg1: memref<16x64x256xf32, #tpu.memory_space<vmem>>, %arg2: memref<64x256xf32, #tpu.memory_space<vmem>>, %arg3: memref<64x16xf32, #tpu.memory_space<vmem>>, %arg4: memref<64x1xf32, #tpu.memory_space<vmem>>, %arg5: memref<64x1xf32, #tpu.memory_space<vmem>>, %arg6: memref<64x1xf32, #tpu.memory_space<vmem>>, %arg7: memref<1x1xf32, #tpu.memory_space<vmem>>, %arg8: memref<256x16xf32, #tpu.memory_space<vmem>>, %arg9: memref<64x256xf32, #tpu.memory_space<vmem>>) attributes {dimension_semantics = [#tpu.dimension_semantics<arbitrary>], iteration_bounds = array<i64: 48>, scalar_prefetch = 0 : i64, scratch_operands = 1 : i64, tpu.core_type = #tpu.core_type<tc>, window_params = [{transform_indices = @transform_0, window_bounds = array<i64: 16, 64, 256>}, {transform_indices = @transform_1, window_bounds = array<i64: 64, 256>}, {pipeline_mode = #tpu.pipeline_mode<synchronous>, transform_indices = @transform_2, window_bounds = array<i64: 64, 16>}, {pipeline_mode = #tpu.pipeline_mode<synchronous>, transform_indices = @transform_3, window_bounds = array<i64: 64, 1>}, {pipeline_mode = #tpu.pipeline_mode<synchronous>, transform_indices = @transform_4, window_bounds = array<i64: 64, 1>}, {pipeline_mode = #tpu.pipeline_mode<synchronous>, transform_indices = @transform_5, window_bounds = array<i64: 64, 1>}, {pipeline_mode = #tpu.pipeline_mode<synchronous>, transform_indices = @transform_6, window_bounds = array<i64: 1, 1>}, {transform_indices = @transform_7, window_bounds = array<i64: 256, 16>}]} {
    %get3A = arith.constant 0 : index
    %get3A_0 = arith.constant 0 : index
    %get3A_1 = vector.load %arg2[%get3A, %get3A_0] : memref<64x256xf32, #tpu.memory_space<vmem>>, vector<64x256xf32>
    %jit3A = arith.constant -1.000000e+00 : f32
    %jit3A_2 = arith.constant 1.000000e+00 : f32
    %max3A = vector.broadcast %jit3A : f32 to vector<64x256xf32>
    %max3A_3 = arith.maximumf %max3A, %get3A_1 : vector<64x256xf32>
    %min3A = vector.broadcast %jit3A_2 : f32 to vector<64x256xf32>
    %min3A_4 = arith.minimumf %min3A, %max3A_3 : vector<64x256xf32>
    %abs3A = math.absf %min3A_4 : vector<64x256xf32>
    %mul3A = arith.constant -0.0012624911 : f32
    %mul3A_5 = vector.broadcast %mul3A : f32 to vector<64x256xf32>
    %mul3A_6 = arith.mulf %mul3A_5, %abs3A : vector<64x256xf32>
    %add3A = arith.constant 6.670090e-03 : f32
    %add3A_7 = vector.broadcast %add3A : f32 to vector<64x256xf32>
    %add3A_8 = arith.addf %mul3A_6, %add3A_7 : vector<64x256xf32>
    %mul3A_9 = arith.mulf %add3A_8, %abs3A : vector<64x256xf32>
    %add3A_10 = arith.constant -0.0170881264 : f32
    %add3A_11 = vector.broadcast %add3A_10 : f32 to vector<64x256xf32>
    %add3A_12 = arith.addf %mul3A_9, %add3A_11 : vector<64x256xf32>
    %mul3A_13 = arith.mulf %add3A_12, %abs3A : vector<64x256xf32>
    %add3A_14 = arith.constant 0.0308918804 : f32
    %add3A_15 = vector.broadcast %add3A_14 : f32 to vector<64x256xf32>
    %add3A_16 = arith.addf %mul3A_13, %add3A_15 : vector<64x256xf32>
    %mul3A_17 = arith.mulf %add3A_16, %abs3A : vector<64x256xf32>
    %add3A_18 = arith.constant -0.0501743034 : f32
    %add3A_19 = vector.broadcast %add3A_18 : f32 to vector<64x256xf32>
    %add3A_20 = arith.addf %mul3A_17, %add3A_19 : vector<64x256xf32>
    %mul3A_21 = arith.mulf %add3A_20, %abs3A : vector<64x256xf32>
    %add3A_22 = arith.constant 0.0889789909 : f32
    %add3A_23 = vector.broadcast %add3A_22 : f32 to vector<64x256xf32>
    %add3A_24 = arith.addf %mul3A_21, %add3A_23 : vector<64x256xf32>
    %mul3A_25 = arith.mulf %add3A_24, %abs3A : vector<64x256xf32>
    %add3A_26 = arith.constant -0.214598805 : f32
    %add3A_27 = vector.broadcast %add3A_26 : f32 to vector<64x256xf32>
    %add3A_28 = arith.addf %mul3A_25, %add3A_27 : vector<64x256xf32>
    %mul3A_29 = arith.mulf %add3A_28, %abs3A : vector<64x256xf32>
    %add3A_30 = arith.constant 1.57079625 : f32
    %add3A_31 = vector.broadcast %add3A_30 : f32 to vector<64x256xf32>
    %add3A_32 = arith.addf %mul3A_29, %add3A_31 : vector<64x256xf32>
    %sub3A = arith.constant 1.000000e+00 : f32
    %sub3A_33 = vector.broadcast %sub3A : f32 to vector<64x256xf32>
    %sub3A_34 = arith.subf %sub3A_33, %abs3A : vector<64x256xf32>
    %max3A_35 = arith.constant 0.000000e+00 : f32
    %max3A_36 = vector.broadcast %max3A_35 : f32 to vector<64x256xf32>
    %max3A_37 = arith.maximumf %sub3A_34, %max3A_36 : vector<64x256xf32>
    %sqrt3A = math.sqrt %max3A_37 : vector<64x256xf32>
    %mul3A_38 = arith.mulf %sqrt3A, %add3A_32 : vector<64x256xf32>
    %lt3A = arith.constant 0.000000e+00 : f32
    %lt3A_39 = vector.broadcast %lt3A : f32 to vector<64x256xf32>
    %lt3A_40 = arith.cmpf olt, %min3A_4, %lt3A_39 : vector<64x256xf32>
    %sub3A_41 = arith.constant 3.14159274 : f32
    %sub3A_42 = vector.broadcast %sub3A_41 : f32 to vector<64x256xf32>
    %sub3A_43 = arith.subf %sub3A_42, %mul3A_38 : vector<64x256xf32>
    %select_n3A = arith.select %lt3A_40, %sub3A_43, %mul3A_38 : vector<64x256xi1>, vector<64x256xf32>
    %get3A_44 = arith.constant 0 : index
    %get3A_45 = arith.constant 0 : index
    %get3A_46 = vector.load %arg3[%get3A_44, %get3A_45] : memref<64x16xf32, #tpu.memory_space<vmem>>, vector<64x16xf32>
    %get3A_47 = arith.constant 0 : index
    %get3A_48 = arith.constant 0 : index
    %get3A_49 = vector.load %arg4[%get3A_47, %get3A_48] : memref<64x1xf32, #tpu.memory_space<vmem>>, vector<64x1xf32>
    %get3A_50 = arith.constant 0 : index
    %get3A_51 = arith.constant 0 : index
    %get3A_52 = vector.load %arg5[%get3A_50, %get3A_51] : memref<64x1xf32, #tpu.memory_space<vmem>>, vector<64x1xf32>
    %get3A_53 = arith.constant 0 : index
    %get3A_54 = arith.constant 0 : index
    %get3A_55 = vector.load %arg6[%get3A_53, %get3A_54] : memref<64x1xf32, #tpu.memory_space<vmem>>, vector<64x1xf32>
    %get3A_56 = arith.constant 0 : index
    %get3A_57 = arith.constant 0 : index
    %get3A_58 = arith.constant 0 : index
    %get3A_59 = vector.load %arg1[%get3A_56, %get3A_57, %get3A_58] : memref<16x64x256xf32, #tpu.memory_space<vmem>>, vector<16x1x256xf32>
    %get3A_60 = vector.shape_cast %get3A_59 : vector<16x1x256xf32> to vector<16x256xf32>
    %dot_general3A = arith.constant dense<0.000000e+00> : vector<64x256xf32>
    %dot_general3A_61 = tpu.matmul %get3A_46, %get3A_60, %dot_general3A {dimension_numbers = #tpu.dot_dimension_numbers<[1], [0], [0], [1], [0, 0, 1, 1], [], []>, transpose_lhs_hint = false} : vector<64x16xf32>, vector<16x256xf32>, vector<64x256xf32> -> vector<64x256xf32>
    %slice3A = vector.extract_strided_slice %select_n3A {offsets = [0, 0], sizes = [1, 256], strides = [1, 1]} : vector<64x256xf32> to vector<1x256xf32>
    %mul3A_62 = vector.broadcast %get3A_49 : vector<64x1xf32> to vector<64x256xf32>
    %mul3A_63 = vector.broadcast %slice3A : vector<1x256xf32> to vector<64x256xf32>
    %mul3A_64 = arith.mulf %mul3A_62, %mul3A_63 : vector<64x256xf32>
    %add3A_65 = arith.addf %dot_general3A_61, %mul3A_64 : vector<64x256xf32>
    %add3A_66 = vector.broadcast %get3A_52 : vector<64x1xf32> to vector<64x256xf32>
    %add3A_67 = arith.addf %add3A_65, %add3A_66 : vector<64x256xf32>
    %max3A_68 = arith.constant 0.000000e+00 : f32
    %max3A_69 = vector.broadcast %max3A_68 : f32 to vector<64x256xf32>
    %max3A_70 = arith.maximumf %add3A_67, %max3A_69 : vector<64x256xf32>
    %mul3A_71 = vector.broadcast %get3A_55 : vector<64x1xf32> to vector<64x256xf32>
    %mul3A_72 = arith.mulf %max3A_70, %mul3A_71 : vector<64x256xf32>
    %reduce_sum3A = arith.constant dense<0.000000e+00> : vector<256xf32>
    %reduce_sum3A_73 = vector.multi_reduction <add>, %mul3A_72, %reduce_sum3A [0] : vector<64x256xf32> to vector<256xf32>
    %broadcast_in_dim3A = vector.shape_cast %reduce_sum3A_73 : vector<256xf32> to vector<1x256xf32>
    %swap3A = arith.constant 0 : index
    %swap3A_74 = arith.constant 0 : index
    %swap3A_75 = vector.load %arg9[%swap3A, %swap3A_74] : memref<64x256xf32, #tpu.memory_space<vmem>>, vector<1x256xf32>
    tpu.vector_store %arg9[%swap3A, %swap3A_74], %broadcast_in_dim3A {strides = array<i32>} : memref<64x256xf32, #tpu.memory_space<vmem>>, vector<1x256xf32>,
    %get3A_76 = arith.constant 0 : index
    %get3A_77 = arith.constant 1 : index
    %get3A_78 = arith.constant 0 : index
    %get3A_79 = vector.load %arg1[%get3A_76, %get3A_77, %get3A_78] : memref<16x64x256xf32, #tpu.memory_space<vmem>>, vector<16x1x256xf32>
    %get3A_80 = vector.shape_cast %get3A_79 : vector<16x1x256xf32> to vector<16x256xf32>
    %dot_general3A_81 = arith.constant dense<0.000000e+00> : vector<64x256xf32>
    %dot_general3A_82 = tpu.matmul %get3A_46, %get3A_80, %dot_general3A_81 {dimension_numbers = #tpu.dot_dimension_numbers<[1], [0], [0], [1], [0, 0, 1, 1], [], []>, transpose_lhs_hint = false} : vector<64x16xf32>, vector<16x256xf32>, vector<64x256xf32> -> vector<64x256xf32>
    %slice3A_83 = vector.extract_strided_slice %select_n3A {offsets = [1, 0], sizes = [1, 256], strides = [1, 1]} : vector<64x256xf32> to vector<1x256xf32>
    %mul3A_84 = vector.broadcast %get3A_49 : vector<64x1xf32> to vector<64x256xf32>
    %mul3A_85 = vector.broadcast %slice3A_83 : vector<1x256xf32> to vector<64x256xf32>
    %mul3A_86 = arith.mulf %mul3A_84, %mul3A_85 : vector<64x256xf32>
    %add3A_87 = arith.addf %dot_general3A_82, %mul3A_86 : vector<64x256xf32>
    %add3A_88 = vector.broadcast %get3A_52 : vector<64x1xf32> to vector<64x256xf32>
    %add3A_89 = arith.addf %add3A_87, %add3A_88 : vector<64x256xf32>
    %max3A_90 = arith.constant 0.000000e+00 : f32
    %max3A_91 = vector.broadcast %max3A_90 : f32 to vector<64x256xf32>
    %max3A_92 = arith.maximumf %add3A_89, %max3A_91 : vector<64x256xf32>
    %mul3A_93 = vector.broadcast %get3A_55 : vector<64x1xf32> to vector<64x256xf32>
    %mul3A_94 = arith.mulf %max3A_92, %mul3A_93 : vector<64x256xf32>
    %reduce_sum3A_95 = arith.constant dense<0.000000e+00> : vector<256xf32>
    %reduce_sum3A_96 = vector.multi_reduction <add>, %mul3A_94, %reduce_sum3A_95 [0] : vector<64x256xf32> to vector<256xf32>
    %broadcast_in_dim3A_97 = vector.shape_cast %reduce_sum3A_96 : vector<256xf32> to vector<1x256xf32>
    %swap3A_98 = arith.constant 1 : index
    %swap3A_99 = arith.constant 0 : index
    %swap3A_100 = vector.load %arg9[%swap3A_98, %swap3A_99] : memref<64x256xf32, #tpu.memory_space<vmem>>, vector<1x256xf32>
    tpu.vector_store %arg9[%swap3A_98, %swap3A_99], %broadcast_in_dim3A_97 {strides = array<i32>} : memref<64x256xf32, #tpu.memory_space<vmem>>, vector<1x256xf32>,
    %get3A_101 = arith.constant 0 : index
    %get3A_102 = arith.constant 2 : index
    %get3A_103 = arith.constant 0 : index
    %get3A_104 = vector.load %arg1[%get3A_101, %get3A_102, %get3A_103] : memref<16x64x256xf32, #tpu.memory_space<vmem>>, vector<16x1x256xf32>
    %get3A_105 = vector.shape_cast %get3A_104 : vector<16x1x256xf32> to vector<16x256xf32>
    %dot_general3A_106 = arith.constant dense<0.000000e+00> : vector<64x256xf32>
    %dot_general3A_107 = tpu.matmul %get3A_46, %get3A_105, %dot_general3A_106 {dimension_numbers = #tpu.dot_dimension_numbers<[1], [0], [0], [1], [0, 0, 1, 1], [], []>, transpose_lhs_hint = false} : vector<64x16xf32>, vector<16x256xf32>, vector<64x256xf32> -> vector<64x256xf32>
    %slice3A_108 = vector.extract_strided_slice %select_n3A {offsets = [2, 0], sizes = [1, 256], strides = [1, 1]} : vector<64x256xf32> to vector<1x256xf32>
    %mul3A_109 = vector.broadcast %get3A_49 : vector<64x1xf32> to vector<64x256xf32>
    %mul3A_110 = vector.broadcast %slice3A_108 : vector<1x256xf32> to vector<64x256xf32>
    %mul3A_111 = arith.mulf %mul3A_109, %mul3A_110 : vector<64x256xf32>
    %add3A_112 = arith.addf %dot_general3A_107, %mul3A_111 : vector<64x256xf32>
    %add3A_113 = vector.broadcast %get3A_52 : vector<64x1xf32> to vector<64x256xf32>
    %add3A_114 = arith.addf %add3A_112, %add3A_113 : vector<64x256xf32>
    %max3A_115 = arith.constant 0.000000e+00 : f32
    %max3A_116 = vector.broadcast %max3A_115 : f32 to vector<64x256xf32>
    %max3A_117 = arith.maximumf %add3A_114, %max3A_116 : vector<64x256xf32>
    %mul3A_118 = vector.broadcast %get3A_55 : vector<64x1xf32> to vector<64x256xf32>
    %mul3A_119 = arith.mulf %max3A_117, %mul3A_118 : vector<64x256xf32>
    %reduce_sum3A_120 = arith.constant dense<0.000000e+00> : vector<256xf32>
    %reduce_sum3A_121 = vector.multi_reduction <add>, %mul3A_119, %reduce_sum3A_120 [0] : vector<64x256xf32> to vector<256xf32>
    %broadcast_in_dim3A_122 = vector.shape_cast %reduce_sum3A_121 : vector<256xf32> to vector<1x256xf32>
    %swap3A_123 = arith.constant 2 : index
    %swap3A_124 = arith.constant 0 : index
    %swap3A_125 = vector.load %arg9[%swap3A_123, %swap3A_124] : memref<64x256xf32, #tpu.memory_space<vmem>>, vector<1x256xf32>
    tpu.vector_store %arg9[%swap3A_123, %swap3A_124], %broadcast_in_dim3A_122 {strides = array<i32>} : memref<64x256xf32, #tpu.memory_space<vmem>>, vector<1x256xf32>,
    %get3A_126 = arith.constant 0 : index
    %get3A_127 = arith.constant 3 : index
    %get3A_128 = arith.constant 0 : index
    %get3A_129 = vector.load %arg1[%get3A_126, %get3A_127, %get3A_128] : memref<16x64x256xf32, #tpu.memory_space<vmem>>, vector<16x1x256xf32>
    %get3A_130 = vector.shape_cast %get3A_129 : vector<16x1x256xf32> to vector<16x256xf32>
    %dot_general3A_131 = arith.constant dense<0.000000e+00> : vector<64x256xf32>
    %dot_general3A_132 = tpu.matmul %get3A_46, %get3A_130, %dot_general3A_131 {dimension_numbers = #tpu.dot_dimension_numbers<[1], [0], [0], [1], [0, 0, 1, 1], [], []>, transpose_lhs_hint = false} : vector<64x16xf32>, vector<16x256xf32>, vector<64x256xf32> -> vector<64x256xf32>
    %slice3A_133 = vector.extract_strided_slice %select_n3A {offsets = [3, 0], sizes = [1, 256], strides = [1, 1]} : vector<64x256xf32> to vector<1x256xf32>
    %mul3A_134 = vector.broadcast %get3A_49 : vector<64x1xf32> to vector<64x256xf32>
    %mul3A_135 = vector.broadcast %slice3A_133 : vector<1x256xf32> to vector<64x256xf32>
    %mul3A_136 = arith.mulf %mul3A_134, %mul3A_135 : vector<64x256xf32>
    %add3A_137 = arith.addf %dot_general3A_132, %mul3A_136 : vector<64x256xf32>
    %add3A_138 = vector.broadcast %get3A_52 : vector<64x1xf32> to vector<64x256xf32>
    %add3A_139 = arith.addf %add3A_137, %add3A_138 : vector<64x256xf32>
    %max3A_140 = arith.constant 0.000000e+00 : f32
    %max3A_141 = vector.broadcast %max3A_140 : f32 to vector<64x256xf32>
    %max3A_142 = arith.maximumf %add3A_139, %max3A_141 : vector<64x256xf32>
    %mul3A_143 = vector.broadcast %get3A_55 : vector<64x1xf32> to vector<64x256xf32>
    %mul3A_144 = arith.mulf %max3A_142, %mul3A_143 : vector<64x256xf32>
    %reduce_sum3A_145 = arith.constant dense<0.000000e+00> : vector<256xf32>
    %reduce_sum3A_146 = vector.multi_reduction <add>, %mul3A_144, %reduce_sum3A_145 [0] : vector<64x256xf32> to vector<256xf32>
    %broadcast_in_dim3A_147 = vector.shape_cast %reduce_sum3A_146 : vector<256xf32> to vector<1x256xf32>
    %swap3A_148 = arith.constant 3 : index
    %swap3A_149 = arith.constant 0 : index
    %swap3A_150 = vector.load %arg9[%swap3A_148, %swap3A_149] : memref<64x256xf32, #tpu.memory_space<vmem>>, vector<1x256xf32>
    tpu.vector_store %arg9[%swap3A_148, %swap3A_149], %broadcast_in_dim3A_147 {strides = array<i32>} : memref<64x256xf32, #tpu.memory_space<vmem>>, vector<1x256xf32>,
    %get3A_151 = arith.constant 0 : index
    %get3A_152 = arith.constant 4 : index
    %get3A_153 = arith.constant 0 : index
    %get3A_154 = vector.load %arg1[%get3A_151, %get3A_152, %get3A_153] : memref<16x64x256xf32, #tpu.memory_space<vmem>>, vector<16x1x256xf32>
    %get3A_155 = vector.shape_cast %get3A_154 : vector<16x1x256xf32> to vector<16x256xf32>
    %dot_general3A_156 = arith.constant dense<0.000000e+00> : vector<64x256xf32>
    %dot_general3A_157 = tpu.matmul %get3A_46, %get3A_155, %dot_general3A_156 {dimension_numbers = #tpu.dot_dimension_numbers<[1], [0], [0], [1], [0, 0, 1, 1], [], []>, transpose_lhs_hint = false} : vector<64x16xf32>, vector<16x256xf32>, vector<64x256xf32> -> vector<64x256xf32>
    %slice3A_158 = vector.extract_strided_slice %select_n3A {offsets = [4, 0], sizes = [1, 256], strides = [1, 1]} : vector<64x256xf32> to vector<1x256xf32>
    %mul3A_159 = vector.broadcast %get3A_49 : vector<64x1xf32> to vector<64x256xf32>
    %mul3A_160 = vector.broadcast %slice3A_158 : vector<1x256xf32> to vector<64x256xf32>
    %mul3A_161 = arith.mulf %mul3A_159, %mul3A_160 : vector<64x256xf32>
    %add3A_162 = arith.addf %dot_general3A_157, %mul3A_161 : vector<64x256xf32>
    %add3A_163 = vector.broadcast %get3A_52 : vector<64x1xf32> to vector<64x256xf32>
    %add3A_164 = arith.addf %add3A_162, %add3A_163 : vector<64x256xf32>
    %max3A_165 = arith.constant 0.000000e+00 : f32
    %max3A_166 = vector.broadcast %max3A_165 : f32 to vector<64x256xf32>
    %max3A_167 = arith.maximumf %add3A_164, %max3A_166 : vector<64x256xf32>
    %mul3A_168 = vector.broadcast %get3A_55 : vector<64x1xf32> to vector<64x256xf32>
    %mul3A_169 = arith.mulf %max3A_167, %mul3A_168 : vector<64x256xf32>
    %reduce_sum3A_170 = arith.constant dense<0.000000e+00> : vector<256xf32>
    %reduce_sum3A_171 = vector.multi_reduction <add>, %mul3A_169, %reduce_sum3A_170 [0] : vector<64x256xf32> to vector<256xf32>
    %broadcast_in_dim3A_172 = vector.shape_cast %reduce_sum3A_171 : vector<256xf32> to vector<1x256xf32>
    %swap3A_173 = arith.constant 4 : index
    %swap3A_174 = arith.constant 0 : index
    %swap3A_175 = vector.load %arg9[%swap3A_173, %swap3A_174] : memref<64x256xf32, #tpu.memory_space<vmem>>, vector<1x256xf32>
    tpu.vector_store %arg9[%swap3A_173, %swap3A_174], %broadcast_in_dim3A_172 {strides = array<i32>} : memref<64x256xf32, #tpu.memory_space<vmem>>, vector<1x256xf32>,
    %get3A_176 = arith.constant 0 : index
    %get3A_177 = arith.constant 5 : index
    %get3A_178 = arith.constant 0 : index
    %get3A_179 = vector.load %arg1[%get3A_176, %get3A_177, %get3A_178] : memref<16x64x256xf32, #tpu.memory_space<vmem>>, vector<16x1x256xf32>
    %get3A_180 = vector.shape_cast %get3A_179 : vector<16x1x256xf32> to vector<16x256xf32>
    %dot_general3A_181 = arith.constant dense<0.000000e+00> : vector<64x256xf32>
    %dot_general3A_182 = tpu.matmul %get3A_46, %get3A_180, %dot_general3A_181 {dimension_numbers = #tpu.dot_dimension_numbers<[1], [0], [0], [1], [0, 0, 1, 1], [], []>, transpose_lhs_hint = false} : vector<64x16xf32>, vector<16x256xf32>, vector<64x256xf32> -> vector<64x256xf32>
    %slice3A_183 = vector.extract_strided_slice %select_n3A {offsets = [5, 0], sizes = [1, 256], strides = [1, 1]} : vector<64x256xf32> to vector<1x256xf32>
    %mul3A_184 = vector.broadcast %get3A_49 : vector<64x1xf32> to vector<64x256xf32>
    %mul3A_185 = vector.broadcast %slice3A_183 : vector<1x256xf32> to vector<64x256xf32>
    %mul3A_186 = arith.mulf %mul3A_184, %mul3A_185 : vector<64x256xf32>
    %add3A_187 = arith.addf %dot_general3A_182, %mul3A_186 : vector<64x256xf32>
    %add3A_188 = vector.broadcast %get3A_52 : vector<64x1xf32> to vector<64x256xf32>
    %add3A_189 = arith.addf %add3A_187, %add3A_188 : vector<64x256xf32>
    %max3A_190 = arith.constant 0.000000e+00 : f32
    %max3A_191 = vector.broadcast %max3A_190 : f32 to vector<64x256xf32>
    %max3A_192 = arith.maximumf %add3A_189, %max3A_191 : vector<64x256xf32>
    %mul3A_193 = vector.broadcast %get3A_55 : vector<64x1xf32> to vector<64x256xf32>
    %mul3A_194 = arith.mulf %max3A_192, %mul3A_193 : vector<64x256xf32>
    %reduce_sum3A_195 = arith.constant dense<0.000000e+00> : vector<256xf32>
    %reduce_sum3A_196 = vector.multi_reduction <add>, %mul3A_194, %reduce_sum3A_195 [0] : vector<64x256xf32> to vector<256xf32>
    %broadcast_in_dim3A_197 = vector.shape_cast %reduce_sum3A_196 : vector<256xf32> to vector<1x256xf32>
    %swap3A_198 = arith.constant 5 : index
    %swap3A_199 = arith.constant 0 : index
    %swap3A_200 = vector.load %arg9[%swap3A_198, %swap3A_199] : memref<64x256xf32, #tpu.memory_space<vmem>>, vector<1x256xf32>
    tpu.vector_store %arg9[%swap3A_198, %swap3A_199], %broadcast_in_dim3A_197 {strides = array<i32>} : memref<64x256xf32, #tpu.memory_space<vmem>>, vector<1x256xf32>,
    %get3A_201 = arith.constant 0 : index
    %get3A_202 = arith.constant 6 : index
    %get3A_203 = arith.constant 0 : index
    %get3A_204 = vector.load %arg1[%get3A_201, %get3A_202, %get3A_203] : memref<16x64x256xf32, #tpu.memory_space<vmem>>, vector<16x1x256xf32>
    %get3A_205 = vector.shape_cast %get3A_204 : vector<16x1x256xf32> to vector<16x256xf32>
    %dot_general3A_206 = arith.constant dense<0.000000e+00> : vector<64x256xf32>
    %dot_general3A_207 = tpu.matmul %get3A_46, %get3A_205, %dot_general3A_206 {dimension_numbers = #tpu.dot_dimension_numbers<[1], [0], [0], [1], [0, 0, 1, 1], [], []>, transpose_lhs_hint = false} : vector<64x16xf32>, vector<16x256xf32>, vector<64x256xf32> -> vector<64x256xf32>
    %slice3A_208 = vector.extract_strided_slice %select_n3A {offsets = [6, 0], sizes = [1, 256], strides = [1, 1]} : vector<64x256xf32> to vector<1x256xf32>
    %mul3A_209 = vector.broadcast %get3A_49 : vector<64x1xf32> to vector<64x256xf32>
    %mul3A_210 = vector.broadcast %slice3A_208 : vector<1x256xf32> to vector<64x256xf32>
    %mul3A_211 = arith.mulf %mul3A_209, %mul3A_210 : vector<64x256xf32>
    %add3A_212 = arith.addf %dot_general3A_207, %mul3A_211 : vector<64x256xf32>
    %add3A_213 = vector.broadcast %get3A_52 : vector<64x1xf32> to vector<64x256xf32>
    %add3A_214 = arith.addf %add3A_212, %add3A_213 : vector<64x256xf32>
    %max3A_215 = arith.constant 0.000000e+00 : f32
    %max3A_216 = vector.broadcast %max3A_215 : f32 to vector<64x256xf32>
    %max3A_217 = arith.maximumf %add3A_214, %max3A_216 : vector<64x256xf32>
    %mul3A_218 = vector.broadcast %get3A_55 : vector<64x1xf32> to vector<64x256xf32>
    %mul3A_219 = arith.mulf %max3A_217, %mul3A_218 : vector<64x256xf32>
    %reduce_sum3A_220 = arith.constant dense<0.000000e+00> : vector<256xf32>
    %reduce_sum3A_221 = vector.multi_reduction <add>, %mul3A_219, %reduce_sum3A_220 [0] : vector<64x256xf32> to vector<256xf32>
    %broadcast_in_dim3A_222 = vector.shape_cast %reduce_sum3A_221 : vector<256xf32> to vector<1x256xf32>
    %swap3A_223 = arith.constant 6 : index
    %swap3A_224 = arith.constant 0 : index
    %swap3A_225 = vector.load %arg9[%swap3A_223, %swap3A_224] : memref<64x256xf32, #tpu.memory_space<vmem>>, vector<1x256xf32>
    tpu.vector_store %arg9[%swap3A_223, %swap3A_224], %broadcast_in_dim3A_222 {strides = array<i32>} : memref<64x256xf32, #tpu.memory_space<vmem>>, vector<1x256xf32>,
    %get3A_226 = arith.constant 0 : index
    %get3A_227 = arith.constant 7 : index
    %get3A_228 = arith.constant 0 : index
    %get3A_229 = vector.load %arg1[%get3A_226, %get3A_227, %get3A_228] : memref<16x64x256xf32, #tpu.memory_space<vmem>>, vector<16x1x256xf32>
    %get3A_230 = vector.shape_cast %get3A_229 : vector<16x1x256xf32> to vector<16x256xf32>
    %dot_general3A_231 = arith.constant dense<0.000000e+00> : vector<64x256xf32>
    %dot_general3A_232 = tpu.matmul %get3A_46, %get3A_230, %dot_general3A_231 {dimension_numbers = #tpu.dot_dimension_numbers<[1], [0], [0], [1], [0, 0, 1, 1], [], []>, transpose_lhs_hint = false} : vector<64x16xf32>, vector<16x256xf32>, vector<64x256xf32> -> vector<64x256xf32>
    %slice3A_233 = vector.extract_strided_slice %select_n3A {offsets = [7, 0], sizes = [1, 256], strides = [1, 1]} : vector<64x256xf32> to vector<1x256xf32>
    %mul3A_234 = vector.broadcast %get3A_49 : vector<64x1xf32> to vector<64x256xf32>
    %mul3A_235 = vector.broadcast %slice3A_233 : vector<1x256xf32> to vector<64x256xf32>
    %mul3A_236 = arith.mulf %mul3A_234, %mul3A_235 : vector<64x256xf32>
    %add3A_237 = arith.addf %dot_general3A_232, %mul3A_236 : vector<64x256xf32>
    %add3A_238 = vector.broadcast %get3A_52 : vector<64x1xf32> to vector<64x256xf32>
    %add3A_239 = arith.addf %add3A_237, %add3A_238 : vector<64x256xf32>
    %max3A_240 = arith.constant 0.000000e+00 : f32
    %max3A_241 = vector.broadcast %max3A_240 : f32 to vector<64x256xf32>
    %max3A_242 = arith.maximumf %add3A_239, %max3A_241 : vector<64x256xf32>
    %mul3A_243 = vector.broadcast %get3A_55 : vector<64x1xf32> to vector<64x256xf32>
    %mul3A_244 = arith.mulf %max3A_242, %mul3A_243 : vector<64x256xf32>
    %reduce_sum3A_245 = arith.constant dense<0.000000e+00> : vector<256xf32>
    %reduce_sum3A_246 = vector.multi_reduction <add>, %mul3A_244, %reduce_sum3A_245 [0] : vector<64x256xf32> to vector<256xf32>
    %broadcast_in_dim3A_247 = vector.shape_cast %reduce_sum3A_246 : vector<256xf32> to vector<1x256xf32>
    %swap3A_248 = arith.constant 7 : index
    %swap3A_249 = arith.constant 0 : index
    %swap3A_250 = vector.load %arg9[%swap3A_248, %swap3A_249] : memref<64x256xf32, #tpu.memory_space<vmem>>, vector<1x256xf32>
    tpu.vector_store %arg9[%swap3A_248, %swap3A_249], %broadcast_in_dim3A_247 {strides = array<i32>} : memref<64x256xf32, #tpu.memory_space<vmem>>, vector<1x256xf32>,
    %get3A_251 = arith.constant 0 : index
    %get3A_252 = arith.constant 8 : index
    %get3A_253 = arith.constant 0 : index
    %get3A_254 = vector.load %arg1[%get3A_251, %get3A_252, %get3A_253] : memref<16x64x256xf32, #tpu.memory_space<vmem>>, vector<16x1x256xf32>
    %get3A_255 = vector.shape_cast %get3A_254 : vector<16x1x256xf32> to vector<16x256xf32>
    %dot_general3A_256 = arith.constant dense<0.000000e+00> : vector<64x256xf32>
    %dot_general3A_257 = tpu.matmul %get3A_46, %get3A_255, %dot_general3A_256 {dimension_numbers = #tpu.dot_dimension_numbers<[1], [0], [0], [1], [0, 0, 1, 1], [], []>, transpose_lhs_hint = false} : vector<64x16xf32>, vector<16x256xf32>, vector<64x256xf32> -> vector<64x256xf32>
    %slice3A_258 = vector.extract_strided_slice %select_n3A {offsets = [8, 0], sizes = [1, 256], strides = [1, 1]} : vector<64x256xf32> to vector<1x256xf32>
    %mul3A_259 = vector.broadcast %get3A_49 : vector<64x1xf32> to vector<64x256xf32>
    %mul3A_260 = vector.broadcast %slice3A_258 : vector<1x256xf32> to vector<64x256xf32>
    %mul3A_261 = arith.mulf %mul3A_259, %mul3A_260 : vector<64x256xf32>
    %add3A_262 = arith.addf %dot_general3A_257, %mul3A_261 : vector<64x256xf32>
    %add3A_263 = vector.broadcast %get3A_52 : vector<64x1xf32> to vector<64x256xf32>
    %add3A_264 = arith.addf %add3A_262, %add3A_263 : vector<64x256xf32>
    %max3A_265 = arith.constant 0.000000e+00 : f32
    %max3A_266 = vector.broadcast %max3A_265 : f32 to vector<64x256xf32>
    %max3A_267 = arith.maximumf %add3A_264, %max3A_266 : vector<64x256xf32>
    %mul3A_268 = vector.broadcast %get3A_55 : vector<64x1xf32> to vector<64x256xf32>
    %mul3A_269 = arith.mulf %max3A_267, %mul3A_268 : vector<64x256xf32>
    %reduce_sum3A_270 = arith.constant dense<0.000000e+00> : vector<256xf32>
    %reduce_sum3A_271 = vector.multi_reduction <add>, %mul3A_269, %reduce_sum3A_270 [0] : vector<64x256xf32> to vector<256xf32>
    %broadcast_in_dim3A_272 = vector.shape_cast %reduce_sum3A_271 : vector<256xf32> to vector<1x256xf32>
    %swap3A_273 = arith.constant 8 : index
    %swap3A_274 = arith.constant 0 : index
    %swap3A_275 = vector.load %arg9[%swap3A_273, %swap3A_274] : memref<64x256xf32, #tpu.memory_space<vmem>>, vector<1x256xf32>
    tpu.vector_store %arg9[%swap3A_273, %swap3A_274], %broadcast_in_dim3A_272 {strides = array<i32>} : memref<64x256xf32, #tpu.memory_space<vmem>>, vector<1x256xf32>,
    %get3A_276 = arith.constant 0 : index
    %get3A_277 = arith.constant 9 : index
    %get3A_278 = arith.constant 0 : index
    %get3A_279 = vector.load %arg1[%get3A_276, %get3A_277, %get3A_278] : memref<16x64x256xf32, #tpu.memory_space<vmem>>, vector<16x1x256xf32>
    %get3A_280 = vector.shape_cast %get3A_279 : vector<16x1x256xf32> to vector<16x256xf32>
    %dot_general3A_281 = arith.constant dense<0.000000e+00> : vector<64x256xf32>
    %dot_general3A_282 = tpu.matmul %get3A_46, %get3A_280, %dot_general3A_281 {dimension_numbers = #tpu.dot_dimension_numbers<[1], [0], [0], [1], [0, 0, 1, 1], [], []>, transpose_lhs_hint = false} : vector<64x16xf32>, vector<16x256xf32>, vector<64x256xf32> -> vector<64x256xf32>
    %slice3A_283 = vector.extract_strided_slice %select_n3A {offsets = [9, 0], sizes = [1, 256], strides = [1, 1]} : vector<64x256xf32> to vector<1x256xf32>
    %mul3A_284 = vector.broadcast %get3A_49 : vector<64x1xf32> to vector<64x256xf32>
    %mul3A_285 = vector.broadcast %slice3A_283 : vector<1x256xf32> to vector<64x256xf32>
    %mul3A_286 = arith.mulf %mul3A_284, %mul3A_285 : vector<64x256xf32>
    %add3A_287 = arith.addf %dot_general3A_282, %mul3A_286 : vector<64x256xf32>
    %add3A_288 = vector.broadcast %get3A_52 : vector<64x1xf32> to vector<64x256xf32>
    %add3A_289 = arith.addf %add3A_287, %add3A_288 : vector<64x256xf32>
    %max3A_290 = arith.constant 0.000000e+00 : f32
    %max3A_291 = vector.broadcast %max3A_290 : f32 to vector<64x256xf32>
    %max3A_292 = arith.maximumf %add3A_289, %max3A_291 : vector<64x256xf32>
    %mul3A_293 = vector.broadcast %get3A_55 : vector<64x1xf32> to vector<64x256xf32>
    %mul3A_294 = arith.mulf %max3A_292, %mul3A_293 : vector<64x256xf32>
    %reduce_sum3A_295 = arith.constant dense<0.000000e+00> : vector<256xf32>
    %reduce_sum3A_296 = vector.multi_reduction <add>, %mul3A_294, %reduce_sum3A_295 [0] : vector<64x256xf32> to vector<256xf32>
    %broadcast_in_dim3A_297 = vector.shape_cast %reduce_sum3A_296 : vector<256xf32> to vector<1x256xf32>
    %swap3A_298 = arith.constant 9 : index
    %swap3A_299 = arith.constant 0 : index
    %swap3A_300 = vector.load %arg9[%swap3A_298, %swap3A_299] : memref<64x256xf32, #tpu.memory_space<vmem>>, vector<1x256xf32>
    tpu.vector_store %arg9[%swap3A_298, %swap3A_299], %broadcast_in_dim3A_297 {strides = array<i32>} : memref<64x256xf32, #tpu.memory_space<vmem>>, vector<1x256xf32>,
    %get3A_301 = arith.constant 0 : index
    %get3A_302 = arith.constant 10 : index
    %get3A_303 = arith.constant 0 : index
    %get3A_304 = vector.load %arg1[%get3A_301, %get3A_302, %get3A_303] : memref<16x64x256xf32, #tpu.memory_space<vmem>>, vector<16x1x256xf32>
    %get3A_305 = vector.shape_cast %get3A_304 : vector<16x1x256xf32> to vector<16x256xf32>
    %dot_general3A_306 = arith.constant dense<0.000000e+00> : vector<64x256xf32>
    %dot_general3A_307 = tpu.matmul %get3A_46, %get3A_305, %dot_general3A_306 {dimension_numbers = #tpu.dot_dimension_numbers<[1], [0], [0], [1], [0, 0, 1, 1], [], []>, transpose_lhs_hint = false} : vector<64x16xf32>, vector<16x256xf32>, vector<64x256xf32> -> vector<64x256xf32>
    %slice3A_308 = vector.extract_strided_slice %select_n3A {offsets = [10, 0], sizes = [1, 256], strides = [1, 1]} : vector<64x256xf32> to vector<1x256xf32>
    %mul3A_309 = vector.broadcast %get3A_49 : vector<64x1xf32> to vector<64x256xf32>
    %mul3A_310 = vector.broadcast %slice3A_308 : vector<1x256xf32> to vector<64x256xf32>
    %mul3A_311 = arith.mulf %mul3A_309, %mul3A_310 : vector<64x256xf32>
    %add3A_312 = arith.addf %dot_general3A_307, %mul3A_311 : vector<64x256xf32>
    %add3A_313 = vector.broadcast %get3A_52 : vector<64x1xf32> to vector<64x256xf32>
    %add3A_314 = arith.addf %add3A_312, %add3A_313 : vector<64x256xf32>
    %max3A_315 = arith.constant 0.000000e+00 : f32
    %max3A_316 = vector.broadcast %max3A_315 : f32 to vector<64x256xf32>
    %max3A_317 = arith.maximumf %add3A_314, %max3A_316 : vector<64x256xf32>
    %mul3A_318 = vector.broadcast %get3A_55 : vector<64x1xf32> to vector<64x256xf32>
    %mul3A_319 = arith.mulf %max3A_317, %mul3A_318 : vector<64x256xf32>
    %reduce_sum3A_320 = arith.constant dense<0.000000e+00> : vector<256xf32>
    %reduce_sum3A_321 = vector.multi_reduction <add>, %mul3A_319, %reduce_sum3A_320 [0] : vector<64x256xf32> to vector<256xf32>
    %broadcast_in_dim3A_322 = vector.shape_cast %reduce_sum3A_321 : vector<256xf32> to vector<1x256xf32>
    %swap3A_323 = arith.constant 10 : index
    %swap3A_324 = arith.constant 0 : index
    %swap3A_325 = vector.load %arg9[%swap3A_323, %swap3A_324] : memref<64x256xf32, #tpu.memory_space<vmem>>, vector<1x256xf32>
    tpu.vector_store %arg9[%swap3A_323, %swap3A_324], %broadcast_in_dim3A_322 {strides = array<i32>} : memref<64x256xf32, #tpu.memory_space<vmem>>, vector<1x256xf32>,
    %get3A_326 = arith.constant 0 : index
    %get3A_327 = arith.constant 11 : index
    %get3A_328 = arith.constant 0 : index
    %get3A_329 = vector.load %arg1[%get3A_326, %get3A_327, %get3A_328] : memref<16x64x256xf32, #tpu.memory_space<vmem>>, vector<16x1x256xf32>
    %get3A_330 = vector.shape_cast %get3A_329 : vector<16x1x256xf32> to vector<16x256xf32>
    %dot_general3A_331 = arith.constant dense<0.000000e+00> : vector<64x256xf32>
    %dot_general3A_332 = tpu.matmul %get3A_46, %get3A_330, %dot_general3A_331 {dimension_numbers = #tpu.dot_dimension_numbers<[1], [0], [0], [1], [0, 0, 1, 1], [], []>, transpose_lhs_hint = false} : vector<64x16xf32>, vector<16x256xf32>, vector<64x256xf32> -> vector<64x256xf32>
    %slice3A_333 = vector.extract_strided_slice %select_n3A {offsets = [11, 0], sizes = [1, 256], strides = [1, 1]} : vector<64x256xf32> to vector<1x256xf32>
    %mul3A_334 = vector.broadcast %get3A_49 : vector<64x1xf32> to vector<64x256xf32>
    %mul3A_335 = vector.broadcast %slice3A_333 : vector<1x256xf32> to vector<64x256xf32>
    %mul3A_336 = arith.mulf %mul3A_334, %mul3A_335 : vector<64x256xf32>
    %add3A_337 = arith.addf %dot_general3A_332, %mul3A_336 : vector<64x256xf32>
    %add3A_338 = vector.broadcast %get3A_52 : vector<64x1xf32> to vector<64x256xf32>
    %add3A_339 = arith.addf %add3A_337, %add3A_338 : vector<64x256xf32>
    %max3A_340 = arith.constant 0.000000e+00 : f32
    %max3A_341 = vector.broadcast %max3A_340 : f32 to vector<64x256xf32>
    %max3A_342 = arith.maximumf %add3A_339, %max3A_341 : vector<64x256xf32>
    %mul3A_343 = vector.broadcast %get3A_55 : vector<64x1xf32> to vector<64x256xf32>
    %mul3A_344 = arith.mulf %max3A_342, %mul3A_343 : vector<64x256xf32>
    %reduce_sum3A_345 = arith.constant dense<0.000000e+00> : vector<256xf32>
    %reduce_sum3A_346 = vector.multi_reduction <add>, %mul3A_344, %reduce_sum3A_345 [0] : vector<64x256xf32> to vector<256xf32>
    %broadcast_in_dim3A_347 = vector.shape_cast %reduce_sum3A_346 : vector<256xf32> to vector<1x256xf32>
    %swap3A_348 = arith.constant 11 : index
    %swap3A_349 = arith.constant 0 : index
    %swap3A_350 = vector.load %arg9[%swap3A_348, %swap3A_349] : memref<64x256xf32, #tpu.memory_space<vmem>>, vector<1x256xf32>
    tpu.vector_store %arg9[%swap3A_348, %swap3A_349], %broadcast_in_dim3A_347 {strides = array<i32>} : memref<64x256xf32, #tpu.memory_space<vmem>>, vector<1x256xf32>,
    %get3A_351 = arith.constant 0 : index
    %get3A_352 = arith.constant 12 : index
    %get3A_353 = arith.constant 0 : index
    %get3A_354 = vector.load %arg1[%get3A_351, %get3A_352, %get3A_353] : memref<16x64x256xf32, #tpu.memory_space<vmem>>, vector<16x1x256xf32>
    %get3A_355 = vector.shape_cast %get3A_354 : vector<16x1x256xf32> to vector<16x256xf32>
    %dot_general3A_356 = arith.constant dense<0.000000e+00> : vector<64x256xf32>
    %dot_general3A_357 = tpu.matmul %get3A_46, %get3A_355, %dot_general3A_356 {dimension_numbers = #tpu.dot_dimension_numbers<[1], [0], [0], [1], [0, 0, 1, 1], [], []>, transpose_lhs_hint = false} : vector<64x16xf32>, vector<16x256xf32>, vector<64x256xf32> -> vector<64x256xf32>
    %slice3A_358 = vector.extract_strided_slice %select_n3A {offsets = [12, 0], sizes = [1, 256], strides = [1, 1]} : vector<64x256xf32> to vector<1x256xf32>
    %mul3A_359 = vector.broadcast %get3A_49 : vector<64x1xf32> to vector<64x256xf32>
    %mul3A_360 = vector.broadcast %slice3A_358 : vector<1x256xf32> to vector<64x256xf32>
    %mul3A_361 = arith.mulf %mul3A_359, %mul3A_360 : vector<64x256xf32>
    %add3A_362 = arith.addf %dot_general3A_357, %mul3A_361 : vector<64x256xf32>
    %add3A_363 = vector.broadcast %get3A_52 : vector<64x1xf32> to vector<64x256xf32>
    %add3A_364 = arith.addf %add3A_362, %add3A_363 : vector<64x256xf32>
    %max3A_365 = arith.constant 0.000000e+00 : f32
    %max3A_366 = vector.broadcast %max3A_365 : f32 to vector<64x256xf32>
    %max3A_367 = arith.maximumf %add3A_364, %max3A_366 : vector<64x256xf32>
    %mul3A_368 = vector.broadcast %get3A_55 : vector<64x1xf32> to vector<64x256xf32>
    %mul3A_369 = arith.mulf %max3A_367, %mul3A_368 : vector<64x256xf32>
    %reduce_sum3A_370 = arith.constant dense<0.000000e+00> : vector<256xf32>
    %reduce_sum3A_371 = vector.multi_reduction <add>, %mul3A_369, %reduce_sum3A_370 [0] : vector<64x256xf32> to vector<256xf32>
    %broadcast_in_dim3A_372 = vector.shape_cast %reduce_sum3A_371 : vector<256xf32> to vector<1x256xf32>
    %swap3A_373 = arith.constant 12 : index
    %swap3A_374 = arith.constant 0 : index
    %swap3A_375 = vector.load %arg9[%swap3A_373, %swap3A_374] : memref<64x256xf32, #tpu.memory_space<vmem>>, vector<1x256xf32>
    tpu.vector_store %arg9[%swap3A_373, %swap3A_374], %broadcast_in_dim3A_372 {strides = array<i32>} : memref<64x256xf32, #tpu.memory_space<vmem>>, vector<1x256xf32>,
    %get3A_376 = arith.constant 0 : index
    %get3A_377 = arith.constant 13 : index
    %get3A_378 = arith.constant 0 : index
    %get3A_379 = vector.load %arg1[%get3A_376, %get3A_377, %get3A_378] : memref<16x64x256xf32, #tpu.memory_space<vmem>>, vector<16x1x256xf32>
    %get3A_380 = vector.shape_cast %get3A_379 : vector<16x1x256xf32> to vector<16x256xf32>
    %dot_general3A_381 = arith.constant dense<0.000000e+00> : vector<64x256xf32>
    %dot_general3A_382 = tpu.matmul %get3A_46, %get3A_380, %dot_general3A_381 {dimension_numbers = #tpu.dot_dimension_numbers<[1], [0], [0], [1], [0, 0, 1, 1], [], []>, transpose_lhs_hint = false} : vector<64x16xf32>, vector<16x256xf32>, vector<64x256xf32> -> vector<64x256xf32>
    %slice3A_383 = vector.extract_strided_slice %select_n3A {offsets = [13, 0], sizes = [1, 256], strides = [1, 1]} : vector<64x256xf32> to vector<1x256xf32>
    %mul3A_384 = vector.broadcast %get3A_49 : vector<64x1xf32> to vector<64x256xf32>
    %mul3A_385 = vector.broadcast %slice3A_383 : vector<1x256xf32> to vector<64x256xf32>
    %mul3A_386 = arith.mulf %mul3A_384, %mul3A_385 : vector<64x256xf32>
    %add3A_387 = arith.addf %dot_general3A_382, %mul3A_386 : vector<64x256xf32>
    %add3A_388 = vector.broadcast %get3A_52 : vector<64x1xf32> to vector<64x256xf32>
    %add3A_389 = arith.addf %add3A_387, %add3A_388 : vector<64x256xf32>
    %max3A_390 = arith.constant 0.000000e+00 : f32
    %max3A_391 = vector.broadcast %max3A_390 : f32 to vector<64x256xf32>
    %max3A_392 = arith.maximumf %add3A_389, %max3A_391 : vector<64x256xf32>
    %mul3A_393 = vector.broadcast %get3A_55 : vector<64x1xf32> to vector<64x256xf32>
    %mul3A_394 = arith.mulf %max3A_392, %mul3A_393 : vector<64x256xf32>
    %reduce_sum3A_395 = arith.constant dense<0.000000e+00> : vector<256xf32>
    %reduce_sum3A_396 = vector.multi_reduction <add>, %mul3A_394, %reduce_sum3A_395 [0] : vector<64x256xf32> to vector<256xf32>
    %broadcast_in_dim3A_397 = vector.shape_cast %reduce_sum3A_396 : vector<256xf32> to vector<1x256xf32>
    %swap3A_398 = arith.constant 13 : index
    %swap3A_399 = arith.constant 0 : index
    %swap3A_400 = vector.load %arg9[%swap3A_398, %swap3A_399] : memref<64x256xf32, #tpu.memory_space<vmem>>, vector<1x256xf32>
    tpu.vector_store %arg9[%swap3A_398, %swap3A_399], %broadcast_in_dim3A_397 {strides = array<i32>} : memref<64x256xf32, #tpu.memory_space<vmem>>, vector<1x256xf32>,
    %get3A_401 = arith.constant 0 : index
    %get3A_402 = arith.constant 14 : index
    %get3A_403 = arith.constant 0 : index
    %get3A_404 = vector.load %arg1[%get3A_401, %get3A_402, %get3A_403] : memref<16x64x256xf32, #tpu.memory_space<vmem>>, vector<16x1x256xf32>
    %get3A_405 = vector.shape_cast %get3A_404 : vector<16x1x256xf32> to vector<16x256xf32>
    %dot_general3A_406 = arith.constant dense<0.000000e+00> : vector<64x256xf32>
    %dot_general3A_407 = tpu.matmul %get3A_46, %get3A_405, %dot_general3A_406 {dimension_numbers = #tpu.dot_dimension_numbers<[1], [0], [0], [1], [0, 0, 1, 1], [], []>, transpose_lhs_hint = false} : vector<64x16xf32>, vector<16x256xf32>, vector<64x256xf32> -> vector<64x256xf32>
    %slice3A_408 = vector.extract_strided_slice %select_n3A {offsets = [14, 0], sizes = [1, 256], strides = [1, 1]} : vector<64x256xf32> to vector<1x256xf32>
    %mul3A_409 = vector.broadcast %get3A_49 : vector<64x1xf32> to vector<64x256xf32>
    %mul3A_410 = vector.broadcast %slice3A_408 : vector<1x256xf32> to vector<64x256xf32>
    %mul3A_411 = arith.mulf %mul3A_409, %mul3A_410 : vector<64x256xf32>
    %add3A_412 = arith.addf %dot_general3A_407, %mul3A_411 : vector<64x256xf32>
    %add3A_413 = vector.broadcast %get3A_52 : vector<64x1xf32> to vector<64x256xf32>
    %add3A_414 = arith.addf %add3A_412, %add3A_413 : vector<64x256xf32>
    %max3A_415 = arith.constant 0.000000e+00 : f32
    %max3A_416 = vector.broadcast %max3A_415 : f32 to vector<64x256xf32>
    %max3A_417 = arith.maximumf %add3A_414, %max3A_416 : vector<64x256xf32>
    %mul3A_418 = vector.broadcast %get3A_55 : vector<64x1xf32> to vector<64x256xf32>
    %mul3A_419 = arith.mulf %max3A_417, %mul3A_418 : vector<64x256xf32>
    %reduce_sum3A_420 = arith.constant dense<0.000000e+00> : vector<256xf32>
    %reduce_sum3A_421 = vector.multi_reduction <add>, %mul3A_419, %reduce_sum3A_420 [0] : vector<64x256xf32> to vector<256xf32>
    %broadcast_in_dim3A_422 = vector.shape_cast %reduce_sum3A_421 : vector<256xf32> to vector<1x256xf32>
    %swap3A_423 = arith.constant 14 : index
    %swap3A_424 = arith.constant 0 : index
    %swap3A_425 = vector.load %arg9[%swap3A_423, %swap3A_424] : memref<64x256xf32, #tpu.memory_space<vmem>>, vector<1x256xf32>
    tpu.vector_store %arg9[%swap3A_423, %swap3A_424], %broadcast_in_dim3A_422 {strides = array<i32>} : memref<64x256xf32, #tpu.memory_space<vmem>>, vector<1x256xf32>,
    %get3A_426 = arith.constant 0 : index
    %get3A_427 = arith.constant 15 : index
    %get3A_428 = arith.constant 0 : index
    %get3A_429 = vector.load %arg1[%get3A_426, %get3A_427, %get3A_428] : memref<16x64x256xf32, #tpu.memory_space<vmem>>, vector<16x1x256xf32>
    %get3A_430 = vector.shape_cast %get3A_429 : vector<16x1x256xf32> to vector<16x256xf32>
    %dot_general3A_431 = arith.constant dense<0.000000e+00> : vector<64x256xf32>
    %dot_general3A_432 = tpu.matmul %get3A_46, %get3A_430, %dot_general3A_431 {dimension_numbers = #tpu.dot_dimension_numbers<[1], [0], [0], [1], [0, 0, 1, 1], [], []>, transpose_lhs_hint = false} : vector<64x16xf32>, vector<16x256xf32>, vector<64x256xf32> -> vector<64x256xf32>
    %slice3A_433 = vector.extract_strided_slice %select_n3A {offsets = [15, 0], sizes = [1, 256], strides = [1, 1]} : vector<64x256xf32> to vector<1x256xf32>
    %mul3A_434 = vector.broadcast %get3A_49 : vector<64x1xf32> to vector<64x256xf32>
    %mul3A_435 = vector.broadcast %slice3A_433 : vector<1x256xf32> to vector<64x256xf32>
    %mul3A_436 = arith.mulf %mul3A_434, %mul3A_435 : vector<64x256xf32>
    %add3A_437 = arith.addf %dot_general3A_432, %mul3A_436 : vector<64x256xf32>
    %add3A_438 = vector.broadcast %get3A_52 : vector<64x1xf32> to vector<64x256xf32>
    %add3A_439 = arith.addf %add3A_437, %add3A_438 : vector<64x256xf32>
    %max3A_440 = arith.constant 0.000000e+00 : f32
    %max3A_441 = vector.broadcast %max3A_440 : f32 to vector<64x256xf32>
    %max3A_442 = arith.maximumf %add3A_439, %max3A_441 : vector<64x256xf32>
    %mul3A_443 = vector.broadcast %get3A_55 : vector<64x1xf32> to vector<64x256xf32>
    %mul3A_444 = arith.mulf %max3A_442, %mul3A_443 : vector<64x256xf32>
    %reduce_sum3A_445 = arith.constant dense<0.000000e+00> : vector<256xf32>
    %reduce_sum3A_446 = vector.multi_reduction <add>, %mul3A_444, %reduce_sum3A_445 [0] : vector<64x256xf32> to vector<256xf32>
    %broadcast_in_dim3A_447 = vector.shape_cast %reduce_sum3A_446 : vector<256xf32> to vector<1x256xf32>
    %swap3A_448 = arith.constant 15 : index
    %swap3A_449 = arith.constant 0 : index
    %swap3A_450 = vector.load %arg9[%swap3A_448, %swap3A_449] : memref<64x256xf32, #tpu.memory_space<vmem>>, vector<1x256xf32>
    tpu.vector_store %arg9[%swap3A_448, %swap3A_449], %broadcast_in_dim3A_447 {strides = array<i32>} : memref<64x256xf32, #tpu.memory_space<vmem>>, vector<1x256xf32>,
    %get3A_451 = arith.constant 0 : index
    %get3A_452 = arith.constant 16 : index
    %get3A_453 = arith.constant 0 : index
    %get3A_454 = vector.load %arg1[%get3A_451, %get3A_452, %get3A_453] : memref<16x64x256xf32, #tpu.memory_space<vmem>>, vector<16x1x256xf32>
    %get3A_455 = vector.shape_cast %get3A_454 : vector<16x1x256xf32> to vector<16x256xf32>
    %dot_general3A_456 = arith.constant dense<0.000000e+00> : vector<64x256xf32>
    %dot_general3A_457 = tpu.matmul %get3A_46, %get3A_455, %dot_general3A_456 {dimension_numbers = #tpu.dot_dimension_numbers<[1], [0], [0], [1], [0, 0, 1, 1], [], []>, transpose_lhs_hint = false} : vector<64x16xf32>, vector<16x256xf32>, vector<64x256xf32> -> vector<64x256xf32>
    %slice3A_458 = vector.extract_strided_slice %select_n3A {offsets = [16, 0], sizes = [1, 256], strides = [1, 1]} : vector<64x256xf32> to vector<1x256xf32>
    %mul3A_459 = vector.broadcast %get3A_49 : vector<64x1xf32> to vector<64x256xf32>
    %mul3A_460 = vector.broadcast %slice3A_458 : vector<1x256xf32> to vector<64x256xf32>
    %mul3A_461 = arith.mulf %mul3A_459, %mul3A_460 : vector<64x256xf32>
    %add3A_462 = arith.addf %dot_general3A_457, %mul3A_461 : vector<64x256xf32>
    %add3A_463 = vector.broadcast %get3A_52 : vector<64x1xf32> to vector<64x256xf32>
    %add3A_464 = arith.addf %add3A_462, %add3A_463 : vector<64x256xf32>
    %max3A_465 = arith.constant 0.000000e+00 : f32
    %max3A_466 = vector.broadcast %max3A_465 : f32 to vector<64x256xf32>
    %max3A_467 = arith.maximumf %add3A_464, %max3A_466 : vector<64x256xf32>
    %mul3A_468 = vector.broadcast %get3A_55 : vector<64x1xf32> to vector<64x256xf32>
    %mul3A_469 = arith.mulf %max3A_467, %mul3A_468 : vector<64x256xf32>
    %reduce_sum3A_470 = arith.constant dense<0.000000e+00> : vector<256xf32>
    %reduce_sum3A_471 = vector.multi_reduction <add>, %mul3A_469, %reduce_sum3A_470 [0] : vector<64x256xf32> to vector<256xf32>
    %broadcast_in_dim3A_472 = vector.shape_cast %reduce_sum3A_471 : vector<256xf32> to vector<1x256xf32>
    %swap3A_473 = arith.constant 16 : index
    %swap3A_474 = arith.constant 0 : index
    %swap3A_475 = vector.load %arg9[%swap3A_473, %swap3A_474] : memref<64x256xf32, #tpu.memory_space<vmem>>, vector<1x256xf32>
    tpu.vector_store %arg9[%swap3A_473, %swap3A_474], %broadcast_in_dim3A_472 {strides = array<i32>} : memref<64x256xf32, #tpu.memory_space<vmem>>, vector<1x256xf32>,
    %get3A_476 = arith.constant 0 : index
    %get3A_477 = arith.constant 17 : index
    %get3A_478 = arith.constant 0 : index
    %get3A_479 = vector.load %arg1[%get3A_476, %get3A_477, %get3A_478] : memref<16x64x256xf32, #tpu.memory_space<vmem>>, vector<16x1x256xf32>
    %get3A_480 = vector.shape_cast %get3A_479 : vector<16x1x256xf32> to vector<16x256xf32>
    %dot_general3A_481 = arith.constant dense<0.000000e+00> : vector<64x256xf32>
    %dot_general3A_482 = tpu.matmul %get3A_46, %get3A_480, %dot_general3A_481 {dimension_numbers = #tpu.dot_dimension_numbers<[1], [0], [0], [1], [0, 0, 1, 1], [], []>, transpose_lhs_hint = false} : vector<64x16xf32>, vector<16x256xf32>, vector<64x256xf32> -> vector<64x256xf32>
    %slice3A_483 = vector.extract_strided_slice %select_n3A {offsets = [17, 0], sizes = [1, 256], strides = [1, 1]} : vector<64x256xf32> to vector<1x256xf32>
    %mul3A_484 = vector.broadcast %get3A_49 : vector<64x1xf32> to vector<64x256xf32>
    %mul3A_485 = vector.broadcast %slice3A_483 : vector<1x256xf32> to vector<64x256xf32>
    %mul3A_486 = arith.mulf %mul3A_484, %mul3A_485 : vector<64x256xf32>
    %add3A_487 = arith.addf %dot_general3A_482, %mul3A_486 : vector<64x256xf32>
    %add3A_488 = vector.broadcast %get3A_52 : vector<64x1xf32> to vector<64x256xf32>
    %add3A_489 = arith.addf %add3A_487, %add3A_488 : vector<64x256xf32>
    %max3A_490 = arith.constant 0.000000e+00 : f32
    %max3A_491 = vector.broadcast %max3A_490 : f32 to vector<64x256xf32>
    %max3A_492 = arith.maximumf %add3A_489, %max3A_491 : vector<64x256xf32>
    %mul3A_493 = vector.broadcast %get3A_55 : vector<64x1xf32> to vector<64x256xf32>
    %mul3A_494 = arith.mulf %max3A_492, %mul3A_493 : vector<64x256xf32>
    %reduce_sum3A_495 = arith.constant dense<0.000000e+00> : vector<256xf32>
    %reduce_sum3A_496 = vector.multi_reduction <add>, %mul3A_494, %reduce_sum3A_495 [0] : vector<64x256xf32> to vector<256xf32>
    %broadcast_in_dim3A_497 = vector.shape_cast %reduce_sum3A_496 : vector<256xf32> to vector<1x256xf32>
    %swap3A_498 = arith.constant 17 : index
    %swap3A_499 = arith.constant 0 : index
    %swap3A_500 = vector.load %arg9[%swap3A_498, %swap3A_499] : memref<64x256xf32, #tpu.memory_space<vmem>>, vector<1x256xf32>
    tpu.vector_store %arg9[%swap3A_498, %swap3A_499], %broadcast_in_dim3A_497 {strides = array<i32>} : memref<64x256xf32, #tpu.memory_space<vmem>>, vector<1x256xf32>,
    %get3A_501 = arith.constant 0 : index
    %get3A_502 = arith.constant 18 : index
    %get3A_503 = arith.constant 0 : index
    %get3A_504 = vector.load %arg1[%get3A_501, %get3A_502, %get3A_503] : memref<16x64x256xf32, #tpu.memory_space<vmem>>, vector<16x1x256xf32>
    %get3A_505 = vector.shape_cast %get3A_504 : vector<16x1x256xf32> to vector<16x256xf32>
    %dot_general3A_506 = arith.constant dense<0.000000e+00> : vector<64x256xf32>
    %dot_general3A_507 = tpu.matmul %get3A_46, %get3A_505, %dot_general3A_506 {dimension_numbers = #tpu.dot_dimension_numbers<[1], [0], [0], [1], [0, 0, 1, 1], [], []>, transpose_lhs_hint = false} : vector<64x16xf32>, vector<16x256xf32>, vector<64x256xf32> -> vector<64x256xf32>
    %slice3A_508 = vector.extract_strided_slice %select_n3A {offsets = [18, 0], sizes = [1, 256], strides = [1, 1]} : vector<64x256xf32> to vector<1x256xf32>
    %mul3A_509 = vector.broadcast %get3A_49 : vector<64x1xf32> to vector<64x256xf32>
    %mul3A_510 = vector.broadcast %slice3A_508 : vector<1x256xf32> to vector<64x256xf32>
    %mul3A_511 = arith.mulf %mul3A_509, %mul3A_510 : vector<64x256xf32>
    %add3A_512 = arith.addf %dot_general3A_507, %mul3A_511 : vector<64x256xf32>
    %add3A_513 = vector.broadcast %get3A_52 : vector<64x1xf32> to vector<64x256xf32>
    %add3A_514 = arith.addf %add3A_512, %add3A_513 : vector<64x256xf32>
    %max3A_515 = arith.constant 0.000000e+00 : f32
    %max3A_516 = vector.broadcast %max3A_515 : f32 to vector<64x256xf32>
    %max3A_517 = arith.maximumf %add3A_514, %max3A_516 : vector<64x256xf32>
    %mul3A_518 = vector.broadcast %get3A_55 : vector<64x1xf32> to vector<64x256xf32>
    %mul3A_519 = arith.mulf %max3A_517, %mul3A_518 : vector<64x256xf32>
    %reduce_sum3A_520 = arith.constant dense<0.000000e+00> : vector<256xf32>
    %reduce_sum3A_521 = vector.multi_reduction <add>, %mul3A_519, %reduce_sum3A_520 [0] : vector<64x256xf32> to vector<256xf32>
    %broadcast_in_dim3A_522 = vector.shape_cast %reduce_sum3A_521 : vector<256xf32> to vector<1x256xf32>
    %swap3A_523 = arith.constant 18 : index
    %swap3A_524 = arith.constant 0 : index
    %swap3A_525 = vector.load %arg9[%swap3A_523, %swap3A_524] : memref<64x256xf32, #tpu.memory_space<vmem>>, vector<1x256xf32>
    tpu.vector_store %arg9[%swap3A_523, %swap3A_524], %broadcast_in_dim3A_522 {strides = array<i32>} : memref<64x256xf32, #tpu.memory_space<vmem>>, vector<1x256xf32>,
    %get3A_526 = arith.constant 0 : index
    %get3A_527 = arith.constant 19 : index
    %get3A_528 = arith.constant 0 : index
    %get3A_529 = vector.load %arg1[%get3A_526, %get3A_527, %get3A_528] : memref<16x64x256xf32, #tpu.memory_space<vmem>>, vector<16x1x256xf32>
    %get3A_530 = vector.shape_cast %get3A_529 : vector<16x1x256xf32> to vector<16x256xf32>
    %dot_general3A_531 = arith.constant dense<0.000000e+00> : vector<64x256xf32>
    %dot_general3A_532 = tpu.matmul %get3A_46, %get3A_530, %dot_general3A_531 {dimension_numbers = #tpu.dot_dimension_numbers<[1], [0], [0], [1], [0, 0, 1, 1], [], []>, transpose_lhs_hint = false} : vector<64x16xf32>, vector<16x256xf32>, vector<64x256xf32> -> vector<64x256xf32>
    %slice3A_533 = vector.extract_strided_slice %select_n3A {offsets = [19, 0], sizes = [1, 256], strides = [1, 1]} : vector<64x256xf32> to vector<1x256xf32>
    %mul3A_534 = vector.broadcast %get3A_49 : vector<64x1xf32> to vector<64x256xf32>
    %mul3A_535 = vector.broadcast %slice3A_533 : vector<1x256xf32> to vector<64x256xf32>
    %mul3A_536 = arith.mulf %mul3A_534, %mul3A_535 : vector<64x256xf32>
    %add3A_537 = arith.addf %dot_general3A_532, %mul3A_536 : vector<64x256xf32>
    %add3A_538 = vector.broadcast %get3A_52 : vector<64x1xf32> to vector<64x256xf32>
    %add3A_539 = arith.addf %add3A_537, %add3A_538 : vector<64x256xf32>
    %max3A_540 = arith.constant 0.000000e+00 : f32
    %max3A_541 = vector.broadcast %max3A_540 : f32 to vector<64x256xf32>
    %max3A_542 = arith.maximumf %add3A_539, %max3A_541 : vector<64x256xf32>
    %mul3A_543 = vector.broadcast %get3A_55 : vector<64x1xf32> to vector<64x256xf32>
    %mul3A_544 = arith.mulf %max3A_542, %mul3A_543 : vector<64x256xf32>
    %reduce_sum3A_545 = arith.constant dense<0.000000e+00> : vector<256xf32>
    %reduce_sum3A_546 = vector.multi_reduction <add>, %mul3A_544, %reduce_sum3A_545 [0] : vector<64x256xf32> to vector<256xf32>
    %broadcast_in_dim3A_547 = vector.shape_cast %reduce_sum3A_546 : vector<256xf32> to vector<1x256xf32>
    %swap3A_548 = arith.constant 19 : index
    %swap3A_549 = arith.constant 0 : index
    %swap3A_550 = vector.load %arg9[%swap3A_548, %swap3A_549] : memref<64x256xf32, #tpu.memory_space<vmem>>, vector<1x256xf32>
    tpu.vector_store %arg9[%swap3A_548, %swap3A_549], %broadcast_in_dim3A_547 {strides = array<i32>} : memref<64x256xf32, #tpu.memory_space<vmem>>, vector<1x256xf32>,
    %get3A_551 = arith.constant 0 : index
    %get3A_552 = arith.constant 20 : index
    %get3A_553 = arith.constant 0 : index
    %get3A_554 = vector.load %arg1[%get3A_551, %get3A_552, %get3A_553] : memref<16x64x256xf32, #tpu.memory_space<vmem>>, vector<16x1x256xf32>
    %get3A_555 = vector.shape_cast %get3A_554 : vector<16x1x256xf32> to vector<16x256xf32>
    %dot_general3A_556 = arith.constant dense<0.000000e+00> : vector<64x256xf32>
    %dot_general3A_557 = tpu.matmul %get3A_46, %get3A_555, %dot_general3A_556 {dimension_numbers = #tpu.dot_dimension_numbers<[1], [0], [0], [1], [0, 0, 1, 1], [], []>, transpose_lhs_hint = false} : vector<64x16xf32>, vector<16x256xf32>, vector<64x256xf32> -> vector<64x256xf32>
    %slice3A_558 = vector.extract_strided_slice %select_n3A {offsets = [20, 0], sizes = [1, 256], strides = [1, 1]} : vector<64x256xf32> to vector<1x256xf32>
    %mul3A_559 = vector.broadcast %get3A_49 : vector<64x1xf32> to vector<64x256xf32>
    %mul3A_560 = vector.broadcast %slice3A_558 : vector<1x256xf32> to vector<64x256xf32>
    %mul3A_561 = arith.mulf %mul3A_559, %mul3A_560 : vector<64x256xf32>
    %add3A_562 = arith.addf %dot_general3A_557, %mul3A_561 : vector<64x256xf32>
    %add3A_563 = vector.broadcast %get3A_52 : vector<64x1xf32> to vector<64x256xf32>
    %add3A_564 = arith.addf %add3A_562, %add3A_563 : vector<64x256xf32>
    %max3A_565 = arith.constant 0.000000e+00 : f32
    %max3A_566 = vector.broadcast %max3A_565 : f32 to vector<64x256xf32>
    %max3A_567 = arith.maximumf %add3A_564, %max3A_566 : vector<64x256xf32>
    %mul3A_568 = vector.broadcast %get3A_55 : vector<64x1xf32> to vector<64x256xf32>
    %mul3A_569 = arith.mulf %max3A_567, %mul3A_568 : vector<64x256xf32>
    %reduce_sum3A_570 = arith.constant dense<0.000000e+00> : vector<256xf32>
    %reduce_sum3A_571 = vector.multi_reduction <add>, %mul3A_569, %reduce_sum3A_570 [0] : vector<64x256xf32> to vector<256xf32>
    %broadcast_in_dim3A_572 = vector.shape_cast %reduce_sum3A_571 : vector<256xf32> to vector<1x256xf32>
    %swap3A_573 = arith.constant 20 : index
    %swap3A_574 = arith.constant 0 : index
    %swap3A_575 = vector.load %arg9[%swap3A_573, %swap3A_574] : memref<64x256xf32, #tpu.memory_space<vmem>>, vector<1x256xf32>
    tpu.vector_store %arg9[%swap3A_573, %swap3A_574], %broadcast_in_dim3A_572 {strides = array<i32>} : memref<64x256xf32, #tpu.memory_space<vmem>>, vector<1x256xf32>,
    %get3A_576 = arith.constant 0 : index
    %get3A_577 = arith.constant 21 : index
    %get3A_578 = arith.constant 0 : index
    %get3A_579 = vector.load %arg1[%get3A_576, %get3A_577, %get3A_578] : memref<16x64x256xf32, #tpu.memory_space<vmem>>, vector<16x1x256xf32>
    %get3A_580 = vector.shape_cast %get3A_579 : vector<16x1x256xf32> to vector<16x256xf32>
    %dot_general3A_581 = arith.constant dense<0.000000e+00> : vector<64x256xf32>
    %dot_general3A_582 = tpu.matmul %get3A_46, %get3A_580, %dot_general3A_581 {dimension_numbers = #tpu.dot_dimension_numbers<[1], [0], [0], [1], [0, 0, 1, 1], [], []>, transpose_lhs_hint = false} : vector<64x16xf32>, vector<16x256xf32>, vector<64x256xf32> -> vector<64x256xf32>
    %slice3A_583 = vector.extract_strided_slice %select_n3A {offsets = [21, 0], sizes = [1, 256], strides = [1, 1]} : vector<64x256xf32> to vector<1x256xf32>
    %mul3A_584 = vector.broadcast %get3A_49 : vector<64x1xf32> to vector<64x256xf32>
    %mul3A_585 = vector.broadcast %slice3A_583 : vector<1x256xf32> to vector<64x256xf32>
    %mul3A_586 = arith.mulf %mul3A_584, %mul3A_585 : vector<64x256xf32>
    %add3A_587 = arith.addf %dot_general3A_582, %mul3A_586 : vector<64x256xf32>
    %add3A_588 = vector.broadcast %get3A_52 : vector<64x1xf32> to vector<64x256xf32>
    %add3A_589 = arith.addf %add3A_587, %add3A_588 : vector<64x256xf32>
    %max3A_590 = arith.constant 0.000000e+00 : f32
    %max3A_591 = vector.broadcast %max3A_590 : f32 to vector<64x256xf32>
    %max3A_592 = arith.maximumf %add3A_589, %max3A_591 : vector<64x256xf32>
    %mul3A_593 = vector.broadcast %get3A_55 : vector<64x1xf32> to vector<64x256xf32>
    %mul3A_594 = arith.mulf %max3A_592, %mul3A_593 : vector<64x256xf32>
    %reduce_sum3A_595 = arith.constant dense<0.000000e+00> : vector<256xf32>
    %reduce_sum3A_596 = vector.multi_reduction <add>, %mul3A_594, %reduce_sum3A_595 [0] : vector<64x256xf32> to vector<256xf32>
    %broadcast_in_dim3A_597 = vector.shape_cast %reduce_sum3A_596 : vector<256xf32> to vector<1x256xf32>
    %swap3A_598 = arith.constant 21 : index
    %swap3A_599 = arith.constant 0 : index
    %swap3A_600 = vector.load %arg9[%swap3A_598, %swap3A_599] : memref<64x256xf32, #tpu.memory_space<vmem>>, vector<1x256xf32>
    tpu.vector_store %arg9[%swap3A_598, %swap3A_599], %broadcast_in_dim3A_597 {strides = array<i32>} : memref<64x256xf32, #tpu.memory_space<vmem>>, vector<1x256xf32>,
    %get3A_601 = arith.constant 0 : index
    %get3A_602 = arith.constant 22 : index
    %get3A_603 = arith.constant 0 : index
    %get3A_604 = vector.load %arg1[%get3A_601, %get3A_602, %get3A_603] : memref<16x64x256xf32, #tpu.memory_space<vmem>>, vector<16x1x256xf32>
    %get3A_605 = vector.shape_cast %get3A_604 : vector<16x1x256xf32> to vector<16x256xf32>
    %dot_general3A_606 = arith.constant dense<0.000000e+00> : vector<64x256xf32>
    %dot_general3A_607 = tpu.matmul %get3A_46, %get3A_605, %dot_general3A_606 {dimension_numbers = #tpu.dot_dimension_numbers<[1], [0], [0], [1], [0, 0, 1, 1], [], []>, transpose_lhs_hint = false} : vector<64x16xf32>, vector<16x256xf32>, vector<64x256xf32> -> vector<64x256xf32>
    %slice3A_608 = vector.extract_strided_slice %select_n3A {offsets = [22, 0], sizes = [1, 256], strides = [1, 1]} : vector<64x256xf32> to vector<1x256xf32>
    %mul3A_609 = vector.broadcast %get3A_49 : vector<64x1xf32> to vector<64x256xf32>
    %mul3A_610 = vector.broadcast %slice3A_608 : vector<1x256xf32> to vector<64x256xf32>
    %mul3A_611 = arith.mulf %mul3A_609, %mul3A_610 : vector<64x256xf32>
    %add3A_612 = arith.addf %dot_general3A_607, %mul3A_611 : vector<64x256xf32>
    %add3A_613 = vector.broadcast %get3A_52 : vector<64x1xf32> to vector<64x256xf32>
    %add3A_614 = arith.addf %add3A_612, %add3A_613 : vector<64x256xf32>
    %max3A_615 = arith.constant 0.000000e+00 : f32
    %max3A_616 = vector.broadcast %max3A_615 : f32 to vector<64x256xf32>
    %max3A_617 = arith.maximumf %add3A_614, %max3A_616 : vector<64x256xf32>
    %mul3A_618 = vector.broadcast %get3A_55 : vector<64x1xf32> to vector<64x256xf32>
    %mul3A_619 = arith.mulf %max3A_617, %mul3A_618 : vector<64x256xf32>
    %reduce_sum3A_620 = arith.constant dense<0.000000e+00> : vector<256xf32>
    %reduce_sum3A_621 = vector.multi_reduction <add>, %mul3A_619, %reduce_sum3A_620 [0] : vector<64x256xf32> to vector<256xf32>
    %broadcast_in_dim3A_622 = vector.shape_cast %reduce_sum3A_621 : vector<256xf32> to vector<1x256xf32>
    %swap3A_623 = arith.constant 22 : index
    %swap3A_624 = arith.constant 0 : index
    %swap3A_625 = vector.load %arg9[%swap3A_623, %swap3A_624] : memref<64x256xf32, #tpu.memory_space<vmem>>, vector<1x256xf32>
    tpu.vector_store %arg9[%swap3A_623, %swap3A_624], %broadcast_in_dim3A_622 {strides = array<i32>} : memref<64x256xf32, #tpu.memory_space<vmem>>, vector<1x256xf32>,
    %get3A_626 = arith.constant 0 : index
    %get3A_627 = arith.constant 23 : index
    %get3A_628 = arith.constant 0 : index
    %get3A_629 = vector.load %arg1[%get3A_626, %get3A_627, %get3A_628] : memref<16x64x256xf32, #tpu.memory_space<vmem>>, vector<16x1x256xf32>
    %get3A_630 = vector.shape_cast %get3A_629 : vector<16x1x256xf32> to vector<16x256xf32>
    %dot_general3A_631 = arith.constant dense<0.000000e+00> : vector<64x256xf32>
    %dot_general3A_632 = tpu.matmul %get3A_46, %get3A_630, %dot_general3A_631 {dimension_numbers = #tpu.dot_dimension_numbers<[1], [0], [0], [1], [0, 0, 1, 1], [], []>, transpose_lhs_hint = false} : vector<64x16xf32>, vector<16x256xf32>, vector<64x256xf32> -> vector<64x256xf32>
    %slice3A_633 = vector.extract_strided_slice %select_n3A {offsets = [23, 0], sizes = [1, 256], strides = [1, 1]} : vector<64x256xf32> to vector<1x256xf32>
    %mul3A_634 = vector.broadcast %get3A_49 : vector<64x1xf32> to vector<64x256xf32>
    %mul3A_635 = vector.broadcast %slice3A_633 : vector<1x256xf32> to vector<64x256xf32>
    %mul3A_636 = arith.mulf %mul3A_634, %mul3A_635 : vector<64x256xf32>
    %add3A_637 = arith.addf %dot_general3A_632, %mul3A_636 : vector<64x256xf32>
    %add3A_638 = vector.broadcast %get3A_52 : vector<64x1xf32> to vector<64x256xf32>
    %add3A_639 = arith.addf %add3A_637, %add3A_638 : vector<64x256xf32>
    %max3A_640 = arith.constant 0.000000e+00 : f32
    %max3A_641 = vector.broadcast %max3A_640 : f32 to vector<64x256xf32>
    %max3A_642 = arith.maximumf %add3A_639, %max3A_641 : vector<64x256xf32>
    %mul3A_643 = vector.broadcast %get3A_55 : vector<64x1xf32> to vector<64x256xf32>
    %mul3A_644 = arith.mulf %max3A_642, %mul3A_643 : vector<64x256xf32>
    %reduce_sum3A_645 = arith.constant dense<0.000000e+00> : vector<256xf32>
    %reduce_sum3A_646 = vector.multi_reduction <add>, %mul3A_644, %reduce_sum3A_645 [0] : vector<64x256xf32> to vector<256xf32>
    %broadcast_in_dim3A_647 = vector.shape_cast %reduce_sum3A_646 : vector<256xf32> to vector<1x256xf32>
    %swap3A_648 = arith.constant 23 : index
    %swap3A_649 = arith.constant 0 : index
    %swap3A_650 = vector.load %arg9[%swap3A_648, %swap3A_649] : memref<64x256xf32, #tpu.memory_space<vmem>>, vector<1x256xf32>
    tpu.vector_store %arg9[%swap3A_648, %swap3A_649], %broadcast_in_dim3A_647 {strides = array<i32>} : memref<64x256xf32, #tpu.memory_space<vmem>>, vector<1x256xf32>,
    %get3A_651 = arith.constant 0 : index
    %get3A_652 = arith.constant 24 : index
    %get3A_653 = arith.constant 0 : index
    %get3A_654 = vector.load %arg1[%get3A_651, %get3A_652, %get3A_653] : memref<16x64x256xf32, #tpu.memory_space<vmem>>, vector<16x1x256xf32>
    %get3A_655 = vector.shape_cast %get3A_654 : vector<16x1x256xf32> to vector<16x256xf32>
    %dot_general3A_656 = arith.constant dense<0.000000e+00> : vector<64x256xf32>
    %dot_general3A_657 = tpu.matmul %get3A_46, %get3A_655, %dot_general3A_656 {dimension_numbers = #tpu.dot_dimension_numbers<[1], [0], [0], [1], [0, 0, 1, 1], [], []>, transpose_lhs_hint = false} : vector<64x16xf32>, vector<16x256xf32>, vector<64x256xf32> -> vector<64x256xf32>
    %slice3A_658 = vector.extract_strided_slice %select_n3A {offsets = [24, 0], sizes = [1, 256], strides = [1, 1]} : vector<64x256xf32> to vector<1x256xf32>
    %mul3A_659 = vector.broadcast %get3A_49 : vector<64x1xf32> to vector<64x256xf32>
    %mul3A_660 = vector.broadcast %slice3A_658 : vector<1x256xf32> to vector<64x256xf32>
    %mul3A_661 = arith.mulf %mul3A_659, %mul3A_660 : vector<64x256xf32>
    %add3A_662 = arith.addf %dot_general3A_657, %mul3A_661 : vector<64x256xf32>
    %add3A_663 = vector.broadcast %get3A_52 : vector<64x1xf32> to vector<64x256xf32>
    %add3A_664 = arith.addf %add3A_662, %add3A_663 : vector<64x256xf32>
    %max3A_665 = arith.constant 0.000000e+00 : f32
    %max3A_666 = vector.broadcast %max3A_665 : f32 to vector<64x256xf32>
    %max3A_667 = arith.maximumf %add3A_664, %max3A_666 : vector<64x256xf32>
    %mul3A_668 = vector.broadcast %get3A_55 : vector<64x1xf32> to vector<64x256xf32>
    %mul3A_669 = arith.mulf %max3A_667, %mul3A_668 : vector<64x256xf32>
    %reduce_sum3A_670 = arith.constant dense<0.000000e+00> : vector<256xf32>
    %reduce_sum3A_671 = vector.multi_reduction <add>, %mul3A_669, %reduce_sum3A_670 [0] : vector<64x256xf32> to vector<256xf32>
    %broadcast_in_dim3A_672 = vector.shape_cast %reduce_sum3A_671 : vector<256xf32> to vector<1x256xf32>
    %swap3A_673 = arith.constant 24 : index
    %swap3A_674 = arith.constant 0 : index
    %swap3A_675 = vector.load %arg9[%swap3A_673, %swap3A_674] : memref<64x256xf32, #tpu.memory_space<vmem>>, vector<1x256xf32>
    tpu.vector_store %arg9[%swap3A_673, %swap3A_674], %broadcast_in_dim3A_672 {strides = array<i32>} : memref<64x256xf32, #tpu.memory_space<vmem>>, vector<1x256xf32>,
    %get3A_676 = arith.constant 0 : index
    %get3A_677 = arith.constant 25 : index
    %get3A_678 = arith.constant 0 : index
    %get3A_679 = vector.load %arg1[%get3A_676, %get3A_677, %get3A_678] : memref<16x64x256xf32, #tpu.memory_space<vmem>>, vector<16x1x256xf32>
    %get3A_680 = vector.shape_cast %get3A_679 : vector<16x1x256xf32> to vector<16x256xf32>
    %dot_general3A_681 = arith.constant dense<0.000000e+00> : vector<64x256xf32>
    %dot_general3A_682 = tpu.matmul %get3A_46, %get3A_680, %dot_general3A_681 {dimension_numbers = #tpu.dot_dimension_numbers<[1], [0], [0], [1], [0, 0, 1, 1], [], []>, transpose_lhs_hint = false} : vector<64x16xf32>, vector<16x256xf32>, vector<64x256xf32> -> vector<64x256xf32>
    %slice3A_683 = vector.extract_strided_slice %select_n3A {offsets = [25, 0], sizes = [1, 256], strides = [1, 1]} : vector<64x256xf32> to vector<1x256xf32>
    %mul3A_684 = vector.broadcast %get3A_49 : vector<64x1xf32> to vector<64x256xf32>
    %mul3A_685 = vector.broadcast %slice3A_683 : vector<1x256xf32> to vector<64x256xf32>
    %mul3A_686 = arith.mulf %mul3A_684, %mul3A_685 : vector<64x256xf32>
    %add3A_687 = arith.addf %dot_general3A_682, %mul3A_686 : vector<64x256xf32>
    %add3A_688 = vector.broadcast %get3A_52 : vector<64x1xf32> to vector<64x256xf32>
    %add3A_689 = arith.addf %add3A_687, %add3A_688 : vector<64x256xf32>
    %max3A_690 = arith.constant 0.000000e+00 : f32
    %max3A_691 = vector.broadcast %max3A_690 : f32 to vector<64x256xf32>
    %max3A_692 = arith.maximumf %add3A_689, %max3A_691 : vector<64x256xf32>
    %mul3A_693 = vector.broadcast %get3A_55 : vector<64x1xf32> to vector<64x256xf32>
    %mul3A_694 = arith.mulf %max3A_692, %mul3A_693 : vector<64x256xf32>
    %reduce_sum3A_695 = arith.constant dense<0.000000e+00> : vector<256xf32>
    %reduce_sum3A_696 = vector.multi_reduction <add>, %mul3A_694, %reduce_sum3A_695 [0] : vector<64x256xf32> to vector<256xf32>
    %broadcast_in_dim3A_697 = vector.shape_cast %reduce_sum3A_696 : vector<256xf32> to vector<1x256xf32>
    %swap3A_698 = arith.constant 25 : index
    %swap3A_699 = arith.constant 0 : index
    %swap3A_700 = vector.load %arg9[%swap3A_698, %swap3A_699] : memref<64x256xf32, #tpu.memory_space<vmem>>, vector<1x256xf32>
    tpu.vector_store %arg9[%swap3A_698, %swap3A_699], %broadcast_in_dim3A_697 {strides = array<i32>} : memref<64x256xf32, #tpu.memory_space<vmem>>, vector<1x256xf32>,
    %get3A_701 = arith.constant 0 : index
    %get3A_702 = arith.constant 26 : index
    %get3A_703 = arith.constant 0 : index
    %get3A_704 = vector.load %arg1[%get3A_701, %get3A_702, %get3A_703] : memref<16x64x256xf32, #tpu.memory_space<vmem>>, vector<16x1x256xf32>
    %get3A_705 = vector.shape_cast %get3A_704 : vector<16x1x256xf32> to vector<16x256xf32>
    %dot_general3A_706 = arith.constant dense<0.000000e+00> : vector<64x256xf32>
    %dot_general3A_707 = tpu.matmul %get3A_46, %get3A_705, %dot_general3A_706 {dimension_numbers = #tpu.dot_dimension_numbers<[1], [0], [0], [1], [0, 0, 1, 1], [], []>, transpose_lhs_hint = false} : vector<64x16xf32>, vector<16x256xf32>, vector<64x256xf32> -> vector<64x256xf32>
    %slice3A_708 = vector.extract_strided_slice %select_n3A {offsets = [26, 0], sizes = [1, 256], strides = [1, 1]} : vector<64x256xf32> to vector<1x256xf32>
    %mul3A_709 = vector.broadcast %get3A_49 : vector<64x1xf32> to vector<64x256xf32>
    %mul3A_710 = vector.broadcast %slice3A_708 : vector<1x256xf32> to vector<64x256xf32>
    %mul3A_711 = arith.mulf %mul3A_709, %mul3A_710 : vector<64x256xf32>
    %add3A_712 = arith.addf %dot_general3A_707, %mul3A_711 : vector<64x256xf32>
    %add3A_713 = vector.broadcast %get3A_52 : vector<64x1xf32> to vector<64x256xf32>
    %add3A_714 = arith.addf %add3A_712, %add3A_713 : vector<64x256xf32>
    %max3A_715 = arith.constant 0.000000e+00 : f32
    %max3A_716 = vector.broadcast %max3A_715 : f32 to vector<64x256xf32>
    %max3A_717 = arith.maximumf %add3A_714, %max3A_716 : vector<64x256xf32>
    %mul3A_718 = vector.broadcast %get3A_55 : vector<64x1xf32> to vector<64x256xf32>
    %mul3A_719 = arith.mulf %max3A_717, %mul3A_718 : vector<64x256xf32>
    %reduce_sum3A_720 = arith.constant dense<0.000000e+00> : vector<256xf32>
    %reduce_sum3A_721 = vector.multi_reduction <add>, %mul3A_719, %reduce_sum3A_720 [0] : vector<64x256xf32> to vector<256xf32>
    %broadcast_in_dim3A_722 = vector.shape_cast %reduce_sum3A_721 : vector<256xf32> to vector<1x256xf32>
    %swap3A_723 = arith.constant 26 : index
    %swap3A_724 = arith.constant 0 : index
    %swap3A_725 = vector.load %arg9[%swap3A_723, %swap3A_724] : memref<64x256xf32, #tpu.memory_space<vmem>>, vector<1x256xf32>
    tpu.vector_store %arg9[%swap3A_723, %swap3A_724], %broadcast_in_dim3A_722 {strides = array<i32>} : memref<64x256xf32, #tpu.memory_space<vmem>>, vector<1x256xf32>,
    %get3A_726 = arith.constant 0 : index
    %get3A_727 = arith.constant 27 : index
    %get3A_728 = arith.constant 0 : index
    %get3A_729 = vector.load %arg1[%get3A_726, %get3A_727, %get3A_728] : memref<16x64x256xf32, #tpu.memory_space<vmem>>, vector<16x1x256xf32>
    %get3A_730 = vector.shape_cast %get3A_729 : vector<16x1x256xf32> to vector<16x256xf32>
    %dot_general3A_731 = arith.constant dense<0.000000e+00> : vector<64x256xf32>
    %dot_general3A_732 = tpu.matmul %get3A_46, %get3A_730, %dot_general3A_731 {dimension_numbers = #tpu.dot_dimension_numbers<[1], [0], [0], [1], [0, 0, 1, 1], [], []>, transpose_lhs_hint = false} : vector<64x16xf32>, vector<16x256xf32>, vector<64x256xf32> -> vector<64x256xf32>
    %slice3A_733 = vector.extract_strided_slice %select_n3A {offsets = [27, 0], sizes = [1, 256], strides = [1, 1]} : vector<64x256xf32> to vector<1x256xf32>
    %mul3A_734 = vector.broadcast %get3A_49 : vector<64x1xf32> to vector<64x256xf32>
    %mul3A_735 = vector.broadcast %slice3A_733 : vector<1x256xf32> to vector<64x256xf32>
    %mul3A_736 = arith.mulf %mul3A_734, %mul3A_735 : vector<64x256xf32>
    %add3A_737 = arith.addf %dot_general3A_732, %mul3A_736 : vector<64x256xf32>
    %add3A_738 = vector.broadcast %get3A_52 : vector<64x1xf32> to vector<64x256xf32>
    %add3A_739 = arith.addf %add3A_737, %add3A_738 : vector<64x256xf32>
    %max3A_740 = arith.constant 0.000000e+00 : f32
    %max3A_741 = vector.broadcast %max3A_740 : f32 to vector<64x256xf32>
    %max3A_742 = arith.maximumf %add3A_739, %max3A_741 : vector<64x256xf32>
    %mul3A_743 = vector.broadcast %get3A_55 : vector<64x1xf32> to vector<64x256xf32>
    %mul3A_744 = arith.mulf %max3A_742, %mul3A_743 : vector<64x256xf32>
    %reduce_sum3A_745 = arith.constant dense<0.000000e+00> : vector<256xf32>
    %reduce_sum3A_746 = vector.multi_reduction <add>, %mul3A_744, %reduce_sum3A_745 [0] : vector<64x256xf32> to vector<256xf32>
    %broadcast_in_dim3A_747 = vector.shape_cast %reduce_sum3A_746 : vector<256xf32> to vector<1x256xf32>
    %swap3A_748 = arith.constant 27 : index
    %swap3A_749 = arith.constant 0 : index
    %swap3A_750 = vector.load %arg9[%swap3A_748, %swap3A_749] : memref<64x256xf32, #tpu.memory_space<vmem>>, vector<1x256xf32>
    tpu.vector_store %arg9[%swap3A_748, %swap3A_749], %broadcast_in_dim3A_747 {strides = array<i32>} : memref<64x256xf32, #tpu.memory_space<vmem>>, vector<1x256xf32>,
    %get3A_751 = arith.constant 0 : index
    %get3A_752 = arith.constant 28 : index
    %get3A_753 = arith.constant 0 : index
    %get3A_754 = vector.load %arg1[%get3A_751, %get3A_752, %get3A_753] : memref<16x64x256xf32, #tpu.memory_space<vmem>>, vector<16x1x256xf32>
    %get3A_755 = vector.shape_cast %get3A_754 : vector<16x1x256xf32> to vector<16x256xf32>
    %dot_general3A_756 = arith.constant dense<0.000000e+00> : vector<64x256xf32>
    %dot_general3A_757 = tpu.matmul %get3A_46, %get3A_755, %dot_general3A_756 {dimension_numbers = #tpu.dot_dimension_numbers<[1], [0], [0], [1], [0, 0, 1, 1], [], []>, transpose_lhs_hint = false} : vector<64x16xf32>, vector<16x256xf32>, vector<64x256xf32> -> vector<64x256xf32>
    %slice3A_758 = vector.extract_strided_slice %select_n3A {offsets = [28, 0], sizes = [1, 256], strides = [1, 1]} : vector<64x256xf32> to vector<1x256xf32>
    %mul3A_759 = vector.broadcast %get3A_49 : vector<64x1xf32> to vector<64x256xf32>
    %mul3A_760 = vector.broadcast %slice3A_758 : vector<1x256xf32> to vector<64x256xf32>
    %mul3A_761 = arith.mulf %mul3A_759, %mul3A_760 : vector<64x256xf32>
    %add3A_762 = arith.addf %dot_general3A_757, %mul3A_761 : vector<64x256xf32>
    %add3A_763 = vector.broadcast %get3A_52 : vector<64x1xf32> to vector<64x256xf32>
    %add3A_764 = arith.addf %add3A_762, %add3A_763 : vector<64x256xf32>
    %max3A_765 = arith.constant 0.000000e+00 : f32
    %max3A_766 = vector.broadcast %max3A_765 : f32 to vector<64x256xf32>
    %max3A_767 = arith.maximumf %add3A_764, %max3A_766 : vector<64x256xf32>
    %mul3A_768 = vector.broadcast %get3A_55 : vector<64x1xf32> to vector<64x256xf32>
    %mul3A_769 = arith.mulf %max3A_767, %mul3A_768 : vector<64x256xf32>
    %reduce_sum3A_770 = arith.constant dense<0.000000e+00> : vector<256xf32>
    %reduce_sum3A_771 = vector.multi_reduction <add>, %mul3A_769, %reduce_sum3A_770 [0] : vector<64x256xf32> to vector<256xf32>
    %broadcast_in_dim3A_772 = vector.shape_cast %reduce_sum3A_771 : vector<256xf32> to vector<1x256xf32>
    %swap3A_773 = arith.constant 28 : index
    %swap3A_774 = arith.constant 0 : index
    %swap3A_775 = vector.load %arg9[%swap3A_773, %swap3A_774] : memref<64x256xf32, #tpu.memory_space<vmem>>, vector<1x256xf32>
    tpu.vector_store %arg9[%swap3A_773, %swap3A_774], %broadcast_in_dim3A_772 {strides = array<i32>} : memref<64x256xf32, #tpu.memory_space<vmem>>, vector<1x256xf32>,
    %get3A_776 = arith.constant 0 : index
    %get3A_777 = arith.constant 29 : index
    %get3A_778 = arith.constant 0 : index
    %get3A_779 = vector.load %arg1[%get3A_776, %get3A_777, %get3A_778] : memref<16x64x256xf32, #tpu.memory_space<vmem>>, vector<16x1x256xf32>
    %get3A_780 = vector.shape_cast %get3A_779 : vector<16x1x256xf32> to vector<16x256xf32>
    %dot_general3A_781 = arith.constant dense<0.000000e+00> : vector<64x256xf32>
    %dot_general3A_782 = tpu.matmul %get3A_46, %get3A_780, %dot_general3A_781 {dimension_numbers = #tpu.dot_dimension_numbers<[1], [0], [0], [1], [0, 0, 1, 1], [], []>, transpose_lhs_hint = false} : vector<64x16xf32>, vector<16x256xf32>, vector<64x256xf32> -> vector<64x256xf32>
    %slice3A_783 = vector.extract_strided_slice %select_n3A {offsets = [29, 0], sizes = [1, 256], strides = [1, 1]} : vector<64x256xf32> to vector<1x256xf32>
    %mul3A_784 = vector.broadcast %get3A_49 : vector<64x1xf32> to vector<64x256xf32>
    %mul3A_785 = vector.broadcast %slice3A_783 : vector<1x256xf32> to vector<64x256xf32>
    %mul3A_786 = arith.mulf %mul3A_784, %mul3A_785 : vector<64x256xf32>
    %add3A_787 = arith.addf %dot_general3A_782, %mul3A_786 : vector<64x256xf32>
    %add3A_788 = vector.broadcast %get3A_52 : vector<64x1xf32> to vector<64x256xf32>
    %add3A_789 = arith.addf %add3A_787, %add3A_788 : vector<64x256xf32>
    %max3A_790 = arith.constant 0.000000e+00 : f32
    %max3A_791 = vector.broadcast %max3A_790 : f32 to vector<64x256xf32>
    %max3A_792 = arith.maximumf %add3A_789, %max3A_791 : vector<64x256xf32>
    %mul3A_793 = vector.broadcast %get3A_55 : vector<64x1xf32> to vector<64x256xf32>
    %mul3A_794 = arith.mulf %max3A_792, %mul3A_793 : vector<64x256xf32>
    %reduce_sum3A_795 = arith.constant dense<0.000000e+00> : vector<256xf32>
    %reduce_sum3A_796 = vector.multi_reduction <add>, %mul3A_794, %reduce_sum3A_795 [0] : vector<64x256xf32> to vector<256xf32>
    %broadcast_in_dim3A_797 = vector.shape_cast %reduce_sum3A_796 : vector<256xf32> to vector<1x256xf32>
    %swap3A_798 = arith.constant 29 : index
    %swap3A_799 = arith.constant 0 : index
    %swap3A_800 = vector.load %arg9[%swap3A_798, %swap3A_799] : memref<64x256xf32, #tpu.memory_space<vmem>>, vector<1x256xf32>
    tpu.vector_store %arg9[%swap3A_798, %swap3A_799], %broadcast_in_dim3A_797 {strides = array<i32>} : memref<64x256xf32, #tpu.memory_space<vmem>>, vector<1x256xf32>,
    %get3A_801 = arith.constant 0 : index
    %get3A_802 = arith.constant 30 : index
    %get3A_803 = arith.constant 0 : index
    %get3A_804 = vector.load %arg1[%get3A_801, %get3A_802, %get3A_803] : memref<16x64x256xf32, #tpu.memory_space<vmem>>, vector<16x1x256xf32>
    %get3A_805 = vector.shape_cast %get3A_804 : vector<16x1x256xf32> to vector<16x256xf32>
    %dot_general3A_806 = arith.constant dense<0.000000e+00> : vector<64x256xf32>
    %dot_general3A_807 = tpu.matmul %get3A_46, %get3A_805, %dot_general3A_806 {dimension_numbers = #tpu.dot_dimension_numbers<[1], [0], [0], [1], [0, 0, 1, 1], [], []>, transpose_lhs_hint = false} : vector<64x16xf32>, vector<16x256xf32>, vector<64x256xf32> -> vector<64x256xf32>
    %slice3A_808 = vector.extract_strided_slice %select_n3A {offsets = [30, 0], sizes = [1, 256], strides = [1, 1]} : vector<64x256xf32> to vector<1x256xf32>
    %mul3A_809 = vector.broadcast %get3A_49 : vector<64x1xf32> to vector<64x256xf32>
    %mul3A_810 = vector.broadcast %slice3A_808 : vector<1x256xf32> to vector<64x256xf32>
    %mul3A_811 = arith.mulf %mul3A_809, %mul3A_810 : vector<64x256xf32>
    %add3A_812 = arith.addf %dot_general3A_807, %mul3A_811 : vector<64x256xf32>
    %add3A_813 = vector.broadcast %get3A_52 : vector<64x1xf32> to vector<64x256xf32>
    %add3A_814 = arith.addf %add3A_812, %add3A_813 : vector<64x256xf32>
    %max3A_815 = arith.constant 0.000000e+00 : f32
    %max3A_816 = vector.broadcast %max3A_815 : f32 to vector<64x256xf32>
    %max3A_817 = arith.maximumf %add3A_814, %max3A_816 : vector<64x256xf32>
    %mul3A_818 = vector.broadcast %get3A_55 : vector<64x1xf32> to vector<64x256xf32>
    %mul3A_819 = arith.mulf %max3A_817, %mul3A_818 : vector<64x256xf32>
    %reduce_sum3A_820 = arith.constant dense<0.000000e+00> : vector<256xf32>
    %reduce_sum3A_821 = vector.multi_reduction <add>, %mul3A_819, %reduce_sum3A_820 [0] : vector<64x256xf32> to vector<256xf32>
    %broadcast_in_dim3A_822 = vector.shape_cast %reduce_sum3A_821 : vector<256xf32> to vector<1x256xf32>
    %swap3A_823 = arith.constant 30 : index
    %swap3A_824 = arith.constant 0 : index
    %swap3A_825 = vector.load %arg9[%swap3A_823, %swap3A_824] : memref<64x256xf32, #tpu.memory_space<vmem>>, vector<1x256xf32>
    tpu.vector_store %arg9[%swap3A_823, %swap3A_824], %broadcast_in_dim3A_822 {strides = array<i32>} : memref<64x256xf32, #tpu.memory_space<vmem>>, vector<1x256xf32>,
    %get3A_826 = arith.constant 0 : index
    %get3A_827 = arith.constant 31 : index
    %get3A_828 = arith.constant 0 : index
    %get3A_829 = vector.load %arg1[%get3A_826, %get3A_827, %get3A_828] : memref<16x64x256xf32, #tpu.memory_space<vmem>>, vector<16x1x256xf32>
    %get3A_830 = vector.shape_cast %get3A_829 : vector<16x1x256xf32> to vector<16x256xf32>
    %dot_general3A_831 = arith.constant dense<0.000000e+00> : vector<64x256xf32>
    %dot_general3A_832 = tpu.matmul %get3A_46, %get3A_830, %dot_general3A_831 {dimension_numbers = #tpu.dot_dimension_numbers<[1], [0], [0], [1], [0, 0, 1, 1], [], []>, transpose_lhs_hint = false} : vector<64x16xf32>, vector<16x256xf32>, vector<64x256xf32> -> vector<64x256xf32>
    %slice3A_833 = vector.extract_strided_slice %select_n3A {offsets = [31, 0], sizes = [1, 256], strides = [1, 1]} : vector<64x256xf32> to vector<1x256xf32>
    %mul3A_834 = vector.broadcast %get3A_49 : vector<64x1xf32> to vector<64x256xf32>
    %mul3A_835 = vector.broadcast %slice3A_833 : vector<1x256xf32> to vector<64x256xf32>
    %mul3A_836 = arith.mulf %mul3A_834, %mul3A_835 : vector<64x256xf32>
    %add3A_837 = arith.addf %dot_general3A_832, %mul3A_836 : vector<64x256xf32>
    %add3A_838 = vector.broadcast %get3A_52 : vector<64x1xf32> to vector<64x256xf32>
    %add3A_839 = arith.addf %add3A_837, %add3A_838 : vector<64x256xf32>
    %max3A_840 = arith.constant 0.000000e+00 : f32
    %max3A_841 = vector.broadcast %max3A_840 : f32 to vector<64x256xf32>
    %max3A_842 = arith.maximumf %add3A_839, %max3A_841 : vector<64x256xf32>
    %mul3A_843 = vector.broadcast %get3A_55 : vector<64x1xf32> to vector<64x256xf32>
    %mul3A_844 = arith.mulf %max3A_842, %mul3A_843 : vector<64x256xf32>
    %reduce_sum3A_845 = arith.constant dense<0.000000e+00> : vector<256xf32>
    %reduce_sum3A_846 = vector.multi_reduction <add>, %mul3A_844, %reduce_sum3A_845 [0] : vector<64x256xf32> to vector<256xf32>
    %broadcast_in_dim3A_847 = vector.shape_cast %reduce_sum3A_846 : vector<256xf32> to vector<1x256xf32>
    %swap3A_848 = arith.constant 31 : index
    %swap3A_849 = arith.constant 0 : index
    %swap3A_850 = vector.load %arg9[%swap3A_848, %swap3A_849] : memref<64x256xf32, #tpu.memory_space<vmem>>, vector<1x256xf32>
    tpu.vector_store %arg9[%swap3A_848, %swap3A_849], %broadcast_in_dim3A_847 {strides = array<i32>} : memref<64x256xf32, #tpu.memory_space<vmem>>, vector<1x256xf32>,
    %get3A_851 = arith.constant 0 : index
    %get3A_852 = arith.constant 32 : index
    %get3A_853 = arith.constant 0 : index
    %get3A_854 = vector.load %arg1[%get3A_851, %get3A_852, %get3A_853] : memref<16x64x256xf32, #tpu.memory_space<vmem>>, vector<16x1x256xf32>
    %get3A_855 = vector.shape_cast %get3A_854 : vector<16x1x256xf32> to vector<16x256xf32>
    %dot_general3A_856 = arith.constant dense<0.000000e+00> : vector<64x256xf32>
    %dot_general3A_857 = tpu.matmul %get3A_46, %get3A_855, %dot_general3A_856 {dimension_numbers = #tpu.dot_dimension_numbers<[1], [0], [0], [1], [0, 0, 1, 1], [], []>, transpose_lhs_hint = false} : vector<64x16xf32>, vector<16x256xf32>, vector<64x256xf32> -> vector<64x256xf32>
    %slice3A_858 = vector.extract_strided_slice %select_n3A {offsets = [32, 0], sizes = [1, 256], strides = [1, 1]} : vector<64x256xf32> to vector<1x256xf32>
    %mul3A_859 = vector.broadcast %get3A_49 : vector<64x1xf32> to vector<64x256xf32>
    %mul3A_860 = vector.broadcast %slice3A_858 : vector<1x256xf32> to vector<64x256xf32>
    %mul3A_861 = arith.mulf %mul3A_859, %mul3A_860 : vector<64x256xf32>
    %add3A_862 = arith.addf %dot_general3A_857, %mul3A_861 : vector<64x256xf32>
    %add3A_863 = vector.broadcast %get3A_52 : vector<64x1xf32> to vector<64x256xf32>
    %add3A_864 = arith.addf %add3A_862, %add3A_863 : vector<64x256xf32>
    %max3A_865 = arith.constant 0.000000e+00 : f32
    %max3A_866 = vector.broadcast %max3A_865 : f32 to vector<64x256xf32>
    %max3A_867 = arith.maximumf %add3A_864, %max3A_866 : vector<64x256xf32>
    %mul3A_868 = vector.broadcast %get3A_55 : vector<64x1xf32> to vector<64x256xf32>
    %mul3A_869 = arith.mulf %max3A_867, %mul3A_868 : vector<64x256xf32>
    %reduce_sum3A_870 = arith.constant dense<0.000000e+00> : vector<256xf32>
    %reduce_sum3A_871 = vector.multi_reduction <add>, %mul3A_869, %reduce_sum3A_870 [0] : vector<64x256xf32> to vector<256xf32>
    %broadcast_in_dim3A_872 = vector.shape_cast %reduce_sum3A_871 : vector<256xf32> to vector<1x256xf32>
    %swap3A_873 = arith.constant 32 : index
    %swap3A_874 = arith.constant 0 : index
    %swap3A_875 = vector.load %arg9[%swap3A_873, %swap3A_874] : memref<64x256xf32, #tpu.memory_space<vmem>>, vector<1x256xf32>
    tpu.vector_store %arg9[%swap3A_873, %swap3A_874], %broadcast_in_dim3A_872 {strides = array<i32>} : memref<64x256xf32, #tpu.memory_space<vmem>>, vector<1x256xf32>,
    %get3A_876 = arith.constant 0 : index
    %get3A_877 = arith.constant 33 : index
    %get3A_878 = arith.constant 0 : index
    %get3A_879 = vector.load %arg1[%get3A_876, %get3A_877, %get3A_878] : memref<16x64x256xf32, #tpu.memory_space<vmem>>, vector<16x1x256xf32>
    %get3A_880 = vector.shape_cast %get3A_879 : vector<16x1x256xf32> to vector<16x256xf32>
    %dot_general3A_881 = arith.constant dense<0.000000e+00> : vector<64x256xf32>
    %dot_general3A_882 = tpu.matmul %get3A_46, %get3A_880, %dot_general3A_881 {dimension_numbers = #tpu.dot_dimension_numbers<[1], [0], [0], [1], [0, 0, 1, 1], [], []>, transpose_lhs_hint = false} : vector<64x16xf32>, vector<16x256xf32>, vector<64x256xf32> -> vector<64x256xf32>
    %slice3A_883 = vector.extract_strided_slice %select_n3A {offsets = [33, 0], sizes = [1, 256], strides = [1, 1]} : vector<64x256xf32> to vector<1x256xf32>
    %mul3A_884 = vector.broadcast %get3A_49 : vector<64x1xf32> to vector<64x256xf32>
    %mul3A_885 = vector.broadcast %slice3A_883 : vector<1x256xf32> to vector<64x256xf32>
    %mul3A_886 = arith.mulf %mul3A_884, %mul3A_885 : vector<64x256xf32>
    %add3A_887 = arith.addf %dot_general3A_882, %mul3A_886 : vector<64x256xf32>
    %add3A_888 = vector.broadcast %get3A_52 : vector<64x1xf32> to vector<64x256xf32>
    %add3A_889 = arith.addf %add3A_887, %add3A_888 : vector<64x256xf32>
    %max3A_890 = arith.constant 0.000000e+00 : f32
    %max3A_891 = vector.broadcast %max3A_890 : f32 to vector<64x256xf32>
    %max3A_892 = arith.maximumf %add3A_889, %max3A_891 : vector<64x256xf32>
    %mul3A_893 = vector.broadcast %get3A_55 : vector<64x1xf32> to vector<64x256xf32>
    %mul3A_894 = arith.mulf %max3A_892, %mul3A_893 : vector<64x256xf32>
    %reduce_sum3A_895 = arith.constant dense<0.000000e+00> : vector<256xf32>
    %reduce_sum3A_896 = vector.multi_reduction <add>, %mul3A_894, %reduce_sum3A_895 [0] : vector<64x256xf32> to vector<256xf32>
    %broadcast_in_dim3A_897 = vector.shape_cast %reduce_sum3A_896 : vector<256xf32> to vector<1x256xf32>
    %swap3A_898 = arith.constant 33 : index
    %swap3A_899 = arith.constant 0 : index
    %swap3A_900 = vector.load %arg9[%swap3A_898, %swap3A_899] : memref<64x256xf32, #tpu.memory_space<vmem>>, vector<1x256xf32>
    tpu.vector_store %arg9[%swap3A_898, %swap3A_899], %broadcast_in_dim3A_897 {strides = array<i32>} : memref<64x256xf32, #tpu.memory_space<vmem>>, vector<1x256xf32>,
    %get3A_901 = arith.constant 0 : index
    %get3A_902 = arith.constant 34 : index
    %get3A_903 = arith.constant 0 : index
    %get3A_904 = vector.load %arg1[%get3A_901, %get3A_902, %get3A_903] : memref<16x64x256xf32, #tpu.memory_space<vmem>>, vector<16x1x256xf32>
    %get3A_905 = vector.shape_cast %get3A_904 : vector<16x1x256xf32> to vector<16x256xf32>
    %dot_general3A_906 = arith.constant dense<0.000000e+00> : vector<64x256xf32>
    %dot_general3A_907 = tpu.matmul %get3A_46, %get3A_905, %dot_general3A_906 {dimension_numbers = #tpu.dot_dimension_numbers<[1], [0], [0], [1], [0, 0, 1, 1], [], []>, transpose_lhs_hint = false} : vector<64x16xf32>, vector<16x256xf32>, vector<64x256xf32> -> vector<64x256xf32>
    %slice3A_908 = vector.extract_strided_slice %select_n3A {offsets = [34, 0], sizes = [1, 256], strides = [1, 1]} : vector<64x256xf32> to vector<1x256xf32>
    %mul3A_909 = vector.broadcast %get3A_49 : vector<64x1xf32> to vector<64x256xf32>
    %mul3A_910 = vector.broadcast %slice3A_908 : vector<1x256xf32> to vector<64x256xf32>
    %mul3A_911 = arith.mulf %mul3A_909, %mul3A_910 : vector<64x256xf32>
    %add3A_912 = arith.addf %dot_general3A_907, %mul3A_911 : vector<64x256xf32>
    %add3A_913 = vector.broadcast %get3A_52 : vector<64x1xf32> to vector<64x256xf32>
    %add3A_914 = arith.addf %add3A_912, %add3A_913 : vector<64x256xf32>
    %max3A_915 = arith.constant 0.000000e+00 : f32
    %max3A_916 = vector.broadcast %max3A_915 : f32 to vector<64x256xf32>
    %max3A_917 = arith.maximumf %add3A_914, %max3A_916 : vector<64x256xf32>
    %mul3A_918 = vector.broadcast %get3A_55 : vector<64x1xf32> to vector<64x256xf32>
    %mul3A_919 = arith.mulf %max3A_917, %mul3A_918 : vector<64x256xf32>
    %reduce_sum3A_920 = arith.constant dense<0.000000e+00> : vector<256xf32>
    %reduce_sum3A_921 = vector.multi_reduction <add>, %mul3A_919, %reduce_sum3A_920 [0] : vector<64x256xf32> to vector<256xf32>
    %broadcast_in_dim3A_922 = vector.shape_cast %reduce_sum3A_921 : vector<256xf32> to vector<1x256xf32>
    %swap3A_923 = arith.constant 34 : index
    %swap3A_924 = arith.constant 0 : index
    %swap3A_925 = vector.load %arg9[%swap3A_923, %swap3A_924] : memref<64x256xf32, #tpu.memory_space<vmem>>, vector<1x256xf32>
    tpu.vector_store %arg9[%swap3A_923, %swap3A_924], %broadcast_in_dim3A_922 {strides = array<i32>} : memref<64x256xf32, #tpu.memory_space<vmem>>, vector<1x256xf32>,
    %get3A_926 = arith.constant 0 : index
    %get3A_927 = arith.constant 35 : index
    %get3A_928 = arith.constant 0 : index
    %get3A_929 = vector.load %arg1[%get3A_926, %get3A_927, %get3A_928] : memref<16x64x256xf32, #tpu.memory_space<vmem>>, vector<16x1x256xf32>
    %get3A_930 = vector.shape_cast %get3A_929 : vector<16x1x256xf32> to vector<16x256xf32>
    %dot_general3A_931 = arith.constant dense<0.000000e+00> : vector<64x256xf32>
    %dot_general3A_932 = tpu.matmul %get3A_46, %get3A_930, %dot_general3A_931 {dimension_numbers = #tpu.dot_dimension_numbers<[1], [0], [0], [1], [0, 0, 1, 1], [], []>, transpose_lhs_hint = false} : vector<64x16xf32>, vector<16x256xf32>, vector<64x256xf32> -> vector<64x256xf32>
    %slice3A_933 = vector.extract_strided_slice %select_n3A {offsets = [35, 0], sizes = [1, 256], strides = [1, 1]} : vector<64x256xf32> to vector<1x256xf32>
    %mul3A_934 = vector.broadcast %get3A_49 : vector<64x1xf32> to vector<64x256xf32>
    %mul3A_935 = vector.broadcast %slice3A_933 : vector<1x256xf32> to vector<64x256xf32>
    %mul3A_936 = arith.mulf %mul3A_934, %mul3A_935 : vector<64x256xf32>
    %add3A_937 = arith.addf %dot_general3A_932, %mul3A_936 : vector<64x256xf32>
    %add3A_938 = vector.broadcast %get3A_52 : vector<64x1xf32> to vector<64x256xf32>
    %add3A_939 = arith.addf %add3A_937, %add3A_938 : vector<64x256xf32>
    %max3A_940 = arith.constant 0.000000e+00 : f32
    %max3A_941 = vector.broadcast %max3A_940 : f32 to vector<64x256xf32>
    %max3A_942 = arith.maximumf %add3A_939, %max3A_941 : vector<64x256xf32>
    %mul3A_943 = vector.broadcast %get3A_55 : vector<64x1xf32> to vector<64x256xf32>
    %mul3A_944 = arith.mulf %max3A_942, %mul3A_943 : vector<64x256xf32>
    %reduce_sum3A_945 = arith.constant dense<0.000000e+00> : vector<256xf32>
    %reduce_sum3A_946 = vector.multi_reduction <add>, %mul3A_944, %reduce_sum3A_945 [0] : vector<64x256xf32> to vector<256xf32>
    %broadcast_in_dim3A_947 = vector.shape_cast %reduce_sum3A_946 : vector<256xf32> to vector<1x256xf32>
    %swap3A_948 = arith.constant 35 : index
    %swap3A_949 = arith.constant 0 : index
    %swap3A_950 = vector.load %arg9[%swap3A_948, %swap3A_949] : memref<64x256xf32, #tpu.memory_space<vmem>>, vector<1x256xf32>
    tpu.vector_store %arg9[%swap3A_948, %swap3A_949], %broadcast_in_dim3A_947 {strides = array<i32>} : memref<64x256xf32, #tpu.memory_space<vmem>>, vector<1x256xf32>,
    %get3A_951 = arith.constant 0 : index
    %get3A_952 = arith.constant 36 : index
    %get3A_953 = arith.constant 0 : index
    %get3A_954 = vector.load %arg1[%get3A_951, %get3A_952, %get3A_953] : memref<16x64x256xf32, #tpu.memory_space<vmem>>, vector<16x1x256xf32>
    %get3A_955 = vector.shape_cast %get3A_954 : vector<16x1x256xf32> to vector<16x256xf32>
    %dot_general3A_956 = arith.constant dense<0.000000e+00> : vector<64x256xf32>
    %dot_general3A_957 = tpu.matmul %get3A_46, %get3A_955, %dot_general3A_956 {dimension_numbers = #tpu.dot_dimension_numbers<[1], [0], [0], [1], [0, 0, 1, 1], [], []>, transpose_lhs_hint = false} : vector<64x16xf32>, vector<16x256xf32>, vector<64x256xf32> -> vector<64x256xf32>
    %slice3A_958 = vector.extract_strided_slice %select_n3A {offsets = [36, 0], sizes = [1, 256], strides = [1, 1]} : vector<64x256xf32> to vector<1x256xf32>
    %mul3A_959 = vector.broadcast %get3A_49 : vector<64x1xf32> to vector<64x256xf32>
    %mul3A_960 = vector.broadcast %slice3A_958 : vector<1x256xf32> to vector<64x256xf32>
    %mul3A_961 = arith.mulf %mul3A_959, %mul3A_960 : vector<64x256xf32>
    %add3A_962 = arith.addf %dot_general3A_957, %mul3A_961 : vector<64x256xf32>
    %add3A_963 = vector.broadcast %get3A_52 : vector<64x1xf32> to vector<64x256xf32>
    %add3A_964 = arith.addf %add3A_962, %add3A_963 : vector<64x256xf32>
    %max3A_965 = arith.constant 0.000000e+00 : f32
    %max3A_966 = vector.broadcast %max3A_965 : f32 to vector<64x256xf32>
    %max3A_967 = arith.maximumf %add3A_964, %max3A_966 : vector<64x256xf32>
    %mul3A_968 = vector.broadcast %get3A_55 : vector<64x1xf32> to vector<64x256xf32>
    %mul3A_969 = arith.mulf %max3A_967, %mul3A_968 : vector<64x256xf32>
    %reduce_sum3A_970 = arith.constant dense<0.000000e+00> : vector<256xf32>
    %reduce_sum3A_971 = vector.multi_reduction <add>, %mul3A_969, %reduce_sum3A_970 [0] : vector<64x256xf32> to vector<256xf32>
    %broadcast_in_dim3A_972 = vector.shape_cast %reduce_sum3A_971 : vector<256xf32> to vector<1x256xf32>
    %swap3A_973 = arith.constant 36 : index
    %swap3A_974 = arith.constant 0 : index
    %swap3A_975 = vector.load %arg9[%swap3A_973, %swap3A_974] : memref<64x256xf32, #tpu.memory_space<vmem>>, vector<1x256xf32>
    tpu.vector_store %arg9[%swap3A_973, %swap3A_974], %broadcast_in_dim3A_972 {strides = array<i32>} : memref<64x256xf32, #tpu.memory_space<vmem>>, vector<1x256xf32>,
    %get3A_976 = arith.constant 0 : index
    %get3A_977 = arith.constant 37 : index
    %get3A_978 = arith.constant 0 : index
    %get3A_979 = vector.load %arg1[%get3A_976, %get3A_977, %get3A_978] : memref<16x64x256xf32, #tpu.memory_space<vmem>>, vector<16x1x256xf32>
    %get3A_980 = vector.shape_cast %get3A_979 : vector<16x1x256xf32> to vector<16x256xf32>
    %dot_general3A_981 = arith.constant dense<0.000000e+00> : vector<64x256xf32>
    %dot_general3A_982 = tpu.matmul %get3A_46, %get3A_980, %dot_general3A_981 {dimension_numbers = #tpu.dot_dimension_numbers<[1], [0], [0], [1], [0, 0, 1, 1], [], []>, transpose_lhs_hint = false} : vector<64x16xf32>, vector<16x256xf32>, vector<64x256xf32> -> vector<64x256xf32>
    %slice3A_983 = vector.extract_strided_slice %select_n3A {offsets = [37, 0], sizes = [1, 256], strides = [1, 1]} : vector<64x256xf32> to vector<1x256xf32>
    %mul3A_984 = vector.broadcast %get3A_49 : vector<64x1xf32> to vector<64x256xf32>
    %mul3A_985 = vector.broadcast %slice3A_983 : vector<1x256xf32> to vector<64x256xf32>
    %mul3A_986 = arith.mulf %mul3A_984, %mul3A_985 : vector<64x256xf32>
    %add3A_987 = arith.addf %dot_general3A_982, %mul3A_986 : vector<64x256xf32>
    %add3A_988 = vector.broadcast %get3A_52 : vector<64x1xf32> to vector<64x256xf32>
    %add3A_989 = arith.addf %add3A_987, %add3A_988 : vector<64x256xf32>
    %max3A_990 = arith.constant 0.000000e+00 : f32
    %max3A_991 = vector.broadcast %max3A_990 : f32 to vector<64x256xf32>
    %max3A_992 = arith.maximumf %add3A_989, %max3A_991 : vector<64x256xf32>
    %mul3A_993 = vector.broadcast %get3A_55 : vector<64x1xf32> to vector<64x256xf32>
    %mul3A_994 = arith.mulf %max3A_992, %mul3A_993 : vector<64x256xf32>
    %reduce_sum3A_995 = arith.constant dense<0.000000e+00> : vector<256xf32>
    %reduce_sum3A_996 = vector.multi_reduction <add>, %mul3A_994, %reduce_sum3A_995 [0] : vector<64x256xf32> to vector<256xf32>
    %broadcast_in_dim3A_997 = vector.shape_cast %reduce_sum3A_996 : vector<256xf32> to vector<1x256xf32>
    %swap3A_998 = arith.constant 37 : index
    %swap3A_999 = arith.constant 0 : index
    %swap3A_1000 = vector.load %arg9[%swap3A_998, %swap3A_999] : memref<64x256xf32, #tpu.memory_space<vmem>>, vector<1x256xf32>
    tpu.vector_store %arg9[%swap3A_998, %swap3A_999], %broadcast_in_dim3A_997 {strides = array<i32>} : memref<64x256xf32, #tpu.memory_space<vmem>>, vector<1x256xf32>,
    %get3A_1001 = arith.constant 0 : index
    %get3A_1002 = arith.constant 38 : index
    %get3A_1003 = arith.constant 0 : index
    %get3A_1004 = vector.load %arg1[%get3A_1001, %get3A_1002, %get3A_1003] : memref<16x64x256xf32, #tpu.memory_space<vmem>>, vector<16x1x256xf32>
    %get3A_1005 = vector.shape_cast %get3A_1004 : vector<16x1x256xf32> to vector<16x256xf32>
    %dot_general3A_1006 = arith.constant dense<0.000000e+00> : vector<64x256xf32>
    %dot_general3A_1007 = tpu.matmul %get3A_46, %get3A_1005, %dot_general3A_1006 {dimension_numbers = #tpu.dot_dimension_numbers<[1], [0], [0], [1], [0, 0, 1, 1], [], []>, transpose_lhs_hint = false} : vector<64x16xf32>, vector<16x256xf32>, vector<64x256xf32> -> vector<64x256xf32>
    %slice3A_1008 = vector.extract_strided_slice %select_n3A {offsets = [38, 0], sizes = [1, 256], strides = [1, 1]} : vector<64x256xf32> to vector<1x256xf32>
    %mul3A_1009 = vector.broadcast %get3A_49 : vector<64x1xf32> to vector<64x256xf32>
    %mul3A_1010 = vector.broadcast %slice3A_1008 : vector<1x256xf32> to vector<64x256xf32>
    %mul3A_1011 = arith.mulf %mul3A_1009, %mul3A_1010 : vector<64x256xf32>
    %add3A_1012 = arith.addf %dot_general3A_1007, %mul3A_1011 : vector<64x256xf32>
    %add3A_1013 = vector.broadcast %get3A_52 : vector<64x1xf32> to vector<64x256xf32>
    %add3A_1014 = arith.addf %add3A_1012, %add3A_1013 : vector<64x256xf32>
    %max3A_1015 = arith.constant 0.000000e+00 : f32
    %max3A_1016 = vector.broadcast %max3A_1015 : f32 to vector<64x256xf32>
    %max3A_1017 = arith.maximumf %add3A_1014, %max3A_1016 : vector<64x256xf32>
    %mul3A_1018 = vector.broadcast %get3A_55 : vector<64x1xf32> to vector<64x256xf32>
    %mul3A_1019 = arith.mulf %max3A_1017, %mul3A_1018 : vector<64x256xf32>
    %reduce_sum3A_1020 = arith.constant dense<0.000000e+00> : vector<256xf32>
    %reduce_sum3A_1021 = vector.multi_reduction <add>, %mul3A_1019, %reduce_sum3A_1020 [0] : vector<64x256xf32> to vector<256xf32>
    %broadcast_in_dim3A_1022 = vector.shape_cast %reduce_sum3A_1021 : vector<256xf32> to vector<1x256xf32>
    %swap3A_1023 = arith.constant 38 : index
    %swap3A_1024 = arith.constant 0 : index
    %swap3A_1025 = vector.load %arg9[%swap3A_1023, %swap3A_1024] : memref<64x256xf32, #tpu.memory_space<vmem>>, vector<1x256xf32>
    tpu.vector_store %arg9[%swap3A_1023, %swap3A_1024], %broadcast_in_dim3A_1022 {strides = array<i32>} : memref<64x256xf32, #tpu.memory_space<vmem>>, vector<1x256xf32>,
    %get3A_1026 = arith.constant 0 : index
    %get3A_1027 = arith.constant 39 : index
    %get3A_1028 = arith.constant 0 : index
    %get3A_1029 = vector.load %arg1[%get3A_1026, %get3A_1027, %get3A_1028] : memref<16x64x256xf32, #tpu.memory_space<vmem>>, vector<16x1x256xf32>
    %get3A_1030 = vector.shape_cast %get3A_1029 : vector<16x1x256xf32> to vector<16x256xf32>
    %dot_general3A_1031 = arith.constant dense<0.000000e+00> : vector<64x256xf32>
    %dot_general3A_1032 = tpu.matmul %get3A_46, %get3A_1030, %dot_general3A_1031 {dimension_numbers = #tpu.dot_dimension_numbers<[1], [0], [0], [1], [0, 0, 1, 1], [], []>, transpose_lhs_hint = false} : vector<64x16xf32>, vector<16x256xf32>, vector<64x256xf32> -> vector<64x256xf32>
    %slice3A_1033 = vector.extract_strided_slice %select_n3A {offsets = [39, 0], sizes = [1, 256], strides = [1, 1]} : vector<64x256xf32> to vector<1x256xf32>
    %mul3A_1034 = vector.broadcast %get3A_49 : vector<64x1xf32> to vector<64x256xf32>
    %mul3A_1035 = vector.broadcast %slice3A_1033 : vector<1x256xf32> to vector<64x256xf32>
    %mul3A_1036 = arith.mulf %mul3A_1034, %mul3A_1035 : vector<64x256xf32>
    %add3A_1037 = arith.addf %dot_general3A_1032, %mul3A_1036 : vector<64x256xf32>
    %add3A_1038 = vector.broadcast %get3A_52 : vector<64x1xf32> to vector<64x256xf32>
    %add3A_1039 = arith.addf %add3A_1037, %add3A_1038 : vector<64x256xf32>
    %max3A_1040 = arith.constant 0.000000e+00 : f32
    %max3A_1041 = vector.broadcast %max3A_1040 : f32 to vector<64x256xf32>
    %max3A_1042 = arith.maximumf %add3A_1039, %max3A_1041 : vector<64x256xf32>
    %mul3A_1043 = vector.broadcast %get3A_55 : vector<64x1xf32> to vector<64x256xf32>
    %mul3A_1044 = arith.mulf %max3A_1042, %mul3A_1043 : vector<64x256xf32>
    %reduce_sum3A_1045 = arith.constant dense<0.000000e+00> : vector<256xf32>
    %reduce_sum3A_1046 = vector.multi_reduction <add>, %mul3A_1044, %reduce_sum3A_1045 [0] : vector<64x256xf32> to vector<256xf32>
    %broadcast_in_dim3A_1047 = vector.shape_cast %reduce_sum3A_1046 : vector<256xf32> to vector<1x256xf32>
    %swap3A_1048 = arith.constant 39 : index
    %swap3A_1049 = arith.constant 0 : index
    %swap3A_1050 = vector.load %arg9[%swap3A_1048, %swap3A_1049] : memref<64x256xf32, #tpu.memory_space<vmem>>, vector<1x256xf32>
    tpu.vector_store %arg9[%swap3A_1048, %swap3A_1049], %broadcast_in_dim3A_1047 {strides = array<i32>} : memref<64x256xf32, #tpu.memory_space<vmem>>, vector<1x256xf32>,
    %get3A_1051 = arith.constant 0 : index
    %get3A_1052 = arith.constant 40 : index
    %get3A_1053 = arith.constant 0 : index
    %get3A_1054 = vector.load %arg1[%get3A_1051, %get3A_1052, %get3A_1053] : memref<16x64x256xf32, #tpu.memory_space<vmem>>, vector<16x1x256xf32>
    %get3A_1055 = vector.shape_cast %get3A_1054 : vector<16x1x256xf32> to vector<16x256xf32>
    %dot_general3A_1056 = arith.constant dense<0.000000e+00> : vector<64x256xf32>
    %dot_general3A_1057 = tpu.matmul %get3A_46, %get3A_1055, %dot_general3A_1056 {dimension_numbers = #tpu.dot_dimension_numbers<[1], [0], [0], [1], [0, 0, 1, 1], [], []>, transpose_lhs_hint = false} : vector<64x16xf32>, vector<16x256xf32>, vector<64x256xf32> -> vector<64x256xf32>
    %slice3A_1058 = vector.extract_strided_slice %select_n3A {offsets = [40, 0], sizes = [1, 256], strides = [1, 1]} : vector<64x256xf32> to vector<1x256xf32>
    %mul3A_1059 = vector.broadcast %get3A_49 : vector<64x1xf32> to vector<64x256xf32>
    %mul3A_1060 = vector.broadcast %slice3A_1058 : vector<1x256xf32> to vector<64x256xf32>
    %mul3A_1061 = arith.mulf %mul3A_1059, %mul3A_1060 : vector<64x256xf32>
    %add3A_1062 = arith.addf %dot_general3A_1057, %mul3A_1061 : vector<64x256xf32>
    %add3A_1063 = vector.broadcast %get3A_52 : vector<64x1xf32> to vector<64x256xf32>
    %add3A_1064 = arith.addf %add3A_1062, %add3A_1063 : vector<64x256xf32>
    %max3A_1065 = arith.constant 0.000000e+00 : f32
    %max3A_1066 = vector.broadcast %max3A_1065 : f32 to vector<64x256xf32>
    %max3A_1067 = arith.maximumf %add3A_1064, %max3A_1066 : vector<64x256xf32>
    %mul3A_1068 = vector.broadcast %get3A_55 : vector<64x1xf32> to vector<64x256xf32>
    %mul3A_1069 = arith.mulf %max3A_1067, %mul3A_1068 : vector<64x256xf32>
    %reduce_sum3A_1070 = arith.constant dense<0.000000e+00> : vector<256xf32>
    %reduce_sum3A_1071 = vector.multi_reduction <add>, %mul3A_1069, %reduce_sum3A_1070 [0] : vector<64x256xf32> to vector<256xf32>
    %broadcast_in_dim3A_1072 = vector.shape_cast %reduce_sum3A_1071 : vector<256xf32> to vector<1x256xf32>
    %swap3A_1073 = arith.constant 40 : index
    %swap3A_1074 = arith.constant 0 : index
    %swap3A_1075 = vector.load %arg9[%swap3A_1073, %swap3A_1074] : memref<64x256xf32, #tpu.memory_space<vmem>>, vector<1x256xf32>
    tpu.vector_store %arg9[%swap3A_1073, %swap3A_1074], %broadcast_in_dim3A_1072 {strides = array<i32>} : memref<64x256xf32, #tpu.memory_space<vmem>>, vector<1x256xf32>,
    %get3A_1076 = arith.constant 0 : index
    %get3A_1077 = arith.constant 41 : index
    %get3A_1078 = arith.constant 0 : index
    %get3A_1079 = vector.load %arg1[%get3A_1076, %get3A_1077, %get3A_1078] : memref<16x64x256xf32, #tpu.memory_space<vmem>>, vector<16x1x256xf32>
    %get3A_1080 = vector.shape_cast %get3A_1079 : vector<16x1x256xf32> to vector<16x256xf32>
    %dot_general3A_1081 = arith.constant dense<0.000000e+00> : vector<64x256xf32>
    %dot_general3A_1082 = tpu.matmul %get3A_46, %get3A_1080, %dot_general3A_1081 {dimension_numbers = #tpu.dot_dimension_numbers<[1], [0], [0], [1], [0, 0, 1, 1], [], []>, transpose_lhs_hint = false} : vector<64x16xf32>, vector<16x256xf32>, vector<64x256xf32> -> vector<64x256xf32>
    %slice3A_1083 = vector.extract_strided_slice %select_n3A {offsets = [41, 0], sizes = [1, 256], strides = [1, 1]} : vector<64x256xf32> to vector<1x256xf32>
    %mul3A_1084 = vector.broadcast %get3A_49 : vector<64x1xf32> to vector<64x256xf32>
    %mul3A_1085 = vector.broadcast %slice3A_1083 : vector<1x256xf32> to vector<64x256xf32>
    %mul3A_1086 = arith.mulf %mul3A_1084, %mul3A_1085 : vector<64x256xf32>
    %add3A_1087 = arith.addf %dot_general3A_1082, %mul3A_1086 : vector<64x256xf32>
    %add3A_1088 = vector.broadcast %get3A_52 : vector<64x1xf32> to vector<64x256xf32>
    %add3A_1089 = arith.addf %add3A_1087, %add3A_1088 : vector<64x256xf32>
    %max3A_1090 = arith.constant 0.000000e+00 : f32
    %max3A_1091 = vector.broadcast %max3A_1090 : f32 to vector<64x256xf32>
    %max3A_1092 = arith.maximumf %add3A_1089, %max3A_1091 : vector<64x256xf32>
    %mul3A_1093 = vector.broadcast %get3A_55 : vector<64x1xf32> to vector<64x256xf32>
    %mul3A_1094 = arith.mulf %max3A_1092, %mul3A_1093 : vector<64x256xf32>
    %reduce_sum3A_1095 = arith.constant dense<0.000000e+00> : vector<256xf32>
    %reduce_sum3A_1096 = vector.multi_reduction <add>, %mul3A_1094, %reduce_sum3A_1095 [0] : vector<64x256xf32> to vector<256xf32>
    %broadcast_in_dim3A_1097 = vector.shape_cast %reduce_sum3A_1096 : vector<256xf32> to vector<1x256xf32>
    %swap3A_1098 = arith.constant 41 : index
    %swap3A_1099 = arith.constant 0 : index
    %swap3A_1100 = vector.load %arg9[%swap3A_1098, %swap3A_1099] : memref<64x256xf32, #tpu.memory_space<vmem>>, vector<1x256xf32>
    tpu.vector_store %arg9[%swap3A_1098, %swap3A_1099], %broadcast_in_dim3A_1097 {strides = array<i32>} : memref<64x256xf32, #tpu.memory_space<vmem>>, vector<1x256xf32>,
    %get3A_1101 = arith.constant 0 : index
    %get3A_1102 = arith.constant 42 : index
    %get3A_1103 = arith.constant 0 : index
    %get3A_1104 = vector.load %arg1[%get3A_1101, %get3A_1102, %get3A_1103] : memref<16x64x256xf32, #tpu.memory_space<vmem>>, vector<16x1x256xf32>
    %get3A_1105 = vector.shape_cast %get3A_1104 : vector<16x1x256xf32> to vector<16x256xf32>
    %dot_general3A_1106 = arith.constant dense<0.000000e+00> : vector<64x256xf32>
    %dot_general3A_1107 = tpu.matmul %get3A_46, %get3A_1105, %dot_general3A_1106 {dimension_numbers = #tpu.dot_dimension_numbers<[1], [0], [0], [1], [0, 0, 1, 1], [], []>, transpose_lhs_hint = false} : vector<64x16xf32>, vector<16x256xf32>, vector<64x256xf32> -> vector<64x256xf32>
    %slice3A_1108 = vector.extract_strided_slice %select_n3A {offsets = [42, 0], sizes = [1, 256], strides = [1, 1]} : vector<64x256xf32> to vector<1x256xf32>
    %mul3A_1109 = vector.broadcast %get3A_49 : vector<64x1xf32> to vector<64x256xf32>
    %mul3A_1110 = vector.broadcast %slice3A_1108 : vector<1x256xf32> to vector<64x256xf32>
    %mul3A_1111 = arith.mulf %mul3A_1109, %mul3A_1110 : vector<64x256xf32>
    %add3A_1112 = arith.addf %dot_general3A_1107, %mul3A_1111 : vector<64x256xf32>
    %add3A_1113 = vector.broadcast %get3A_52 : vector<64x1xf32> to vector<64x256xf32>
    %add3A_1114 = arith.addf %add3A_1112, %add3A_1113 : vector<64x256xf32>
    %max3A_1115 = arith.constant 0.000000e+00 : f32
    %max3A_1116 = vector.broadcast %max3A_1115 : f32 to vector<64x256xf32>
    %max3A_1117 = arith.maximumf %add3A_1114, %max3A_1116 : vector<64x256xf32>
    %mul3A_1118 = vector.broadcast %get3A_55 : vector<64x1xf32> to vector<64x256xf32>
    %mul3A_1119 = arith.mulf %max3A_1117, %mul3A_1118 : vector<64x256xf32>
    %reduce_sum3A_1120 = arith.constant dense<0.000000e+00> : vector<256xf32>
    %reduce_sum3A_1121 = vector.multi_reduction <add>, %mul3A_1119, %reduce_sum3A_1120 [0] : vector<64x256xf32> to vector<256xf32>
    %broadcast_in_dim3A_1122 = vector.shape_cast %reduce_sum3A_1121 : vector<256xf32> to vector<1x256xf32>
    %swap3A_1123 = arith.constant 42 : index
    %swap3A_1124 = arith.constant 0 : index
    %swap3A_1125 = vector.load %arg9[%swap3A_1123, %swap3A_1124] : memref<64x256xf32, #tpu.memory_space<vmem>>, vector<1x256xf32>
    tpu.vector_store %arg9[%swap3A_1123, %swap3A_1124], %broadcast_in_dim3A_1122 {strides = array<i32>} : memref<64x256xf32, #tpu.memory_space<vmem>>, vector<1x256xf32>,
    %get3A_1126 = arith.constant 0 : index
    %get3A_1127 = arith.constant 43 : index
    %get3A_1128 = arith.constant 0 : index
    %get3A_1129 = vector.load %arg1[%get3A_1126, %get3A_1127, %get3A_1128] : memref<16x64x256xf32, #tpu.memory_space<vmem>>, vector<16x1x256xf32>
    %get3A_1130 = vector.shape_cast %get3A_1129 : vector<16x1x256xf32> to vector<16x256xf32>
    %dot_general3A_1131 = arith.constant dense<0.000000e+00> : vector<64x256xf32>
    %dot_general3A_1132 = tpu.matmul %get3A_46, %get3A_1130, %dot_general3A_1131 {dimension_numbers = #tpu.dot_dimension_numbers<[1], [0], [0], [1], [0, 0, 1, 1], [], []>, transpose_lhs_hint = false} : vector<64x16xf32>, vector<16x256xf32>, vector<64x256xf32> -> vector<64x256xf32>
    %slice3A_1133 = vector.extract_strided_slice %select_n3A {offsets = [43, 0], sizes = [1, 256], strides = [1, 1]} : vector<64x256xf32> to vector<1x256xf32>
    %mul3A_1134 = vector.broadcast %get3A_49 : vector<64x1xf32> to vector<64x256xf32>
    %mul3A_1135 = vector.broadcast %slice3A_1133 : vector<1x256xf32> to vector<64x256xf32>
    %mul3A_1136 = arith.mulf %mul3A_1134, %mul3A_1135 : vector<64x256xf32>
    %add3A_1137 = arith.addf %dot_general3A_1132, %mul3A_1136 : vector<64x256xf32>
    %add3A_1138 = vector.broadcast %get3A_52 : vector<64x1xf32> to vector<64x256xf32>
    %add3A_1139 = arith.addf %add3A_1137, %add3A_1138 : vector<64x256xf32>
    %max3A_1140 = arith.constant 0.000000e+00 : f32
    %max3A_1141 = vector.broadcast %max3A_1140 : f32 to vector<64x256xf32>
    %max3A_1142 = arith.maximumf %add3A_1139, %max3A_1141 : vector<64x256xf32>
    %mul3A_1143 = vector.broadcast %get3A_55 : vector<64x1xf32> to vector<64x256xf32>
    %mul3A_1144 = arith.mulf %max3A_1142, %mul3A_1143 : vector<64x256xf32>
    %reduce_sum3A_1145 = arith.constant dense<0.000000e+00> : vector<256xf32>
    %reduce_sum3A_1146 = vector.multi_reduction <add>, %mul3A_1144, %reduce_sum3A_1145 [0] : vector<64x256xf32> to vector<256xf32>
    %broadcast_in_dim3A_1147 = vector.shape_cast %reduce_sum3A_1146 : vector<256xf32> to vector<1x256xf32>
    %swap3A_1148 = arith.constant 43 : index
    %swap3A_1149 = arith.constant 0 : index
    %swap3A_1150 = vector.load %arg9[%swap3A_1148, %swap3A_1149] : memref<64x256xf32, #tpu.memory_space<vmem>>, vector<1x256xf32>
    tpu.vector_store %arg9[%swap3A_1148, %swap3A_1149], %broadcast_in_dim3A_1147 {strides = array<i32>} : memref<64x256xf32, #tpu.memory_space<vmem>>, vector<1x256xf32>,
    %get3A_1151 = arith.constant 0 : index
    %get3A_1152 = arith.constant 44 : index
    %get3A_1153 = arith.constant 0 : index
    %get3A_1154 = vector.load %arg1[%get3A_1151, %get3A_1152, %get3A_1153] : memref<16x64x256xf32, #tpu.memory_space<vmem>>, vector<16x1x256xf32>
    %get3A_1155 = vector.shape_cast %get3A_1154 : vector<16x1x256xf32> to vector<16x256xf32>
    %dot_general3A_1156 = arith.constant dense<0.000000e+00> : vector<64x256xf32>
    %dot_general3A_1157 = tpu.matmul %get3A_46, %get3A_1155, %dot_general3A_1156 {dimension_numbers = #tpu.dot_dimension_numbers<[1], [0], [0], [1], [0, 0, 1, 1], [], []>, transpose_lhs_hint = false} : vector<64x16xf32>, vector<16x256xf32>, vector<64x256xf32> -> vector<64x256xf32>
    %slice3A_1158 = vector.extract_strided_slice %select_n3A {offsets = [44, 0], sizes = [1, 256], strides = [1, 1]} : vector<64x256xf32> to vector<1x256xf32>
    %mul3A_1159 = vector.broadcast %get3A_49 : vector<64x1xf32> to vector<64x256xf32>
    %mul3A_1160 = vector.broadcast %slice3A_1158 : vector<1x256xf32> to vector<64x256xf32>
    %mul3A_1161 = arith.mulf %mul3A_1159, %mul3A_1160 : vector<64x256xf32>
    %add3A_1162 = arith.addf %dot_general3A_1157, %mul3A_1161 : vector<64x256xf32>
    %add3A_1163 = vector.broadcast %get3A_52 : vector<64x1xf32> to vector<64x256xf32>
    %add3A_1164 = arith.addf %add3A_1162, %add3A_1163 : vector<64x256xf32>
    %max3A_1165 = arith.constant 0.000000e+00 : f32
    %max3A_1166 = vector.broadcast %max3A_1165 : f32 to vector<64x256xf32>
    %max3A_1167 = arith.maximumf %add3A_1164, %max3A_1166 : vector<64x256xf32>
    %mul3A_1168 = vector.broadcast %get3A_55 : vector<64x1xf32> to vector<64x256xf32>
    %mul3A_1169 = arith.mulf %max3A_1167, %mul3A_1168 : vector<64x256xf32>
    %reduce_sum3A_1170 = arith.constant dense<0.000000e+00> : vector<256xf32>
    %reduce_sum3A_1171 = vector.multi_reduction <add>, %mul3A_1169, %reduce_sum3A_1170 [0] : vector<64x256xf32> to vector<256xf32>
    %broadcast_in_dim3A_1172 = vector.shape_cast %reduce_sum3A_1171 : vector<256xf32> to vector<1x256xf32>
    %swap3A_1173 = arith.constant 44 : index
    %swap3A_1174 = arith.constant 0 : index
    %swap3A_1175 = vector.load %arg9[%swap3A_1173, %swap3A_1174] : memref<64x256xf32, #tpu.memory_space<vmem>>, vector<1x256xf32>
    tpu.vector_store %arg9[%swap3A_1173, %swap3A_1174], %broadcast_in_dim3A_1172 {strides = array<i32>} : memref<64x256xf32, #tpu.memory_space<vmem>>, vector<1x256xf32>,
    %get3A_1176 = arith.constant 0 : index
    %get3A_1177 = arith.constant 45 : index
    %get3A_1178 = arith.constant 0 : index
    %get3A_1179 = vector.load %arg1[%get3A_1176, %get3A_1177, %get3A_1178] : memref<16x64x256xf32, #tpu.memory_space<vmem>>, vector<16x1x256xf32>
    %get3A_1180 = vector.shape_cast %get3A_1179 : vector<16x1x256xf32> to vector<16x256xf32>
    %dot_general3A_1181 = arith.constant dense<0.000000e+00> : vector<64x256xf32>
    %dot_general3A_1182 = tpu.matmul %get3A_46, %get3A_1180, %dot_general3A_1181 {dimension_numbers = #tpu.dot_dimension_numbers<[1], [0], [0], [1], [0, 0, 1, 1], [], []>, transpose_lhs_hint = false} : vector<64x16xf32>, vector<16x256xf32>, vector<64x256xf32> -> vector<64x256xf32>
    %slice3A_1183 = vector.extract_strided_slice %select_n3A {offsets = [45, 0], sizes = [1, 256], strides = [1, 1]} : vector<64x256xf32> to vector<1x256xf32>
    %mul3A_1184 = vector.broadcast %get3A_49 : vector<64x1xf32> to vector<64x256xf32>
    %mul3A_1185 = vector.broadcast %slice3A_1183 : vector<1x256xf32> to vector<64x256xf32>
    %mul3A_1186 = arith.mulf %mul3A_1184, %mul3A_1185 : vector<64x256xf32>
    %add3A_1187 = arith.addf %dot_general3A_1182, %mul3A_1186 : vector<64x256xf32>
    %add3A_1188 = vector.broadcast %get3A_52 : vector<64x1xf32> to vector<64x256xf32>
    %add3A_1189 = arith.addf %add3A_1187, %add3A_1188 : vector<64x256xf32>
    %max3A_1190 = arith.constant 0.000000e+00 : f32
    %max3A_1191 = vector.broadcast %max3A_1190 : f32 to vector<64x256xf32>
    %max3A_1192 = arith.maximumf %add3A_1189, %max3A_1191 : vector<64x256xf32>
    %mul3A_1193 = vector.broadcast %get3A_55 : vector<64x1xf32> to vector<64x256xf32>
    %mul3A_1194 = arith.mulf %max3A_1192, %mul3A_1193 : vector<64x256xf32>
    %reduce_sum3A_1195 = arith.constant dense<0.000000e+00> : vector<256xf32>
    %reduce_sum3A_1196 = vector.multi_reduction <add>, %mul3A_1194, %reduce_sum3A_1195 [0] : vector<64x256xf32> to vector<256xf32>
    %broadcast_in_dim3A_1197 = vector.shape_cast %reduce_sum3A_1196 : vector<256xf32> to vector<1x256xf32>
    %swap3A_1198 = arith.constant 45 : index
    %swap3A_1199 = arith.constant 0 : index
    %swap3A_1200 = vector.load %arg9[%swap3A_1198, %swap3A_1199] : memref<64x256xf32, #tpu.memory_space<vmem>>, vector<1x256xf32>
    tpu.vector_store %arg9[%swap3A_1198, %swap3A_1199], %broadcast_in_dim3A_1197 {strides = array<i32>} : memref<64x256xf32, #tpu.memory_space<vmem>>, vector<1x256xf32>,
    %get3A_1201 = arith.constant 0 : index
    %get3A_1202 = arith.constant 46 : index
    %get3A_1203 = arith.constant 0 : index
    %get3A_1204 = vector.load %arg1[%get3A_1201, %get3A_1202, %get3A_1203] : memref<16x64x256xf32, #tpu.memory_space<vmem>>, vector<16x1x256xf32>
    %get3A_1205 = vector.shape_cast %get3A_1204 : vector<16x1x256xf32> to vector<16x256xf32>
    %dot_general3A_1206 = arith.constant dense<0.000000e+00> : vector<64x256xf32>
    %dot_general3A_1207 = tpu.matmul %get3A_46, %get3A_1205, %dot_general3A_1206 {dimension_numbers = #tpu.dot_dimension_numbers<[1], [0], [0], [1], [0, 0, 1, 1], [], []>, transpose_lhs_hint = false} : vector<64x16xf32>, vector<16x256xf32>, vector<64x256xf32> -> vector<64x256xf32>
    %slice3A_1208 = vector.extract_strided_slice %select_n3A {offsets = [46, 0], sizes = [1, 256], strides = [1, 1]} : vector<64x256xf32> to vector<1x256xf32>
    %mul3A_1209 = vector.broadcast %get3A_49 : vector<64x1xf32> to vector<64x256xf32>
    %mul3A_1210 = vector.broadcast %slice3A_1208 : vector<1x256xf32> to vector<64x256xf32>
    %mul3A_1211 = arith.mulf %mul3A_1209, %mul3A_1210 : vector<64x256xf32>
    %add3A_1212 = arith.addf %dot_general3A_1207, %mul3A_1211 : vector<64x256xf32>
    %add3A_1213 = vector.broadcast %get3A_52 : vector<64x1xf32> to vector<64x256xf32>
    %add3A_1214 = arith.addf %add3A_1212, %add3A_1213 : vector<64x256xf32>
    %max3A_1215 = arith.constant 0.000000e+00 : f32
    %max3A_1216 = vector.broadcast %max3A_1215 : f32 to vector<64x256xf32>
    %max3A_1217 = arith.maximumf %add3A_1214, %max3A_1216 : vector<64x256xf32>
    %mul3A_1218 = vector.broadcast %get3A_55 : vector<64x1xf32> to vector<64x256xf32>
    %mul3A_1219 = arith.mulf %max3A_1217, %mul3A_1218 : vector<64x256xf32>
    %reduce_sum3A_1220 = arith.constant dense<0.000000e+00> : vector<256xf32>
    %reduce_sum3A_1221 = vector.multi_reduction <add>, %mul3A_1219, %reduce_sum3A_1220 [0] : vector<64x256xf32> to vector<256xf32>
    %broadcast_in_dim3A_1222 = vector.shape_cast %reduce_sum3A_1221 : vector<256xf32> to vector<1x256xf32>
    %swap3A_1223 = arith.constant 46 : index
    %swap3A_1224 = arith.constant 0 : index
    %swap3A_1225 = vector.load %arg9[%swap3A_1223, %swap3A_1224] : memref<64x256xf32, #tpu.memory_space<vmem>>, vector<1x256xf32>
    tpu.vector_store %arg9[%swap3A_1223, %swap3A_1224], %broadcast_in_dim3A_1222 {strides = array<i32>} : memref<64x256xf32, #tpu.memory_space<vmem>>, vector<1x256xf32>,
    %get3A_1226 = arith.constant 0 : index
    %get3A_1227 = arith.constant 47 : index
    %get3A_1228 = arith.constant 0 : index
    %get3A_1229 = vector.load %arg1[%get3A_1226, %get3A_1227, %get3A_1228] : memref<16x64x256xf32, #tpu.memory_space<vmem>>, vector<16x1x256xf32>
    %get3A_1230 = vector.shape_cast %get3A_1229 : vector<16x1x256xf32> to vector<16x256xf32>
    %dot_general3A_1231 = arith.constant dense<0.000000e+00> : vector<64x256xf32>
    %dot_general3A_1232 = tpu.matmul %get3A_46, %get3A_1230, %dot_general3A_1231 {dimension_numbers = #tpu.dot_dimension_numbers<[1], [0], [0], [1], [0, 0, 1, 1], [], []>, transpose_lhs_hint = false} : vector<64x16xf32>, vector<16x256xf32>, vector<64x256xf32> -> vector<64x256xf32>
    %slice3A_1233 = vector.extract_strided_slice %select_n3A {offsets = [47, 0], sizes = [1, 256], strides = [1, 1]} : vector<64x256xf32> to vector<1x256xf32>
    %mul3A_1234 = vector.broadcast %get3A_49 : vector<64x1xf32> to vector<64x256xf32>
    %mul3A_1235 = vector.broadcast %slice3A_1233 : vector<1x256xf32> to vector<64x256xf32>
    %mul3A_1236 = arith.mulf %mul3A_1234, %mul3A_1235 : vector<64x256xf32>
    %add3A_1237 = arith.addf %dot_general3A_1232, %mul3A_1236 : vector<64x256xf32>
    %add3A_1238 = vector.broadcast %get3A_52 : vector<64x1xf32> to vector<64x256xf32>
    %add3A_1239 = arith.addf %add3A_1237, %add3A_1238 : vector<64x256xf32>
    %max3A_1240 = arith.constant 0.000000e+00 : f32
    %max3A_1241 = vector.broadcast %max3A_1240 : f32 to vector<64x256xf32>
    %max3A_1242 = arith.maximumf %add3A_1239, %max3A_1241 : vector<64x256xf32>
    %mul3A_1243 = vector.broadcast %get3A_55 : vector<64x1xf32> to vector<64x256xf32>
    %mul3A_1244 = arith.mulf %max3A_1242, %mul3A_1243 : vector<64x256xf32>
    %reduce_sum3A_1245 = arith.constant dense<0.000000e+00> : vector<256xf32>
    %reduce_sum3A_1246 = vector.multi_reduction <add>, %mul3A_1244, %reduce_sum3A_1245 [0] : vector<64x256xf32> to vector<256xf32>
    %broadcast_in_dim3A_1247 = vector.shape_cast %reduce_sum3A_1246 : vector<256xf32> to vector<1x256xf32>
    %swap3A_1248 = arith.constant 47 : index
    %swap3A_1249 = arith.constant 0 : index
    %swap3A_1250 = vector.load %arg9[%swap3A_1248, %swap3A_1249] : memref<64x256xf32, #tpu.memory_space<vmem>>, vector<1x256xf32>
    tpu.vector_store %arg9[%swap3A_1248, %swap3A_1249], %broadcast_in_dim3A_1247 {strides = array<i32>} : memref<64x256xf32, #tpu.memory_space<vmem>>, vector<1x256xf32>,
    %get3A_1251 = arith.constant 0 : index
    %get3A_1252 = arith.constant 48 : index
    %get3A_1253 = arith.constant 0 : index
    %get3A_1254 = vector.load %arg1[%get3A_1251, %get3A_1252, %get3A_1253] : memref<16x64x256xf32, #tpu.memory_space<vmem>>, vector<16x1x256xf32>
    %get3A_1255 = vector.shape_cast %get3A_1254 : vector<16x1x256xf32> to vector<16x256xf32>
    %dot_general3A_1256 = arith.constant dense<0.000000e+00> : vector<64x256xf32>
    %dot_general3A_1257 = tpu.matmul %get3A_46, %get3A_1255, %dot_general3A_1256 {dimension_numbers = #tpu.dot_dimension_numbers<[1], [0], [0], [1], [0, 0, 1, 1], [], []>, transpose_lhs_hint = false} : vector<64x16xf32>, vector<16x256xf32>, vector<64x256xf32> -> vector<64x256xf32>
    %slice3A_1258 = vector.extract_strided_slice %select_n3A {offsets = [48, 0], sizes = [1, 256], strides = [1, 1]} : vector<64x256xf32> to vector<1x256xf32>
    %mul3A_1259 = vector.broadcast %get3A_49 : vector<64x1xf32> to vector<64x256xf32>
    %mul3A_1260 = vector.broadcast %slice3A_1258 : vector<1x256xf32> to vector<64x256xf32>
    %mul3A_1261 = arith.mulf %mul3A_1259, %mul3A_1260 : vector<64x256xf32>
    %add3A_1262 = arith.addf %dot_general3A_1257, %mul3A_1261 : vector<64x256xf32>
    %add3A_1263 = vector.broadcast %get3A_52 : vector<64x1xf32> to vector<64x256xf32>
    %add3A_1264 = arith.addf %add3A_1262, %add3A_1263 : vector<64x256xf32>
    %max3A_1265 = arith.constant 0.000000e+00 : f32
    %max3A_1266 = vector.broadcast %max3A_1265 : f32 to vector<64x256xf32>
    %max3A_1267 = arith.maximumf %add3A_1264, %max3A_1266 : vector<64x256xf32>
    %mul3A_1268 = vector.broadcast %get3A_55 : vector<64x1xf32> to vector<64x256xf32>
    %mul3A_1269 = arith.mulf %max3A_1267, %mul3A_1268 : vector<64x256xf32>
    %reduce_sum3A_1270 = arith.constant dense<0.000000e+00> : vector<256xf32>
    %reduce_sum3A_1271 = vector.multi_reduction <add>, %mul3A_1269, %reduce_sum3A_1270 [0] : vector<64x256xf32> to vector<256xf32>
    %broadcast_in_dim3A_1272 = vector.shape_cast %reduce_sum3A_1271 : vector<256xf32> to vector<1x256xf32>
    %swap3A_1273 = arith.constant 48 : index
    %swap3A_1274 = arith.constant 0 : index
    %swap3A_1275 = vector.load %arg9[%swap3A_1273, %swap3A_1274] : memref<64x256xf32, #tpu.memory_space<vmem>>, vector<1x256xf32>
    tpu.vector_store %arg9[%swap3A_1273, %swap3A_1274], %broadcast_in_dim3A_1272 {strides = array<i32>} : memref<64x256xf32, #tpu.memory_space<vmem>>, vector<1x256xf32>,
    %get3A_1276 = arith.constant 0 : index
    %get3A_1277 = arith.constant 49 : index
    %get3A_1278 = arith.constant 0 : index
    %get3A_1279 = vector.load %arg1[%get3A_1276, %get3A_1277, %get3A_1278] : memref<16x64x256xf32, #tpu.memory_space<vmem>>, vector<16x1x256xf32>
    %get3A_1280 = vector.shape_cast %get3A_1279 : vector<16x1x256xf32> to vector<16x256xf32>
    %dot_general3A_1281 = arith.constant dense<0.000000e+00> : vector<64x256xf32>
    %dot_general3A_1282 = tpu.matmul %get3A_46, %get3A_1280, %dot_general3A_1281 {dimension_numbers = #tpu.dot_dimension_numbers<[1], [0], [0], [1], [0, 0, 1, 1], [], []>, transpose_lhs_hint = false} : vector<64x16xf32>, vector<16x256xf32>, vector<64x256xf32> -> vector<64x256xf32>
    %slice3A_1283 = vector.extract_strided_slice %select_n3A {offsets = [49, 0], sizes = [1, 256], strides = [1, 1]} : vector<64x256xf32> to vector<1x256xf32>
    %mul3A_1284 = vector.broadcast %get3A_49 : vector<64x1xf32> to vector<64x256xf32>
    %mul3A_1285 = vector.broadcast %slice3A_1283 : vector<1x256xf32> to vector<64x256xf32>
    %mul3A_1286 = arith.mulf %mul3A_1284, %mul3A_1285 : vector<64x256xf32>
    %add3A_1287 = arith.addf %dot_general3A_1282, %mul3A_1286 : vector<64x256xf32>
    %add3A_1288 = vector.broadcast %get3A_52 : vector<64x1xf32> to vector<64x256xf32>
    %add3A_1289 = arith.addf %add3A_1287, %add3A_1288 : vector<64x256xf32>
    %max3A_1290 = arith.constant 0.000000e+00 : f32
    %max3A_1291 = vector.broadcast %max3A_1290 : f32 to vector<64x256xf32>
    %max3A_1292 = arith.maximumf %add3A_1289, %max3A_1291 : vector<64x256xf32>
    %mul3A_1293 = vector.broadcast %get3A_55 : vector<64x1xf32> to vector<64x256xf32>
    %mul3A_1294 = arith.mulf %max3A_1292, %mul3A_1293 : vector<64x256xf32>
    %reduce_sum3A_1295 = arith.constant dense<0.000000e+00> : vector<256xf32>
    %reduce_sum3A_1296 = vector.multi_reduction <add>, %mul3A_1294, %reduce_sum3A_1295 [0] : vector<64x256xf32> to vector<256xf32>
    %broadcast_in_dim3A_1297 = vector.shape_cast %reduce_sum3A_1296 : vector<256xf32> to vector<1x256xf32>
    %swap3A_1298 = arith.constant 49 : index
    %swap3A_1299 = arith.constant 0 : index
    %swap3A_1300 = vector.load %arg9[%swap3A_1298, %swap3A_1299] : memref<64x256xf32, #tpu.memory_space<vmem>>, vector<1x256xf32>
    tpu.vector_store %arg9[%swap3A_1298, %swap3A_1299], %broadcast_in_dim3A_1297 {strides = array<i32>} : memref<64x256xf32, #tpu.memory_space<vmem>>, vector<1x256xf32>,
    %get3A_1301 = arith.constant 0 : index
    %get3A_1302 = arith.constant 50 : index
    %get3A_1303 = arith.constant 0 : index
    %get3A_1304 = vector.load %arg1[%get3A_1301, %get3A_1302, %get3A_1303] : memref<16x64x256xf32, #tpu.memory_space<vmem>>, vector<16x1x256xf32>
    %get3A_1305 = vector.shape_cast %get3A_1304 : vector<16x1x256xf32> to vector<16x256xf32>
    %dot_general3A_1306 = arith.constant dense<0.000000e+00> : vector<64x256xf32>
    %dot_general3A_1307 = tpu.matmul %get3A_46, %get3A_1305, %dot_general3A_1306 {dimension_numbers = #tpu.dot_dimension_numbers<[1], [0], [0], [1], [0, 0, 1, 1], [], []>, transpose_lhs_hint = false} : vector<64x16xf32>, vector<16x256xf32>, vector<64x256xf32> -> vector<64x256xf32>
    %slice3A_1308 = vector.extract_strided_slice %select_n3A {offsets = [50, 0], sizes = [1, 256], strides = [1, 1]} : vector<64x256xf32> to vector<1x256xf32>
    %mul3A_1309 = vector.broadcast %get3A_49 : vector<64x1xf32> to vector<64x256xf32>
    %mul3A_1310 = vector.broadcast %slice3A_1308 : vector<1x256xf32> to vector<64x256xf32>
    %mul3A_1311 = arith.mulf %mul3A_1309, %mul3A_1310 : vector<64x256xf32>
    %add3A_1312 = arith.addf %dot_general3A_1307, %mul3A_1311 : vector<64x256xf32>
    %add3A_1313 = vector.broadcast %get3A_52 : vector<64x1xf32> to vector<64x256xf32>
    %add3A_1314 = arith.addf %add3A_1312, %add3A_1313 : vector<64x256xf32>
    %max3A_1315 = arith.constant 0.000000e+00 : f32
    %max3A_1316 = vector.broadcast %max3A_1315 : f32 to vector<64x256xf32>
    %max3A_1317 = arith.maximumf %add3A_1314, %max3A_1316 : vector<64x256xf32>
    %mul3A_1318 = vector.broadcast %get3A_55 : vector<64x1xf32> to vector<64x256xf32>
    %mul3A_1319 = arith.mulf %max3A_1317, %mul3A_1318 : vector<64x256xf32>
    %reduce_sum3A_1320 = arith.constant dense<0.000000e+00> : vector<256xf32>
    %reduce_sum3A_1321 = vector.multi_reduction <add>, %mul3A_1319, %reduce_sum3A_1320 [0] : vector<64x256xf32> to vector<256xf32>
    %broadcast_in_dim3A_1322 = vector.shape_cast %reduce_sum3A_1321 : vector<256xf32> to vector<1x256xf32>
    %swap3A_1323 = arith.constant 50 : index
    %swap3A_1324 = arith.constant 0 : index
    %swap3A_1325 = vector.load %arg9[%swap3A_1323, %swap3A_1324] : memref<64x256xf32, #tpu.memory_space<vmem>>, vector<1x256xf32>
    tpu.vector_store %arg9[%swap3A_1323, %swap3A_1324], %broadcast_in_dim3A_1322 {strides = array<i32>} : memref<64x256xf32, #tpu.memory_space<vmem>>, vector<1x256xf32>,
    %get3A_1326 = arith.constant 0 : index
    %get3A_1327 = arith.constant 51 : index
    %get3A_1328 = arith.constant 0 : index
    %get3A_1329 = vector.load %arg1[%get3A_1326, %get3A_1327, %get3A_1328] : memref<16x64x256xf32, #tpu.memory_space<vmem>>, vector<16x1x256xf32>
    %get3A_1330 = vector.shape_cast %get3A_1329 : vector<16x1x256xf32> to vector<16x256xf32>
    %dot_general3A_1331 = arith.constant dense<0.000000e+00> : vector<64x256xf32>
    %dot_general3A_1332 = tpu.matmul %get3A_46, %get3A_1330, %dot_general3A_1331 {dimension_numbers = #tpu.dot_dimension_numbers<[1], [0], [0], [1], [0, 0, 1, 1], [], []>, transpose_lhs_hint = false} : vector<64x16xf32>, vector<16x256xf32>, vector<64x256xf32> -> vector<64x256xf32>
    %slice3A_1333 = vector.extract_strided_slice %select_n3A {offsets = [51, 0], sizes = [1, 256], strides = [1, 1]} : vector<64x256xf32> to vector<1x256xf32>
    %mul3A_1334 = vector.broadcast %get3A_49 : vector<64x1xf32> to vector<64x256xf32>
    %mul3A_1335 = vector.broadcast %slice3A_1333 : vector<1x256xf32> to vector<64x256xf32>
    %mul3A_1336 = arith.mulf %mul3A_1334, %mul3A_1335 : vector<64x256xf32>
    %add3A_1337 = arith.addf %dot_general3A_1332, %mul3A_1336 : vector<64x256xf32>
    %add3A_1338 = vector.broadcast %get3A_52 : vector<64x1xf32> to vector<64x256xf32>
    %add3A_1339 = arith.addf %add3A_1337, %add3A_1338 : vector<64x256xf32>
    %max3A_1340 = arith.constant 0.000000e+00 : f32
    %max3A_1341 = vector.broadcast %max3A_1340 : f32 to vector<64x256xf32>
    %max3A_1342 = arith.maximumf %add3A_1339, %max3A_1341 : vector<64x256xf32>
    %mul3A_1343 = vector.broadcast %get3A_55 : vector<64x1xf32> to vector<64x256xf32>
    %mul3A_1344 = arith.mulf %max3A_1342, %mul3A_1343 : vector<64x256xf32>
    %reduce_sum3A_1345 = arith.constant dense<0.000000e+00> : vector<256xf32>
    %reduce_sum3A_1346 = vector.multi_reduction <add>, %mul3A_1344, %reduce_sum3A_1345 [0] : vector<64x256xf32> to vector<256xf32>
    %broadcast_in_dim3A_1347 = vector.shape_cast %reduce_sum3A_1346 : vector<256xf32> to vector<1x256xf32>
    %swap3A_1348 = arith.constant 51 : index
    %swap3A_1349 = arith.constant 0 : index
    %swap3A_1350 = vector.load %arg9[%swap3A_1348, %swap3A_1349] : memref<64x256xf32, #tpu.memory_space<vmem>>, vector<1x256xf32>
    tpu.vector_store %arg9[%swap3A_1348, %swap3A_1349], %broadcast_in_dim3A_1347 {strides = array<i32>} : memref<64x256xf32, #tpu.memory_space<vmem>>, vector<1x256xf32>,
    %get3A_1351 = arith.constant 0 : index
    %get3A_1352 = arith.constant 52 : index
    %get3A_1353 = arith.constant 0 : index
    %get3A_1354 = vector.load %arg1[%get3A_1351, %get3A_1352, %get3A_1353] : memref<16x64x256xf32, #tpu.memory_space<vmem>>, vector<16x1x256xf32>
    %get3A_1355 = vector.shape_cast %get3A_1354 : vector<16x1x256xf32> to vector<16x256xf32>
    %dot_general3A_1356 = arith.constant dense<0.000000e+00> : vector<64x256xf32>
    %dot_general3A_1357 = tpu.matmul %get3A_46, %get3A_1355, %dot_general3A_1356 {dimension_numbers = #tpu.dot_dimension_numbers<[1], [0], [0], [1], [0, 0, 1, 1], [], []>, transpose_lhs_hint = false} : vector<64x16xf32>, vector<16x256xf32>, vector<64x256xf32> -> vector<64x256xf32>
    %slice3A_1358 = vector.extract_strided_slice %select_n3A {offsets = [52, 0], sizes = [1, 256], strides = [1, 1]} : vector<64x256xf32> to vector<1x256xf32>
    %mul3A_1359 = vector.broadcast %get3A_49 : vector<64x1xf32> to vector<64x256xf32>
    %mul3A_1360 = vector.broadcast %slice3A_1358 : vector<1x256xf32> to vector<64x256xf32>
    %mul3A_1361 = arith.mulf %mul3A_1359, %mul3A_1360 : vector<64x256xf32>
    %add3A_1362 = arith.addf %dot_general3A_1357, %mul3A_1361 : vector<64x256xf32>
    %add3A_1363 = vector.broadcast %get3A_52 : vector<64x1xf32> to vector<64x256xf32>
    %add3A_1364 = arith.addf %add3A_1362, %add3A_1363 : vector<64x256xf32>
    %max3A_1365 = arith.constant 0.000000e+00 : f32
    %max3A_1366 = vector.broadcast %max3A_1365 : f32 to vector<64x256xf32>
    %max3A_1367 = arith.maximumf %add3A_1364, %max3A_1366 : vector<64x256xf32>
    %mul3A_1368 = vector.broadcast %get3A_55 : vector<64x1xf32> to vector<64x256xf32>
    %mul3A_1369 = arith.mulf %max3A_1367, %mul3A_1368 : vector<64x256xf32>
    %reduce_sum3A_1370 = arith.constant dense<0.000000e+00> : vector<256xf32>
    %reduce_sum3A_1371 = vector.multi_reduction <add>, %mul3A_1369, %reduce_sum3A_1370 [0] : vector<64x256xf32> to vector<256xf32>
    %broadcast_in_dim3A_1372 = vector.shape_cast %reduce_sum3A_1371 : vector<256xf32> to vector<1x256xf32>
    %swap3A_1373 = arith.constant 52 : index
    %swap3A_1374 = arith.constant 0 : index
    %swap3A_1375 = vector.load %arg9[%swap3A_1373, %swap3A_1374] : memref<64x256xf32, #tpu.memory_space<vmem>>, vector<1x256xf32>
    tpu.vector_store %arg9[%swap3A_1373, %swap3A_1374], %broadcast_in_dim3A_1372 {strides = array<i32>} : memref<64x256xf32, #tpu.memory_space<vmem>>, vector<1x256xf32>,
    %get3A_1376 = arith.constant 0 : index
    %get3A_1377 = arith.constant 53 : index
    %get3A_1378 = arith.constant 0 : index
    %get3A_1379 = vector.load %arg1[%get3A_1376, %get3A_1377, %get3A_1378] : memref<16x64x256xf32, #tpu.memory_space<vmem>>, vector<16x1x256xf32>
    %get3A_1380 = vector.shape_cast %get3A_1379 : vector<16x1x256xf32> to vector<16x256xf32>
    %dot_general3A_1381 = arith.constant dense<0.000000e+00> : vector<64x256xf32>
    %dot_general3A_1382 = tpu.matmul %get3A_46, %get3A_1380, %dot_general3A_1381 {dimension_numbers = #tpu.dot_dimension_numbers<[1], [0], [0], [1], [0, 0, 1, 1], [], []>, transpose_lhs_hint = false} : vector<64x16xf32>, vector<16x256xf32>, vector<64x256xf32> -> vector<64x256xf32>
    %slice3A_1383 = vector.extract_strided_slice %select_n3A {offsets = [53, 0], sizes = [1, 256], strides = [1, 1]} : vector<64x256xf32> to vector<1x256xf32>
    %mul3A_1384 = vector.broadcast %get3A_49 : vector<64x1xf32> to vector<64x256xf32>
    %mul3A_1385 = vector.broadcast %slice3A_1383 : vector<1x256xf32> to vector<64x256xf32>
    %mul3A_1386 = arith.mulf %mul3A_1384, %mul3A_1385 : vector<64x256xf32>
    %add3A_1387 = arith.addf %dot_general3A_1382, %mul3A_1386 : vector<64x256xf32>
    %add3A_1388 = vector.broadcast %get3A_52 : vector<64x1xf32> to vector<64x256xf32>
    %add3A_1389 = arith.addf %add3A_1387, %add3A_1388 : vector<64x256xf32>
    %max3A_1390 = arith.constant 0.000000e+00 : f32
    %max3A_1391 = vector.broadcast %max3A_1390 : f32 to vector<64x256xf32>
    %max3A_1392 = arith.maximumf %add3A_1389, %max3A_1391 : vector<64x256xf32>
    %mul3A_1393 = vector.broadcast %get3A_55 : vector<64x1xf32> to vector<64x256xf32>
    %mul3A_1394 = arith.mulf %max3A_1392, %mul3A_1393 : vector<64x256xf32>
    %reduce_sum3A_1395 = arith.constant dense<0.000000e+00> : vector<256xf32>
    %reduce_sum3A_1396 = vector.multi_reduction <add>, %mul3A_1394, %reduce_sum3A_1395 [0] : vector<64x256xf32> to vector<256xf32>
    %broadcast_in_dim3A_1397 = vector.shape_cast %reduce_sum3A_1396 : vector<256xf32> to vector<1x256xf32>
    %swap3A_1398 = arith.constant 53 : index
    %swap3A_1399 = arith.constant 0 : index
    %swap3A_1400 = vector.load %arg9[%swap3A_1398, %swap3A_1399] : memref<64x256xf32, #tpu.memory_space<vmem>>, vector<1x256xf32>
    tpu.vector_store %arg9[%swap3A_1398, %swap3A_1399], %broadcast_in_dim3A_1397 {strides = array<i32>} : memref<64x256xf32, #tpu.memory_space<vmem>>, vector<1x256xf32>,
    %get3A_1401 = arith.constant 0 : index
    %get3A_1402 = arith.constant 54 : index
    %get3A_1403 = arith.constant 0 : index
    %get3A_1404 = vector.load %arg1[%get3A_1401, %get3A_1402, %get3A_1403] : memref<16x64x256xf32, #tpu.memory_space<vmem>>, vector<16x1x256xf32>
    %get3A_1405 = vector.shape_cast %get3A_1404 : vector<16x1x256xf32> to vector<16x256xf32>
    %dot_general3A_1406 = arith.constant dense<0.000000e+00> : vector<64x256xf32>
    %dot_general3A_1407 = tpu.matmul %get3A_46, %get3A_1405, %dot_general3A_1406 {dimension_numbers = #tpu.dot_dimension_numbers<[1], [0], [0], [1], [0, 0, 1, 1], [], []>, transpose_lhs_hint = false} : vector<64x16xf32>, vector<16x256xf32>, vector<64x256xf32> -> vector<64x256xf32>
    %slice3A_1408 = vector.extract_strided_slice %select_n3A {offsets = [54, 0], sizes = [1, 256], strides = [1, 1]} : vector<64x256xf32> to vector<1x256xf32>
    %mul3A_1409 = vector.broadcast %get3A_49 : vector<64x1xf32> to vector<64x256xf32>
    %mul3A_1410 = vector.broadcast %slice3A_1408 : vector<1x256xf32> to vector<64x256xf32>
    %mul3A_1411 = arith.mulf %mul3A_1409, %mul3A_1410 : vector<64x256xf32>
    %add3A_1412 = arith.addf %dot_general3A_1407, %mul3A_1411 : vector<64x256xf32>
    %add3A_1413 = vector.broadcast %get3A_52 : vector<64x1xf32> to vector<64x256xf32>
    %add3A_1414 = arith.addf %add3A_1412, %add3A_1413 : vector<64x256xf32>
    %max3A_1415 = arith.constant 0.000000e+00 : f32
    %max3A_1416 = vector.broadcast %max3A_1415 : f32 to vector<64x256xf32>
    %max3A_1417 = arith.maximumf %add3A_1414, %max3A_1416 : vector<64x256xf32>
    %mul3A_1418 = vector.broadcast %get3A_55 : vector<64x1xf32> to vector<64x256xf32>
    %mul3A_1419 = arith.mulf %max3A_1417, %mul3A_1418 : vector<64x256xf32>
    %reduce_sum3A_1420 = arith.constant dense<0.000000e+00> : vector<256xf32>
    %reduce_sum3A_1421 = vector.multi_reduction <add>, %mul3A_1419, %reduce_sum3A_1420 [0] : vector<64x256xf32> to vector<256xf32>
    %broadcast_in_dim3A_1422 = vector.shape_cast %reduce_sum3A_1421 : vector<256xf32> to vector<1x256xf32>
    %swap3A_1423 = arith.constant 54 : index
    %swap3A_1424 = arith.constant 0 : index
    %swap3A_1425 = vector.load %arg9[%swap3A_1423, %swap3A_1424] : memref<64x256xf32, #tpu.memory_space<vmem>>, vector<1x256xf32>
    tpu.vector_store %arg9[%swap3A_1423, %swap3A_1424], %broadcast_in_dim3A_1422 {strides = array<i32>} : memref<64x256xf32, #tpu.memory_space<vmem>>, vector<1x256xf32>,
    %get3A_1426 = arith.constant 0 : index
    %get3A_1427 = arith.constant 55 : index
    %get3A_1428 = arith.constant 0 : index
    %get3A_1429 = vector.load %arg1[%get3A_1426, %get3A_1427, %get3A_1428] : memref<16x64x256xf32, #tpu.memory_space<vmem>>, vector<16x1x256xf32>
    %get3A_1430 = vector.shape_cast %get3A_1429 : vector<16x1x256xf32> to vector<16x256xf32>
    %dot_general3A_1431 = arith.constant dense<0.000000e+00> : vector<64x256xf32>
    %dot_general3A_1432 = tpu.matmul %get3A_46, %get3A_1430, %dot_general3A_1431 {dimension_numbers = #tpu.dot_dimension_numbers<[1], [0], [0], [1], [0, 0, 1, 1], [], []>, transpose_lhs_hint = false} : vector<64x16xf32>, vector<16x256xf32>, vector<64x256xf32> -> vector<64x256xf32>
    %slice3A_1433 = vector.extract_strided_slice %select_n3A {offsets = [55, 0], sizes = [1, 256], strides = [1, 1]} : vector<64x256xf32> to vector<1x256xf32>
    %mul3A_1434 = vector.broadcast %get3A_49 : vector<64x1xf32> to vector<64x256xf32>
    %mul3A_1435 = vector.broadcast %slice3A_1433 : vector<1x256xf32> to vector<64x256xf32>
    %mul3A_1436 = arith.mulf %mul3A_1434, %mul3A_1435 : vector<64x256xf32>
    %add3A_1437 = arith.addf %dot_general3A_1432, %mul3A_1436 : vector<64x256xf32>
    %add3A_1438 = vector.broadcast %get3A_52 : vector<64x1xf32> to vector<64x256xf32>
    %add3A_1439 = arith.addf %add3A_1437, %add3A_1438 : vector<64x256xf32>
    %max3A_1440 = arith.constant 0.000000e+00 : f32
    %max3A_1441 = vector.broadcast %max3A_1440 : f32 to vector<64x256xf32>
    %max3A_1442 = arith.maximumf %add3A_1439, %max3A_1441 : vector<64x256xf32>
    %mul3A_1443 = vector.broadcast %get3A_55 : vector<64x1xf32> to vector<64x256xf32>
    %mul3A_1444 = arith.mulf %max3A_1442, %mul3A_1443 : vector<64x256xf32>
    %reduce_sum3A_1445 = arith.constant dense<0.000000e+00> : vector<256xf32>
    %reduce_sum3A_1446 = vector.multi_reduction <add>, %mul3A_1444, %reduce_sum3A_1445 [0] : vector<64x256xf32> to vector<256xf32>
    %broadcast_in_dim3A_1447 = vector.shape_cast %reduce_sum3A_1446 : vector<256xf32> to vector<1x256xf32>
    %swap3A_1448 = arith.constant 55 : index
    %swap3A_1449 = arith.constant 0 : index
    %swap3A_1450 = vector.load %arg9[%swap3A_1448, %swap3A_1449] : memref<64x256xf32, #tpu.memory_space<vmem>>, vector<1x256xf32>
    tpu.vector_store %arg9[%swap3A_1448, %swap3A_1449], %broadcast_in_dim3A_1447 {strides = array<i32>} : memref<64x256xf32, #tpu.memory_space<vmem>>, vector<1x256xf32>,
    %get3A_1451 = arith.constant 0 : index
    %get3A_1452 = arith.constant 56 : index
    %get3A_1453 = arith.constant 0 : index
    %get3A_1454 = vector.load %arg1[%get3A_1451, %get3A_1452, %get3A_1453] : memref<16x64x256xf32, #tpu.memory_space<vmem>>, vector<16x1x256xf32>
    %get3A_1455 = vector.shape_cast %get3A_1454 : vector<16x1x256xf32> to vector<16x256xf32>
    %dot_general3A_1456 = arith.constant dense<0.000000e+00> : vector<64x256xf32>
    %dot_general3A_1457 = tpu.matmul %get3A_46, %get3A_1455, %dot_general3A_1456 {dimension_numbers = #tpu.dot_dimension_numbers<[1], [0], [0], [1], [0, 0, 1, 1], [], []>, transpose_lhs_hint = false} : vector<64x16xf32>, vector<16x256xf32>, vector<64x256xf32> -> vector<64x256xf32>
    %slice3A_1458 = vector.extract_strided_slice %select_n3A {offsets = [56, 0], sizes = [1, 256], strides = [1, 1]} : vector<64x256xf32> to vector<1x256xf32>
    %mul3A_1459 = vector.broadcast %get3A_49 : vector<64x1xf32> to vector<64x256xf32>
    %mul3A_1460 = vector.broadcast %slice3A_1458 : vector<1x256xf32> to vector<64x256xf32>
    %mul3A_1461 = arith.mulf %mul3A_1459, %mul3A_1460 : vector<64x256xf32>
    %add3A_1462 = arith.addf %dot_general3A_1457, %mul3A_1461 : vector<64x256xf32>
    %add3A_1463 = vector.broadcast %get3A_52 : vector<64x1xf32> to vector<64x256xf32>
    %add3A_1464 = arith.addf %add3A_1462, %add3A_1463 : vector<64x256xf32>
    %max3A_1465 = arith.constant 0.000000e+00 : f32
    %max3A_1466 = vector.broadcast %max3A_1465 : f32 to vector<64x256xf32>
    %max3A_1467 = arith.maximumf %add3A_1464, %max3A_1466 : vector<64x256xf32>
    %mul3A_1468 = vector.broadcast %get3A_55 : vector<64x1xf32> to vector<64x256xf32>
    %mul3A_1469 = arith.mulf %max3A_1467, %mul3A_1468 : vector<64x256xf32>
    %reduce_sum3A_1470 = arith.constant dense<0.000000e+00> : vector<256xf32>
    %reduce_sum3A_1471 = vector.multi_reduction <add>, %mul3A_1469, %reduce_sum3A_1470 [0] : vector<64x256xf32> to vector<256xf32>
    %broadcast_in_dim3A_1472 = vector.shape_cast %reduce_sum3A_1471 : vector<256xf32> to vector<1x256xf32>
    %swap3A_1473 = arith.constant 56 : index
    %swap3A_1474 = arith.constant 0 : index
    %swap3A_1475 = vector.load %arg9[%swap3A_1473, %swap3A_1474] : memref<64x256xf32, #tpu.memory_space<vmem>>, vector<1x256xf32>
    tpu.vector_store %arg9[%swap3A_1473, %swap3A_1474], %broadcast_in_dim3A_1472 {strides = array<i32>} : memref<64x256xf32, #tpu.memory_space<vmem>>, vector<1x256xf32>,
    %get3A_1476 = arith.constant 0 : index
    %get3A_1477 = arith.constant 57 : index
    %get3A_1478 = arith.constant 0 : index
    %get3A_1479 = vector.load %arg1[%get3A_1476, %get3A_1477, %get3A_1478] : memref<16x64x256xf32, #tpu.memory_space<vmem>>, vector<16x1x256xf32>
    %get3A_1480 = vector.shape_cast %get3A_1479 : vector<16x1x256xf32> to vector<16x256xf32>
    %dot_general3A_1481 = arith.constant dense<0.000000e+00> : vector<64x256xf32>
    %dot_general3A_1482 = tpu.matmul %get3A_46, %get3A_1480, %dot_general3A_1481 {dimension_numbers = #tpu.dot_dimension_numbers<[1], [0], [0], [1], [0, 0, 1, 1], [], []>, transpose_lhs_hint = false} : vector<64x16xf32>, vector<16x256xf32>, vector<64x256xf32> -> vector<64x256xf32>
    %slice3A_1483 = vector.extract_strided_slice %select_n3A {offsets = [57, 0], sizes = [1, 256], strides = [1, 1]} : vector<64x256xf32> to vector<1x256xf32>
    %mul3A_1484 = vector.broadcast %get3A_49 : vector<64x1xf32> to vector<64x256xf32>
    %mul3A_1485 = vector.broadcast %slice3A_1483 : vector<1x256xf32> to vector<64x256xf32>
    %mul3A_1486 = arith.mulf %mul3A_1484, %mul3A_1485 : vector<64x256xf32>
    %add3A_1487 = arith.addf %dot_general3A_1482, %mul3A_1486 : vector<64x256xf32>
    %add3A_1488 = vector.broadcast %get3A_52 : vector<64x1xf32> to vector<64x256xf32>
    %add3A_1489 = arith.addf %add3A_1487, %add3A_1488 : vector<64x256xf32>
    %max3A_1490 = arith.constant 0.000000e+00 : f32
    %max3A_1491 = vector.broadcast %max3A_1490 : f32 to vector<64x256xf32>
    %max3A_1492 = arith.maximumf %add3A_1489, %max3A_1491 : vector<64x256xf32>
    %mul3A_1493 = vector.broadcast %get3A_55 : vector<64x1xf32> to vector<64x256xf32>
    %mul3A_1494 = arith.mulf %max3A_1492, %mul3A_1493 : vector<64x256xf32>
    %reduce_sum3A_1495 = arith.constant dense<0.000000e+00> : vector<256xf32>
    %reduce_sum3A_1496 = vector.multi_reduction <add>, %mul3A_1494, %reduce_sum3A_1495 [0] : vector<64x256xf32> to vector<256xf32>
    %broadcast_in_dim3A_1497 = vector.shape_cast %reduce_sum3A_1496 : vector<256xf32> to vector<1x256xf32>
    %swap3A_1498 = arith.constant 57 : index
    %swap3A_1499 = arith.constant 0 : index
    %swap3A_1500 = vector.load %arg9[%swap3A_1498, %swap3A_1499] : memref<64x256xf32, #tpu.memory_space<vmem>>, vector<1x256xf32>
    tpu.vector_store %arg9[%swap3A_1498, %swap3A_1499], %broadcast_in_dim3A_1497 {strides = array<i32>} : memref<64x256xf32, #tpu.memory_space<vmem>>, vector<1x256xf32>,
    %get3A_1501 = arith.constant 0 : index
    %get3A_1502 = arith.constant 58 : index
    %get3A_1503 = arith.constant 0 : index
    %get3A_1504 = vector.load %arg1[%get3A_1501, %get3A_1502, %get3A_1503] : memref<16x64x256xf32, #tpu.memory_space<vmem>>, vector<16x1x256xf32>
    %get3A_1505 = vector.shape_cast %get3A_1504 : vector<16x1x256xf32> to vector<16x256xf32>
    %dot_general3A_1506 = arith.constant dense<0.000000e+00> : vector<64x256xf32>
    %dot_general3A_1507 = tpu.matmul %get3A_46, %get3A_1505, %dot_general3A_1506 {dimension_numbers = #tpu.dot_dimension_numbers<[1], [0], [0], [1], [0, 0, 1, 1], [], []>, transpose_lhs_hint = false} : vector<64x16xf32>, vector<16x256xf32>, vector<64x256xf32> -> vector<64x256xf32>
    %slice3A_1508 = vector.extract_strided_slice %select_n3A {offsets = [58, 0], sizes = [1, 256], strides = [1, 1]} : vector<64x256xf32> to vector<1x256xf32>
    %mul3A_1509 = vector.broadcast %get3A_49 : vector<64x1xf32> to vector<64x256xf32>
    %mul3A_1510 = vector.broadcast %slice3A_1508 : vector<1x256xf32> to vector<64x256xf32>
    %mul3A_1511 = arith.mulf %mul3A_1509, %mul3A_1510 : vector<64x256xf32>
    %add3A_1512 = arith.addf %dot_general3A_1507, %mul3A_1511 : vector<64x256xf32>
    %add3A_1513 = vector.broadcast %get3A_52 : vector<64x1xf32> to vector<64x256xf32>
    %add3A_1514 = arith.addf %add3A_1512, %add3A_1513 : vector<64x256xf32>
    %max3A_1515 = arith.constant 0.000000e+00 : f32
    %max3A_1516 = vector.broadcast %max3A_1515 : f32 to vector<64x256xf32>
    %max3A_1517 = arith.maximumf %add3A_1514, %max3A_1516 : vector<64x256xf32>
    %mul3A_1518 = vector.broadcast %get3A_55 : vector<64x1xf32> to vector<64x256xf32>
    %mul3A_1519 = arith.mulf %max3A_1517, %mul3A_1518 : vector<64x256xf32>
    %reduce_sum3A_1520 = arith.constant dense<0.000000e+00> : vector<256xf32>
    %reduce_sum3A_1521 = vector.multi_reduction <add>, %mul3A_1519, %reduce_sum3A_1520 [0] : vector<64x256xf32> to vector<256xf32>
    %broadcast_in_dim3A_1522 = vector.shape_cast %reduce_sum3A_1521 : vector<256xf32> to vector<1x256xf32>
    %swap3A_1523 = arith.constant 58 : index
    %swap3A_1524 = arith.constant 0 : index
    %swap3A_1525 = vector.load %arg9[%swap3A_1523, %swap3A_1524] : memref<64x256xf32, #tpu.memory_space<vmem>>, vector<1x256xf32>
    tpu.vector_store %arg9[%swap3A_1523, %swap3A_1524], %broadcast_in_dim3A_1522 {strides = array<i32>} : memref<64x256xf32, #tpu.memory_space<vmem>>, vector<1x256xf32>,
    %get3A_1526 = arith.constant 0 : index
    %get3A_1527 = arith.constant 59 : index
    %get3A_1528 = arith.constant 0 : index
    %get3A_1529 = vector.load %arg1[%get3A_1526, %get3A_1527, %get3A_1528] : memref<16x64x256xf32, #tpu.memory_space<vmem>>, vector<16x1x256xf32>
    %get3A_1530 = vector.shape_cast %get3A_1529 : vector<16x1x256xf32> to vector<16x256xf32>
    %dot_general3A_1531 = arith.constant dense<0.000000e+00> : vector<64x256xf32>
    %dot_general3A_1532 = tpu.matmul %get3A_46, %get3A_1530, %dot_general3A_1531 {dimension_numbers = #tpu.dot_dimension_numbers<[1], [0], [0], [1], [0, 0, 1, 1], [], []>, transpose_lhs_hint = false} : vector<64x16xf32>, vector<16x256xf32>, vector<64x256xf32> -> vector<64x256xf32>
    %slice3A_1533 = vector.extract_strided_slice %select_n3A {offsets = [59, 0], sizes = [1, 256], strides = [1, 1]} : vector<64x256xf32> to vector<1x256xf32>
    %mul3A_1534 = vector.broadcast %get3A_49 : vector<64x1xf32> to vector<64x256xf32>
    %mul3A_1535 = vector.broadcast %slice3A_1533 : vector<1x256xf32> to vector<64x256xf32>
    %mul3A_1536 = arith.mulf %mul3A_1534, %mul3A_1535 : vector<64x256xf32>
    %add3A_1537 = arith.addf %dot_general3A_1532, %mul3A_1536 : vector<64x256xf32>
    %add3A_1538 = vector.broadcast %get3A_52 : vector<64x1xf32> to vector<64x256xf32>
    %add3A_1539 = arith.addf %add3A_1537, %add3A_1538 : vector<64x256xf32>
    %max3A_1540 = arith.constant 0.000000e+00 : f32
    %max3A_1541 = vector.broadcast %max3A_1540 : f32 to vector<64x256xf32>
    %max3A_1542 = arith.maximumf %add3A_1539, %max3A_1541 : vector<64x256xf32>
    %mul3A_1543 = vector.broadcast %get3A_55 : vector<64x1xf32> to vector<64x256xf32>
    %mul3A_1544 = arith.mulf %max3A_1542, %mul3A_1543 : vector<64x256xf32>
    %reduce_sum3A_1545 = arith.constant dense<0.000000e+00> : vector<256xf32>
    %reduce_sum3A_1546 = vector.multi_reduction <add>, %mul3A_1544, %reduce_sum3A_1545 [0] : vector<64x256xf32> to vector<256xf32>
    %broadcast_in_dim3A_1547 = vector.shape_cast %reduce_sum3A_1546 : vector<256xf32> to vector<1x256xf32>
    %swap3A_1548 = arith.constant 59 : index
    %swap3A_1549 = arith.constant 0 : index
    %swap3A_1550 = vector.load %arg9[%swap3A_1548, %swap3A_1549] : memref<64x256xf32, #tpu.memory_space<vmem>>, vector<1x256xf32>
    tpu.vector_store %arg9[%swap3A_1548, %swap3A_1549], %broadcast_in_dim3A_1547 {strides = array<i32>} : memref<64x256xf32, #tpu.memory_space<vmem>>, vector<1x256xf32>,
    %get3A_1551 = arith.constant 0 : index
    %get3A_1552 = arith.constant 60 : index
    %get3A_1553 = arith.constant 0 : index
    %get3A_1554 = vector.load %arg1[%get3A_1551, %get3A_1552, %get3A_1553] : memref<16x64x256xf32, #tpu.memory_space<vmem>>, vector<16x1x256xf32>
    %get3A_1555 = vector.shape_cast %get3A_1554 : vector<16x1x256xf32> to vector<16x256xf32>
    %dot_general3A_1556 = arith.constant dense<0.000000e+00> : vector<64x256xf32>
    %dot_general3A_1557 = tpu.matmul %get3A_46, %get3A_1555, %dot_general3A_1556 {dimension_numbers = #tpu.dot_dimension_numbers<[1], [0], [0], [1], [0, 0, 1, 1], [], []>, transpose_lhs_hint = false} : vector<64x16xf32>, vector<16x256xf32>, vector<64x256xf32> -> vector<64x256xf32>
    %slice3A_1558 = vector.extract_strided_slice %select_n3A {offsets = [60, 0], sizes = [1, 256], strides = [1, 1]} : vector<64x256xf32> to vector<1x256xf32>
    %mul3A_1559 = vector.broadcast %get3A_49 : vector<64x1xf32> to vector<64x256xf32>
    %mul3A_1560 = vector.broadcast %slice3A_1558 : vector<1x256xf32> to vector<64x256xf32>
    %mul3A_1561 = arith.mulf %mul3A_1559, %mul3A_1560 : vector<64x256xf32>
    %add3A_1562 = arith.addf %dot_general3A_1557, %mul3A_1561 : vector<64x256xf32>
    %add3A_1563 = vector.broadcast %get3A_52 : vector<64x1xf32> to vector<64x256xf32>
    %add3A_1564 = arith.addf %add3A_1562, %add3A_1563 : vector<64x256xf32>
    %max3A_1565 = arith.constant 0.000000e+00 : f32
    %max3A_1566 = vector.broadcast %max3A_1565 : f32 to vector<64x256xf32>
    %max3A_1567 = arith.maximumf %add3A_1564, %max3A_1566 : vector<64x256xf32>
    %mul3A_1568 = vector.broadcast %get3A_55 : vector<64x1xf32> to vector<64x256xf32>
    %mul3A_1569 = arith.mulf %max3A_1567, %mul3A_1568 : vector<64x256xf32>
    %reduce_sum3A_1570 = arith.constant dense<0.000000e+00> : vector<256xf32>
    %reduce_sum3A_1571 = vector.multi_reduction <add>, %mul3A_1569, %reduce_sum3A_1570 [0] : vector<64x256xf32> to vector<256xf32>
    %broadcast_in_dim3A_1572 = vector.shape_cast %reduce_sum3A_1571 : vector<256xf32> to vector<1x256xf32>
    %swap3A_1573 = arith.constant 60 : index
    %swap3A_1574 = arith.constant 0 : index
    %swap3A_1575 = vector.load %arg9[%swap3A_1573, %swap3A_1574] : memref<64x256xf32, #tpu.memory_space<vmem>>, vector<1x256xf32>
    tpu.vector_store %arg9[%swap3A_1573, %swap3A_1574], %broadcast_in_dim3A_1572 {strides = array<i32>} : memref<64x256xf32, #tpu.memory_space<vmem>>, vector<1x256xf32>,
    %get3A_1576 = arith.constant 0 : index
    %get3A_1577 = arith.constant 61 : index
    %get3A_1578 = arith.constant 0 : index
    %get3A_1579 = vector.load %arg1[%get3A_1576, %get3A_1577, %get3A_1578] : memref<16x64x256xf32, #tpu.memory_space<vmem>>, vector<16x1x256xf32>
    %get3A_1580 = vector.shape_cast %get3A_1579 : vector<16x1x256xf32> to vector<16x256xf32>
    %dot_general3A_1581 = arith.constant dense<0.000000e+00> : vector<64x256xf32>
    %dot_general3A_1582 = tpu.matmul %get3A_46, %get3A_1580, %dot_general3A_1581 {dimension_numbers = #tpu.dot_dimension_numbers<[1], [0], [0], [1], [0, 0, 1, 1], [], []>, transpose_lhs_hint = false} : vector<64x16xf32>, vector<16x256xf32>, vector<64x256xf32> -> vector<64x256xf32>
    %slice3A_1583 = vector.extract_strided_slice %select_n3A {offsets = [61, 0], sizes = [1, 256], strides = [1, 1]} : vector<64x256xf32> to vector<1x256xf32>
    %mul3A_1584 = vector.broadcast %get3A_49 : vector<64x1xf32> to vector<64x256xf32>
    %mul3A_1585 = vector.broadcast %slice3A_1583 : vector<1x256xf32> to vector<64x256xf32>
    %mul3A_1586 = arith.mulf %mul3A_1584, %mul3A_1585 : vector<64x256xf32>
    %add3A_1587 = arith.addf %dot_general3A_1582, %mul3A_1586 : vector<64x256xf32>
    %add3A_1588 = vector.broadcast %get3A_52 : vector<64x1xf32> to vector<64x256xf32>
    %add3A_1589 = arith.addf %add3A_1587, %add3A_1588 : vector<64x256xf32>
    %max3A_1590 = arith.constant 0.000000e+00 : f32
    %max3A_1591 = vector.broadcast %max3A_1590 : f32 to vector<64x256xf32>
    %max3A_1592 = arith.maximumf %add3A_1589, %max3A_1591 : vector<64x256xf32>
    %mul3A_1593 = vector.broadcast %get3A_55 : vector<64x1xf32> to vector<64x256xf32>
    %mul3A_1594 = arith.mulf %max3A_1592, %mul3A_1593 : vector<64x256xf32>
    %reduce_sum3A_1595 = arith.constant dense<0.000000e+00> : vector<256xf32>
    %reduce_sum3A_1596 = vector.multi_reduction <add>, %mul3A_1594, %reduce_sum3A_1595 [0] : vector<64x256xf32> to vector<256xf32>
    %broadcast_in_dim3A_1597 = vector.shape_cast %reduce_sum3A_1596 : vector<256xf32> to vector<1x256xf32>
    %swap3A_1598 = arith.constant 61 : index
    %swap3A_1599 = arith.constant 0 : index
    %swap3A_1600 = vector.load %arg9[%swap3A_1598, %swap3A_1599] : memref<64x256xf32, #tpu.memory_space<vmem>>, vector<1x256xf32>
    tpu.vector_store %arg9[%swap3A_1598, %swap3A_1599], %broadcast_in_dim3A_1597 {strides = array<i32>} : memref<64x256xf32, #tpu.memory_space<vmem>>, vector<1x256xf32>,
    %get3A_1601 = arith.constant 0 : index
    %get3A_1602 = arith.constant 62 : index
    %get3A_1603 = arith.constant 0 : index
    %get3A_1604 = vector.load %arg1[%get3A_1601, %get3A_1602, %get3A_1603] : memref<16x64x256xf32, #tpu.memory_space<vmem>>, vector<16x1x256xf32>
    %get3A_1605 = vector.shape_cast %get3A_1604 : vector<16x1x256xf32> to vector<16x256xf32>
    %dot_general3A_1606 = arith.constant dense<0.000000e+00> : vector<64x256xf32>
    %dot_general3A_1607 = tpu.matmul %get3A_46, %get3A_1605, %dot_general3A_1606 {dimension_numbers = #tpu.dot_dimension_numbers<[1], [0], [0], [1], [0, 0, 1, 1], [], []>, transpose_lhs_hint = false} : vector<64x16xf32>, vector<16x256xf32>, vector<64x256xf32> -> vector<64x256xf32>
    %slice3A_1608 = vector.extract_strided_slice %select_n3A {offsets = [62, 0], sizes = [1, 256], strides = [1, 1]} : vector<64x256xf32> to vector<1x256xf32>
    %mul3A_1609 = vector.broadcast %get3A_49 : vector<64x1xf32> to vector<64x256xf32>
    %mul3A_1610 = vector.broadcast %slice3A_1608 : vector<1x256xf32> to vector<64x256xf32>
    %mul3A_1611 = arith.mulf %mul3A_1609, %mul3A_1610 : vector<64x256xf32>
    %add3A_1612 = arith.addf %dot_general3A_1607, %mul3A_1611 : vector<64x256xf32>
    %add3A_1613 = vector.broadcast %get3A_52 : vector<64x1xf32> to vector<64x256xf32>
    %add3A_1614 = arith.addf %add3A_1612, %add3A_1613 : vector<64x256xf32>
    %max3A_1615 = arith.constant 0.000000e+00 : f32
    %max3A_1616 = vector.broadcast %max3A_1615 : f32 to vector<64x256xf32>
    %max3A_1617 = arith.maximumf %add3A_1614, %max3A_1616 : vector<64x256xf32>
    %mul3A_1618 = vector.broadcast %get3A_55 : vector<64x1xf32> to vector<64x256xf32>
    %mul3A_1619 = arith.mulf %max3A_1617, %mul3A_1618 : vector<64x256xf32>
    %reduce_sum3A_1620 = arith.constant dense<0.000000e+00> : vector<256xf32>
    %reduce_sum3A_1621 = vector.multi_reduction <add>, %mul3A_1619, %reduce_sum3A_1620 [0] : vector<64x256xf32> to vector<256xf32>
    %broadcast_in_dim3A_1622 = vector.shape_cast %reduce_sum3A_1621 : vector<256xf32> to vector<1x256xf32>
    %swap3A_1623 = arith.constant 62 : index
    %swap3A_1624 = arith.constant 0 : index
    %swap3A_1625 = vector.load %arg9[%swap3A_1623, %swap3A_1624] : memref<64x256xf32, #tpu.memory_space<vmem>>, vector<1x256xf32>
    tpu.vector_store %arg9[%swap3A_1623, %swap3A_1624], %broadcast_in_dim3A_1622 {strides = array<i32>} : memref<64x256xf32, #tpu.memory_space<vmem>>, vector<1x256xf32>,
    %get3A_1626 = arith.constant 0 : index
    %get3A_1627 = arith.constant 63 : index
    %get3A_1628 = arith.constant 0 : index
    %get3A_1629 = vector.load %arg1[%get3A_1626, %get3A_1627, %get3A_1628] : memref<16x64x256xf32, #tpu.memory_space<vmem>>, vector<16x1x256xf32>
    %get3A_1630 = vector.shape_cast %get3A_1629 : vector<16x1x256xf32> to vector<16x256xf32>
    %dot_general3A_1631 = arith.constant dense<0.000000e+00> : vector<64x256xf32>
    %dot_general3A_1632 = tpu.matmul %get3A_46, %get3A_1630, %dot_general3A_1631 {dimension_numbers = #tpu.dot_dimension_numbers<[1], [0], [0], [1], [0, 0, 1, 1], [], []>, transpose_lhs_hint = false} : vector<64x16xf32>, vector<16x256xf32>, vector<64x256xf32> -> vector<64x256xf32>
    %slice3A_1633 = vector.extract_strided_slice %select_n3A {offsets = [63, 0], sizes = [1, 256], strides = [1, 1]} : vector<64x256xf32> to vector<1x256xf32>
    %mul3A_1634 = vector.broadcast %get3A_49 : vector<64x1xf32> to vector<64x256xf32>
    %mul3A_1635 = vector.broadcast %slice3A_1633 : vector<1x256xf32> to vector<64x256xf32>
    %mul3A_1636 = arith.mulf %mul3A_1634, %mul3A_1635 : vector<64x256xf32>
    %add3A_1637 = arith.addf %dot_general3A_1632, %mul3A_1636 : vector<64x256xf32>
    %add3A_1638 = vector.broadcast %get3A_52 : vector<64x1xf32> to vector<64x256xf32>
    %add3A_1639 = arith.addf %add3A_1637, %add3A_1638 : vector<64x256xf32>
    %max3A_1640 = arith.constant 0.000000e+00 : f32
    %max3A_1641 = vector.broadcast %max3A_1640 : f32 to vector<64x256xf32>
    %max3A_1642 = arith.maximumf %add3A_1639, %max3A_1641 : vector<64x256xf32>
    %mul3A_1643 = vector.broadcast %get3A_55 : vector<64x1xf32> to vector<64x256xf32>
    %mul3A_1644 = arith.mulf %max3A_1642, %mul3A_1643 : vector<64x256xf32>
    %reduce_sum3A_1645 = arith.constant dense<0.000000e+00> : vector<256xf32>
    %reduce_sum3A_1646 = vector.multi_reduction <add>, %mul3A_1644, %reduce_sum3A_1645 [0] : vector<64x256xf32> to vector<256xf32>
    %broadcast_in_dim3A_1647 = vector.shape_cast %reduce_sum3A_1646 : vector<256xf32> to vector<1x256xf32>
    %swap3A_1648 = arith.constant 63 : index
    %swap3A_1649 = arith.constant 0 : index
    %swap3A_1650 = vector.load %arg9[%swap3A_1648, %swap3A_1649] : memref<64x256xf32, #tpu.memory_space<vmem>>, vector<1x256xf32>
    tpu.vector_store %arg9[%swap3A_1648, %swap3A_1649], %broadcast_in_dim3A_1647 {strides = array<i32>} : memref<64x256xf32, #tpu.memory_space<vmem>>, vector<1x256xf32>,
    %get3A_1651 = arith.constant 0 : index
    %get3A_1652 = arith.constant 0 : index
    %get3A_1653 = vector.load %arg9[%get3A_1651, %get3A_1652] : memref<64x256xf32, #tpu.memory_space<vmem>>, vector<64x256xf32>
    %get3A_1654 = arith.constant 0 : index
    %get3A_1655 = arith.constant 0 : index
    %get3A_1656 = vector.load %arg7[%get3A_1654, %get3A_1655] : memref<1x1xf32, #tpu.memory_space<vmem>>, vector<1x1xf32>
    %get3A_1657 = vector.extract %get3A_1656[0, 0] : f32 from vector<1x1xf32>
    %add3A_1658 = vector.broadcast %get3A_1657 : f32 to vector<64x256xf32>
    %add3A_1659 = arith.addf %get3A_1653, %add3A_1658 : vector<64x256xf32>
    %reduce_max3A = arith.constant dense<0xFF800000> : vector<256xf32>
    %reduce_max3A_1660 = vector.multi_reduction <maximumf>, %add3A_1659, %reduce_max3A [0] : vector<64x256xf32> to vector<256xf32>
    %broadcast_in_dim3A_1661 = vector.shape_cast %reduce_max3A_1660 : vector<256xf32> to vector<1x256xf32>
    %sub3A_1662 = vector.broadcast %broadcast_in_dim3A_1661 : vector<1x256xf32> to vector<64x256xf32>
    %sub3A_1663 = arith.subf %add3A_1659, %sub3A_1662 : vector<64x256xf32>
    %exp3A = math.exp %sub3A_1663 : vector<64x256xf32>
    %reduce_sum3A_1664 = arith.constant dense<0.000000e+00> : vector<256xf32>
    %reduce_sum3A_1665 = vector.multi_reduction <add>, %exp3A, %reduce_sum3A_1664 [0] : vector<64x256xf32> to vector<256xf32>
    %broadcast_in_dim3A_1666 = vector.shape_cast %reduce_sum3A_1665 : vector<256xf32> to vector<1x256xf32>
    %div3A = vector.broadcast %broadcast_in_dim3A_1666 : vector<1x256xf32> to vector<64x256xf32>
    %div3A_1667 = arith.divf %exp3A, %div3A : vector<64x256xf32>
    %broadcast_in_dim3A_1668 = arith.constant 0.000000e+00 : f32
    %broadcast_in_dim3A_1669 = vector.broadcast %broadcast_in_dim3A_1668 : f32 to vector<16x256xf32>
    %slice3A_1670 = vector.extract_strided_slice %div3A_1667 {offsets = [0, 0], sizes = [1, 256], strides = [1, 1]} : vector<64x256xf32> to vector<1x256xf32>
    %get3A_1671 = arith.constant 0 : index
    %get3A_1672 = arith.constant 0 : index
    %get3A_1673 = arith.constant 0 : index
    %get3A_1674 = vector.load %arg1[%get3A_1671, %get3A_1672, %get3A_1673] : memref<16x64x256xf32, #tpu.memory_space<vmem>>, vector<16x1x256xf32>
    %get3A_1675 = vector.shape_cast %get3A_1674 : vector<16x1x256xf32> to vector<16x256xf32>
    %mul3A_1676 = vector.broadcast %slice3A_1670 : vector<1x256xf32> to vector<16x256xf32>
    %mul3A_1677 = arith.mulf %mul3A_1676, %get3A_1675 : vector<16x256xf32>
    %add3A_1678 = arith.addf %broadcast_in_dim3A_1669, %mul3A_1677 : vector<16x256xf32>
    %slice3A_1679 = vector.extract_strided_slice %div3A_1667 {offsets = [1, 0], sizes = [1, 256], strides = [1, 1]} : vector<64x256xf32> to vector<1x256xf32>
    %get3A_1680 = arith.constant 0 : index
    %get3A_1681 = arith.constant 1 : index
    %get3A_1682 = arith.constant 0 : index
    %get3A_1683 = vector.load %arg1[%get3A_1680, %get3A_1681, %get3A_1682] : memref<16x64x256xf32, #tpu.memory_space<vmem>>, vector<16x1x256xf32>
    %get3A_1684 = vector.shape_cast %get3A_1683 : vector<16x1x256xf32> to vector<16x256xf32>
    %mul3A_1685 = vector.broadcast %slice3A_1679 : vector<1x256xf32> to vector<16x256xf32>
    %mul3A_1686 = arith.mulf %mul3A_1685, %get3A_1684 : vector<16x256xf32>
    %add3A_1687 = arith.addf %add3A_1678, %mul3A_1686 : vector<16x256xf32>
    %slice3A_1688 = vector.extract_strided_slice %div3A_1667 {offsets = [2, 0], sizes = [1, 256], strides = [1, 1]} : vector<64x256xf32> to vector<1x256xf32>
    %get3A_1689 = arith.constant 0 : index
    %get3A_1690 = arith.constant 2 : index
    %get3A_1691 = arith.constant 0 : index
    %get3A_1692 = vector.load %arg1[%get3A_1689, %get3A_1690, %get3A_1691] : memref<16x64x256xf32, #tpu.memory_space<vmem>>, vector<16x1x256xf32>
    %get3A_1693 = vector.shape_cast %get3A_1692 : vector<16x1x256xf32> to vector<16x256xf32>
    %mul3A_1694 = vector.broadcast %slice3A_1688 : vector<1x256xf32> to vector<16x256xf32>
    %mul3A_1695 = arith.mulf %mul3A_1694, %get3A_1693 : vector<16x256xf32>
    %add3A_1696 = arith.addf %add3A_1687, %mul3A_1695 : vector<16x256xf32>
    %slice3A_1697 = vector.extract_strided_slice %div3A_1667 {offsets = [3, 0], sizes = [1, 256], strides = [1, 1]} : vector<64x256xf32> to vector<1x256xf32>
    %get3A_1698 = arith.constant 0 : index
    %get3A_1699 = arith.constant 3 : index
    %get3A_1700 = arith.constant 0 : index
    %get3A_1701 = vector.load %arg1[%get3A_1698, %get3A_1699, %get3A_1700] : memref<16x64x256xf32, #tpu.memory_space<vmem>>, vector<16x1x256xf32>
    %get3A_1702 = vector.shape_cast %get3A_1701 : vector<16x1x256xf32> to vector<16x256xf32>
    %mul3A_1703 = vector.broadcast %slice3A_1697 : vector<1x256xf32> to vector<16x256xf32>
    %mul3A_1704 = arith.mulf %mul3A_1703, %get3A_1702 : vector<16x256xf32>
    %add3A_1705 = arith.addf %add3A_1696, %mul3A_1704 : vector<16x256xf32>
    %slice3A_1706 = vector.extract_strided_slice %div3A_1667 {offsets = [4, 0], sizes = [1, 256], strides = [1, 1]} : vector<64x256xf32> to vector<1x256xf32>
    %get3A_1707 = arith.constant 0 : index
    %get3A_1708 = arith.constant 4 : index
    %get3A_1709 = arith.constant 0 : index
    %get3A_1710 = vector.load %arg1[%get3A_1707, %get3A_1708, %get3A_1709] : memref<16x64x256xf32, #tpu.memory_space<vmem>>, vector<16x1x256xf32>
    %get3A_1711 = vector.shape_cast %get3A_1710 : vector<16x1x256xf32> to vector<16x256xf32>
    %mul3A_1712 = vector.broadcast %slice3A_1706 : vector<1x256xf32> to vector<16x256xf32>
    %mul3A_1713 = arith.mulf %mul3A_1712, %get3A_1711 : vector<16x256xf32>
    %add3A_1714 = arith.addf %add3A_1705, %mul3A_1713 : vector<16x256xf32>
    %slice3A_1715 = vector.extract_strided_slice %div3A_1667 {offsets = [5, 0], sizes = [1, 256], strides = [1, 1]} : vector<64x256xf32> to vector<1x256xf32>
    %get3A_1716 = arith.constant 0 : index
    %get3A_1717 = arith.constant 5 : index
    %get3A_1718 = arith.constant 0 : index
    %get3A_1719 = vector.load %arg1[%get3A_1716, %get3A_1717, %get3A_1718] : memref<16x64x256xf32, #tpu.memory_space<vmem>>, vector<16x1x256xf32>
    %get3A_1720 = vector.shape_cast %get3A_1719 : vector<16x1x256xf32> to vector<16x256xf32>
    %mul3A_1721 = vector.broadcast %slice3A_1715 : vector<1x256xf32> to vector<16x256xf32>
    %mul3A_1722 = arith.mulf %mul3A_1721, %get3A_1720 : vector<16x256xf32>
    %add3A_1723 = arith.addf %add3A_1714, %mul3A_1722 : vector<16x256xf32>
    %slice3A_1724 = vector.extract_strided_slice %div3A_1667 {offsets = [6, 0], sizes = [1, 256], strides = [1, 1]} : vector<64x256xf32> to vector<1x256xf32>
    %get3A_1725 = arith.constant 0 : index
    %get3A_1726 = arith.constant 6 : index
    %get3A_1727 = arith.constant 0 : index
    %get3A_1728 = vector.load %arg1[%get3A_1725, %get3A_1726, %get3A_1727] : memref<16x64x256xf32, #tpu.memory_space<vmem>>, vector<16x1x256xf32>
    %get3A_1729 = vector.shape_cast %get3A_1728 : vector<16x1x256xf32> to vector<16x256xf32>
    %mul3A_1730 = vector.broadcast %slice3A_1724 : vector<1x256xf32> to vector<16x256xf32>
    %mul3A_1731 = arith.mulf %mul3A_1730, %get3A_1729 : vector<16x256xf32>
    %add3A_1732 = arith.addf %add3A_1723, %mul3A_1731 : vector<16x256xf32>
    %slice3A_1733 = vector.extract_strided_slice %div3A_1667 {offsets = [7, 0], sizes = [1, 256], strides = [1, 1]} : vector<64x256xf32> to vector<1x256xf32>
    %get3A_1734 = arith.constant 0 : index
    %get3A_1735 = arith.constant 7 : index
    %get3A_1736 = arith.constant 0 : index
    %get3A_1737 = vector.load %arg1[%get3A_1734, %get3A_1735, %get3A_1736] : memref<16x64x256xf32, #tpu.memory_space<vmem>>, vector<16x1x256xf32>
    %get3A_1738 = vector.shape_cast %get3A_1737 : vector<16x1x256xf32> to vector<16x256xf32>
    %mul3A_1739 = vector.broadcast %slice3A_1733 : vector<1x256xf32> to vector<16x256xf32>
    %mul3A_1740 = arith.mulf %mul3A_1739, %get3A_1738 : vector<16x256xf32>
    %add3A_1741 = arith.addf %add3A_1732, %mul3A_1740 : vector<16x256xf32>
    %slice3A_1742 = vector.extract_strided_slice %div3A_1667 {offsets = [8, 0], sizes = [1, 256], strides = [1, 1]} : vector<64x256xf32> to vector<1x256xf32>
    %get3A_1743 = arith.constant 0 : index
    %get3A_1744 = arith.constant 8 : index
    %get3A_1745 = arith.constant 0 : index
    %get3A_1746 = vector.load %arg1[%get3A_1743, %get3A_1744, %get3A_1745] : memref<16x64x256xf32, #tpu.memory_space<vmem>>, vector<16x1x256xf32>
    %get3A_1747 = vector.shape_cast %get3A_1746 : vector<16x1x256xf32> to vector<16x256xf32>
    %mul3A_1748 = vector.broadcast %slice3A_1742 : vector<1x256xf32> to vector<16x256xf32>
    %mul3A_1749 = arith.mulf %mul3A_1748, %get3A_1747 : vector<16x256xf32>
    %add3A_1750 = arith.addf %add3A_1741, %mul3A_1749 : vector<16x256xf32>
    %slice3A_1751 = vector.extract_strided_slice %div3A_1667 {offsets = [9, 0], sizes = [1, 256], strides = [1, 1]} : vector<64x256xf32> to vector<1x256xf32>
    %get3A_1752 = arith.constant 0 : index
    %get3A_1753 = arith.constant 9 : index
    %get3A_1754 = arith.constant 0 : index
    %get3A_1755 = vector.load %arg1[%get3A_1752, %get3A_1753, %get3A_1754] : memref<16x64x256xf32, #tpu.memory_space<vmem>>, vector<16x1x256xf32>
    %get3A_1756 = vector.shape_cast %get3A_1755 : vector<16x1x256xf32> to vector<16x256xf32>
    %mul3A_1757 = vector.broadcast %slice3A_1751 : vector<1x256xf32> to vector<16x256xf32>
    %mul3A_1758 = arith.mulf %mul3A_1757, %get3A_1756 : vector<16x256xf32>
    %add3A_1759 = arith.addf %add3A_1750, %mul3A_1758 : vector<16x256xf32>
    %slice3A_1760 = vector.extract_strided_slice %div3A_1667 {offsets = [10, 0], sizes = [1, 256], strides = [1, 1]} : vector<64x256xf32> to vector<1x256xf32>
    %get3A_1761 = arith.constant 0 : index
    %get3A_1762 = arith.constant 10 : index
    %get3A_1763 = arith.constant 0 : index
    %get3A_1764 = vector.load %arg1[%get3A_1761, %get3A_1762, %get3A_1763] : memref<16x64x256xf32, #tpu.memory_space<vmem>>, vector<16x1x256xf32>
    %get3A_1765 = vector.shape_cast %get3A_1764 : vector<16x1x256xf32> to vector<16x256xf32>
    %mul3A_1766 = vector.broadcast %slice3A_1760 : vector<1x256xf32> to vector<16x256xf32>
    %mul3A_1767 = arith.mulf %mul3A_1766, %get3A_1765 : vector<16x256xf32>
    %add3A_1768 = arith.addf %add3A_1759, %mul3A_1767 : vector<16x256xf32>
    %slice3A_1769 = vector.extract_strided_slice %div3A_1667 {offsets = [11, 0], sizes = [1, 256], strides = [1, 1]} : vector<64x256xf32> to vector<1x256xf32>
    %get3A_1770 = arith.constant 0 : index
    %get3A_1771 = arith.constant 11 : index
    %get3A_1772 = arith.constant 0 : index
    %get3A_1773 = vector.load %arg1[%get3A_1770, %get3A_1771, %get3A_1772] : memref<16x64x256xf32, #tpu.memory_space<vmem>>, vector<16x1x256xf32>
    %get3A_1774 = vector.shape_cast %get3A_1773 : vector<16x1x256xf32> to vector<16x256xf32>
    %mul3A_1775 = vector.broadcast %slice3A_1769 : vector<1x256xf32> to vector<16x256xf32>
    %mul3A_1776 = arith.mulf %mul3A_1775, %get3A_1774 : vector<16x256xf32>
    %add3A_1777 = arith.addf %add3A_1768, %mul3A_1776 : vector<16x256xf32>
    %slice3A_1778 = vector.extract_strided_slice %div3A_1667 {offsets = [12, 0], sizes = [1, 256], strides = [1, 1]} : vector<64x256xf32> to vector<1x256xf32>
    %get3A_1779 = arith.constant 0 : index
    %get3A_1780 = arith.constant 12 : index
    %get3A_1781 = arith.constant 0 : index
    %get3A_1782 = vector.load %arg1[%get3A_1779, %get3A_1780, %get3A_1781] : memref<16x64x256xf32, #tpu.memory_space<vmem>>, vector<16x1x256xf32>
    %get3A_1783 = vector.shape_cast %get3A_1782 : vector<16x1x256xf32> to vector<16x256xf32>
    %mul3A_1784 = vector.broadcast %slice3A_1778 : vector<1x256xf32> to vector<16x256xf32>
    %mul3A_1785 = arith.mulf %mul3A_1784, %get3A_1783 : vector<16x256xf32>
    %add3A_1786 = arith.addf %add3A_1777, %mul3A_1785 : vector<16x256xf32>
    %slice3A_1787 = vector.extract_strided_slice %div3A_1667 {offsets = [13, 0], sizes = [1, 256], strides = [1, 1]} : vector<64x256xf32> to vector<1x256xf32>
    %get3A_1788 = arith.constant 0 : index
    %get3A_1789 = arith.constant 13 : index
    %get3A_1790 = arith.constant 0 : index
    %get3A_1791 = vector.load %arg1[%get3A_1788, %get3A_1789, %get3A_1790] : memref<16x64x256xf32, #tpu.memory_space<vmem>>, vector<16x1x256xf32>
    %get3A_1792 = vector.shape_cast %get3A_1791 : vector<16x1x256xf32> to vector<16x256xf32>
    %mul3A_1793 = vector.broadcast %slice3A_1787 : vector<1x256xf32> to vector<16x256xf32>
    %mul3A_1794 = arith.mulf %mul3A_1793, %get3A_1792 : vector<16x256xf32>
    %add3A_1795 = arith.addf %add3A_1786, %mul3A_1794 : vector<16x256xf32>
    %slice3A_1796 = vector.extract_strided_slice %div3A_1667 {offsets = [14, 0], sizes = [1, 256], strides = [1, 1]} : vector<64x256xf32> to vector<1x256xf32>
    %get3A_1797 = arith.constant 0 : index
    %get3A_1798 = arith.constant 14 : index
    %get3A_1799 = arith.constant 0 : index
    %get3A_1800 = vector.load %arg1[%get3A_1797, %get3A_1798, %get3A_1799] : memref<16x64x256xf32, #tpu.memory_space<vmem>>, vector<16x1x256xf32>
    %get3A_1801 = vector.shape_cast %get3A_1800 : vector<16x1x256xf32> to vector<16x256xf32>
    %mul3A_1802 = vector.broadcast %slice3A_1796 : vector<1x256xf32> to vector<16x256xf32>
    %mul3A_1803 = arith.mulf %mul3A_1802, %get3A_1801 : vector<16x256xf32>
    %add3A_1804 = arith.addf %add3A_1795, %mul3A_1803 : vector<16x256xf32>
    %slice3A_1805 = vector.extract_strided_slice %div3A_1667 {offsets = [15, 0], sizes = [1, 256], strides = [1, 1]} : vector<64x256xf32> to vector<1x256xf32>
    %get3A_1806 = arith.constant 0 : index
    %get3A_1807 = arith.constant 15 : index
    %get3A_1808 = arith.constant 0 : index
    %get3A_1809 = vector.load %arg1[%get3A_1806, %get3A_1807, %get3A_1808] : memref<16x64x256xf32, #tpu.memory_space<vmem>>, vector<16x1x256xf32>
    %get3A_1810 = vector.shape_cast %get3A_1809 : vector<16x1x256xf32> to vector<16x256xf32>
    %mul3A_1811 = vector.broadcast %slice3A_1805 : vector<1x256xf32> to vector<16x256xf32>
    %mul3A_1812 = arith.mulf %mul3A_1811, %get3A_1810 : vector<16x256xf32>
    %add3A_1813 = arith.addf %add3A_1804, %mul3A_1812 : vector<16x256xf32>
    %slice3A_1814 = vector.extract_strided_slice %div3A_1667 {offsets = [16, 0], sizes = [1, 256], strides = [1, 1]} : vector<64x256xf32> to vector<1x256xf32>
    %get3A_1815 = arith.constant 0 : index
    %get3A_1816 = arith.constant 16 : index
    %get3A_1817 = arith.constant 0 : index
    %get3A_1818 = vector.load %arg1[%get3A_1815, %get3A_1816, %get3A_1817] : memref<16x64x256xf32, #tpu.memory_space<vmem>>, vector<16x1x256xf32>
    %get3A_1819 = vector.shape_cast %get3A_1818 : vector<16x1x256xf32> to vector<16x256xf32>
    %mul3A_1820 = vector.broadcast %slice3A_1814 : vector<1x256xf32> to vector<16x256xf32>
    %mul3A_1821 = arith.mulf %mul3A_1820, %get3A_1819 : vector<16x256xf32>
    %add3A_1822 = arith.addf %add3A_1813, %mul3A_1821 : vector<16x256xf32>
    %slice3A_1823 = vector.extract_strided_slice %div3A_1667 {offsets = [17, 0], sizes = [1, 256], strides = [1, 1]} : vector<64x256xf32> to vector<1x256xf32>
    %get3A_1824 = arith.constant 0 : index
    %get3A_1825 = arith.constant 17 : index
    %get3A_1826 = arith.constant 0 : index
    %get3A_1827 = vector.load %arg1[%get3A_1824, %get3A_1825, %get3A_1826] : memref<16x64x256xf32, #tpu.memory_space<vmem>>, vector<16x1x256xf32>
    %get3A_1828 = vector.shape_cast %get3A_1827 : vector<16x1x256xf32> to vector<16x256xf32>
    %mul3A_1829 = vector.broadcast %slice3A_1823 : vector<1x256xf32> to vector<16x256xf32>
    %mul3A_1830 = arith.mulf %mul3A_1829, %get3A_1828 : vector<16x256xf32>
    %add3A_1831 = arith.addf %add3A_1822, %mul3A_1830 : vector<16x256xf32>
    %slice3A_1832 = vector.extract_strided_slice %div3A_1667 {offsets = [18, 0], sizes = [1, 256], strides = [1, 1]} : vector<64x256xf32> to vector<1x256xf32>
    %get3A_1833 = arith.constant 0 : index
    %get3A_1834 = arith.constant 18 : index
    %get3A_1835 = arith.constant 0 : index
    %get3A_1836 = vector.load %arg1[%get3A_1833, %get3A_1834, %get3A_1835] : memref<16x64x256xf32, #tpu.memory_space<vmem>>, vector<16x1x256xf32>
    %get3A_1837 = vector.shape_cast %get3A_1836 : vector<16x1x256xf32> to vector<16x256xf32>
    %mul3A_1838 = vector.broadcast %slice3A_1832 : vector<1x256xf32> to vector<16x256xf32>
    %mul3A_1839 = arith.mulf %mul3A_1838, %get3A_1837 : vector<16x256xf32>
    %add3A_1840 = arith.addf %add3A_1831, %mul3A_1839 : vector<16x256xf32>
    %slice3A_1841 = vector.extract_strided_slice %div3A_1667 {offsets = [19, 0], sizes = [1, 256], strides = [1, 1]} : vector<64x256xf32> to vector<1x256xf32>
    %get3A_1842 = arith.constant 0 : index
    %get3A_1843 = arith.constant 19 : index
    %get3A_1844 = arith.constant 0 : index
    %get3A_1845 = vector.load %arg1[%get3A_1842, %get3A_1843, %get3A_1844] : memref<16x64x256xf32, #tpu.memory_space<vmem>>, vector<16x1x256xf32>
    %get3A_1846 = vector.shape_cast %get3A_1845 : vector<16x1x256xf32> to vector<16x256xf32>
    %mul3A_1847 = vector.broadcast %slice3A_1841 : vector<1x256xf32> to vector<16x256xf32>
    %mul3A_1848 = arith.mulf %mul3A_1847, %get3A_1846 : vector<16x256xf32>
    %add3A_1849 = arith.addf %add3A_1840, %mul3A_1848 : vector<16x256xf32>
    %slice3A_1850 = vector.extract_strided_slice %div3A_1667 {offsets = [20, 0], sizes = [1, 256], strides = [1, 1]} : vector<64x256xf32> to vector<1x256xf32>
    %get3A_1851 = arith.constant 0 : index
    %get3A_1852 = arith.constant 20 : index
    %get3A_1853 = arith.constant 0 : index
    %get3A_1854 = vector.load %arg1[%get3A_1851, %get3A_1852, %get3A_1853] : memref<16x64x256xf32, #tpu.memory_space<vmem>>, vector<16x1x256xf32>
    %get3A_1855 = vector.shape_cast %get3A_1854 : vector<16x1x256xf32> to vector<16x256xf32>
    %mul3A_1856 = vector.broadcast %slice3A_1850 : vector<1x256xf32> to vector<16x256xf32>
    %mul3A_1857 = arith.mulf %mul3A_1856, %get3A_1855 : vector<16x256xf32>
    %add3A_1858 = arith.addf %add3A_1849, %mul3A_1857 : vector<16x256xf32>
    %slice3A_1859 = vector.extract_strided_slice %div3A_1667 {offsets = [21, 0], sizes = [1, 256], strides = [1, 1]} : vector<64x256xf32> to vector<1x256xf32>
    %get3A_1860 = arith.constant 0 : index
    %get3A_1861 = arith.constant 21 : index
    %get3A_1862 = arith.constant 0 : index
    %get3A_1863 = vector.load %arg1[%get3A_1860, %get3A_1861, %get3A_1862] : memref<16x64x256xf32, #tpu.memory_space<vmem>>, vector<16x1x256xf32>
    %get3A_1864 = vector.shape_cast %get3A_1863 : vector<16x1x256xf32> to vector<16x256xf32>
    %mul3A_1865 = vector.broadcast %slice3A_1859 : vector<1x256xf32> to vector<16x256xf32>
    %mul3A_1866 = arith.mulf %mul3A_1865, %get3A_1864 : vector<16x256xf32>
    %add3A_1867 = arith.addf %add3A_1858, %mul3A_1866 : vector<16x256xf32>
    %slice3A_1868 = vector.extract_strided_slice %div3A_1667 {offsets = [22, 0], sizes = [1, 256], strides = [1, 1]} : vector<64x256xf32> to vector<1x256xf32>
    %get3A_1869 = arith.constant 0 : index
    %get3A_1870 = arith.constant 22 : index
    %get3A_1871 = arith.constant 0 : index
    %get3A_1872 = vector.load %arg1[%get3A_1869, %get3A_1870, %get3A_1871] : memref<16x64x256xf32, #tpu.memory_space<vmem>>, vector<16x1x256xf32>
    %get3A_1873 = vector.shape_cast %get3A_1872 : vector<16x1x256xf32> to vector<16x256xf32>
    %mul3A_1874 = vector.broadcast %slice3A_1868 : vector<1x256xf32> to vector<16x256xf32>
    %mul3A_1875 = arith.mulf %mul3A_1874, %get3A_1873 : vector<16x256xf32>
    %add3A_1876 = arith.addf %add3A_1867, %mul3A_1875 : vector<16x256xf32>
    %slice3A_1877 = vector.extract_strided_slice %div3A_1667 {offsets = [23, 0], sizes = [1, 256], strides = [1, 1]} : vector<64x256xf32> to vector<1x256xf32>
    %get3A_1878 = arith.constant 0 : index
    %get3A_1879 = arith.constant 23 : index
    %get3A_1880 = arith.constant 0 : index
    %get3A_1881 = vector.load %arg1[%get3A_1878, %get3A_1879, %get3A_1880] : memref<16x64x256xf32, #tpu.memory_space<vmem>>, vector<16x1x256xf32>
    %get3A_1882 = vector.shape_cast %get3A_1881 : vector<16x1x256xf32> to vector<16x256xf32>
    %mul3A_1883 = vector.broadcast %slice3A_1877 : vector<1x256xf32> to vector<16x256xf32>
    %mul3A_1884 = arith.mulf %mul3A_1883, %get3A_1882 : vector<16x256xf32>
    %add3A_1885 = arith.addf %add3A_1876, %mul3A_1884 : vector<16x256xf32>
    %slice3A_1886 = vector.extract_strided_slice %div3A_1667 {offsets = [24, 0], sizes = [1, 256], strides = [1, 1]} : vector<64x256xf32> to vector<1x256xf32>
    %get3A_1887 = arith.constant 0 : index
    %get3A_1888 = arith.constant 24 : index
    %get3A_1889 = arith.constant 0 : index
    %get3A_1890 = vector.load %arg1[%get3A_1887, %get3A_1888, %get3A_1889] : memref<16x64x256xf32, #tpu.memory_space<vmem>>, vector<16x1x256xf32>
    %get3A_1891 = vector.shape_cast %get3A_1890 : vector<16x1x256xf32> to vector<16x256xf32>
    %mul3A_1892 = vector.broadcast %slice3A_1886 : vector<1x256xf32> to vector<16x256xf32>
    %mul3A_1893 = arith.mulf %mul3A_1892, %get3A_1891 : vector<16x256xf32>
    %add3A_1894 = arith.addf %add3A_1885, %mul3A_1893 : vector<16x256xf32>
    %slice3A_1895 = vector.extract_strided_slice %div3A_1667 {offsets = [25, 0], sizes = [1, 256], strides = [1, 1]} : vector<64x256xf32> to vector<1x256xf32>
    %get3A_1896 = arith.constant 0 : index
    %get3A_1897 = arith.constant 25 : index
    %get3A_1898 = arith.constant 0 : index
    %get3A_1899 = vector.load %arg1[%get3A_1896, %get3A_1897, %get3A_1898] : memref<16x64x256xf32, #tpu.memory_space<vmem>>, vector<16x1x256xf32>
    %get3A_1900 = vector.shape_cast %get3A_1899 : vector<16x1x256xf32> to vector<16x256xf32>
    %mul3A_1901 = vector.broadcast %slice3A_1895 : vector<1x256xf32> to vector<16x256xf32>
    %mul3A_1902 = arith.mulf %mul3A_1901, %get3A_1900 : vector<16x256xf32>
    %add3A_1903 = arith.addf %add3A_1894, %mul3A_1902 : vector<16x256xf32>
    %slice3A_1904 = vector.extract_strided_slice %div3A_1667 {offsets = [26, 0], sizes = [1, 256], strides = [1, 1]} : vector<64x256xf32> to vector<1x256xf32>
    %get3A_1905 = arith.constant 0 : index
    %get3A_1906 = arith.constant 26 : index
    %get3A_1907 = arith.constant 0 : index
    %get3A_1908 = vector.load %arg1[%get3A_1905, %get3A_1906, %get3A_1907] : memref<16x64x256xf32, #tpu.memory_space<vmem>>, vector<16x1x256xf32>
    %get3A_1909 = vector.shape_cast %get3A_1908 : vector<16x1x256xf32> to vector<16x256xf32>
    %mul3A_1910 = vector.broadcast %slice3A_1904 : vector<1x256xf32> to vector<16x256xf32>
    %mul3A_1911 = arith.mulf %mul3A_1910, %get3A_1909 : vector<16x256xf32>
    %add3A_1912 = arith.addf %add3A_1903, %mul3A_1911 : vector<16x256xf32>
    %slice3A_1913 = vector.extract_strided_slice %div3A_1667 {offsets = [27, 0], sizes = [1, 256], strides = [1, 1]} : vector<64x256xf32> to vector<1x256xf32>
    %get3A_1914 = arith.constant 0 : index
    %get3A_1915 = arith.constant 27 : index
    %get3A_1916 = arith.constant 0 : index
    %get3A_1917 = vector.load %arg1[%get3A_1914, %get3A_1915, %get3A_1916] : memref<16x64x256xf32, #tpu.memory_space<vmem>>, vector<16x1x256xf32>
    %get3A_1918 = vector.shape_cast %get3A_1917 : vector<16x1x256xf32> to vector<16x256xf32>
    %mul3A_1919 = vector.broadcast %slice3A_1913 : vector<1x256xf32> to vector<16x256xf32>
    %mul3A_1920 = arith.mulf %mul3A_1919, %get3A_1918 : vector<16x256xf32>
    %add3A_1921 = arith.addf %add3A_1912, %mul3A_1920 : vector<16x256xf32>
    %slice3A_1922 = vector.extract_strided_slice %div3A_1667 {offsets = [28, 0], sizes = [1, 256], strides = [1, 1]} : vector<64x256xf32> to vector<1x256xf32>
    %get3A_1923 = arith.constant 0 : index
    %get3A_1924 = arith.constant 28 : index
    %get3A_1925 = arith.constant 0 : index
    %get3A_1926 = vector.load %arg1[%get3A_1923, %get3A_1924, %get3A_1925] : memref<16x64x256xf32, #tpu.memory_space<vmem>>, vector<16x1x256xf32>
    %get3A_1927 = vector.shape_cast %get3A_1926 : vector<16x1x256xf32> to vector<16x256xf32>
    %mul3A_1928 = vector.broadcast %slice3A_1922 : vector<1x256xf32> to vector<16x256xf32>
    %mul3A_1929 = arith.mulf %mul3A_1928, %get3A_1927 : vector<16x256xf32>
    %add3A_1930 = arith.addf %add3A_1921, %mul3A_1929 : vector<16x256xf32>
    %slice3A_1931 = vector.extract_strided_slice %div3A_1667 {offsets = [29, 0], sizes = [1, 256], strides = [1, 1]} : vector<64x256xf32> to vector<1x256xf32>
    %get3A_1932 = arith.constant 0 : index
    %get3A_1933 = arith.constant 29 : index
    %get3A_1934 = arith.constant 0 : index
    %get3A_1935 = vector.load %arg1[%get3A_1932, %get3A_1933, %get3A_1934] : memref<16x64x256xf32, #tpu.memory_space<vmem>>, vector<16x1x256xf32>
    %get3A_1936 = vector.shape_cast %get3A_1935 : vector<16x1x256xf32> to vector<16x256xf32>
    %mul3A_1937 = vector.broadcast %slice3A_1931 : vector<1x256xf32> to vector<16x256xf32>
    %mul3A_1938 = arith.mulf %mul3A_1937, %get3A_1936 : vector<16x256xf32>
    %add3A_1939 = arith.addf %add3A_1930, %mul3A_1938 : vector<16x256xf32>
    %slice3A_1940 = vector.extract_strided_slice %div3A_1667 {offsets = [30, 0], sizes = [1, 256], strides = [1, 1]} : vector<64x256xf32> to vector<1x256xf32>
    %get3A_1941 = arith.constant 0 : index
    %get3A_1942 = arith.constant 30 : index
    %get3A_1943 = arith.constant 0 : index
    %get3A_1944 = vector.load %arg1[%get3A_1941, %get3A_1942, %get3A_1943] : memref<16x64x256xf32, #tpu.memory_space<vmem>>, vector<16x1x256xf32>
    %get3A_1945 = vector.shape_cast %get3A_1944 : vector<16x1x256xf32> to vector<16x256xf32>
    %mul3A_1946 = vector.broadcast %slice3A_1940 : vector<1x256xf32> to vector<16x256xf32>
    %mul3A_1947 = arith.mulf %mul3A_1946, %get3A_1945 : vector<16x256xf32>
    %add3A_1948 = arith.addf %add3A_1939, %mul3A_1947 : vector<16x256xf32>
    %slice3A_1949 = vector.extract_strided_slice %div3A_1667 {offsets = [31, 0], sizes = [1, 256], strides = [1, 1]} : vector<64x256xf32> to vector<1x256xf32>
    %get3A_1950 = arith.constant 0 : index
    %get3A_1951 = arith.constant 31 : index
    %get3A_1952 = arith.constant 0 : index
    %get3A_1953 = vector.load %arg1[%get3A_1950, %get3A_1951, %get3A_1952] : memref<16x64x256xf32, #tpu.memory_space<vmem>>, vector<16x1x256xf32>
    %get3A_1954 = vector.shape_cast %get3A_1953 : vector<16x1x256xf32> to vector<16x256xf32>
    %mul3A_1955 = vector.broadcast %slice3A_1949 : vector<1x256xf32> to vector<16x256xf32>
    %mul3A_1956 = arith.mulf %mul3A_1955, %get3A_1954 : vector<16x256xf32>
    %add3A_1957 = arith.addf %add3A_1948, %mul3A_1956 : vector<16x256xf32>
    %slice3A_1958 = vector.extract_strided_slice %div3A_1667 {offsets = [32, 0], sizes = [1, 256], strides = [1, 1]} : vector<64x256xf32> to vector<1x256xf32>
    %get3A_1959 = arith.constant 0 : index
    %get3A_1960 = arith.constant 32 : index
    %get3A_1961 = arith.constant 0 : index
    %get3A_1962 = vector.load %arg1[%get3A_1959, %get3A_1960, %get3A_1961] : memref<16x64x256xf32, #tpu.memory_space<vmem>>, vector<16x1x256xf32>
    %get3A_1963 = vector.shape_cast %get3A_1962 : vector<16x1x256xf32> to vector<16x256xf32>
    %mul3A_1964 = vector.broadcast %slice3A_1958 : vector<1x256xf32> to vector<16x256xf32>
    %mul3A_1965 = arith.mulf %mul3A_1964, %get3A_1963 : vector<16x256xf32>
    %add3A_1966 = arith.addf %add3A_1957, %mul3A_1965 : vector<16x256xf32>
    %slice3A_1967 = vector.extract_strided_slice %div3A_1667 {offsets = [33, 0], sizes = [1, 256], strides = [1, 1]} : vector<64x256xf32> to vector<1x256xf32>
    %get3A_1968 = arith.constant 0 : index
    %get3A_1969 = arith.constant 33 : index
    %get3A_1970 = arith.constant 0 : index
    %get3A_1971 = vector.load %arg1[%get3A_1968, %get3A_1969, %get3A_1970] : memref<16x64x256xf32, #tpu.memory_space<vmem>>, vector<16x1x256xf32>
    %get3A_1972 = vector.shape_cast %get3A_1971 : vector<16x1x256xf32> to vector<16x256xf32>
    %mul3A_1973 = vector.broadcast %slice3A_1967 : vector<1x256xf32> to vector<16x256xf32>
    %mul3A_1974 = arith.mulf %mul3A_1973, %get3A_1972 : vector<16x256xf32>
    %add3A_1975 = arith.addf %add3A_1966, %mul3A_1974 : vector<16x256xf32>
    %slice3A_1976 = vector.extract_strided_slice %div3A_1667 {offsets = [34, 0], sizes = [1, 256], strides = [1, 1]} : vector<64x256xf32> to vector<1x256xf32>
    %get3A_1977 = arith.constant 0 : index
    %get3A_1978 = arith.constant 34 : index
    %get3A_1979 = arith.constant 0 : index
    %get3A_1980 = vector.load %arg1[%get3A_1977, %get3A_1978, %get3A_1979] : memref<16x64x256xf32, #tpu.memory_space<vmem>>, vector<16x1x256xf32>
    %get3A_1981 = vector.shape_cast %get3A_1980 : vector<16x1x256xf32> to vector<16x256xf32>
    %mul3A_1982 = vector.broadcast %slice3A_1976 : vector<1x256xf32> to vector<16x256xf32>
    %mul3A_1983 = arith.mulf %mul3A_1982, %get3A_1981 : vector<16x256xf32>
    %add3A_1984 = arith.addf %add3A_1975, %mul3A_1983 : vector<16x256xf32>
    %slice3A_1985 = vector.extract_strided_slice %div3A_1667 {offsets = [35, 0], sizes = [1, 256], strides = [1, 1]} : vector<64x256xf32> to vector<1x256xf32>
    %get3A_1986 = arith.constant 0 : index
    %get3A_1987 = arith.constant 35 : index
    %get3A_1988 = arith.constant 0 : index
    %get3A_1989 = vector.load %arg1[%get3A_1986, %get3A_1987, %get3A_1988] : memref<16x64x256xf32, #tpu.memory_space<vmem>>, vector<16x1x256xf32>
    %get3A_1990 = vector.shape_cast %get3A_1989 : vector<16x1x256xf32> to vector<16x256xf32>
    %mul3A_1991 = vector.broadcast %slice3A_1985 : vector<1x256xf32> to vector<16x256xf32>
    %mul3A_1992 = arith.mulf %mul3A_1991, %get3A_1990 : vector<16x256xf32>
    %add3A_1993 = arith.addf %add3A_1984, %mul3A_1992 : vector<16x256xf32>
    %slice3A_1994 = vector.extract_strided_slice %div3A_1667 {offsets = [36, 0], sizes = [1, 256], strides = [1, 1]} : vector<64x256xf32> to vector<1x256xf32>
    %get3A_1995 = arith.constant 0 : index
    %get3A_1996 = arith.constant 36 : index
    %get3A_1997 = arith.constant 0 : index
    %get3A_1998 = vector.load %arg1[%get3A_1995, %get3A_1996, %get3A_1997] : memref<16x64x256xf32, #tpu.memory_space<vmem>>, vector<16x1x256xf32>
    %get3A_1999 = vector.shape_cast %get3A_1998 : vector<16x1x256xf32> to vector<16x256xf32>
    %mul3A_2000 = vector.broadcast %slice3A_1994 : vector<1x256xf32> to vector<16x256xf32>
    %mul3A_2001 = arith.mulf %mul3A_2000, %get3A_1999 : vector<16x256xf32>
    %add3A_2002 = arith.addf %add3A_1993, %mul3A_2001 : vector<16x256xf32>
    %slice3A_2003 = vector.extract_strided_slice %div3A_1667 {offsets = [37, 0], sizes = [1, 256], strides = [1, 1]} : vector<64x256xf32> to vector<1x256xf32>
    %get3A_2004 = arith.constant 0 : index
    %get3A_2005 = arith.constant 37 : index
    %get3A_2006 = arith.constant 0 : index
    %get3A_2007 = vector.load %arg1[%get3A_2004, %get3A_2005, %get3A_2006] : memref<16x64x256xf32, #tpu.memory_space<vmem>>, vector<16x1x256xf32>
    %get3A_2008 = vector.shape_cast %get3A_2007 : vector<16x1x256xf32> to vector<16x256xf32>
    %mul3A_2009 = vector.broadcast %slice3A_2003 : vector<1x256xf32> to vector<16x256xf32>
    %mul3A_2010 = arith.mulf %mul3A_2009, %get3A_2008 : vector<16x256xf32>
    %add3A_2011 = arith.addf %add3A_2002, %mul3A_2010 : vector<16x256xf32>
    %slice3A_2012 = vector.extract_strided_slice %div3A_1667 {offsets = [38, 0], sizes = [1, 256], strides = [1, 1]} : vector<64x256xf32> to vector<1x256xf32>
    %get3A_2013 = arith.constant 0 : index
    %get3A_2014 = arith.constant 38 : index
    %get3A_2015 = arith.constant 0 : index
    %get3A_2016 = vector.load %arg1[%get3A_2013, %get3A_2014, %get3A_2015] : memref<16x64x256xf32, #tpu.memory_space<vmem>>, vector<16x1x256xf32>
    %get3A_2017 = vector.shape_cast %get3A_2016 : vector<16x1x256xf32> to vector<16x256xf32>
    %mul3A_2018 = vector.broadcast %slice3A_2012 : vector<1x256xf32> to vector<16x256xf32>
    %mul3A_2019 = arith.mulf %mul3A_2018, %get3A_2017 : vector<16x256xf32>
    %add3A_2020 = arith.addf %add3A_2011, %mul3A_2019 : vector<16x256xf32>
    %slice3A_2021 = vector.extract_strided_slice %div3A_1667 {offsets = [39, 0], sizes = [1, 256], strides = [1, 1]} : vector<64x256xf32> to vector<1x256xf32>
    %get3A_2022 = arith.constant 0 : index
    %get3A_2023 = arith.constant 39 : index
    %get3A_2024 = arith.constant 0 : index
    %get3A_2025 = vector.load %arg1[%get3A_2022, %get3A_2023, %get3A_2024] : memref<16x64x256xf32, #tpu.memory_space<vmem>>, vector<16x1x256xf32>
    %get3A_2026 = vector.shape_cast %get3A_2025 : vector<16x1x256xf32> to vector<16x256xf32>
    %mul3A_2027 = vector.broadcast %slice3A_2021 : vector<1x256xf32> to vector<16x256xf32>
    %mul3A_2028 = arith.mulf %mul3A_2027, %get3A_2026 : vector<16x256xf32>
    %add3A_2029 = arith.addf %add3A_2020, %mul3A_2028 : vector<16x256xf32>
    %slice3A_2030 = vector.extract_strided_slice %div3A_1667 {offsets = [40, 0], sizes = [1, 256], strides = [1, 1]} : vector<64x256xf32> to vector<1x256xf32>
    %get3A_2031 = arith.constant 0 : index
    %get3A_2032 = arith.constant 40 : index
    %get3A_2033 = arith.constant 0 : index
    %get3A_2034 = vector.load %arg1[%get3A_2031, %get3A_2032, %get3A_2033] : memref<16x64x256xf32, #tpu.memory_space<vmem>>, vector<16x1x256xf32>
    %get3A_2035 = vector.shape_cast %get3A_2034 : vector<16x1x256xf32> to vector<16x256xf32>
    %mul3A_2036 = vector.broadcast %slice3A_2030 : vector<1x256xf32> to vector<16x256xf32>
    %mul3A_2037 = arith.mulf %mul3A_2036, %get3A_2035 : vector<16x256xf32>
    %add3A_2038 = arith.addf %add3A_2029, %mul3A_2037 : vector<16x256xf32>
    %slice3A_2039 = vector.extract_strided_slice %div3A_1667 {offsets = [41, 0], sizes = [1, 256], strides = [1, 1]} : vector<64x256xf32> to vector<1x256xf32>
    %get3A_2040 = arith.constant 0 : index
    %get3A_2041 = arith.constant 41 : index
    %get3A_2042 = arith.constant 0 : index
    %get3A_2043 = vector.load %arg1[%get3A_2040, %get3A_2041, %get3A_2042] : memref<16x64x256xf32, #tpu.memory_space<vmem>>, vector<16x1x256xf32>
    %get3A_2044 = vector.shape_cast %get3A_2043 : vector<16x1x256xf32> to vector<16x256xf32>
    %mul3A_2045 = vector.broadcast %slice3A_2039 : vector<1x256xf32> to vector<16x256xf32>
    %mul3A_2046 = arith.mulf %mul3A_2045, %get3A_2044 : vector<16x256xf32>
    %add3A_2047 = arith.addf %add3A_2038, %mul3A_2046 : vector<16x256xf32>
    %slice3A_2048 = vector.extract_strided_slice %div3A_1667 {offsets = [42, 0], sizes = [1, 256], strides = [1, 1]} : vector<64x256xf32> to vector<1x256xf32>
    %get3A_2049 = arith.constant 0 : index
    %get3A_2050 = arith.constant 42 : index
    %get3A_2051 = arith.constant 0 : index
    %get3A_2052 = vector.load %arg1[%get3A_2049, %get3A_2050, %get3A_2051] : memref<16x64x256xf32, #tpu.memory_space<vmem>>, vector<16x1x256xf32>
    %get3A_2053 = vector.shape_cast %get3A_2052 : vector<16x1x256xf32> to vector<16x256xf32>
    %mul3A_2054 = vector.broadcast %slice3A_2048 : vector<1x256xf32> to vector<16x256xf32>
    %mul3A_2055 = arith.mulf %mul3A_2054, %get3A_2053 : vector<16x256xf32>
    %add3A_2056 = arith.addf %add3A_2047, %mul3A_2055 : vector<16x256xf32>
    %slice3A_2057 = vector.extract_strided_slice %div3A_1667 {offsets = [43, 0], sizes = [1, 256], strides = [1, 1]} : vector<64x256xf32> to vector<1x256xf32>
    %get3A_2058 = arith.constant 0 : index
    %get3A_2059 = arith.constant 43 : index
    %get3A_2060 = arith.constant 0 : index
    %get3A_2061 = vector.load %arg1[%get3A_2058, %get3A_2059, %get3A_2060] : memref<16x64x256xf32, #tpu.memory_space<vmem>>, vector<16x1x256xf32>
    %get3A_2062 = vector.shape_cast %get3A_2061 : vector<16x1x256xf32> to vector<16x256xf32>
    %mul3A_2063 = vector.broadcast %slice3A_2057 : vector<1x256xf32> to vector<16x256xf32>
    %mul3A_2064 = arith.mulf %mul3A_2063, %get3A_2062 : vector<16x256xf32>
    %add3A_2065 = arith.addf %add3A_2056, %mul3A_2064 : vector<16x256xf32>
    %slice3A_2066 = vector.extract_strided_slice %div3A_1667 {offsets = [44, 0], sizes = [1, 256], strides = [1, 1]} : vector<64x256xf32> to vector<1x256xf32>
    %get3A_2067 = arith.constant 0 : index
    %get3A_2068 = arith.constant 44 : index
    %get3A_2069 = arith.constant 0 : index
    %get3A_2070 = vector.load %arg1[%get3A_2067, %get3A_2068, %get3A_2069] : memref<16x64x256xf32, #tpu.memory_space<vmem>>, vector<16x1x256xf32>
    %get3A_2071 = vector.shape_cast %get3A_2070 : vector<16x1x256xf32> to vector<16x256xf32>
    %mul3A_2072 = vector.broadcast %slice3A_2066 : vector<1x256xf32> to vector<16x256xf32>
    %mul3A_2073 = arith.mulf %mul3A_2072, %get3A_2071 : vector<16x256xf32>
    %add3A_2074 = arith.addf %add3A_2065, %mul3A_2073 : vector<16x256xf32>
    %slice3A_2075 = vector.extract_strided_slice %div3A_1667 {offsets = [45, 0], sizes = [1, 256], strides = [1, 1]} : vector<64x256xf32> to vector<1x256xf32>
    %get3A_2076 = arith.constant 0 : index
    %get3A_2077 = arith.constant 45 : index
    %get3A_2078 = arith.constant 0 : index
    %get3A_2079 = vector.load %arg1[%get3A_2076, %get3A_2077, %get3A_2078] : memref<16x64x256xf32, #tpu.memory_space<vmem>>, vector<16x1x256xf32>
    %get3A_2080 = vector.shape_cast %get3A_2079 : vector<16x1x256xf32> to vector<16x256xf32>
    %mul3A_2081 = vector.broadcast %slice3A_2075 : vector<1x256xf32> to vector<16x256xf32>
    %mul3A_2082 = arith.mulf %mul3A_2081, %get3A_2080 : vector<16x256xf32>
    %add3A_2083 = arith.addf %add3A_2074, %mul3A_2082 : vector<16x256xf32>
    %slice3A_2084 = vector.extract_strided_slice %div3A_1667 {offsets = [46, 0], sizes = [1, 256], strides = [1, 1]} : vector<64x256xf32> to vector<1x256xf32>
    %get3A_2085 = arith.constant 0 : index
    %get3A_2086 = arith.constant 46 : index
    %get3A_2087 = arith.constant 0 : index
    %get3A_2088 = vector.load %arg1[%get3A_2085, %get3A_2086, %get3A_2087] : memref<16x64x256xf32, #tpu.memory_space<vmem>>, vector<16x1x256xf32>
    %get3A_2089 = vector.shape_cast %get3A_2088 : vector<16x1x256xf32> to vector<16x256xf32>
    %mul3A_2090 = vector.broadcast %slice3A_2084 : vector<1x256xf32> to vector<16x256xf32>
    %mul3A_2091 = arith.mulf %mul3A_2090, %get3A_2089 : vector<16x256xf32>
    %add3A_2092 = arith.addf %add3A_2083, %mul3A_2091 : vector<16x256xf32>
    %slice3A_2093 = vector.extract_strided_slice %div3A_1667 {offsets = [47, 0], sizes = [1, 256], strides = [1, 1]} : vector<64x256xf32> to vector<1x256xf32>
    %get3A_2094 = arith.constant 0 : index
    %get3A_2095 = arith.constant 47 : index
    %get3A_2096 = arith.constant 0 : index
    %get3A_2097 = vector.load %arg1[%get3A_2094, %get3A_2095, %get3A_2096] : memref<16x64x256xf32, #tpu.memory_space<vmem>>, vector<16x1x256xf32>
    %get3A_2098 = vector.shape_cast %get3A_2097 : vector<16x1x256xf32> to vector<16x256xf32>
    %mul3A_2099 = vector.broadcast %slice3A_2093 : vector<1x256xf32> to vector<16x256xf32>
    %mul3A_2100 = arith.mulf %mul3A_2099, %get3A_2098 : vector<16x256xf32>
    %add3A_2101 = arith.addf %add3A_2092, %mul3A_2100 : vector<16x256xf32>
    %slice3A_2102 = vector.extract_strided_slice %div3A_1667 {offsets = [48, 0], sizes = [1, 256], strides = [1, 1]} : vector<64x256xf32> to vector<1x256xf32>
    %get3A_2103 = arith.constant 0 : index
    %get3A_2104 = arith.constant 48 : index
    %get3A_2105 = arith.constant 0 : index
    %get3A_2106 = vector.load %arg1[%get3A_2103, %get3A_2104, %get3A_2105] : memref<16x64x256xf32, #tpu.memory_space<vmem>>, vector<16x1x256xf32>
    %get3A_2107 = vector.shape_cast %get3A_2106 : vector<16x1x256xf32> to vector<16x256xf32>
    %mul3A_2108 = vector.broadcast %slice3A_2102 : vector<1x256xf32> to vector<16x256xf32>
    %mul3A_2109 = arith.mulf %mul3A_2108, %get3A_2107 : vector<16x256xf32>
    %add3A_2110 = arith.addf %add3A_2101, %mul3A_2109 : vector<16x256xf32>
    %slice3A_2111 = vector.extract_strided_slice %div3A_1667 {offsets = [49, 0], sizes = [1, 256], strides = [1, 1]} : vector<64x256xf32> to vector<1x256xf32>
    %get3A_2112 = arith.constant 0 : index
    %get3A_2113 = arith.constant 49 : index
    %get3A_2114 = arith.constant 0 : index
    %get3A_2115 = vector.load %arg1[%get3A_2112, %get3A_2113, %get3A_2114] : memref<16x64x256xf32, #tpu.memory_space<vmem>>, vector<16x1x256xf32>
    %get3A_2116 = vector.shape_cast %get3A_2115 : vector<16x1x256xf32> to vector<16x256xf32>
    %mul3A_2117 = vector.broadcast %slice3A_2111 : vector<1x256xf32> to vector<16x256xf32>
    %mul3A_2118 = arith.mulf %mul3A_2117, %get3A_2116 : vector<16x256xf32>
    %add3A_2119 = arith.addf %add3A_2110, %mul3A_2118 : vector<16x256xf32>
    %slice3A_2120 = vector.extract_strided_slice %div3A_1667 {offsets = [50, 0], sizes = [1, 256], strides = [1, 1]} : vector<64x256xf32> to vector<1x256xf32>
    %get3A_2121 = arith.constant 0 : index
    %get3A_2122 = arith.constant 50 : index
    %get3A_2123 = arith.constant 0 : index
    %get3A_2124 = vector.load %arg1[%get3A_2121, %get3A_2122, %get3A_2123] : memref<16x64x256xf32, #tpu.memory_space<vmem>>, vector<16x1x256xf32>
    %get3A_2125 = vector.shape_cast %get3A_2124 : vector<16x1x256xf32> to vector<16x256xf32>
    %mul3A_2126 = vector.broadcast %slice3A_2120 : vector<1x256xf32> to vector<16x256xf32>
    %mul3A_2127 = arith.mulf %mul3A_2126, %get3A_2125 : vector<16x256xf32>
    %add3A_2128 = arith.addf %add3A_2119, %mul3A_2127 : vector<16x256xf32>
    %slice3A_2129 = vector.extract_strided_slice %div3A_1667 {offsets = [51, 0], sizes = [1, 256], strides = [1, 1]} : vector<64x256xf32> to vector<1x256xf32>
    %get3A_2130 = arith.constant 0 : index
    %get3A_2131 = arith.constant 51 : index
    %get3A_2132 = arith.constant 0 : index
    %get3A_2133 = vector.load %arg1[%get3A_2130, %get3A_2131, %get3A_2132] : memref<16x64x256xf32, #tpu.memory_space<vmem>>, vector<16x1x256xf32>
    %get3A_2134 = vector.shape_cast %get3A_2133 : vector<16x1x256xf32> to vector<16x256xf32>
    %mul3A_2135 = vector.broadcast %slice3A_2129 : vector<1x256xf32> to vector<16x256xf32>
    %mul3A_2136 = arith.mulf %mul3A_2135, %get3A_2134 : vector<16x256xf32>
    %add3A_2137 = arith.addf %add3A_2128, %mul3A_2136 : vector<16x256xf32>
    %slice3A_2138 = vector.extract_strided_slice %div3A_1667 {offsets = [52, 0], sizes = [1, 256], strides = [1, 1]} : vector<64x256xf32> to vector<1x256xf32>
    %get3A_2139 = arith.constant 0 : index
    %get3A_2140 = arith.constant 52 : index
    %get3A_2141 = arith.constant 0 : index
    %get3A_2142 = vector.load %arg1[%get3A_2139, %get3A_2140, %get3A_2141] : memref<16x64x256xf32, #tpu.memory_space<vmem>>, vector<16x1x256xf32>
    %get3A_2143 = vector.shape_cast %get3A_2142 : vector<16x1x256xf32> to vector<16x256xf32>
    %mul3A_2144 = vector.broadcast %slice3A_2138 : vector<1x256xf32> to vector<16x256xf32>
    %mul3A_2145 = arith.mulf %mul3A_2144, %get3A_2143 : vector<16x256xf32>
    %add3A_2146 = arith.addf %add3A_2137, %mul3A_2145 : vector<16x256xf32>
    %slice3A_2147 = vector.extract_strided_slice %div3A_1667 {offsets = [53, 0], sizes = [1, 256], strides = [1, 1]} : vector<64x256xf32> to vector<1x256xf32>
    %get3A_2148 = arith.constant 0 : index
    %get3A_2149 = arith.constant 53 : index
    %get3A_2150 = arith.constant 0 : index
    %get3A_2151 = vector.load %arg1[%get3A_2148, %get3A_2149, %get3A_2150] : memref<16x64x256xf32, #tpu.memory_space<vmem>>, vector<16x1x256xf32>
    %get3A_2152 = vector.shape_cast %get3A_2151 : vector<16x1x256xf32> to vector<16x256xf32>
    %mul3A_2153 = vector.broadcast %slice3A_2147 : vector<1x256xf32> to vector<16x256xf32>
    %mul3A_2154 = arith.mulf %mul3A_2153, %get3A_2152 : vector<16x256xf32>
    %add3A_2155 = arith.addf %add3A_2146, %mul3A_2154 : vector<16x256xf32>
    %slice3A_2156 = vector.extract_strided_slice %div3A_1667 {offsets = [54, 0], sizes = [1, 256], strides = [1, 1]} : vector<64x256xf32> to vector<1x256xf32>
    %get3A_2157 = arith.constant 0 : index
    %get3A_2158 = arith.constant 54 : index
    %get3A_2159 = arith.constant 0 : index
    %get3A_2160 = vector.load %arg1[%get3A_2157, %get3A_2158, %get3A_2159] : memref<16x64x256xf32, #tpu.memory_space<vmem>>, vector<16x1x256xf32>
    %get3A_2161 = vector.shape_cast %get3A_2160 : vector<16x1x256xf32> to vector<16x256xf32>
    %mul3A_2162 = vector.broadcast %slice3A_2156 : vector<1x256xf32> to vector<16x256xf32>
    %mul3A_2163 = arith.mulf %mul3A_2162, %get3A_2161 : vector<16x256xf32>
    %add3A_2164 = arith.addf %add3A_2155, %mul3A_2163 : vector<16x256xf32>
    %slice3A_2165 = vector.extract_strided_slice %div3A_1667 {offsets = [55, 0], sizes = [1, 256], strides = [1, 1]} : vector<64x256xf32> to vector<1x256xf32>
    %get3A_2166 = arith.constant 0 : index
    %get3A_2167 = arith.constant 55 : index
    %get3A_2168 = arith.constant 0 : index
    %get3A_2169 = vector.load %arg1[%get3A_2166, %get3A_2167, %get3A_2168] : memref<16x64x256xf32, #tpu.memory_space<vmem>>, vector<16x1x256xf32>
    %get3A_2170 = vector.shape_cast %get3A_2169 : vector<16x1x256xf32> to vector<16x256xf32>
    %mul3A_2171 = vector.broadcast %slice3A_2165 : vector<1x256xf32> to vector<16x256xf32>
    %mul3A_2172 = arith.mulf %mul3A_2171, %get3A_2170 : vector<16x256xf32>
    %add3A_2173 = arith.addf %add3A_2164, %mul3A_2172 : vector<16x256xf32>
    %slice3A_2174 = vector.extract_strided_slice %div3A_1667 {offsets = [56, 0], sizes = [1, 256], strides = [1, 1]} : vector<64x256xf32> to vector<1x256xf32>
    %get3A_2175 = arith.constant 0 : index
    %get3A_2176 = arith.constant 56 : index
    %get3A_2177 = arith.constant 0 : index
    %get3A_2178 = vector.load %arg1[%get3A_2175, %get3A_2176, %get3A_2177] : memref<16x64x256xf32, #tpu.memory_space<vmem>>, vector<16x1x256xf32>
    %get3A_2179 = vector.shape_cast %get3A_2178 : vector<16x1x256xf32> to vector<16x256xf32>
    %mul3A_2180 = vector.broadcast %slice3A_2174 : vector<1x256xf32> to vector<16x256xf32>
    %mul3A_2181 = arith.mulf %mul3A_2180, %get3A_2179 : vector<16x256xf32>
    %add3A_2182 = arith.addf %add3A_2173, %mul3A_2181 : vector<16x256xf32>
    %slice3A_2183 = vector.extract_strided_slice %div3A_1667 {offsets = [57, 0], sizes = [1, 256], strides = [1, 1]} : vector<64x256xf32> to vector<1x256xf32>
    %get3A_2184 = arith.constant 0 : index
    %get3A_2185 = arith.constant 57 : index
    %get3A_2186 = arith.constant 0 : index
    %get3A_2187 = vector.load %arg1[%get3A_2184, %get3A_2185, %get3A_2186] : memref<16x64x256xf32, #tpu.memory_space<vmem>>, vector<16x1x256xf32>
    %get3A_2188 = vector.shape_cast %get3A_2187 : vector<16x1x256xf32> to vector<16x256xf32>
    %mul3A_2189 = vector.broadcast %slice3A_2183 : vector<1x256xf32> to vector<16x256xf32>
    %mul3A_2190 = arith.mulf %mul3A_2189, %get3A_2188 : vector<16x256xf32>
    %add3A_2191 = arith.addf %add3A_2182, %mul3A_2190 : vector<16x256xf32>
    %slice3A_2192 = vector.extract_strided_slice %div3A_1667 {offsets = [58, 0], sizes = [1, 256], strides = [1, 1]} : vector<64x256xf32> to vector<1x256xf32>
    %get3A_2193 = arith.constant 0 : index
    %get3A_2194 = arith.constant 58 : index
    %get3A_2195 = arith.constant 0 : index
    %get3A_2196 = vector.load %arg1[%get3A_2193, %get3A_2194, %get3A_2195] : memref<16x64x256xf32, #tpu.memory_space<vmem>>, vector<16x1x256xf32>
    %get3A_2197 = vector.shape_cast %get3A_2196 : vector<16x1x256xf32> to vector<16x256xf32>
    %mul3A_2198 = vector.broadcast %slice3A_2192 : vector<1x256xf32> to vector<16x256xf32>
    %mul3A_2199 = arith.mulf %mul3A_2198, %get3A_2197 : vector<16x256xf32>
    %add3A_2200 = arith.addf %add3A_2191, %mul3A_2199 : vector<16x256xf32>
    %slice3A_2201 = vector.extract_strided_slice %div3A_1667 {offsets = [59, 0], sizes = [1, 256], strides = [1, 1]} : vector<64x256xf32> to vector<1x256xf32>
    %get3A_2202 = arith.constant 0 : index
    %get3A_2203 = arith.constant 59 : index
    %get3A_2204 = arith.constant 0 : index
    %get3A_2205 = vector.load %arg1[%get3A_2202, %get3A_2203, %get3A_2204] : memref<16x64x256xf32, #tpu.memory_space<vmem>>, vector<16x1x256xf32>
    %get3A_2206 = vector.shape_cast %get3A_2205 : vector<16x1x256xf32> to vector<16x256xf32>
    %mul3A_2207 = vector.broadcast %slice3A_2201 : vector<1x256xf32> to vector<16x256xf32>
    %mul3A_2208 = arith.mulf %mul3A_2207, %get3A_2206 : vector<16x256xf32>
    %add3A_2209 = arith.addf %add3A_2200, %mul3A_2208 : vector<16x256xf32>
    %slice3A_2210 = vector.extract_strided_slice %div3A_1667 {offsets = [60, 0], sizes = [1, 256], strides = [1, 1]} : vector<64x256xf32> to vector<1x256xf32>
    %get3A_2211 = arith.constant 0 : index
    %get3A_2212 = arith.constant 60 : index
    %get3A_2213 = arith.constant 0 : index
    %get3A_2214 = vector.load %arg1[%get3A_2211, %get3A_2212, %get3A_2213] : memref<16x64x256xf32, #tpu.memory_space<vmem>>, vector<16x1x256xf32>
    %get3A_2215 = vector.shape_cast %get3A_2214 : vector<16x1x256xf32> to vector<16x256xf32>
    %mul3A_2216 = vector.broadcast %slice3A_2210 : vector<1x256xf32> to vector<16x256xf32>
    %mul3A_2217 = arith.mulf %mul3A_2216, %get3A_2215 : vector<16x256xf32>
    %add3A_2218 = arith.addf %add3A_2209, %mul3A_2217 : vector<16x256xf32>
    %slice3A_2219 = vector.extract_strided_slice %div3A_1667 {offsets = [61, 0], sizes = [1, 256], strides = [1, 1]} : vector<64x256xf32> to vector<1x256xf32>
    %get3A_2220 = arith.constant 0 : index
    %get3A_2221 = arith.constant 61 : index
    %get3A_2222 = arith.constant 0 : index
    %get3A_2223 = vector.load %arg1[%get3A_2220, %get3A_2221, %get3A_2222] : memref<16x64x256xf32, #tpu.memory_space<vmem>>, vector<16x1x256xf32>
    %get3A_2224 = vector.shape_cast %get3A_2223 : vector<16x1x256xf32> to vector<16x256xf32>
    %mul3A_2225 = vector.broadcast %slice3A_2219 : vector<1x256xf32> to vector<16x256xf32>
    %mul3A_2226 = arith.mulf %mul3A_2225, %get3A_2224 : vector<16x256xf32>
    %add3A_2227 = arith.addf %add3A_2218, %mul3A_2226 : vector<16x256xf32>
    %slice3A_2228 = vector.extract_strided_slice %div3A_1667 {offsets = [62, 0], sizes = [1, 256], strides = [1, 1]} : vector<64x256xf32> to vector<1x256xf32>
    %get3A_2229 = arith.constant 0 : index
    %get3A_2230 = arith.constant 62 : index
    %get3A_2231 = arith.constant 0 : index
    %get3A_2232 = vector.load %arg1[%get3A_2229, %get3A_2230, %get3A_2231] : memref<16x64x256xf32, #tpu.memory_space<vmem>>, vector<16x1x256xf32>
    %get3A_2233 = vector.shape_cast %get3A_2232 : vector<16x1x256xf32> to vector<16x256xf32>
    %mul3A_2234 = vector.broadcast %slice3A_2228 : vector<1x256xf32> to vector<16x256xf32>
    %mul3A_2235 = arith.mulf %mul3A_2234, %get3A_2233 : vector<16x256xf32>
    %add3A_2236 = arith.addf %add3A_2227, %mul3A_2235 : vector<16x256xf32>
    %slice3A_2237 = vector.extract_strided_slice %div3A_1667 {offsets = [63, 0], sizes = [1, 256], strides = [1, 1]} : vector<64x256xf32> to vector<1x256xf32>
    %get3A_2238 = arith.constant 0 : index
    %get3A_2239 = arith.constant 63 : index
    %get3A_2240 = arith.constant 0 : index
    %get3A_2241 = vector.load %arg1[%get3A_2238, %get3A_2239, %get3A_2240] : memref<16x64x256xf32, #tpu.memory_space<vmem>>, vector<16x1x256xf32>
    %get3A_2242 = vector.shape_cast %get3A_2241 : vector<16x1x256xf32> to vector<16x256xf32>
    %mul3A_2243 = vector.broadcast %slice3A_2237 : vector<1x256xf32> to vector<16x256xf32>
    %mul3A_2244 = arith.mulf %mul3A_2243, %get3A_2242 : vector<16x256xf32>
    %add3A_2245 = arith.addf %add3A_2236, %mul3A_2244 : vector<16x256xf32>
    %transpose3A = tpu.transpose %add3A_2245, [1, 0] : vector<16x256xf32> -> vector<256x16xf32>
    %swap3A_2246 = arith.constant 0 : index
    %swap3A_2247 = arith.constant 0 : index
    %swap3A_2248 = vector.load %arg8[%swap3A_2246, %swap3A_2247] : memref<256x16xf32, #tpu.memory_space<vmem>>, vector<256x16xf32>
    tpu.vector_store %arg8[%swap3A_2246, %swap3A_2247], %transpose3A {strides = array<i32>} : memref<256x16xf32, #tpu.memory_space<vmem>>, vector<256x16xf32>,
    return
  }
  func.func @transform_0(%arg0: i32) -> (i32, i32, i32) {
    %c0_i32 = arith.constant 0 : i32
    %c0_i32_0 = arith.constant 0 : i32
    %c0_i32_1 = arith.constant 0 : i32
    return %c0_i32, %c0_i32_0, %arg0 : i32, i32, i32
  }
  func.func @transform_1(%arg0: i32) -> (i32, i32) {
    %c0_i32 = arith.constant 0 : i32
    %c0_i32_0 = arith.constant 0 : i32
    return %c0_i32, %arg0 : i32, i32
  }
  func.func @transform_2(%arg0: i32) -> (i32, i32) {
    %c0_i32 = arith.constant 0 : i32
    %c0_i32_0 = arith.constant 0 : i32
    %c0_i32_1 = arith.constant 0 : i32
    return %c0_i32, %c0_i32_0 : i32, i32
  }
  func.func @transform_3(%arg0: i32) -> (i32, i32) {
    %c0_i32 = arith.constant 0 : i32
    %c0_i32_0 = arith.constant 0 : i32
    %c0_i32_1 = arith.constant 0 : i32
    return %c0_i32, %c0_i32_0 : i32, i32
  }
  func.func @transform_4(%arg0: i32) -> (i32, i32) {
    %c0_i32 = arith.constant 0 : i32
    %c0_i32_0 = arith.constant 0 : i32
    %c0_i32_1 = arith.constant 0 : i32
    return %c0_i32, %c0_i32_0 : i32, i32
  }
  func.func @transform_5(%arg0: i32) -> (i32, i32) {
    %c0_i32 = arith.constant 0 : i32
    %c0_i32_0 = arith.constant 0 : i32
    %c0_i32_1 = arith.constant 0 : i32
    return %c0_i32, %c0_i32_0 : i32, i32
  }
  func.func @transform_6(%arg0: i32) -> (i32, i32) {
    %c0_i32 = arith.constant 0 : i32
    %c0_i32_0 = arith.constant 0 : i32
    %c0_i32_1 = arith.constant 0 : i32
    return %c0_i32, %c0_i32_0 : i32, i32
  }
  func.func @transform_7(%arg0: i32) -> (i32, i32) {
    %c0_i32 = arith.constant 0 : i32
    %c0_i32_0 = arith.constant 0 : i32
    return %arg0, %c0_i32 : i32, i32
  }
}

</mosaic_0001>

<sc_bundles>
// kernel: kernel.5.cloned.1.call-start
scs
__scs_entry_jumppad:
0x0: {  	(pc) =	sbr.rel $0x88, $3  }
0x1: {  	(tag) =	ssettag $0x0;
	lr =	simm.s32 $0x1  }
0x2: {  	[smem:$0x3F9A] =	sst lr;
	_ =	strace $0xD0000000  }
0x3: {  	_ = 	snop  }
0x4: {  	_ = 	snop  }
0x5: {  	_ = 	snop  }
0x6: {  	_ = 	snop  }
0x7: {  	_ = 	snop  }
__scs_overlays_trampoline_lowered:
0x8: {  	[smem:$0x3FA9] =	sst s0  }
0x9: {  	[smem:$0x3FAA] =	sst s1  }
0xa: {  	[smem:$0x3FAB] =	sst s2  }
0xb: {  	[smem:$0x3FAC] =	sst s3  }
0xc: {  	[smem:$0x3FAD] =	sst s4  }
0xd: {  	[smem:$0x3FAE] =	sst s5  }
0xe: {  	[smem:$0x3FAF] =	sst s6  }
0xf: {  	[smem:$0x3FB0] =	sst s7  }
0x10: {  	[smem:$0x3FB1] =	sst s8  }
0x11: {  	[smem:$0x3FB2] =	sst s9;
	s0 =	simm.s32 @!p0 $0x0  }
0x12: {  	s1 =	sld [smem:$0x3F98];
	s0 =	simm.s32 @p0 $0x1  }
0x13: {  	[smem:$0x3FB3] =	sst s0;
	s0 =	simm.s32 @!p1 $0x0  }
0x14: {  	s2 =	sld [smem:$0x3F97];
	s0 =	simm.s32 @p1 $0x1  }
0x15: {  	[smem:$0x3FB4] =	sst s0;
	s0 =	simm.s32 @!p2 $0x0  }
0x16: {  	s3 =	sld [smem:$0x3FDB];
	s0 =	simm.s32 @p2 $0x1  }
0x17: {  	s4 =	simm.s32 $0x1BF5;
	[smem:$0x3FB6] =	sst s0  }
0x18: {  	s0 =	sld [smem:$0x3F99];
	_ =	swait.ge [sflag:s4], $0x0  }
0x19: {  	s7 =	sld [smem:$0x3F9A]  }
0x1a: {  	s8 =	sadd.s32 $0xFFFFE003, lr  }
0x1b: {  	s9 =	sadd.s32 $0xFFFFFEF7, lr;
	s5 =	simm.s32 $0xFFFFFFFF;
	p2 =	slt.u32 s8, $0xFFFFF086  }
0x1c: {  	p1 =	slt.u32 s9, $0xF7A;
	s5 =	simm.s32 @!p2 $0x0  }
0x1d: {  	s5 =	simm.s32 @p1 $0x1;
	p0 =	seq.s32 s7, s2  }
0x1e: {  	s7 =	smul.u32 @!p0 $0xF7A, s2;
	p2 =	seq.s32 @!p0 s5, $0x0  }
0x1f: {  	s9 =	smul.u32 $0xF7A, s1;
	s8 =	simm.s32 @!p0 $0x1BF5;
	p2 =	por !p2, p0  }
0x20: {  	[sflag:s8] =	ssyncset.s32 @!p0 $0xFFFFF086;
	s6 =	sadd.s32 @!p0 s3, s7;
	s7 =	simm.s32 @!p0 $0x108  }
0x21: {  	s3 =	sadd.s32 s3, s9;
	s6 =	sadd.s32 @!p0 $0x88, s6;
	s7 =	simm.s32 @p2 $0x1082  }
0x22: {  	[simem:s7], [sflag:s8] =	dma.local @!p0 [hbm:s6], $0xF7A  }
0x23: {  	s9 =	sor.u32 $0xD0000000, s2;
	s6 =	simm.s32 $0x108;
	_ =	swait.ge @!p0 [sflag:s8], $0x0  }
0x24: {  	s3 =	sadd.s32 $0x88, s3;
	s6 =	simm.s32 @!p1 $0x1082;
	[sflag:s4] =	ssyncset.s32 $0xFFFFF086  }
0x25: {  	[simem:s6], [sflag:s4] =	dma.local [hbm:s3], $0xF7A  }
0x26: {  	[smem:$0x3F9A] =	sst s1;
	(tag) =	ssettag s2;
	_ =	strace s9  }
0x27: {  	s1 =	sld [smem:$0x3FAA]  }
0x28: {  	s2 =	sld [smem:$0x3FAB]  }
0x29: {  	s4 =	sld [smem:$0x3FAD]  }
0x2a: {  	p0 =	seq.s32 s5, $0x0;
	s5 =	sld [smem:$0x3FAE]  }
0x2b: {  	s6 =	sld [smem:$0x3FAF]  }
0x2c: {  	s7 =	sld [smem:$0x3FB0]  }
0x2d: {  	s3 =	simm.s32 $0x108;
	s8 =	sld [smem:$0x3FB1]  }
0x2e: {  	s3 =	simm.s32 @!p0 $0x1082;
	s9 =	sld [smem:$0x3FB2]  }
0x2f: {  	lr =	sadd.s32 s0, s3;
	s0 =	sld [smem:$0x3FA9]  }
0x30: {  	s3 =	sld [smem:$0x3FAC]  }
0x31: {  	[smem:$0x3FB5] =	sst s10  }
0x32: {  	s10 =	sld [smem:$0x3FB3];
	_ =	sdelay $0x3  }
0x33: {  	p0 =	seq.s32 s10, $0x1;
	s10 =	sld [smem:$0x3FB5];
	_ =	sdelay $0x3  }
0x34: {  	[smem:$0x3FB5] =	sst s10  }
0x35: {  	s10 =	sld [smem:$0x3FB4];
	_ =	sdelay $0x3  }
0x36: {  	p1 =	seq.s32 s10, $0x1;
	s10 =	sld [smem:$0x3FB5];
	_ =	sdelay $0x3  }
0x37: {  	[smem:$0x3FB5] =	sst s10  }
0x38: {  	s10 =	sld [smem:$0x3FB6]  }
0x39: {  	_ = 	snop;
	(pc) =	sbr.ind lr, $3  }
0x3a: {  	_ = 	snop  }
0x3b: {  	_ = 	snop  }
0x3c: {  	p2 =	seq.s32 s10, $0x1;
	s10 =	sld [smem:$0x3FB5]  }
0x3d: {  	_ =	shalt  }
0x3e: {  	_ =	shalt  }
0x3f: {  	_ =	shalt  }
0x40: {  	_ =	shalt  }
0x41: {  	_ =	shalt  }
0x42: {  	_ =	shalt  }
0x43: {  	_ =	shalt  }
0x44: {  	_ =	shalt  }
0x45: {  	_ =	shalt  }
0x46: {  	_ =	shalt  }
0x47: {  	_ =	shalt  }
0x48: {  	_ =	shalt  }
0x49: {  	_ =	shalt  }
0x4a: {  	_ =	shalt  }
0x4b: {  	_ =	shalt  }
0x4c: {  	_ =	shalt  }
0x4d: {  	_ =	shalt  }
0x4e: {  	_ =	shalt  }
0x4f: {  	_ =	shalt  }
0x50: {  	_ =	shalt  }
0x51: {  	_ =	shalt  }
0x52: {  	_ =	shalt  }
0x53: {  	_ =	shalt  }
0x54: {  	_ =	shalt  }
0x55: {  	_ =	shalt  }
0x56: {  	_ =	shalt  }
0x57: {  	_ =	shalt  }
0x58: {  	_ =	shalt  }
0x59: {  	_ =	shalt  }
0x5a: {  	_ =	shalt  }
0x5b: {  	_ =	shalt  }
0x5c: {  	_ =	shalt  }
0x5d: {  	_ =	shalt  }
0x5e: {  	_ =	shalt  }
0x5f: {  	_ =	shalt  }
0x60: {  	_ =	shalt  }
0x61: {  	_ =	shalt  }
0x62: {  	_ =	shalt  }
0x63: {  	_ =	shalt  }
0x64: {  	_ =	shalt  }
0x65: {  	_ =	shalt  }
0x66: {  	_ =	shalt  }
0x67: {  	_ =	shalt  }
0x68: {  	_ =	shalt  }
0x69: {  	_ =	shalt  }
0x6a: {  	_ =	shalt  }
0x6b: {  	_ =	shalt  }
0x6c: {  	_ =	shalt  }
0x6d: {  	_ =	shalt  }
0x6e: {  	_ =	shalt  }
0x6f: {  	_ =	shalt  }
0x70: {  	_ =	shalt  }
0x71: {  	_ =	shalt  }
0x72: {  	_ =	shalt  }
0x73: {  	_ =	shalt  }
0x74: {  	_ =	shalt  }
0x75: {  	_ =	shalt  }
0x76: {  	_ =	shalt  }
0x77: {  	_ =	shalt  }
0x78: {  	_ =	shalt  }
0x79: {  	_ =	shalt  }
0x7a: {  	_ =	shalt  }
0x7b: {  	_ =	shalt  }
0x7c: {  	_ =	shalt  }
0x7d: {  	_ =	shalt  }
0x7e: {  	_ =	shalt  }
0x7f: {  	_ =	shalt  }
0x80: {  	_ =	shalt  }
0x81: {  	_ =	shalt  }
0x82: {  	_ =	shalt  }
0x83: {  	_ =	shalt  }
0x84: {  	_ =	shalt  }
0x85: {  	_ =	shalt  }
0x86: {  	_ =	shalt  }
0x87: {  	_ =	shalt  }
.Lfunc_end0:
.L_simem_size_0:
called_computation.1_lowered:
.L_overlay_start_0:
0x88: {  	s2 =	sld [smem:$0x3FD9]  }
0x89: {  	s3 =	sld [smem:$0x3FFE];
	_ =	sdelay $0x1  }
0x8a: {  	s1 =	srdreg.scid  }
0x8b: {  	s0 =	sand.u32 $0x1, s1  }
0x8c: {  	s14 =	sshll.u32 s0, $0xA;
	s2 =	sadd.s32 s3, s2  }
0x8d: {  	s2 =	sadd.s32 s2, s14  }
0x8e: {  	[smem:$0x3FC1] =	sst s2  }
0x8f: {  	_ = 	snop  }
0x90: {  	s2 =	sld [smem:$0x3FD0];
	_ =	sdelay $0x2  }
0x91: {  	s15 =	simm.s32 $0xA;
	s4 =	simm.s32 $0x10  }
0x92: {  	[smem:s4], [sflag:s15] =	dma.local [hbm:s2], $0x1  }
0x93: {  	_ =	swait.eq [sflag:s15], $0x1  }
0x94: {  	[sflag:s15] =	ssyncset.done $0x0  }
0x95: {  	[sflag:s15] =	ssyncadd.s32 $0xFFFFFFFF  }
0x96: {  	s16 =	sld [smem:$0x11];
	(tm) =	ssettm $0x1  }
0x97: {  	s17 =	sld [smem:$0x3FFB];
	_ =	sdelay $0x3  }
0x98: {  	_ =	strace s17  }
0x99: {  	s3 =	sld [smem:$0x3FFC];
	_ =	sdelay $0x3  }
0x9a: {  	_ =	strace s3  }
0x9b: {  	s3 =	sld [smem:$0x3FFD];
	_ =	sdelay $0x3  }
0x9c: {  	_ =	strace s3  }
0x9d: {  	_ =	strace $0x8FFFFFFF  }
0x9e: {  	s18 =	sld [smem:$0x3FDB];
	_ =	sdelay $0x1  }
0x9f: {  	s19 =	simm.s32 $_scs_section_size  }
0xa0: {  	s5 =	simm.s32 $_size__tile_overlayer_lowered;
	s6 =	simm.s32 $_tile_overlayer_lowered  }
0xa1: {  	s22 =	simm.s32 $0x1BFF;
	s21 =	sshll.u32 s6, $0x1;
	s3 =	sadd.s32 s19, s18  }
0xa2: {  	s7 =	simm.s32 $0x0;
	s20 =	sshll.u32 s5, $0x1;
	s5 =	sadd.s32 s21, s3  }
0xa3: {  	[timem:s7], [sflag:s22] =	dma.local [hbm:s5], s20  }
0xa4: {  	_ =	swait.ge [sflag:s22], s20  }
0xa5: {  	s4 =	ssub.s32 $0x0, s20;
	[sflag:s22] =	ssyncset.done $0x0  }
0xa6: {  	[sflag:s22] =	ssyncadd.s32 s4;
	_ =	sdelay $0x1  }
0xa7: {  	s23 =	simm.s32 $0x1B8B  }
0xa8: {  	_ =	swait.ge [sflag:s23], $0x1  }
0xa9: {  	[sflag:s23] =	ssyncset.done $0x0  }
0xaa: {  	s25 =	simm.s32 $0x1B8E;
	s24 =	sld [smem:$0x3FFE];
	[sflag:s23] =	ssyncadd.s32 $0xFFFFFFFF  }
0xab: {  	s26 =	simm.s32 $execute0_lowered;
	[smem:$0x3FD2] =	sst s25  }
0xac: {  	s5 =	sshll.u32 s26, $0x1;
	_ =	strace $0x80000046;
	[dreg:$0x1] =	wrdreg $0xFFFFFFFF  }
0xad: {  	s28 =	simm.s32 $_size_execute0_lowered;
	s3 =	sadd.s32 s3, s5;
	[dreg:$0x0] =	wrdreg $0x0  }
0xae: {  	s5 =	sshll.u32 s28, $0x1;
	[dreg:$0x2] =	wrdreg s3  }
0xaf: {  	[dreg:$0x3] =	wrdreg s5  }
0xb0: {  	[dreg:$0x4] =	wrdreg $0xC0  }
0xb1: {  	_ =	task [dreg:s7], $0x5FFFF  }
0xb2: {  	[dreg:$0x1] =	wrdreg $0xFFFFFFFF  }
0xb3: {  	[dreg:$0x0] =	wrdreg $0x60  }
0xb4: {  	[dreg:$0x2] =	wrdreg s24  }
0xb5: {  	[dreg:$0x3] =	wrdreg s16  }
0xb6: {  	[dreg:$0x4] =	wrdreg $0x9  }
0xb7: {  	_ =	task.clear_ibuf [dreg:s7], $0x5FFFF;
	_ =	strace $0x90000046  }
0xb8: {  	s29 =	simm.s32 $0x9;
	_ =	strace $0x80000048  }
0xb9: {  	_ =	swait.ge [sflag:s29], $0x1  }
0xba: {  	[sflag:s29] =	ssyncadd.s32 $0xFFFFFFFF  }
0xbb: {  	_ =	strace $0x90000048  }
0xbc: {  	_ =	sfence  }
0xbd: {  	s30 =	sld [smem:$0x0];
	_ =	sdelay $0x2  }
0xbe: {  	s31 =	sshll.u32 s1, $0xD;
	s1 =	sshrl.u32 s1, $0x2  }
0xbf: {  	s3 =	sand.u32 $0x4000, s31;
	s1 =	sadd.s32 s1, s30  }
0xc0: {  	s0 =	sor.u32 s3, s0;
	s1 =	sshll.u32 s1, $0x11  }
0xc1: {  	s0 =	sor.u32 s1, s0  }
0xc2: {  	s0 =	sadd.s32 $0x8F2B, s0  }
0xc3: {  	[sflag:s0] =	ssyncadd.remote.s32 $0x1  }
0xc4: {  	_ =	sfence.sel $0xFFFF  }
0xc5: {  	[dreg:$0x0] =	wrdreg $0xFFFFFFFF;
	(pc) =	sbr.abs _section_cstart, $3  }
0xc6: {  	[dreg:$0x1] =	wrdreg $0xFFFFFFFF  }
0xc7: {  	_ =	task.clear_ibuf [dreg:s7], $0x2FFFF;
	_ =	strace $0x9FFFFFFF  }
0xc8: {  	(tm) =	ssettm $0x7FFFFFFF  }
0xc9: {  	_ =	shalt  }
tec
execute0_lowered:
.L_overlay_start_1:
0x0: {  	(tag) =	ssettag $0x1  }
0x1: {  	v0 =	vlaneseq.u32  }
0x2: {  	v4 =	vor.u32 $0x80, v0;
	v6 =	vor.u32 $0x100, v0  }
0x3: {  	v7 =	vor.u32 $0x180, v0;
	v8 =	vor.u32 $0x200, v0;
	v9 =	vor.u32 $0x280, v0  }
0x4: {  	v10 =	vor.u32 $0x300, v0;
	v11 =	vor.u32 $0x380, v0;
	v12 =	vor.u32 $0x800, v0  }
0x5: {  	v13 =	vor.u32 $0x880, v0;
	v14 =	vor.u32 $0x900, v0;
	v15 =	vor.u32 $0x980, v0  }
0x6: {  	v16 =	vor.u32 $0xA00, v0;
	v17 =	vor.u32 $0xA80, v0;
	v18 =	vor.u32 $0xB00, v0  }
0x7: {  	v19 =	vor.u32 $0xB80, v0;
	v20 =	vor.u32 $0x10, v0;
	v21 =	vor.u32 $0x90, v0  }
0x8: {  	v22 =	vor.u32 $0x110, v0;
	v23 =	vor.u32 $0x190, v0;
	v24 =	vor.u32 $0x210, v0  }
0x9: {  	v25 =	vor.u32 $0x290, v0;
	v26 =	vor.u32 $0x310, v0;
	v27 =	vor.u32 $0x390, v0  }
0xa: {  	v28 =	vor.u32 $0x810, v0;
	v29 =	vor.u32 $0x890, v0;
	v30 =	vor.u32 $0x910, v0  }
0xb: {  	v31 =	vor.u32 $0x990, v0;
	v32 =	vor.u32 $0xA10, v0;
	v33 =	vor.u32 $0xA90, v0  }
0xc: {  	s5 =	rddreg [dreg:$0x0];
	v34 =	vor.u32 $0xB10, v0;
	v35 =	vor.u32 $0xB90, v0;
	v36 =	vor.u32 $0x20, v0  }
0xd: {  	s1 =	rddreg [dreg:$0x1];
	v37 =	vor.u32 $0xA0, v0;
	v38 =	vor.u32 $0x120, v0;
	v39 =	vor.u32 $0x1A0, v0  }
0xe: {  	s0 =	rddreg [dreg:$0x2];
	s2 =	simm.s32 $0x0;
	v40 =	vor.u32 $0x220, v0;
	v41 =	vor.u32 $0x2A0, v0;
	v42 =	vor.u32 $0x320, v0  }
0xf: {  	s3 =	srdreg.scid;
	s11 =	simm.s32 $0x800;
	s12 =	simm.s32 $0x600000;
	v43 =	vor.u32 $0x3A0, v0;
	v44 =	vor.u32 $0x820, v0;
	v45 =	vor.u32 $0x8A0, v0  }
0x10: {  	s13 =	simm.s32 $0x0;
	[smem:$0x7FF] =	sst s2;
	s6 =	sand.u32 $0x1, s3;
	v46 =	vor.u32 $0x920, v0;
	v47 =	vor.u32 $0x9A0, v0;
	v48 =	vor.u32 $0xA20, v0  }
0x11: {  	s3 =	stileid.u32;
	v49 =	vor.u32 $0xAA0, v0;
	v50 =	vor.u32 $0xB20, v0;
	v51 =	vor.u32 $0xBA0, v0;
	s4 =	sadd.s32 $0x2000, s5;
	s7 =	smul.u32 $0x60000, s6  }
0x12: {  	v52 =	vor.u32 $0x30, v0;
	v53 =	vor.u32 $0xB0, v0;
	v1 =	vor.u32 $0xA30, v0;
	s8 =	ssub.s32 $0x2, s6;
	_ =	strace $0x80000047;
	s10 =	smul.u32 $0x6000, s3  }
0x13: {  	v54 =	vor.u32 $0x130, v0;
	v55 =	vor.u32 $0x1B0, v0;
	v56 =	vor.u32 $0x230, v0;
	s6 =	sshll.u32 s6, $0x5;
	s30 =	sshll.u32 s3, $0x1;
	[tilespmem:$0x1FFC0] =	vst v1;
	s9 =	sshrl.u32 s8, $0x1  }
0x14: {  	v57 =	vor.u32 $0x2B0, v0;
	v58 =	vor.u32 $0x330, v0;
	v1 =	vor.u32 $0xAB0, v0;
	[tilespmem:$0x1FFF0] =	vst v4;
	s5 =	sadd.s32 s7, s5;
	s29 =	ssub.s32 s8, s9;
	s8 =	simm.s32 $0x1  }
0x15: {  	v59 =	vor.u32 $0x3B0, v0;
	v60 =	vor.u32 $0x830, v0;
	[tilespmem:$0x1FFD0] =	vst v1;
	v1 =	vor.u32 $0xB30, v0;
	s9 =	simm.s32 $0x10000;
	s31 =	sadd.s32 s10, s5;
	s5 =	sor.u32 s30, s6  }
0x16: {  	v61 =	vor.u32 $0x8B0, v0;
	v62 =	vor.u32 $0x930, v0;
	v5 =	vor.u32 $0x9B0, v0;
	[tilespmem:$0x1FFE0] =	vst v1;
	s6 =	smax.u32 s29, $0x1;
	s10 =	simm.s32 $0x10C00;
	s7 =	sadd.s32 $0x52000, s31  }
.LBB2_1:
0x17: {  	s14 =	smov.u32 s7;
	s15 =	simm.s32 $0x0  }
.LBB2_2:
0x18: {  	s16 =	sshll.u32 s15, $0xD  }
0x19: {  	s17 =	sadd.s32 s4, s16;
	s16 =	simm.s32 $0x0  }
0x1a: {  	[tilespmem:s16], [sflag:$0x1] =	stream.linear.gather [hbm4b:s17+s16], $0x10000, $0x38;
	[tilespmem:$0x11C00] =	vst v63  }
0x1b: {  	_ =	swait.ge [sflag:s8], $0x10000  }
0x1c: {  	s18 =	sshll.u32 s15, $0xC;
	p1 =	por $0x1, $0x1;
	[sflag:s8] =	ssyncset.done $0x0  }
0x1d: {  	v63 =	vmov s18;
	s18 =	simm.s32 $0x0;
	s17 =	smul.u32 $0xC00, s15;
	[sflag:s8] =	ssyncadd.s32 $0xFFFF0000  }
.LBB2_3:
0x1e: {  	s19 =	sor.u32 s5, s18  }
0x1f: {  	s19 =	smul.u32 $0x3000, s19;
	_ =	sdelay $0x1  }
0x20: {  	s19 =	sadd.s32 s17, s19  }
0x21: {  	s19 =	sshrl.u32 s19, $0x3  }
0x22: {  	s19 =	sadd.s32 s1, s19  }
0x23: {  	[tilespmem:s9], [sflag:$0x1] =	stream.linear.gather [hbm4b:s19+s16], $0xC00, $0x38;
	[tilespmem:$0x11C00] =	vst v63  }
0x24: {  	s31 =	smul.u32 $0x3000, s18;
	_ =	swait.ge [sflag:s8], $0xC00  }
0x25: {  	p0 =	por p1, p1;
	s20 =	simm.s32 $0x0;
	[sflag:s8] =	ssyncset.done $0x0  }
0x26: {  	s18 =	sadd.s32 s31, s14;
	s19 =	simm.s32 $0x10080;
	[sflag:s8] =	ssyncadd.s32 $0xFFFFF400  }
.LBB2_4:
0x27: {  	v1 =	vld [tilespmem:s19+$0xFFFFFF80];
	_ =	sdelay $0x4  }
0x28: {  	v2 =	vsub.s32 v1, v63  }
0x29: {  	v1 =	vshll.u32 v1, $0x4;
	v2 =	vshll.u32 v2, $0x4  }
0x2a: {  	v1 =	vand.u32 $0x70, v1;
	v2 =	vand.u32 $0xFFFFFF80, v2  }
0x2b: {  	v1 =	vor.u32 v1, v2;
	_ =	sdelay $0x4  }
0x2c: {  	v2 =	vld.idx.msk [tilespmem:v1+s2+$0x0], $0xffff  }
0x2d: {  	v3 =	vor.u32 $0x1, v1;
	_ =	sdelay $0x3  }
0x2e: {  	[tilespmem:v0+s10+$0x0] =	vst.idx.msk $0xffff, v2  }
0x2f: {  	v2 =	vld.idx.msk [tilespmem:v3+s2+$0x0], $0xffff  }
0x30: {  	v3 =	vor.u32 $0x2, v1;
	_ =	sdelay $0x3  }
0x31: {  	[tilespmem:v4+s10+$0x0] =	vst.idx.msk $0xffff, v2  }
0x32: {  	v2 =	vld.idx.msk [tilespmem:v3+s2+$0x0], $0xffff  }
0x33: {  	v3 =	vor.u32 $0x3, v1;
	_ =	sdelay $0x3  }
0x34: {  	[tilespmem:v6+s10+$0x0] =	vst.idx.msk $0xffff, v2  }
0x35: {  	v2 =	vld.idx.msk [tilespmem:v3+s2+$0x0], $0xffff  }
0x36: {  	v3 =	vor.u32 $0x4, v1;
	_ =	sdelay $0x3  }
0x37: {  	[tilespmem:v7+s10+$0x0] =	vst.idx.msk $0xffff, v2  }
0x38: {  	v2 =	vld.idx.msk [tilespmem:v3+s2+$0x0], $0xffff  }
0x39: {  	v3 =	vor.u32 $0x5, v1;
	_ =	sdelay $0x3  }
0x3a: {  	[tilespmem:v8+s10+$0x0] =	vst.idx.msk $0xffff, v2  }
0x3b: {  	v2 =	vld.idx.msk [tilespmem:v3+s2+$0x0], $0xffff  }
0x3c: {  	v3 =	vor.u32 $0x6, v1;
	_ =	sdelay $0x3  }
0x3d: {  	[tilespmem:v9+s10+$0x0] =	vst.idx.msk $0xffff, v2  }
0x3e: {  	v2 =	vld.idx.msk [tilespmem:v3+s2+$0x0], $0xffff  }
0x3f: {  	v3 =	vor.u32 $0x7, v1;
	_ =	sdelay $0x3  }
0x40: {  	[tilespmem:v10+s10+$0x0] =	vst.idx.msk $0xffff, v2  }
0x41: {  	v2 =	vld.idx.msk [tilespmem:v3+s2+$0x0], $0xffff  }
0x42: {  	v3 =	vor.u32 $0x8, v1;
	_ =	sdelay $0x3  }
0x43: {  	[tilespmem:v11+s10+$0x0] =	vst.idx.msk $0xffff, v2  }
0x44: {  	v2 =	vld.idx.msk [tilespmem:v3+s2+$0x0], $0xffff  }
0x45: {  	v3 =	vor.u32 $0x9, v1;
	_ =	sdelay $0x3  }
0x46: {  	[tilespmem:v12+s10+$0x0] =	vst.idx.msk $0xffff, v2  }
0x47: {  	v2 =	vld.idx.msk [tilespmem:v3+s2+$0x0], $0xffff  }
0x48: {  	v3 =	vor.u32 $0xA, v1;
	_ =	sdelay $0x3  }
0x49: {  	[tilespmem:v13+s10+$0x0] =	vst.idx.msk $0xffff, v2  }
0x4a: {  	v2 =	vld.idx.msk [tilespmem:v3+s2+$0x0], $0xffff  }
0x4b: {  	v3 =	vor.u32 $0xB, v1;
	_ =	sdelay $0x3  }
0x4c: {  	[tilespmem:v14+s10+$0x0] =	vst.idx.msk $0xffff, v2  }
0x4d: {  	v2 =	vld.idx.msk [tilespmem:v3+s2+$0x0], $0xffff  }
0x4e: {  	v3 =	vor.u32 $0xC, v1;
	_ =	sdelay $0x3  }
0x4f: {  	[tilespmem:v15+s10+$0x0] =	vst.idx.msk $0xffff, v2  }
0x50: {  	v2 =	vld.idx.msk [tilespmem:v3+s2+$0x0], $0xffff  }
0x51: {  	v3 =	vor.u32 $0xD, v1;
	_ =	sdelay $0x3  }
0x52: {  	[tilespmem:v16+s10+$0x0] =	vst.idx.msk $0xffff, v2  }
0x53: {  	v2 =	vld.idx.msk [tilespmem:v3+s2+$0x0], $0xffff  }
0x54: {  	v3 =	vor.u32 $0xE, v1;
	_ =	sdelay $0x3  }
0x55: {  	[tilespmem:v17+s10+$0x0] =	vst.idx.msk $0xffff, v2  }
0x56: {  	v2 =	vld.idx.msk [tilespmem:v3+s2+$0x0], $0xffff  }
0x57: {  	v1 =	vor.u32 $0xF, v1;
	_ =	sdelay $0x3  }
0x58: {  	[tilespmem:v18+s10+$0x0] =	vst.idx.msk $0xffff, v2  }
0x59: {  	v1 =	vld.idx.msk [tilespmem:v1+s2+$0x0], $0xffff;
	_ =	sdelay $0x4  }
0x5a: {  	[tilespmem:v19+s10+$0x0] =	vst.idx.msk $0xffff, v1  }
0x5b: {  	v1 =	vld [tilespmem:s19+$0xFFFFFF90];
	_ =	sdelay $0x4  }
0x5c: {  	v2 =	vsub.s32 v1, v63  }
0x5d: {  	v1 =	vshll.u32 v1, $0x4;
	v2 =	vshll.u32 v2, $0x4  }
0x5e: {  	v1 =	vand.u32 $0x70, v1;
	v2 =	vand.u32 $0xFFFFFF80, v2  }
0x5f: {  	v1 =	vor.u32 v1, v2;
	_ =	sdelay $0x4  }
0x60: {  	v2 =	vld.idx.msk [tilespmem:v1+s2+$0x0], $0xffff  }
0x61: {  	v3 =	vor.u32 $0x1, v1;
	_ =	sdelay $0x3  }
0x62: {  	[tilespmem:v20+s10+$0x0] =	vst.idx.msk $0xffff, v2  }
0x63: {  	v2 =	vld.idx.msk [tilespmem:v3+s2+$0x0], $0xffff  }
0x64: {  	v3 =	vor.u32 $0x2, v1;
	_ =	sdelay $0x3  }
0x65: {  	[tilespmem:v21+s10+$0x0] =	vst.idx.msk $0xffff, v2  }
0x66: {  	v2 =	vld.idx.msk [tilespmem:v3+s2+$0x0], $0xffff  }
0x67: {  	v3 =	vor.u32 $0x3, v1;
	_ =	sdelay $0x3  }
0x68: {  	[tilespmem:v22+s10+$0x0] =	vst.idx.msk $0xffff, v2  }
0x69: {  	v2 =	vld.idx.msk [tilespmem:v3+s2+$0x0], $0xffff  }
0x6a: {  	v3 =	vor.u32 $0x4, v1;
	_ =	sdelay $0x3  }
0x6b: {  	[tilespmem:v23+s10+$0x0] =	vst.idx.msk $0xffff, v2  }
0x6c: {  	v2 =	vld.idx.msk [tilespmem:v3+s2+$0x0], $0xffff  }
0x6d: {  	v3 =	vor.u32 $0x5, v1;
	_ =	sdelay $0x3  }
0x6e: {  	[tilespmem:v24+s10+$0x0] =	vst.idx.msk $0xffff, v2  }
0x6f: {  	v2 =	vld.idx.msk [tilespmem:v3+s2+$0x0], $0xffff  }
0x70: {  	v3 =	vor.u32 $0x6, v1;
	_ =	sdelay $0x3  }
0x71: {  	[tilespmem:v25+s10+$0x0] =	vst.idx.msk $0xffff, v2  }
0x72: {  	v2 =	vld.idx.msk [tilespmem:v3+s2+$0x0], $0xffff  }
0x73: {  	v3 =	vor.u32 $0x7, v1;
	_ =	sdelay $0x3  }
0x74: {  	[tilespmem:v26+s10+$0x0] =	vst.idx.msk $0xffff, v2  }
0x75: {  	v2 =	vld.idx.msk [tilespmem:v3+s2+$0x0], $0xffff  }
0x76: {  	v3 =	vor.u32 $0x8, v1;
	_ =	sdelay $0x3  }
0x77: {  	[tilespmem:v27+s10+$0x0] =	vst.idx.msk $0xffff, v2  }
0x78: {  	v2 =	vld.idx.msk [tilespmem:v3+s2+$0x0], $0xffff  }
0x79: {  	v3 =	vor.u32 $0x9, v1;
	_ =	sdelay $0x3  }
0x7a: {  	[tilespmem:v28+s10+$0x0] =	vst.idx.msk $0xffff, v2  }
0x7b: {  	v2 =	vld.idx.msk [tilespmem:v3+s2+$0x0], $0xffff  }
0x7c: {  	v3 =	vor.u32 $0xA, v1;
	_ =	sdelay $0x3  }
0x7d: {  	[tilespmem:v29+s10+$0x0] =	vst.idx.msk $0xffff, v2  }
0x7e: {  	v2 =	vld.idx.msk [tilespmem:v3+s2+$0x0], $0xffff  }
0x7f: {  	v3 =	vor.u32 $0xB, v1;
	_ =	sdelay $0x3  }
0x80: {  	[tilespmem:v30+s10+$0x0] =	vst.idx.msk $0xffff, v2  }
0x81: {  	v2 =	vld.idx.msk [tilespmem:v3+s2+$0x0], $0xffff  }
0x82: {  	v3 =	vor.u32 $0xC, v1;
	_ =	sdelay $0x3  }
0x83: {  	[tilespmem:v31+s10+$0x0] =	vst.idx.msk $0xffff, v2  }
0x84: {  	v2 =	vld.idx.msk [tilespmem:v3+s2+$0x0], $0xffff  }
0x85: {  	v3 =	vor.u32 $0xD, v1;
	_ =	sdelay $0x3  }
0x86: {  	[tilespmem:v32+s10+$0x0] =	vst.idx.msk $0xffff, v2  }
0x87: {  	v2 =	vld.idx.msk [tilespmem:v3+s2+$0x0], $0xffff  }
0x88: {  	v3 =	vor.u32 $0xE, v1;
	_ =	sdelay $0x3  }
0x89: {  	[tilespmem:v33+s10+$0x0] =	vst.idx.msk $0xffff, v2  }
0x8a: {  	v2 =	vld.idx.msk [tilespmem:v3+s2+$0x0], $0xffff  }
0x8b: {  	v1 =	vor.u32 $0xF, v1;
	_ =	sdelay $0x3  }
0x8c: {  	[tilespmem:v34+s10+$0x0] =	vst.idx.msk $0xffff, v2  }
0x8d: {  	v1 =	vld.idx.msk [tilespmem:v1+s2+$0x0], $0xffff;
	_ =	sdelay $0x4  }
0x8e: {  	[tilespmem:v35+s10+$0x0] =	vst.idx.msk $0xffff, v1  }
0x8f: {  	v1 =	vld [tilespmem:s19+$0xFFFFFFA0];
	_ =	sdelay $0x4  }
0x90: {  	v2 =	vsub.s32 v1, v63  }
0x91: {  	v1 =	vshll.u32 v1, $0x4;
	v2 =	vshll.u32 v2, $0x4  }
0x92: {  	v1 =	vand.u32 $0x70, v1;
	v2 =	vand.u32 $0xFFFFFF80, v2  }
0x93: {  	v1 =	vor.u32 v1, v2;
	_ =	sdelay $0x4  }
0x94: {  	v2 =	vld.idx.msk [tilespmem:v1+s2+$0x0], $0xffff  }
0x95: {  	v3 =	vor.u32 $0x1, v1;
	_ =	sdelay $0x3  }
0x96: {  	[tilespmem:v36+s10+$0x0] =	vst.idx.msk $0xffff, v2  }
0x97: {  	v2 =	vld.idx.msk [tilespmem:v3+s2+$0x0], $0xffff  }
0x98: {  	v3 =	vor.u32 $0x2, v1;
	_ =	sdelay $0x3  }
0x99: {  	[tilespmem:v37+s10+$0x0] =	vst.idx.msk $0xffff, v2  }
0x9a: {  	v2 =	vld.idx.msk [tilespmem:v3+s2+$0x0], $0xffff  }
0x9b: {  	v3 =	vor.u32 $0x3, v1;
	_ =	sdelay $0x3  }
0x9c: {  	[tilespmem:v38+s10+$0x0] =	vst.idx.msk $0xffff, v2  }
0x9d: {  	v2 =	vld.idx.msk [tilespmem:v3+s2+$0x0], $0xffff  }
0x9e: {  	v3 =	vor.u32 $0x4, v1;
	_ =	sdelay $0x3  }
0x9f: {  	[tilespmem:v39+s10+$0x0] =	vst.idx.msk $0xffff, v2  }
0xa0: {  	v2 =	vld.idx.msk [tilespmem:v3+s2+$0x0], $0xffff  }
0xa1: {  	v3 =	vor.u32 $0x5, v1;
	_ =	sdelay $0x3  }
0xa2: {  	[tilespmem:v40+s10+$0x0] =	vst.idx.msk $0xffff, v2  }
0xa3: {  	v2 =	vld.idx.msk [tilespmem:v3+s2+$0x0], $0xffff  }
0xa4: {  	v3 =	vor.u32 $0x6, v1;
	_ =	sdelay $0x3  }
0xa5: {  	[tilespmem:v41+s10+$0x0] =	vst.idx.msk $0xffff, v2  }
0xa6: {  	v2 =	vld.idx.msk [tilespmem:v3+s2+$0x0], $0xffff  }
0xa7: {  	v3 =	vor.u32 $0x7, v1;
	_ =	sdelay $0x3  }
0xa8: {  	[tilespmem:v42+s10+$0x0] =	vst.idx.msk $0xffff, v2  }
0xa9: {  	v2 =	vld.idx.msk [tilespmem:v3+s2+$0x0], $0xffff  }
0xaa: {  	v3 =	vor.u32 $0x8, v1;
	_ =	sdelay $0x3  }
0xab: {  	[tilespmem:v43+s10+$0x0] =	vst.idx.msk $0xffff, v2  }
0xac: {  	v2 =	vld.idx.msk [tilespmem:v3+s2+$0x0], $0xffff  }
0xad: {  	v3 =	vor.u32 $0x9, v1;
	_ =	sdelay $0x3  }
0xae: {  	[tilespmem:v44+s10+$0x0] =	vst.idx.msk $0xffff, v2  }
0xaf: {  	v2 =	vld.idx.msk [tilespmem:v3+s2+$0x0], $0xffff  }
0xb0: {  	v3 =	vor.u32 $0xA, v1;
	_ =	sdelay $0x3  }
0xb1: {  	[tilespmem:v45+s10+$0x0] =	vst.idx.msk $0xffff, v2  }
0xb2: {  	v2 =	vld.idx.msk [tilespmem:v3+s2+$0x0], $0xffff  }
0xb3: {  	v3 =	vor.u32 $0xB, v1;
	_ =	sdelay $0x3  }
0xb4: {  	[tilespmem:v46+s10+$0x0] =	vst.idx.msk $0xffff, v2  }
0xb5: {  	v2 =	vld.idx.msk [tilespmem:v3+s2+$0x0], $0xffff  }
0xb6: {  	v3 =	vor.u32 $0xC, v1;
	_ =	sdelay $0x3  }
0xb7: {  	[tilespmem:v47+s10+$0x0] =	vst.idx.msk $0xffff, v2  }
0xb8: {  	v2 =	vld.idx.msk [tilespmem:v3+s2+$0x0], $0xffff  }
0xb9: {  	v3 =	vor.u32 $0xD, v1;
	_ =	sdelay $0x3  }
0xba: {  	[tilespmem:v48+s10+$0x0] =	vst.idx.msk $0xffff, v2  }
0xbb: {  	v2 =	vld.idx.msk [tilespmem:v3+s2+$0x0], $0xffff  }
0xbc: {  	v3 =	vor.u32 $0xE, v1;
	_ =	sdelay $0x3  }
0xbd: {  	[tilespmem:v49+s10+$0x0] =	vst.idx.msk $0xffff, v2  }
0xbe: {  	v2 =	vld.idx.msk [tilespmem:v3+s2+$0x0], $0xffff  }
0xbf: {  	v1 =	vor.u32 $0xF, v1;
	_ =	sdelay $0x3  }
0xc0: {  	[tilespmem:v50+s10+$0x0] =	vst.idx.msk $0xffff, v2  }
0xc1: {  	v1 =	vld.idx.msk [tilespmem:v1+s2+$0x0], $0xffff;
	_ =	sdelay $0x4  }
0xc2: {  	[tilespmem:v51+s10+$0x0] =	vst.idx.msk $0xffff, v1  }
0xc3: {  	v1 =	vld [tilespmem:s19+$0xFFFFFFB0];
	_ =	sdelay $0x4  }
0xc4: {  	v2 =	vsub.s32 v1, v63  }
0xc5: {  	v1 =	vshll.u32 v1, $0x4;
	v2 =	vshll.u32 v2, $0x4  }
0xc6: {  	v1 =	vand.u32 $0x70, v1;
	v2 =	vand.u32 $0xFFFFFF80, v2  }
0xc7: {  	v1 =	vor.u32 v1, v2;
	_ =	sdelay $0x4  }
0xc8: {  	v2 =	vld.idx.msk [tilespmem:v1+s2+$0x0], $0xffff  }
0xc9: {  	v3 =	vor.u32 $0x1, v1;
	_ =	sdelay $0x3  }
0xca: {  	[tilespmem:v52+s10+$0x0] =	vst.idx.msk $0xffff, v2  }
0xcb: {  	v2 =	vld.idx.msk [tilespmem:v3+s2+$0x0], $0xffff  }
0xcc: {  	v3 =	vor.u32 $0x2, v1;
	_ =	sdelay $0x3  }
0xcd: {  	[tilespmem:v53+s10+$0x0] =	vst.idx.msk $0xffff, v2  }
0xce: {  	v2 =	vld.idx.msk [tilespmem:v3+s2+$0x0], $0xffff  }
0xcf: {  	v3 =	vor.u32 $0x3, v1;
	_ =	sdelay $0x3  }
0xd0: {  	[tilespmem:v54+s10+$0x0] =	vst.idx.msk $0xffff, v2  }
0xd1: {  	v2 =	vld.idx.msk [tilespmem:v3+s2+$0x0], $0xffff  }
0xd2: {  	v3 =	vor.u32 $0x4, v1;
	_ =	sdelay $0x3  }
0xd3: {  	[tilespmem:v55+s10+$0x0] =	vst.idx.msk $0xffff, v2  }
0xd4: {  	v2 =	vld.idx.msk [tilespmem:v3+s2+$0x0], $0xffff  }
0xd5: {  	v3 =	vor.u32 $0x5, v1;
	_ =	sdelay $0x3  }
0xd6: {  	[tilespmem:v56+s10+$0x0] =	vst.idx.msk $0xffff, v2  }
0xd7: {  	v2 =	vld.idx.msk [tilespmem:v3+s2+$0x0], $0xffff  }
0xd8: {  	v3 =	vor.u32 $0x6, v1;
	_ =	sdelay $0x3  }
0xd9: {  	[tilespmem:v57+s10+$0x0] =	vst.idx.msk $0xffff, v2  }
0xda: {  	v2 =	vld.idx.msk [tilespmem:v3+s2+$0x0], $0xffff  }
0xdb: {  	v3 =	vor.u32 $0x7, v1;
	_ =	sdelay $0x3  }
0xdc: {  	[tilespmem:v58+s10+$0x0] =	vst.idx.msk $0xffff, v2  }
0xdd: {  	v2 =	vld.idx.msk [tilespmem:v3+s2+$0x0], $0xffff  }
0xde: {  	v3 =	vor.u32 $0x8, v1;
	_ =	sdelay $0x3  }
0xdf: {  	[tilespmem:v59+s10+$0x0] =	vst.idx.msk $0xffff, v2  }
0xe0: {  	v2 =	vld.idx.msk [tilespmem:v3+s2+$0x0], $0xffff  }
0xe1: {  	v3 =	vor.u32 $0x9, v1;
	_ =	sdelay $0x3  }
0xe2: {  	[tilespmem:v60+s10+$0x0] =	vst.idx.msk $0xffff, v2  }
0xe3: {  	v2 =	vld.idx.msk [tilespmem:v3+s2+$0x0], $0xffff  }
0xe4: {  	v3 =	vor.u32 $0xA, v1;
	_ =	sdelay $0x3  }
0xe5: {  	[tilespmem:v61+s10+$0x0] =	vst.idx.msk $0xffff, v2  }
0xe6: {  	v2 =	vld.idx.msk [tilespmem:v3+s2+$0x0], $0xffff  }
0xe7: {  	v3 =	vor.u32 $0xB, v1;
	_ =	sdelay $0x3  }
0xe8: {  	[tilespmem:v62+s10+$0x0] =	vst.idx.msk $0xffff, v2  }
0xe9: {  	v2 =	vld.idx.msk [tilespmem:v3+s2+$0x0], $0xffff  }
0xea: {  	v3 =	vor.u32 $0xC, v1;
	_ =	sdelay $0x1  }
0xeb: {  	v4 =	vld [tilespmem:$0x1FFC0];
	_ =	sdelay $0x1  }
0xec: {  	[tilespmem:v5+s10+$0x0] =	vst.idx.msk $0xffff, v2  }
0xed: {  	v2 =	vld.idx.msk [tilespmem:v3+s2+$0x0], $0xffff;
	_ =	sdelay $0x2  }
0xee: {  	v3 =	vor.u32 $0xD, v1;
	_ =	sdelay $0x1  }
0xef: {  	[tilespmem:v4+s10+$0x0] =	vst.idx.msk $0xffff, v2;
	v4 =	vld [tilespmem:$0x1FFD0];
	_ =	sdelay $0x2  }
0xf0: {  	v2 =	vld.idx.msk [tilespmem:v3+s2+$0x0], $0xffff  }
0xf1: {  	v3 =	vor.u32 $0xE, v1;
	_ =	sdelay $0x3  }
0xf2: {  	[tilespmem:v4+s10+$0x0] =	vst.idx.msk $0xffff, v2  }
0xf3: {  	v2 =	vld.idx.msk [tilespmem:v3+s2+$0x0], $0xffff  }
0xf4: {  	v3 =	vld [tilespmem:$0x1FFE0];
	_ =	sdelay $0x3  }
0xf5: {  	v1 =	vor.u32 $0xF, v1;
	_ =	sdelay $0x3  }
0xf6: {  	[tilespmem:v3+s10+$0x0] =	vst.idx.msk $0xffff, v2  }
0xf7: {  	v2 =	vor.u32 $0xBB0, v0;
	v1 =	vld.idx.msk [tilespmem:v1+s2+$0x0], $0xffff;
	_ =	sdelay $0x4  }
0xf8: {  	[tilespmem:v2+s10+$0x0] =	vst.idx.msk $0xffff, v1  }
0xf9: {  	v1 =	vld [tilespmem:s19+$0xFFFFFFC0];
	_ =	sdelay $0x4  }
0xfa: {  	v2 =	vsub.s32 v1, v63  }
0xfb: {  	v1 =	vshll.u32 v1, $0x4;
	v2 =	vshll.u32 v2, $0x4  }
0xfc: {  	v1 =	vand.u32 $0x70, v1;
	v2 =	vand.u32 $0xFFFFFF80, v2  }
0xfd: {  	v1 =	vor.u32 v1, v2;
	_ =	sdelay $0x4  }
0xfe: {  	v3 =	vor.u32 $0x40, v0;
	v2 =	vld.idx.msk [tilespmem:v1+s2+$0x0], $0xffff  }
0xff: {  	v4 =	vor.u32 $0x1, v1;
	_ =	sdelay $0x3  }
0x100: {  	[tilespmem:v3+s10+$0x0] =	vst.idx.msk $0xffff, v2  }
0x101: {  	v3 =	vor.u32 $0xC0, v0;
	v2 =	vld.idx.msk [tilespmem:v4+s2+$0x0], $0xffff  }
0x102: {  	v4 =	vor.u32 $0x2, v1;
	_ =	sdelay $0x3  }
0x103: {  	[tilespmem:v3+s10+$0x0] =	vst.idx.msk $0xffff, v2  }
0x104: {  	v3 =	vor.u32 $0x140, v0;
	v2 =	vld.idx.msk [tilespmem:v4+s2+$0x0], $0xffff  }
0x105: {  	v4 =	vor.u32 $0x3, v1;
	_ =	sdelay $0x3  }
0x106: {  	[tilespmem:v3+s10+$0x0] =	vst.idx.msk $0xffff, v2  }
0x107: {  	v3 =	vor.u32 $0x1C0, v0;
	v2 =	vld.idx.msk [tilespmem:v4+s2+$0x0], $0xffff  }
0x108: {  	v4 =	vor.u32 $0x4, v1;
	_ =	sdelay $0x3  }
0x109: {  	[tilespmem:v3+s10+$0x0] =	vst.idx.msk $0xffff, v2  }
0x10a: {  	v3 =	vor.u32 $0x240, v0;
	v2 =	vld.idx.msk [tilespmem:v4+s2+$0x0], $0xffff  }
0x10b: {  	v4 =	vor.u32 $0x5, v1;
	_ =	sdelay $0x3  }
0x10c: {  	[tilespmem:v3+s10+$0x0] =	vst.idx.msk $0xffff, v2  }
0x10d: {  	v3 =	vor.u32 $0x2C0, v0;
	v2 =	vld.idx.msk [tilespmem:v4+s2+$0x0], $0xffff  }
0x10e: {  	v4 =	vor.u32 $0x6, v1;
	_ =	sdelay $0x3  }
0x10f: {  	[tilespmem:v3+s10+$0x0] =	vst.idx.msk $0xffff, v2  }
0x110: {  	v3 =	vor.u32 $0x340, v0;
	v2 =	vld.idx.msk [tilespmem:v4+s2+$0x0], $0xffff  }
0x111: {  	v4 =	vor.u32 $0x7, v1;
	_ =	sdelay $0x3  }
0x112: {  	[tilespmem:v3+s10+$0x0] =	vst.idx.msk $0xffff, v2  }
0x113: {  	v3 =	vor.u32 $0x3C0, v0;
	v2 =	vld.idx.msk [tilespmem:v4+s2+$0x0], $0xffff  }
0x114: {  	v4 =	vor.u32 $0x8, v1;
	_ =	sdelay $0x3  }
0x115: {  	[tilespmem:v3+s10+$0x0] =	vst.idx.msk $0xffff, v2  }
0x116: {  	v3 =	vor.u32 $0x840, v0;
	v2 =	vld.idx.msk [tilespmem:v4+s2+$0x0], $0xffff  }
0x117: {  	v4 =	vor.u32 $0x9, v1;
	_ =	sdelay $0x3  }
0x118: {  	[tilespmem:v3+s10+$0x0] =	vst.idx.msk $0xffff, v2  }
0x119: {  	v3 =	vor.u32 $0x8C0, v0;
	v2 =	vld.idx.msk [tilespmem:v4+s2+$0x0], $0xffff  }
0x11a: {  	v4 =	vor.u32 $0xA, v1;
	_ =	sdelay $0x3  }
0x11b: {  	[tilespmem:v3+s10+$0x0] =	vst.idx.msk $0xffff, v2  }
0x11c: {  	v3 =	vor.u32 $0x940, v0;
	v2 =	vld.idx.msk [tilespmem:v4+s2+$0x0], $0xffff  }
0x11d: {  	v4 =	vor.u32 $0xB, v1;
	_ =	sdelay $0x3  }
0x11e: {  	[tilespmem:v3+s10+$0x0] =	vst.idx.msk $0xffff, v2  }
0x11f: {  	v3 =	vor.u32 $0x9C0, v0;
	v2 =	vld.idx.msk [tilespmem:v4+s2+$0x0], $0xffff  }
0x120: {  	v4 =	vor.u32 $0xC, v1;
	_ =	sdelay $0x3  }
0x121: {  	[tilespmem:v3+s10+$0x0] =	vst.idx.msk $0xffff, v2  }
0x122: {  	v3 =	vor.u32 $0xA40, v0;
	v2 =	vld.idx.msk [tilespmem:v4+s2+$0x0], $0xffff  }
0x123: {  	v4 =	vor.u32 $0xD, v1;
	_ =	sdelay $0x3  }
0x124: {  	[tilespmem:v3+s10+$0x0] =	vst.idx.msk $0xffff, v2  }
0x125: {  	v3 =	vor.u32 $0xAC0, v0;
	v2 =	vld.idx.msk [tilespmem:v4+s2+$0x0], $0xffff  }
0x126: {  	v4 =	vor.u32 $0xE, v1;
	_ =	sdelay $0x3  }
0x127: {  	[tilespmem:v3+s10+$0x0] =	vst.idx.msk $0xffff, v2  }
0x128: {  	v3 =	vor.u32 $0xB40, v0;
	v2 =	vld.idx.msk [tilespmem:v4+s2+$0x0], $0xffff  }
0x129: {  	v1 =	vor.u32 $0xF, v1;
	_ =	sdelay $0x3  }
0x12a: {  	[tilespmem:v3+s10+$0x0] =	vst.idx.msk $0xffff, v2  }
0x12b: {  	v2 =	vor.u32 $0xBC0, v0;
	v1 =	vld.idx.msk [tilespmem:v1+s2+$0x0], $0xffff;
	_ =	sdelay $0x4  }
0x12c: {  	[tilespmem:v2+s10+$0x0] =	vst.idx.msk $0xffff, v1  }
0x12d: {  	v1 =	vld [tilespmem:s19+$0xFFFFFFD0];
	_ =	sdelay $0x4  }
0x12e: {  	v2 =	vsub.s32 v1, v63  }
0x12f: {  	v1 =	vshll.u32 v1, $0x4;
	v2 =	vshll.u32 v2, $0x4  }
0x130: {  	v1 =	vand.u32 $0x70, v1;
	v2 =	vand.u32 $0xFFFFFF80, v2  }
0x131: {  	v1 =	vor.u32 v1, v2;
	_ =	sdelay $0x4  }
0x132: {  	v3 =	vor.u32 $0x50, v0;
	v2 =	vld.idx.msk [tilespmem:v1+s2+$0x0], $0xffff  }
0x133: {  	v4 =	vor.u32 $0x1, v1;
	_ =	sdelay $0x3  }
0x134: {  	[tilespmem:v3+s10+$0x0] =	vst.idx.msk $0xffff, v2  }
0x135: {  	v3 =	vor.u32 $0xD0, v0;
	v2 =	vld.idx.msk [tilespmem:v4+s2+$0x0], $0xffff  }
0x136: {  	v4 =	vor.u32 $0x2, v1;
	_ =	sdelay $0x3  }
0x137: {  	[tilespmem:v3+s10+$0x0] =	vst.idx.msk $0xffff, v2  }
0x138: {  	v3 =	vor.u32 $0x150, v0;
	v2 =	vld.idx.msk [tilespmem:v4+s2+$0x0], $0xffff  }
0x139: {  	v4 =	vor.u32 $0x3, v1;
	_ =	sdelay $0x3  }
0x13a: {  	[tilespmem:v3+s10+$0x0] =	vst.idx.msk $0xffff, v2  }
0x13b: {  	v3 =	vor.u32 $0x1D0, v0;
	v2 =	vld.idx.msk [tilespmem:v4+s2+$0x0], $0xffff  }
0x13c: {  	v4 =	vor.u32 $0x4, v1;
	_ =	sdelay $0x3  }
0x13d: {  	[tilespmem:v3+s10+$0x0] =	vst.idx.msk $0xffff, v2  }
0x13e: {  	v3 =	vor.u32 $0x250, v0;
	v2 =	vld.idx.msk [tilespmem:v4+s2+$0x0], $0xffff  }
0x13f: {  	v4 =	vor.u32 $0x5, v1;
	_ =	sdelay $0x3  }
0x140: {  	[tilespmem:v3+s10+$0x0] =	vst.idx.msk $0xffff, v2  }
0x141: {  	v3 =	vor.u32 $0x2D0, v0;
	v2 =	vld.idx.msk [tilespmem:v4+s2+$0x0], $0xffff  }
0x142: {  	v4 =	vor.u32 $0x6, v1;
	_ =	sdelay $0x3  }
0x143: {  	[tilespmem:v3+s10+$0x0] =	vst.idx.msk $0xffff, v2  }
0x144: {  	v3 =	vor.u32 $0x350, v0;
	v2 =	vld.idx.msk [tilespmem:v4+s2+$0x0], $0xffff  }
0x145: {  	v4 =	vor.u32 $0x7, v1;
	_ =	sdelay $0x3  }
0x146: {  	[tilespmem:v3+s10+$0x0] =	vst.idx.msk $0xffff, v2  }
0x147: {  	v3 =	vor.u32 $0x3D0, v0;
	v2 =	vld.idx.msk [tilespmem:v4+s2+$0x0], $0xffff  }
0x148: {  	v4 =	vor.u32 $0x8, v1;
	_ =	sdelay $0x3  }
0x149: {  	[tilespmem:v3+s10+$0x0] =	vst.idx.msk $0xffff, v2  }
0x14a: {  	v3 =	vor.u32 $0x850, v0;
	v2 =	vld.idx.msk [tilespmem:v4+s2+$0x0], $0xffff  }
0x14b: {  	v4 =	vor.u32 $0x9, v1;
	_ =	sdelay $0x3  }
0x14c: {  	[tilespmem:v3+s10+$0x0] =	vst.idx.msk $0xffff, v2  }
0x14d: {  	v3 =	vor.u32 $0x8D0, v0;
	v2 =	vld.idx.msk [tilespmem:v4+s2+$0x0], $0xffff  }
0x14e: {  	v4 =	vor.u32 $0xA, v1;
	_ =	sdelay $0x3  }
0x14f: {  	[tilespmem:v3+s10+$0x0] =	vst.idx.msk $0xffff, v2  }
0x150: {  	v3 =	vor.u32 $0x950, v0;
	v2 =	vld.idx.msk [tilespmem:v4+s2+$0x0], $0xffff  }
0x151: {  	v4 =	vor.u32 $0xB, v1;
	_ =	sdelay $0x3  }
0x152: {  	[tilespmem:v3+s10+$0x0] =	vst.idx.msk $0xffff, v2  }
0x153: {  	v3 =	vor.u32 $0x9D0, v0;
	v2 =	vld.idx.msk [tilespmem:v4+s2+$0x0], $0xffff  }
0x154: {  	v4 =	vor.u32 $0xC, v1;
	_ =	sdelay $0x3  }
0x155: {  	[tilespmem:v3+s10+$0x0] =	vst.idx.msk $0xffff, v2  }
0x156: {  	v3 =	vor.u32 $0xA50, v0;
	v2 =	vld.idx.msk [tilespmem:v4+s2+$0x0], $0xffff  }
0x157: {  	v4 =	vor.u32 $0xD, v1;
	_ =	sdelay $0x3  }
0x158: {  	[tilespmem:v3+s10+$0x0] =	vst.idx.msk $0xffff, v2  }
0x159: {  	v3 =	vor.u32 $0xAD0, v0;
	v2 =	vld.idx.msk [tilespmem:v4+s2+$0x0], $0xffff  }
0x15a: {  	v4 =	vor.u32 $0xE, v1;
	_ =	sdelay $0x3  }
0x15b: {  	[tilespmem:v3+s10+$0x0] =	vst.idx.msk $0xffff, v2  }
0x15c: {  	v3 =	vor.u32 $0xB50, v0;
	v2 =	vld.idx.msk [tilespmem:v4+s2+$0x0], $0xffff  }
0x15d: {  	v1 =	vor.u32 $0xF, v1;
	_ =	sdelay $0x3  }
0x15e: {  	[tilespmem:v3+s10+$0x0] =	vst.idx.msk $0xffff, v2  }
0x15f: {  	v2 =	vor.u32 $0xBD0, v0;
	v1 =	vld.idx.msk [tilespmem:v1+s2+$0x0], $0xffff;
	_ =	sdelay $0x4  }
0x160: {  	[tilespmem:v2+s10+$0x0] =	vst.idx.msk $0xffff, v1  }
0x161: {  	v1 =	vld [tilespmem:s19+$0xFFFFFFE0];
	_ =	sdelay $0x4  }
0x162: {  	v2 =	vsub.s32 v1, v63  }
0x163: {  	v1 =	vshll.u32 v1, $0x4;
	v2 =	vshll.u32 v2, $0x4  }
0x164: {  	v1 =	vand.u32 $0x70, v1;
	v2 =	vand.u32 $0xFFFFFF80, v2  }
0x165: {  	v1 =	vor.u32 v1, v2;
	_ =	sdelay $0x4  }
0x166: {  	v3 =	vor.u32 $0x60, v0;
	v2 =	vld.idx.msk [tilespmem:v1+s2+$0x0], $0xffff  }
0x167: {  	v4 =	vor.u32 $0x1, v1;
	_ =	sdelay $0x3  }
0x168: {  	[tilespmem:v3+s10+$0x0] =	vst.idx.msk $0xffff, v2  }
0x169: {  	v3 =	vor.u32 $0xE0, v0;
	v2 =	vld.idx.msk [tilespmem:v4+s2+$0x0], $0xffff  }
0x16a: {  	v4 =	vor.u32 $0x2, v1;
	_ =	sdelay $0x3  }
0x16b: {  	[tilespmem:v3+s10+$0x0] =	vst.idx.msk $0xffff, v2  }
0x16c: {  	v3 =	vor.u32 $0x160, v0;
	v2 =	vld.idx.msk [tilespmem:v4+s2+$0x0], $0xffff  }
0x16d: {  	v4 =	vor.u32 $0x3, v1;
	_ =	sdelay $0x3  }
0x16e: {  	[tilespmem:v3+s10+$0x0] =	vst.idx.msk $0xffff, v2  }
0x16f: {  	v3 =	vor.u32 $0x1E0, v0;
	v2 =	vld.idx.msk [tilespmem:v4+s2+$0x0], $0xffff  }
0x170: {  	v4 =	vor.u32 $0x4, v1;
	_ =	sdelay $0x3  }
0x171: {  	[tilespmem:v3+s10+$0x0] =	vst.idx.msk $0xffff, v2  }
0x172: {  	v3 =	vor.u32 $0x260, v0;
	v2 =	vld.idx.msk [tilespmem:v4+s2+$0x0], $0xffff  }
0x173: {  	v4 =	vor.u32 $0x5, v1;
	_ =	sdelay $0x3  }
0x174: {  	[tilespmem:v3+s10+$0x0] =	vst.idx.msk $0xffff, v2  }
0x175: {  	v3 =	vor.u32 $0x2E0, v0;
	v2 =	vld.idx.msk [tilespmem:v4+s2+$0x0], $0xffff  }
0x176: {  	v4 =	vor.u32 $0x6, v1;
	_ =	sdelay $0x3  }
0x177: {  	[tilespmem:v3+s10+$0x0] =	vst.idx.msk $0xffff, v2  }
0x178: {  	v3 =	vor.u32 $0x360, v0;
	v2 =	vld.idx.msk [tilespmem:v4+s2+$0x0], $0xffff  }
0x179: {  	v4 =	vor.u32 $0x7, v1;
	_ =	sdelay $0x3  }
0x17a: {  	[tilespmem:v3+s10+$0x0] =	vst.idx.msk $0xffff, v2  }
0x17b: {  	v3 =	vor.u32 $0x3E0, v0;
	v2 =	vld.idx.msk [tilespmem:v4+s2+$0x0], $0xffff  }
0x17c: {  	v4 =	vor.u32 $0x8, v1;
	_ =	sdelay $0x3  }
0x17d: {  	[tilespmem:v3+s10+$0x0] =	vst.idx.msk $0xffff, v2  }
0x17e: {  	v3 =	vor.u32 $0x860, v0;
	v2 =	vld.idx.msk [tilespmem:v4+s2+$0x0], $0xffff  }
0x17f: {  	v4 =	vor.u32 $0x9, v1;
	_ =	sdelay $0x3  }
0x180: {  	[tilespmem:v3+s10+$0x0] =	vst.idx.msk $0xffff, v2  }
0x181: {  	v3 =	vor.u32 $0x8E0, v0;
	v2 =	vld.idx.msk [tilespmem:v4+s2+$0x0], $0xffff  }
0x182: {  	v4 =	vor.u32 $0xA, v1;
	_ =	sdelay $0x3  }
0x183: {  	[tilespmem:v3+s10+$0x0] =	vst.idx.msk $0xffff, v2  }
0x184: {  	v3 =	vor.u32 $0x960, v0;
	v2 =	vld.idx.msk [tilespmem:v4+s2+$0x0], $0xffff  }
0x185: {  	v4 =	vor.u32 $0xB, v1;
	_ =	sdelay $0x3  }
0x186: {  	[tilespmem:v3+s10+$0x0] =	vst.idx.msk $0xffff, v2  }
0x187: {  	v3 =	vor.u32 $0x9E0, v0;
	v2 =	vld.idx.msk [tilespmem:v4+s2+$0x0], $0xffff  }
0x188: {  	v4 =	vor.u32 $0xC, v1;
	_ =	sdelay $0x3  }
0x189: {  	[tilespmem:v3+s10+$0x0] =	vst.idx.msk $0xffff, v2  }
0x18a: {  	v3 =	vor.u32 $0xA60, v0;
	v2 =	vld.idx.msk [tilespmem:v4+s2+$0x0], $0xffff  }
0x18b: {  	v4 =	vor.u32 $0xD, v1;
	_ =	sdelay $0x3  }
0x18c: {  	[tilespmem:v3+s10+$0x0] =	vst.idx.msk $0xffff, v2  }
0x18d: {  	v3 =	vor.u32 $0xAE0, v0;
	v2 =	vld.idx.msk [tilespmem:v4+s2+$0x0], $0xffff  }
0x18e: {  	v4 =	vor.u32 $0xE, v1;
	_ =	sdelay $0x3  }
0x18f: {  	[tilespmem:v3+s10+$0x0] =	vst.idx.msk $0xffff, v2  }
0x190: {  	v3 =	vor.u32 $0xB60, v0;
	v2 =	vld.idx.msk [tilespmem:v4+s2+$0x0], $0xffff  }
0x191: {  	v1 =	vor.u32 $0xF, v1;
	_ =	sdelay $0x3  }
0x192: {  	[tilespmem:v3+s10+$0x0] =	vst.idx.msk $0xffff, v2  }
0x193: {  	v2 =	vor.u32 $0xBE0, v0;
	v1 =	vld.idx.msk [tilespmem:v1+s2+$0x0], $0xffff;
	_ =	sdelay $0x4  }
0x194: {  	[tilespmem:v2+s10+$0x0] =	vst.idx.msk $0xffff, v1  }
0x195: {  	v1 =	vld [tilespmem:s19+$0xFFFFFFF0];
	_ =	sdelay $0x4  }
0x196: {  	v2 =	vsub.s32 v1, v63  }
0x197: {  	v1 =	vshll.u32 v1, $0x4;
	v2 =	vshll.u32 v2, $0x4  }
0x198: {  	v1 =	vand.u32 $0x70, v1;
	v2 =	vand.u32 $0xFFFFFF80, v2  }
0x199: {  	v1 =	vor.u32 v1, v2;
	_ =	sdelay $0x4  }
0x19a: {  	v3 =	vor.u32 $0x70, v0;
	v2 =	vld.idx.msk [tilespmem:v1+s2+$0x0], $0xffff  }
0x19b: {  	v4 =	vor.u32 $0x1, v1;
	_ =	sdelay $0x3  }
0x19c: {  	[tilespmem:v3+s10+$0x0] =	vst.idx.msk $0xffff, v2  }
0x19d: {  	v3 =	vor.u32 $0xF0, v0;
	v2 =	vld.idx.msk [tilespmem:v4+s2+$0x0], $0xffff  }
0x19e: {  	v4 =	vor.u32 $0x2, v1;
	_ =	sdelay $0x3  }
0x19f: {  	[tilespmem:v3+s10+$0x0] =	vst.idx.msk $0xffff, v2  }
0x1a0: {  	v3 =	vor.u32 $0x170, v0;
	v2 =	vld.idx.msk [tilespmem:v4+s2+$0x0], $0xffff  }
0x1a1: {  	v4 =	vor.u32 $0x3, v1;
	_ =	sdelay $0x3  }
0x1a2: {  	[tilespmem:v3+s10+$0x0] =	vst.idx.msk $0xffff, v2  }
0x1a3: {  	v3 =	vor.u32 $0x1F0, v0;
	v2 =	vld.idx.msk [tilespmem:v4+s2+$0x0], $0xffff  }
0x1a4: {  	v4 =	vor.u32 $0x4, v1;
	_ =	sdelay $0x3  }
0x1a5: {  	[tilespmem:v3+s10+$0x0] =	vst.idx.msk $0xffff, v2  }
0x1a6: {  	v3 =	vor.u32 $0x270, v0;
	v2 =	vld.idx.msk [tilespmem:v4+s2+$0x0], $0xffff  }
0x1a7: {  	v4 =	vor.u32 $0x5, v1;
	_ =	sdelay $0x3  }
0x1a8: {  	[tilespmem:v3+s10+$0x0] =	vst.idx.msk $0xffff, v2  }
0x1a9: {  	v3 =	vor.u32 $0x2F0, v0;
	v2 =	vld.idx.msk [tilespmem:v4+s2+$0x0], $0xffff  }
0x1aa: {  	v4 =	vor.u32 $0x6, v1;
	_ =	sdelay $0x3  }
0x1ab: {  	[tilespmem:v3+s10+$0x0] =	vst.idx.msk $0xffff, v2  }
0x1ac: {  	v3 =	vor.u32 $0x370, v0;
	v2 =	vld.idx.msk [tilespmem:v4+s2+$0x0], $0xffff  }
0x1ad: {  	v4 =	vor.u32 $0x7, v1;
	_ =	sdelay $0x3  }
0x1ae: {  	[tilespmem:v3+s10+$0x0] =	vst.idx.msk $0xffff, v2  }
0x1af: {  	v3 =	vor.u32 $0x3F0, v0;
	v2 =	vld.idx.msk [tilespmem:v4+s2+$0x0], $0xffff  }
0x1b0: {  	v4 =	vor.u32 $0x8, v1;
	_ =	sdelay $0x3  }
0x1b1: {  	[tilespmem:v3+s10+$0x0] =	vst.idx.msk $0xffff, v2  }
0x1b2: {  	v3 =	vor.u32 $0x870, v0;
	v2 =	vld.idx.msk [tilespmem:v4+s2+$0x0], $0xffff  }
0x1b3: {  	v4 =	vor.u32 $0x9, v1;
	_ =	sdelay $0x3  }
0x1b4: {  	[tilespmem:v3+s10+$0x0] =	vst.idx.msk $0xffff, v2  }
0x1b5: {  	v3 =	vor.u32 $0x8F0, v0;
	v2 =	vld.idx.msk [tilespmem:v4+s2+$0x0], $0xffff  }
0x1b6: {  	v4 =	vor.u32 $0xA, v1;
	_ =	sdelay $0x3  }
0x1b7: {  	[tilespmem:v3+s10+$0x0] =	vst.idx.msk $0xffff, v2  }
0x1b8: {  	v3 =	vor.u32 $0x970, v0;
	v2 =	vld.idx.msk [tilespmem:v4+s2+$0x0], $0xffff  }
0x1b9: {  	v4 =	vor.u32 $0xB, v1;
	_ =	sdelay $0x3  }
0x1ba: {  	[tilespmem:v3+s10+$0x0] =	vst.idx.msk $0xffff, v2  }
0x1bb: {  	v3 =	vor.u32 $0x9F0, v0;
	v2 =	vld.idx.msk [tilespmem:v4+s2+$0x0], $0xffff  }
0x1bc: {  	v4 =	vor.u32 $0xC, v1;
	_ =	sdelay $0x3  }
0x1bd: {  	[tilespmem:v3+s10+$0x0] =	vst.idx.msk $0xffff, v2  }
0x1be: {  	v3 =	vor.u32 $0xA70, v0;
	v2 =	vld.idx.msk [tilespmem:v4+s2+$0x0], $0xffff  }
0x1bf: {  	v4 =	vor.u32 $0xD, v1;
	_ =	sdelay $0x3  }
0x1c0: {  	[tilespmem:v3+s10+$0x0] =	vst.idx.msk $0xffff, v2  }
0x1c1: {  	v3 =	vor.u32 $0xAF0, v0;
	v2 =	vld.idx.msk [tilespmem:v4+s2+$0x0], $0xffff  }
0x1c2: {  	v4 =	vor.u32 $0xE, v1;
	_ =	sdelay $0x3  }
0x1c3: {  	[tilespmem:v3+s10+$0x0] =	vst.idx.msk $0xffff, v2  }
0x1c4: {  	v3 =	vor.u32 $0xB70, v0;
	v2 =	vld.idx.msk [tilespmem:v4+s2+$0x0], $0xffff  }
0x1c5: {  	v1 =	vor.u32 $0xF, v1;
	_ =	sdelay $0x3  }
0x1c6: {  	[tilespmem:v3+s10+$0x0] =	vst.idx.msk $0xffff, v2  }
0x1c7: {  	v2 =	vor.u32 $0xBF0, v0;
	v1 =	vld.idx.msk [tilespmem:v1+s2+$0x0], $0xffff;
	_ =	sdelay $0x4  }
0x1c8: {  	[tilespmem:v2+s10+$0x0] =	vst.idx.msk $0xffff, v1  }
0x1c9: {  	v1 =	vld [tilespmem:s19+$0x0];
	_ =	sdelay $0x4  }
0x1ca: {  	v2 =	vsub.s32 v1, v63  }
0x1cb: {  	v1 =	vshll.u32 v1, $0x4;
	v2 =	vshll.u32 v2, $0x4  }
0x1cc: {  	v1 =	vand.u32 $0x70, v1;
	v2 =	vand.u32 $0xFFFFFF80, v2  }
0x1cd: {  	v1 =	vor.u32 v1, v2;
	_ =	sdelay $0x4  }
0x1ce: {  	v3 =	vor.u32 $0x400, v0;
	v2 =	vld.idx.msk [tilespmem:v1+s2+$0x0], $0xffff  }
0x1cf: {  	v4 =	vor.u32 $0x1, v1;
	_ =	sdelay $0x3  }
0x1d0: {  	[tilespmem:v3+s10+$0x0] =	vst.idx.msk $0xffff, v2  }
0x1d1: {  	v3 =	vor.u32 $0x480, v0;
	v2 =	vld.idx.msk [tilespmem:v4+s2+$0x0], $0xffff  }
0x1d2: {  	v4 =	vor.u32 $0x2, v1;
	_ =	sdelay $0x3  }
0x1d3: {  	[tilespmem:v3+s10+$0x0] =	vst.idx.msk $0xffff, v2  }
0x1d4: {  	v3 =	vor.u32 $0x500, v0;
	v2 =	vld.idx.msk [tilespmem:v4+s2+$0x0], $0xffff  }
0x1d5: {  	v4 =	vor.u32 $0x3, v1;
	_ =	sdelay $0x3  }
0x1d6: {  	[tilespmem:v3+s10+$0x0] =	vst.idx.msk $0xffff, v2  }
0x1d7: {  	v3 =	vor.u32 $0x580, v0;
	v2 =	vld.idx.msk [tilespmem:v4+s2+$0x0], $0xffff  }
0x1d8: {  	v4 =	vor.u32 $0x4, v1;
	_ =	sdelay $0x3  }
0x1d9: {  	[tilespmem:v3+s10+$0x0] =	vst.idx.msk $0xffff, v2  }
0x1da: {  	v3 =	vor.u32 $0x600, v0;
	v2 =	vld.idx.msk [tilespmem:v4+s2+$0x0], $0xffff  }
0x1db: {  	v4 =	vor.u32 $0x5, v1;
	_ =	sdelay $0x3  }
0x1dc: {  	[tilespmem:v3+s10+$0x0] =	vst.idx.msk $0xffff, v2  }
0x1dd: {  	v3 =	vor.u32 $0x680, v0;
	v2 =	vld.idx.msk [tilespmem:v4+s2+$0x0], $0xffff  }
0x1de: {  	v4 =	vor.u32 $0x6, v1;
	_ =	sdelay $0x3  }
0x1df: {  	[tilespmem:v3+s10+$0x0] =	vst.idx.msk $0xffff, v2  }
0x1e0: {  	v3 =	vor.u32 $0x700, v0;
	v2 =	vld.idx.msk [tilespmem:v4+s2+$0x0], $0xffff  }
0x1e1: {  	v4 =	vor.u32 $0x7, v1;
	_ =	sdelay $0x3  }
0x1e2: {  	[tilespmem:v3+s10+$0x0] =	vst.idx.msk $0xffff, v2  }
0x1e3: {  	v3 =	vor.u32 $0x780, v0;
	v2 =	vld.idx.msk [tilespmem:v4+s2+$0x0], $0xffff  }
0x1e4: {  	v4 =	vor.u32 $0x8, v1;
	_ =	sdelay $0x3  }
0x1e5: {  	[tilespmem:v3+s10+$0x0] =	vst.idx.msk $0xffff, v2  }
0x1e6: {  	v3 =	vor.u32 $0xC00, v0;
	v2 =	vld.idx.msk [tilespmem:v4+s2+$0x0], $0xffff  }
0x1e7: {  	v4 =	vor.u32 $0x9, v1;
	_ =	sdelay $0x3  }
0x1e8: {  	[tilespmem:v3+s10+$0x0] =	vst.idx.msk $0xffff, v2  }
0x1e9: {  	v3 =	vor.u32 $0xC80, v0;
	v2 =	vld.idx.msk [tilespmem:v4+s2+$0x0], $0xffff  }
0x1ea: {  	v4 =	vor.u32 $0xA, v1;
	_ =	sdelay $0x3  }
0x1eb: {  	[tilespmem:v3+s10+$0x0] =	vst.idx.msk $0xffff, v2  }
0x1ec: {  	v3 =	vor.u32 $0xD00, v0;
	v2 =	vld.idx.msk [tilespmem:v4+s2+$0x0], $0xffff  }
0x1ed: {  	v4 =	vor.u32 $0xB, v1;
	_ =	sdelay $0x3  }
0x1ee: {  	[tilespmem:v3+s10+$0x0] =	vst.idx.msk $0xffff, v2  }
0x1ef: {  	v3 =	vor.u32 $0xD80, v0;
	v2 =	vld.idx.msk [tilespmem:v4+s2+$0x0], $0xffff  }
0x1f0: {  	v4 =	vor.u32 $0xC, v1;
	_ =	sdelay $0x3  }
0x1f1: {  	[tilespmem:v3+s10+$0x0] =	vst.idx.msk $0xffff, v2  }
0x1f2: {  	v3 =	vor.u32 $0xE00, v0;
	v2 =	vld.idx.msk [tilespmem:v4+s2+$0x0], $0xffff  }
0x1f3: {  	v4 =	vor.u32 $0xD, v1;
	_ =	sdelay $0x3  }
0x1f4: {  	[tilespmem:v3+s10+$0x0] =	vst.idx.msk $0xffff, v2  }
0x1f5: {  	v3 =	vor.u32 $0xE80, v0;
	v2 =	vld.idx.msk [tilespmem:v4+s2+$0x0], $0xffff  }
0x1f6: {  	v4 =	vor.u32 $0xE, v1;
	_ =	sdelay $0x3  }
0x1f7: {  	[tilespmem:v3+s10+$0x0] =	vst.idx.msk $0xffff, v2  }
0x1f8: {  	v3 =	vor.u32 $0xF00, v0;
	v2 =	vld.idx.msk [tilespmem:v4+s2+$0x0], $0xffff  }
0x1f9: {  	v1 =	vor.u32 $0xF, v1;
	_ =	sdelay $0x3  }
0x1fa: {  	[tilespmem:v3+s10+$0x0] =	vst.idx.msk $0xffff, v2  }
0x1fb: {  	v2 =	vor.u32 $0xF80, v0;
	v1 =	vld.idx.msk [tilespmem:v1+s2+$0x0], $0xffff;
	_ =	sdelay $0x4  }
0x1fc: {  	[tilespmem:v2+s10+$0x0] =	vst.idx.msk $0xffff, v1  }
0x1fd: {  	v1 =	vld [tilespmem:s19+$0x10];
	_ =	sdelay $0x4  }
0x1fe: {  	v2 =	vsub.s32 v1, v63  }
0x1ff: {  	v1 =	vshll.u32 v1, $0x4;
	v2 =	vshll.u32 v2, $0x4  }
0x200: {  	v1 =	vand.u32 $0x70, v1;
	v2 =	vand.u32 $0xFFFFFF80, v2  }
0x201: {  	v1 =	vor.u32 v1, v2;
	_ =	sdelay $0x4  }
0x202: {  	v3 =	vor.u32 $0x410, v0;
	v2 =	vld.idx.msk [tilespmem:v1+s2+$0x0], $0xffff  }
0x203: {  	v4 =	vor.u32 $0x1, v1;
	_ =	sdelay $0x3  }
0x204: {  	[tilespmem:v3+s10+$0x0] =	vst.idx.msk $0xffff, v2  }
0x205: {  	v3 =	vor.u32 $0x490, v0;
	v2 =	vld.idx.msk [tilespmem:v4+s2+$0x0], $0xffff  }
0x206: {  	v4 =	vor.u32 $0x2, v1;
	_ =	sdelay $0x3  }
0x207: {  	[tilespmem:v3+s10+$0x0] =	vst.idx.msk $0xffff, v2  }
0x208: {  	v3 =	vor.u32 $0x510, v0;
	v2 =	vld.idx.msk [tilespmem:v4+s2+$0x0], $0xffff  }
0x209: {  	v4 =	vor.u32 $0x3, v1;
	_ =	sdelay $0x3  }
0x20a: {  	[tilespmem:v3+s10+$0x0] =	vst.idx.msk $0xffff, v2  }
0x20b: {  	v3 =	vor.u32 $0x590, v0;
	v2 =	vld.idx.msk [tilespmem:v4+s2+$0x0], $0xffff  }
0x20c: {  	v4 =	vor.u32 $0x4, v1;
	_ =	sdelay $0x3  }
0x20d: {  	[tilespmem:v3+s10+$0x0] =	vst.idx.msk $0xffff, v2  }
0x20e: {  	v3 =	vor.u32 $0x610, v0;
	v2 =	vld.idx.msk [tilespmem:v4+s2+$0x0], $0xffff  }
0x20f: {  	v4 =	vor.u32 $0x5, v1;
	_ =	sdelay $0x3  }
0x210: {  	[tilespmem:v3+s10+$0x0] =	vst.idx.msk $0xffff, v2  }
0x211: {  	v3 =	vor.u32 $0x690, v0;
	v2 =	vld.idx.msk [tilespmem:v4+s2+$0x0], $0xffff  }
0x212: {  	v4 =	vor.u32 $0x6, v1;
	_ =	sdelay $0x3  }
0x213: {  	[tilespmem:v3+s10+$0x0] =	vst.idx.msk $0xffff, v2  }
0x214: {  	v3 =	vor.u32 $0x710, v0;
	v2 =	vld.idx.msk [tilespmem:v4+s2+$0x0], $0xffff  }
0x215: {  	v4 =	vor.u32 $0x7, v1;
	_ =	sdelay $0x3  }
0x216: {  	[tilespmem:v3+s10+$0x0] =	vst.idx.msk $0xffff, v2  }
0x217: {  	v3 =	vor.u32 $0x790, v0;
	v2 =	vld.idx.msk [tilespmem:v4+s2+$0x0], $0xffff  }
0x218: {  	v4 =	vor.u32 $0x8, v1;
	_ =	sdelay $0x3  }
0x219: {  	[tilespmem:v3+s10+$0x0] =	vst.idx.msk $0xffff, v2  }
0x21a: {  	v3 =	vor.u32 $0xC10, v0;
	v2 =	vld.idx.msk [tilespmem:v4+s2+$0x0], $0xffff  }
0x21b: {  	v4 =	vor.u32 $0x9, v1;
	_ =	sdelay $0x3  }
0x21c: {  	[tilespmem:v3+s10+$0x0] =	vst.idx.msk $0xffff, v2  }
0x21d: {  	v3 =	vor.u32 $0xC90, v0;
	v2 =	vld.idx.msk [tilespmem:v4+s2+$0x0], $0xffff  }
0x21e: {  	v4 =	vor.u32 $0xA, v1;
	_ =	sdelay $0x3  }
0x21f: {  	[tilespmem:v3+s10+$0x0] =	vst.idx.msk $0xffff, v2  }
0x220: {  	v3 =	vor.u32 $0xD10, v0;
	v2 =	vld.idx.msk [tilespmem:v4+s2+$0x0], $0xffff  }
0x221: {  	v4 =	vor.u32 $0xB, v1;
	_ =	sdelay $0x3  }
0x222: {  	[tilespmem:v3+s10+$0x0] =	vst.idx.msk $0xffff, v2  }
0x223: {  	v3 =	vor.u32 $0xD90, v0;
	v2 =	vld.idx.msk [tilespmem:v4+s2+$0x0], $0xffff  }
0x224: {  	v4 =	vor.u32 $0xC, v1;
	_ =	sdelay $0x3  }
0x225: {  	[tilespmem:v3+s10+$0x0] =	vst.idx.msk $0xffff, v2  }
0x226: {  	v3 =	vor.u32 $0xE10, v0;
	v2 =	vld.idx.msk [tilespmem:v4+s2+$0x0], $0xffff  }
0x227: {  	v4 =	vor.u32 $0xD, v1;
	_ =	sdelay $0x3  }
0x228: {  	[tilespmem:v3+s10+$0x0] =	vst.idx.msk $0xffff, v2  }
0x229: {  	v3 =	vor.u32 $0xE90, v0;
	v2 =	vld.idx.msk [tilespmem:v4+s2+$0x0], $0xffff  }
0x22a: {  	v4 =	vor.u32 $0xE, v1;
	_ =	sdelay $0x3  }
0x22b: {  	[tilespmem:v3+s10+$0x0] =	vst.idx.msk $0xffff, v2  }
0x22c: {  	v3 =	vor.u32 $0xF10, v0;
	v2 =	vld.idx.msk [tilespmem:v4+s2+$0x0], $0xffff  }
0x22d: {  	v1 =	vor.u32 $0xF, v1;
	_ =	sdelay $0x3  }
0x22e: {  	[tilespmem:v3+s10+$0x0] =	vst.idx.msk $0xffff, v2  }
0x22f: {  	v2 =	vor.u32 $0xF90, v0;
	v1 =	vld.idx.msk [tilespmem:v1+s2+$0x0], $0xffff;
	_ =	sdelay $0x4  }
0x230: {  	[tilespmem:v2+s10+$0x0] =	vst.idx.msk $0xffff, v1  }
0x231: {  	v1 =	vld [tilespmem:s19+$0x20];
	_ =	sdelay $0x4  }
0x232: {  	v2 =	vsub.s32 v1, v63  }
0x233: {  	v1 =	vshll.u32 v1, $0x4;
	v2 =	vshll.u32 v2, $0x4  }
0x234: {  	v1 =	vand.u32 $0x70, v1;
	v2 =	vand.u32 $0xFFFFFF80, v2  }
0x235: {  	v1 =	vor.u32 v1, v2;
	_ =	sdelay $0x4  }
0x236: {  	v3 =	vor.u32 $0x420, v0;
	v2 =	vld.idx.msk [tilespmem:v1+s2+$0x0], $0xffff  }
0x237: {  	v4 =	vor.u32 $0x1, v1;
	_ =	sdelay $0x3  }
0x238: {  	[tilespmem:v3+s10+$0x0] =	vst.idx.msk $0xffff, v2  }
0x239: {  	v3 =	vor.u32 $0x4A0, v0;
	v2 =	vld.idx.msk [tilespmem:v4+s2+$0x0], $0xffff  }
0x23a: {  	v4 =	vor.u32 $0x2, v1;
	_ =	sdelay $0x3  }
0x23b: {  	[tilespmem:v3+s10+$0x0] =	vst.idx.msk $0xffff, v2  }
0x23c: {  	v3 =	vor.u32 $0x520, v0;
	v2 =	vld.idx.msk [tilespmem:v4+s2+$0x0], $0xffff  }
0x23d: {  	v4 =	vor.u32 $0x3, v1;
	_ =	sdelay $0x3  }
0x23e: {  	[tilespmem:v3+s10+$0x0] =	vst.idx.msk $0xffff, v2  }
0x23f: {  	v3 =	vor.u32 $0x5A0, v0;
	v2 =	vld.idx.msk [tilespmem:v4+s2+$0x0], $0xffff  }
0x240: {  	v4 =	vor.u32 $0x4, v1;
	_ =	sdelay $0x3  }
0x241: {  	[tilespmem:v3+s10+$0x0] =	vst.idx.msk $0xffff, v2  }
0x242: {  	v3 =	vor.u32 $0x620, v0;
	v2 =	vld.idx.msk [tilespmem:v4+s2+$0x0], $0xffff  }
0x243: {  	v4 =	vor.u32 $0x5, v1;
	_ =	sdelay $0x3  }
0x244: {  	[tilespmem:v3+s10+$0x0] =	vst.idx.msk $0xffff, v2  }
0x245: {  	v3 =	vor.u32 $0x6A0, v0;
	v2 =	vld.idx.msk [tilespmem:v4+s2+$0x0], $0xffff  }
0x246: {  	v4 =	vor.u32 $0x6, v1;
	_ =	sdelay $0x3  }
0x247: {  	[tilespmem:v3+s10+$0x0] =	vst.idx.msk $0xffff, v2  }
0x248: {  	v3 =	vor.u32 $0x720, v0;
	v2 =	vld.idx.msk [tilespmem:v4+s2+$0x0], $0xffff  }
0x249: {  	v4 =	vor.u32 $0x7, v1;
	_ =	sdelay $0x3  }
0x24a: {  	[tilespmem:v3+s10+$0x0] =	vst.idx.msk $0xffff, v2  }
0x24b: {  	v3 =	vor.u32 $0x7A0, v0;
	v2 =	vld.idx.msk [tilespmem:v4+s2+$0x0], $0xffff  }
0x24c: {  	v4 =	vor.u32 $0x8, v1;
	_ =	sdelay $0x3  }
0x24d: {  	[tilespmem:v3+s10+$0x0] =	vst.idx.msk $0xffff, v2  }
0x24e: {  	v3 =	vor.u32 $0xC20, v0;
	v2 =	vld.idx.msk [tilespmem:v4+s2+$0x0], $0xffff  }
0x24f: {  	v4 =	vor.u32 $0x9, v1;
	_ =	sdelay $0x3  }
0x250: {  	[tilespmem:v3+s10+$0x0] =	vst.idx.msk $0xffff, v2  }
0x251: {  	v3 =	vor.u32 $0xCA0, v0;
	v2 =	vld.idx.msk [tilespmem:v4+s2+$0x0], $0xffff  }
0x252: {  	v4 =	vor.u32 $0xA, v1;
	_ =	sdelay $0x3  }
0x253: {  	[tilespmem:v3+s10+$0x0] =	vst.idx.msk $0xffff, v2  }
0x254: {  	v3 =	vor.u32 $0xD20, v0;
	v2 =	vld.idx.msk [tilespmem:v4+s2+$0x0], $0xffff  }
0x255: {  	v4 =	vor.u32 $0xB, v1;
	_ =	sdelay $0x3  }
0x256: {  	[tilespmem:v3+s10+$0x0] =	vst.idx.msk $0xffff, v2  }
0x257: {  	v3 =	vor.u32 $0xDA0, v0;
	v2 =	vld.idx.msk [tilespmem:v4+s2+$0x0], $0xffff  }
0x258: {  	v4 =	vor.u32 $0xC, v1;
	_ =	sdelay $0x3  }
0x259: {  	[tilespmem:v3+s10+$0x0] =	vst.idx.msk $0xffff, v2  }
0x25a: {  	v3 =	vor.u32 $0xE20, v0;
	v2 =	vld.idx.msk [tilespmem:v4+s2+$0x0], $0xffff  }
0x25b: {  	v4 =	vor.u32 $0xD, v1;
	_ =	sdelay $0x3  }
0x25c: {  	[tilespmem:v3+s10+$0x0] =	vst.idx.msk $0xffff, v2  }
0x25d: {  	v3 =	vor.u32 $0xEA0, v0;
	v2 =	vld.idx.msk [tilespmem:v4+s2+$0x0], $0xffff  }
0x25e: {  	v4 =	vor.u32 $0xE, v1;
	_ =	sdelay $0x3  }
0x25f: {  	[tilespmem:v3+s10+$0x0] =	vst.idx.msk $0xffff, v2  }
0x260: {  	v3 =	vor.u32 $0xF20, v0;
	v2 =	vld.idx.msk [tilespmem:v4+s2+$0x0], $0xffff  }
0x261: {  	v1 =	vor.u32 $0xF, v1;
	_ =	sdelay $0x3  }
0x262: {  	[tilespmem:v3+s10+$0x0] =	vst.idx.msk $0xffff, v2  }
0x263: {  	v2 =	vor.u32 $0xFA0, v0;
	v1 =	vld.idx.msk [tilespmem:v1+s2+$0x0], $0xffff;
	_ =	sdelay $0x4  }
0x264: {  	[tilespmem:v2+s10+$0x0] =	vst.idx.msk $0xffff, v1  }
0x265: {  	v1 =	vld [tilespmem:s19+$0x30];
	_ =	sdelay $0x4  }
0x266: {  	v2 =	vsub.s32 v1, v63  }
0x267: {  	v1 =	vshll.u32 v1, $0x4;
	v2 =	vshll.u32 v2, $0x4  }
0x268: {  	v1 =	vand.u32 $0x70, v1;
	v2 =	vand.u32 $0xFFFFFF80, v2  }
0x269: {  	v1 =	vor.u32 v1, v2;
	_ =	sdelay $0x4  }
0x26a: {  	v3 =	vor.u32 $0x430, v0;
	v2 =	vld.idx.msk [tilespmem:v1+s2+$0x0], $0xffff  }
0x26b: {  	v4 =	vor.u32 $0x1, v1;
	_ =	sdelay $0x3  }
0x26c: {  	[tilespmem:v3+s10+$0x0] =	vst.idx.msk $0xffff, v2  }
0x26d: {  	v3 =	vor.u32 $0x4B0, v0;
	v2 =	vld.idx.msk [tilespmem:v4+s2+$0x0], $0xffff  }
0x26e: {  	v4 =	vor.u32 $0x2, v1;
	_ =	sdelay $0x3  }
0x26f: {  	[tilespmem:v3+s10+$0x0] =	vst.idx.msk $0xffff, v2  }
0x270: {  	v3 =	vor.u32 $0x530, v0;
	v2 =	vld.idx.msk [tilespmem:v4+s2+$0x0], $0xffff  }
0x271: {  	v4 =	vor.u32 $0x3, v1;
	_ =	sdelay $0x3  }
0x272: {  	[tilespmem:v3+s10+$0x0] =	vst.idx.msk $0xffff, v2  }
0x273: {  	v3 =	vor.u32 $0x5B0, v0;
	v2 =	vld.idx.msk [tilespmem:v4+s2+$0x0], $0xffff  }
0x274: {  	v4 =	vor.u32 $0x4, v1;
	_ =	sdelay $0x3  }
0x275: {  	[tilespmem:v3+s10+$0x0] =	vst.idx.msk $0xffff, v2  }
0x276: {  	v3 =	vor.u32 $0x630, v0;
	v2 =	vld.idx.msk [tilespmem:v4+s2+$0x0], $0xffff  }
0x277: {  	v4 =	vor.u32 $0x5, v1;
	_ =	sdelay $0x3  }
0x278: {  	[tilespmem:v3+s10+$0x0] =	vst.idx.msk $0xffff, v2  }
0x279: {  	v3 =	vor.u32 $0x6B0, v0;
	v2 =	vld.idx.msk [tilespmem:v4+s2+$0x0], $0xffff  }
0x27a: {  	v4 =	vor.u32 $0x6, v1;
	_ =	sdelay $0x3  }
0x27b: {  	[tilespmem:v3+s10+$0x0] =	vst.idx.msk $0xffff, v2  }
0x27c: {  	v3 =	vor.u32 $0x730, v0;
	v2 =	vld.idx.msk [tilespmem:v4+s2+$0x0], $0xffff  }
0x27d: {  	v4 =	vor.u32 $0x7, v1;
	_ =	sdelay $0x3  }
0x27e: {  	[tilespmem:v3+s10+$0x0] =	vst.idx.msk $0xffff, v2  }
0x27f: {  	v3 =	vor.u32 $0x7B0, v0;
	v2 =	vld.idx.msk [tilespmem:v4+s2+$0x0], $0xffff  }
0x280: {  	v4 =	vor.u32 $0x8, v1;
	_ =	sdelay $0x3  }
0x281: {  	[tilespmem:v3+s10+$0x0] =	vst.idx.msk $0xffff, v2  }
0x282: {  	v3 =	vor.u32 $0xC30, v0;
	v2 =	vld.idx.msk [tilespmem:v4+s2+$0x0], $0xffff  }
0x283: {  	v4 =	vor.u32 $0x9, v1;
	_ =	sdelay $0x3  }
0x284: {  	[tilespmem:v3+s10+$0x0] =	vst.idx.msk $0xffff, v2  }
0x285: {  	v3 =	vor.u32 $0xCB0, v0;
	v2 =	vld.idx.msk [tilespmem:v4+s2+$0x0], $0xffff  }
0x286: {  	v4 =	vor.u32 $0xA, v1;
	_ =	sdelay $0x3  }
0x287: {  	[tilespmem:v3+s10+$0x0] =	vst.idx.msk $0xffff, v2  }
0x288: {  	v3 =	vor.u32 $0xD30, v0;
	v2 =	vld.idx.msk [tilespmem:v4+s2+$0x0], $0xffff  }
0x289: {  	v4 =	vor.u32 $0xB, v1;
	_ =	sdelay $0x3  }
0x28a: {  	[tilespmem:v3+s10+$0x0] =	vst.idx.msk $0xffff, v2  }
0x28b: {  	v3 =	vor.u32 $0xDB0, v0;
	v2 =	vld.idx.msk [tilespmem:v4+s2+$0x0], $0xffff  }
0x28c: {  	v4 =	vor.u32 $0xC, v1;
	_ =	sdelay $0x3  }
0x28d: {  	[tilespmem:v3+s10+$0x0] =	vst.idx.msk $0xffff, v2  }
0x28e: {  	v3 =	vor.u32 $0xE30, v0;
	v2 =	vld.idx.msk [tilespmem:v4+s2+$0x0], $0xffff  }
0x28f: {  	v4 =	vor.u32 $0xD, v1;
	_ =	sdelay $0x3  }
0x290: {  	[tilespmem:v3+s10+$0x0] =	vst.idx.msk $0xffff, v2  }
0x291: {  	v3 =	vor.u32 $0xEB0, v0;
	v2 =	vld.idx.msk [tilespmem:v4+s2+$0x0], $0xffff  }
0x292: {  	v4 =	vor.u32 $0xE, v1;
	_ =	sdelay $0x3  }
0x293: {  	[tilespmem:v3+s10+$0x0] =	vst.idx.msk $0xffff, v2  }
0x294: {  	v3 =	vor.u32 $0xF30, v0;
	v2 =	vld.idx.msk [tilespmem:v4+s2+$0x0], $0xffff  }
0x295: {  	v1 =	vor.u32 $0xF, v1;
	_ =	sdelay $0x3  }
0x296: {  	[tilespmem:v3+s10+$0x0] =	vst.idx.msk $0xffff, v2  }
0x297: {  	v2 =	vor.u32 $0xFB0, v0;
	v1 =	vld.idx.msk [tilespmem:v1+s2+$0x0], $0xffff;
	_ =	sdelay $0x4  }
0x298: {  	[tilespmem:v2+s10+$0x0] =	vst.idx.msk $0xffff, v1  }
0x299: {  	v1 =	vld [tilespmem:s19+$0x40];
	_ =	sdelay $0x4  }
0x29a: {  	v2 =	vsub.s32 v1, v63  }
0x29b: {  	v1 =	vshll.u32 v1, $0x4;
	v2 =	vshll.u32 v2, $0x4  }
0x29c: {  	v1 =	vand.u32 $0x70, v1;
	v2 =	vand.u32 $0xFFFFFF80, v2  }
0x29d: {  	v1 =	vor.u32 v1, v2;
	_ =	sdelay $0x4  }
0x29e: {  	v3 =	vor.u32 $0x440, v0;
	v2 =	vld.idx.msk [tilespmem:v1+s2+$0x0], $0xffff  }
0x29f: {  	v4 =	vor.u32 $0x1, v1;
	_ =	sdelay $0x3  }
0x2a0: {  	[tilespmem:v3+s10+$0x0] =	vst.idx.msk $0xffff, v2  }
0x2a1: {  	v3 =	vor.u32 $0x4C0, v0;
	v2 =	vld.idx.msk [tilespmem:v4+s2+$0x0], $0xffff  }
0x2a2: {  	v4 =	vor.u32 $0x2, v1;
	_ =	sdelay $0x3  }
0x2a3: {  	[tilespmem:v3+s10+$0x0] =	vst.idx.msk $0xffff, v2  }
0x2a4: {  	v3 =	vor.u32 $0x540, v0;
	v2 =	vld.idx.msk [tilespmem:v4+s2+$0x0], $0xffff  }
0x2a5: {  	v4 =	vor.u32 $0x3, v1;
	_ =	sdelay $0x3  }
0x2a6: {  	[tilespmem:v3+s10+$0x0] =	vst.idx.msk $0xffff, v2  }
0x2a7: {  	v3 =	vor.u32 $0x5C0, v0;
	v2 =	vld.idx.msk [tilespmem:v4+s2+$0x0], $0xffff  }
0x2a8: {  	v4 =	vor.u32 $0x4, v1;
	_ =	sdelay $0x3  }
0x2a9: {  	[tilespmem:v3+s10+$0x0] =	vst.idx.msk $0xffff, v2  }
0x2aa: {  	v3 =	vor.u32 $0x640, v0;
	v2 =	vld.idx.msk [tilespmem:v4+s2+$0x0], $0xffff  }
0x2ab: {  	v4 =	vor.u32 $0x5, v1;
	_ =	sdelay $0x3  }
0x2ac: {  	[tilespmem:v3+s10+$0x0] =	vst.idx.msk $0xffff, v2  }
0x2ad: {  	v3 =	vor.u32 $0x6C0, v0;
	v2 =	vld.idx.msk [tilespmem:v4+s2+$0x0], $0xffff  }
0x2ae: {  	v4 =	vor.u32 $0x6, v1;
	_ =	sdelay $0x3  }
0x2af: {  	[tilespmem:v3+s10+$0x0] =	vst.idx.msk $0xffff, v2  }
0x2b0: {  	v3 =	vor.u32 $0x740, v0;
	v2 =	vld.idx.msk [tilespmem:v4+s2+$0x0], $0xffff  }
0x2b1: {  	v4 =	vor.u32 $0x7, v1;
	_ =	sdelay $0x3  }
0x2b2: {  	[tilespmem:v3+s10+$0x0] =	vst.idx.msk $0xffff, v2  }
0x2b3: {  	v3 =	vor.u32 $0x7C0, v0;
	v2 =	vld.idx.msk [tilespmem:v4+s2+$0x0], $0xffff  }
0x2b4: {  	v4 =	vor.u32 $0x8, v1;
	_ =	sdelay $0x3  }
0x2b5: {  	[tilespmem:v3+s10+$0x0] =	vst.idx.msk $0xffff, v2  }
0x2b6: {  	v3 =	vor.u32 $0xC40, v0;
	v2 =	vld.idx.msk [tilespmem:v4+s2+$0x0], $0xffff  }
0x2b7: {  	v4 =	vor.u32 $0x9, v1;
	_ =	sdelay $0x3  }
0x2b8: {  	[tilespmem:v3+s10+$0x0] =	vst.idx.msk $0xffff, v2  }
0x2b9: {  	v3 =	vor.u32 $0xCC0, v0;
	v2 =	vld.idx.msk [tilespmem:v4+s2+$0x0], $0xffff  }
0x2ba: {  	v4 =	vor.u32 $0xA, v1;
	_ =	sdelay $0x3  }
0x2bb: {  	[tilespmem:v3+s10+$0x0] =	vst.idx.msk $0xffff, v2  }
0x2bc: {  	v3 =	vor.u32 $0xD40, v0;
	v2 =	vld.idx.msk [tilespmem:v4+s2+$0x0], $0xffff  }
0x2bd: {  	v4 =	vor.u32 $0xB, v1;
	_ =	sdelay $0x3  }
0x2be: {  	[tilespmem:v3+s10+$0x0] =	vst.idx.msk $0xffff, v2  }
0x2bf: {  	v3 =	vor.u32 $0xDC0, v0;
	v2 =	vld.idx.msk [tilespmem:v4+s2+$0x0], $0xffff  }
0x2c0: {  	v4 =	vor.u32 $0xC, v1;
	_ =	sdelay $0x3  }
0x2c1: {  	[tilespmem:v3+s10+$0x0] =	vst.idx.msk $0xffff, v2  }
0x2c2: {  	v3 =	vor.u32 $0xE40, v0;
	v2 =	vld.idx.msk [tilespmem:v4+s2+$0x0], $0xffff  }
0x2c3: {  	v4 =	vor.u32 $0xD, v1;
	_ =	sdelay $0x3  }
0x2c4: {  	[tilespmem:v3+s10+$0x0] =	vst.idx.msk $0xffff, v2  }
0x2c5: {  	v3 =	vor.u32 $0xEC0, v0;
	v2 =	vld.idx.msk [tilespmem:v4+s2+$0x0], $0xffff  }
0x2c6: {  	v4 =	vor.u32 $0xE, v1;
	_ =	sdelay $0x3  }
0x2c7: {  	[tilespmem:v3+s10+$0x0] =	vst.idx.msk $0xffff, v2  }
0x2c8: {  	v3 =	vor.u32 $0xF40, v0;
	v2 =	vld.idx.msk [tilespmem:v4+s2+$0x0], $0xffff  }
0x2c9: {  	v1 =	vor.u32 $0xF, v1;
	_ =	sdelay $0x3  }
0x2ca: {  	[tilespmem:v3+s10+$0x0] =	vst.idx.msk $0xffff, v2  }
0x2cb: {  	v2 =	vor.u32 $0xFC0, v0;
	v1 =	vld.idx.msk [tilespmem:v1+s2+$0x0], $0xffff;
	_ =	sdelay $0x4  }
0x2cc: {  	[tilespmem:v2+s10+$0x0] =	vst.idx.msk $0xffff, v1  }
0x2cd: {  	v1 =	vld [tilespmem:s19+$0x50];
	_ =	sdelay $0x4  }
0x2ce: {  	v2 =	vsub.s32 v1, v63  }
0x2cf: {  	v1 =	vshll.u32 v1, $0x4;
	v2 =	vshll.u32 v2, $0x4  }
0x2d0: {  	v1 =	vand.u32 $0x70, v1;
	v2 =	vand.u32 $0xFFFFFF80, v2  }
0x2d1: {  	v1 =	vor.u32 v1, v2;
	_ =	sdelay $0x4  }
0x2d2: {  	v3 =	vor.u32 $0x450, v0;
	v2 =	vld.idx.msk [tilespmem:v1+s2+$0x0], $0xffff  }
0x2d3: {  	v4 =	vor.u32 $0x1, v1;
	_ =	sdelay $0x3  }
0x2d4: {  	[tilespmem:v3+s10+$0x0] =	vst.idx.msk $0xffff, v2  }
0x2d5: {  	v3 =	vor.u32 $0x4D0, v0;
	v2 =	vld.idx.msk [tilespmem:v4+s2+$0x0], $0xffff  }
0x2d6: {  	v4 =	vor.u32 $0x2, v1;
	_ =	sdelay $0x3  }
0x2d7: {  	[tilespmem:v3+s10+$0x0] =	vst.idx.msk $0xffff, v2  }
0x2d8: {  	v3 =	vor.u32 $0x550, v0;
	v2 =	vld.idx.msk [tilespmem:v4+s2+$0x0], $0xffff  }
0x2d9: {  	v4 =	vor.u32 $0x3, v1;
	_ =	sdelay $0x3  }
0x2da: {  	[tilespmem:v3+s10+$0x0] =	vst.idx.msk $0xffff, v2  }
0x2db: {  	v3 =	vor.u32 $0x5D0, v0;
	v2 =	vld.idx.msk [tilespmem:v4+s2+$0x0], $0xffff  }
0x2dc: {  	v4 =	vor.u32 $0x4, v1;
	_ =	sdelay $0x3  }
0x2dd: {  	[tilespmem:v3+s10+$0x0] =	vst.idx.msk $0xffff, v2  }
0x2de: {  	v3 =	vor.u32 $0x650, v0;
	v2 =	vld.idx.msk [tilespmem:v4+s2+$0x0], $0xffff  }
0x2df: {  	v4 =	vor.u32 $0x5, v1;
	_ =	sdelay $0x3  }
0x2e0: {  	[tilespmem:v3+s10+$0x0] =	vst.idx.msk $0xffff, v2  }
0x2e1: {  	v3 =	vor.u32 $0x6D0, v0;
	v2 =	vld.idx.msk [tilespmem:v4+s2+$0x0], $0xffff  }
0x2e2: {  	v4 =	vor.u32 $0x6, v1;
	_ =	sdelay $0x3  }
0x2e3: {  	[tilespmem:v3+s10+$0x0] =	vst.idx.msk $0xffff, v2  }
0x2e4: {  	v3 =	vor.u32 $0x750, v0;
	v2 =	vld.idx.msk [tilespmem:v4+s2+$0x0], $0xffff  }
0x2e5: {  	v4 =	vor.u32 $0x7, v1;
	_ =	sdelay $0x3  }
0x2e6: {  	[tilespmem:v3+s10+$0x0] =	vst.idx.msk $0xffff, v2  }
0x2e7: {  	v3 =	vor.u32 $0x7D0, v0;
	v2 =	vld.idx.msk [tilespmem:v4+s2+$0x0], $0xffff  }
0x2e8: {  	v4 =	vor.u32 $0x8, v1;
	_ =	sdelay $0x3  }
0x2e9: {  	[tilespmem:v3+s10+$0x0] =	vst.idx.msk $0xffff, v2  }
0x2ea: {  	v3 =	vor.u32 $0xC50, v0;
	v2 =	vld.idx.msk [tilespmem:v4+s2+$0x0], $0xffff  }
0x2eb: {  	v4 =	vor.u32 $0x9, v1;
	_ =	sdelay $0x3  }
0x2ec: {  	[tilespmem:v3+s10+$0x0] =	vst.idx.msk $0xffff, v2  }
0x2ed: {  	v3 =	vor.u32 $0xCD0, v0;
	v2 =	vld.idx.msk [tilespmem:v4+s2+$0x0], $0xffff  }
0x2ee: {  	v4 =	vor.u32 $0xA, v1;
	_ =	sdelay $0x3  }
0x2ef: {  	[tilespmem:v3+s10+$0x0] =	vst.idx.msk $0xffff, v2  }
0x2f0: {  	v3 =	vor.u32 $0xD50, v0;
	v2 =	vld.idx.msk [tilespmem:v4+s2+$0x0], $0xffff  }
0x2f1: {  	v4 =	vor.u32 $0xB, v1;
	_ =	sdelay $0x3  }
0x2f2: {  	[tilespmem:v3+s10+$0x0] =	vst.idx.msk $0xffff, v2  }
0x2f3: {  	v3 =	vor.u32 $0xDD0, v0;
	v2 =	vld.idx.msk [tilespmem:v4+s2+$0x0], $0xffff  }
0x2f4: {  	v4 =	vor.u32 $0xC, v1;
	_ =	sdelay $0x3  }
0x2f5: {  	[tilespmem:v3+s10+$0x0] =	vst.idx.msk $0xffff, v2  }
0x2f6: {  	v3 =	vor.u32 $0xE50, v0;
	v2 =	vld.idx.msk [tilespmem:v4+s2+$0x0], $0xffff  }
0x2f7: {  	v4 =	vor.u32 $0xD, v1;
	_ =	sdelay $0x3  }
0x2f8: {  	[tilespmem:v3+s10+$0x0] =	vst.idx.msk $0xffff, v2  }
0x2f9: {  	v3 =	vor.u32 $0xED0, v0;
	v2 =	vld.idx.msk [tilespmem:v4+s2+$0x0], $0xffff  }
0x2fa: {  	v4 =	vor.u32 $0xE, v1;
	_ =	sdelay $0x3  }
0x2fb: {  	[tilespmem:v3+s10+$0x0] =	vst.idx.msk $0xffff, v2  }
0x2fc: {  	v3 =	vor.u32 $0xF50, v0;
	v2 =	vld.idx.msk [tilespmem:v4+s2+$0x0], $0xffff  }
0x2fd: {  	v1 =	vor.u32 $0xF, v1;
	_ =	sdelay $0x3  }
0x2fe: {  	[tilespmem:v3+s10+$0x0] =	vst.idx.msk $0xffff, v2  }
0x2ff: {  	v2 =	vor.u32 $0xFD0, v0;
	v1 =	vld.idx.msk [tilespmem:v1+s2+$0x0], $0xffff;
	_ =	sdelay $0x4  }
0x300: {  	[tilespmem:v2+s10+$0x0] =	vst.idx.msk $0xffff, v1  }
0x301: {  	v1 =	vld [tilespmem:s19+$0x60];
	_ =	sdelay $0x4  }
0x302: {  	v2 =	vsub.s32 v1, v63  }
0x303: {  	v1 =	vshll.u32 v1, $0x4;
	v2 =	vshll.u32 v2, $0x4  }
0x304: {  	v1 =	vand.u32 $0x70, v1;
	v2 =	vand.u32 $0xFFFFFF80, v2  }
0x305: {  	v1 =	vor.u32 v1, v2;
	_ =	sdelay $0x4  }
0x306: {  	v3 =	vor.u32 $0x460, v0;
	v2 =	vld.idx.msk [tilespmem:v1+s2+$0x0], $0xffff  }
0x307: {  	v4 =	vor.u32 $0x1, v1;
	_ =	sdelay $0x3  }
0x308: {  	[tilespmem:v3+s10+$0x0] =	vst.idx.msk $0xffff, v2  }
0x309: {  	v3 =	vor.u32 $0x4E0, v0;
	v2 =	vld.idx.msk [tilespmem:v4+s2+$0x0], $0xffff  }
0x30a: {  	v4 =	vor.u32 $0x2, v1;
	_ =	sdelay $0x3  }
0x30b: {  	[tilespmem:v3+s10+$0x0] =	vst.idx.msk $0xffff, v2  }
0x30c: {  	v3 =	vor.u32 $0x560, v0;
	v2 =	vld.idx.msk [tilespmem:v4+s2+$0x0], $0xffff  }
0x30d: {  	v4 =	vor.u32 $0x3, v1;
	_ =	sdelay $0x3  }
0x30e: {  	[tilespmem:v3+s10+$0x0] =	vst.idx.msk $0xffff, v2  }
0x30f: {  	v3 =	vor.u32 $0x5E0, v0;
	v2 =	vld.idx.msk [tilespmem:v4+s2+$0x0], $0xffff  }
0x310: {  	v4 =	vor.u32 $0x4, v1;
	_ =	sdelay $0x3  }
0x311: {  	[tilespmem:v3+s10+$0x0] =	vst.idx.msk $0xffff, v2  }
0x312: {  	v3 =	vor.u32 $0x660, v0;
	v2 =	vld.idx.msk [tilespmem:v4+s2+$0x0], $0xffff  }
0x313: {  	v4 =	vor.u32 $0x5, v1;
	_ =	sdelay $0x3  }
0x314: {  	[tilespmem:v3+s10+$0x0] =	vst.idx.msk $0xffff, v2  }
0x315: {  	v3 =	vor.u32 $0x6E0, v0;
	v2 =	vld.idx.msk [tilespmem:v4+s2+$0x0], $0xffff  }
0x316: {  	v4 =	vor.u32 $0x6, v1;
	_ =	sdelay $0x3  }
0x317: {  	[tilespmem:v3+s10+$0x0] =	vst.idx.msk $0xffff, v2  }
0x318: {  	v3 =	vor.u32 $0x760, v0;
	v2 =	vld.idx.msk [tilespmem:v4+s2+$0x0], $0xffff  }
0x319: {  	v4 =	vor.u32 $0x7, v1;
	_ =	sdelay $0x3  }
0x31a: {  	[tilespmem:v3+s10+$0x0] =	vst.idx.msk $0xffff, v2  }
0x31b: {  	v3 =	vor.u32 $0x7E0, v0;
	v2 =	vld.idx.msk [tilespmem:v4+s2+$0x0], $0xffff  }
0x31c: {  	v4 =	vor.u32 $0x8, v1;
	_ =	sdelay $0x3  }
0x31d: {  	[tilespmem:v3+s10+$0x0] =	vst.idx.msk $0xffff, v2  }
0x31e: {  	v3 =	vor.u32 $0xC60, v0;
	v2 =	vld.idx.msk [tilespmem:v4+s2+$0x0], $0xffff  }
0x31f: {  	v4 =	vor.u32 $0x9, v1;
	_ =	sdelay $0x3  }
0x320: {  	[tilespmem:v3+s10+$0x0] =	vst.idx.msk $0xffff, v2  }
0x321: {  	v3 =	vor.u32 $0xCE0, v0;
	v2 =	vld.idx.msk [tilespmem:v4+s2+$0x0], $0xffff  }
0x322: {  	v4 =	vor.u32 $0xA, v1;
	_ =	sdelay $0x3  }
0x323: {  	[tilespmem:v3+s10+$0x0] =	vst.idx.msk $0xffff, v2  }
0x324: {  	v3 =	vor.u32 $0xD60, v0;
	v2 =	vld.idx.msk [tilespmem:v4+s2+$0x0], $0xffff  }
0x325: {  	v4 =	vor.u32 $0xB, v1;
	_ =	sdelay $0x3  }
0x326: {  	[tilespmem:v3+s10+$0x0] =	vst.idx.msk $0xffff, v2  }
0x327: {  	v3 =	vor.u32 $0xDE0, v0;
	v2 =	vld.idx.msk [tilespmem:v4+s2+$0x0], $0xffff  }
0x328: {  	v4 =	vor.u32 $0xC, v1;
	_ =	sdelay $0x3  }
0x329: {  	[tilespmem:v3+s10+$0x0] =	vst.idx.msk $0xffff, v2  }
0x32a: {  	v3 =	vor.u32 $0xE60, v0;
	v2 =	vld.idx.msk [tilespmem:v4+s2+$0x0], $0xffff  }
0x32b: {  	v4 =	vor.u32 $0xD, v1;
	_ =	sdelay $0x3  }
0x32c: {  	[tilespmem:v3+s10+$0x0] =	vst.idx.msk $0xffff, v2  }
0x32d: {  	v3 =	vor.u32 $0xEE0, v0;
	v2 =	vld.idx.msk [tilespmem:v4+s2+$0x0], $0xffff  }
0x32e: {  	v4 =	vor.u32 $0xE, v1;
	_ =	sdelay $0x3  }
0x32f: {  	[tilespmem:v3+s10+$0x0] =	vst.idx.msk $0xffff, v2  }
0x330: {  	v3 =	vor.u32 $0xF60, v0;
	v2 =	vld.idx.msk [tilespmem:v4+s2+$0x0], $0xffff  }
0x331: {  	v1 =	vor.u32 $0xF, v1;
	_ =	sdelay $0x3  }
0x332: {  	[tilespmem:v3+s10+$0x0] =	vst.idx.msk $0xffff, v2  }
0x333: {  	v2 =	vor.u32 $0xFE0, v0;
	v1 =	vld.idx.msk [tilespmem:v1+s2+$0x0], $0xffff;
	_ =	sdelay $0x4  }
0x334: {  	[tilespmem:v2+s10+$0x0] =	vst.idx.msk $0xffff, v1  }
0x335: {  	v1 =	vld [tilespmem:s19+$0x70];
	_ =	sdelay $0x4  }
0x336: {  	v2 =	vsub.s32 v1, v63  }
0x337: {  	v1 =	vshll.u32 v1, $0x4;
	v2 =	vshll.u32 v2, $0x4  }
0x338: {  	v1 =	vand.u32 $0x70, v1;
	v2 =	vand.u32 $0xFFFFFF80, v2  }
0x339: {  	v1 =	vor.u32 v1, v2;
	_ =	sdelay $0x4  }
0x33a: {  	v3 =	vor.u32 $0x470, v0;
	v2 =	vld.idx.msk [tilespmem:v1+s2+$0x0], $0xffff  }
0x33b: {  	v4 =	vor.u32 $0x1, v1;
	_ =	sdelay $0x3  }
0x33c: {  	[tilespmem:v3+s10+$0x0] =	vst.idx.msk $0xffff, v2  }
0x33d: {  	v3 =	vor.u32 $0x4F0, v0;
	v2 =	vld.idx.msk [tilespmem:v4+s2+$0x0], $0xffff  }
0x33e: {  	v4 =	vor.u32 $0x2, v1;
	_ =	sdelay $0x3  }
0x33f: {  	[tilespmem:v3+s10+$0x0] =	vst.idx.msk $0xffff, v2  }
0x340: {  	v3 =	vor.u32 $0x570, v0;
	v2 =	vld.idx.msk [tilespmem:v4+s2+$0x0], $0xffff  }
0x341: {  	v4 =	vor.u32 $0x3, v1;
	_ =	sdelay $0x3  }
0x342: {  	[tilespmem:v3+s10+$0x0] =	vst.idx.msk $0xffff, v2  }
0x343: {  	v3 =	vor.u32 $0x5F0, v0;
	v2 =	vld.idx.msk [tilespmem:v4+s2+$0x0], $0xffff  }
0x344: {  	v4 =	vor.u32 $0x4, v1;
	_ =	sdelay $0x3  }
0x345: {  	[tilespmem:v3+s10+$0x0] =	vst.idx.msk $0xffff, v2  }
0x346: {  	v3 =	vor.u32 $0x670, v0;
	v2 =	vld.idx.msk [tilespmem:v4+s2+$0x0], $0xffff  }
0x347: {  	v4 =	vor.u32 $0x5, v1;
	_ =	sdelay $0x3  }
0x348: {  	[tilespmem:v3+s10+$0x0] =	vst.idx.msk $0xffff, v2  }
0x349: {  	v3 =	vor.u32 $0x6F0, v0;
	v2 =	vld.idx.msk [tilespmem:v4+s2+$0x0], $0xffff  }
0x34a: {  	v4 =	vor.u32 $0x6, v1;
	_ =	sdelay $0x3  }
0x34b: {  	[tilespmem:v3+s10+$0x0] =	vst.idx.msk $0xffff, v2  }
0x34c: {  	v3 =	vor.u32 $0x770, v0;
	v2 =	vld.idx.msk [tilespmem:v4+s2+$0x0], $0xffff  }
0x34d: {  	v4 =	vor.u32 $0x7, v1;
	_ =	sdelay $0x3  }
0x34e: {  	[tilespmem:v3+s10+$0x0] =	vst.idx.msk $0xffff, v2  }
0x34f: {  	v3 =	vor.u32 $0x7F0, v0;
	v2 =	vld.idx.msk [tilespmem:v4+s2+$0x0], $0xffff  }
0x350: {  	v4 =	vor.u32 $0x8, v1;
	_ =	sdelay $0x3  }
0x351: {  	[tilespmem:v3+s10+$0x0] =	vst.idx.msk $0xffff, v2  }
0x352: {  	v3 =	vor.u32 $0xC70, v0;
	v2 =	vld.idx.msk [tilespmem:v4+s2+$0x0], $0xffff  }
0x353: {  	v4 =	vor.u32 $0x9, v1;
	_ =	sdelay $0x3  }
0x354: {  	[tilespmem:v3+s10+$0x0] =	vst.idx.msk $0xffff, v2  }
0x355: {  	v3 =	vor.u32 $0xCF0, v0;
	v2 =	vld.idx.msk [tilespmem:v4+s2+$0x0], $0xffff  }
0x356: {  	v4 =	vor.u32 $0xA, v1;
	_ =	sdelay $0x3  }
0x357: {  	[tilespmem:v3+s10+$0x0] =	vst.idx.msk $0xffff, v2  }
0x358: {  	v3 =	vor.u32 $0xD70, v0;
	v2 =	vld.idx.msk [tilespmem:v4+s2+$0x0], $0xffff  }
0x359: {  	v4 =	vor.u32 $0xB, v1;
	_ =	sdelay $0x3  }
0x35a: {  	[tilespmem:v3+s10+$0x0] =	vst.idx.msk $0xffff, v2  }
0x35b: {  	v3 =	vor.u32 $0xDF0, v0;
	v2 =	vld.idx.msk [tilespmem:v4+s2+$0x0], $0xffff  }
0x35c: {  	v4 =	vor.u32 $0xC, v1;
	_ =	sdelay $0x3  }
0x35d: {  	[tilespmem:v3+s10+$0x0] =	vst.idx.msk $0xffff, v2  }
0x35e: {  	v3 =	vor.u32 $0xE70, v0;
	v2 =	vld.idx.msk [tilespmem:v4+s2+$0x0], $0xffff  }
0x35f: {  	v4 =	vor.u32 $0xD, v1;
	_ =	sdelay $0x3  }
0x360: {  	[tilespmem:v3+s10+$0x0] =	vst.idx.msk $0xffff, v2  }
0x361: {  	v3 =	vor.u32 $0xEF0, v0;
	v2 =	vld.idx.msk [tilespmem:v4+s2+$0x0], $0xffff  }
0x362: {  	v4 =	vor.u32 $0xE, v1;
	_ =	sdelay $0x3  }
0x363: {  	[tilespmem:v3+s10+$0x0] =	vst.idx.msk $0xffff, v2  }
0x364: {  	v3 =	vor.u32 $0xF70, v0;
	v2 =	vld.idx.msk [tilespmem:v4+s2+$0x0], $0xffff  }
0x365: {  	v1 =	vor.u32 $0xF, v1;
	_ =	sdelay $0x3  }
0x366: {  	[tilespmem:v3+s10+$0x0] =	vst.idx.msk $0xffff, v2  }
0x367: {  	v2 =	vor.u32 $0xFF0, v0;
	v1 =	vld.idx.msk [tilespmem:v1+s2+$0x0], $0xffff;
	_ =	sdelay $0x3  }
0x368: {  	p1 =	sne.s32 s20, $0xB00  }
.Ltmp0:
0x369: {  	s21 =	sadd.s32 s20, s18;
	[tilespmem:v2+s10+$0x0] =	vst.idx.msk $0xffff, v1;
	(pc) =	sbr.rel @p1 .LBB2_4-.Ltmp0, $4  }
0x36a: {  	[hbm4b:s21+s11] =	stream.strided.scatter [tilespmem:s10], [sflag:$0x1], $0x1000, s12, s11, $0x38;
	[tilespmem:$0x11C00] =	vst v63  }
0x36b: {  	v4 =	vld [tilespmem:$0x1FFF0];
	_ =	swait.ge [sflag:s8], $0x1000  }
0x36c: {  	[sflag:s8] =	ssyncset.done $0x0  }
0x36d: {  	s20 =	sadd.s32 $0x100, s20;
	s19 =	sadd.s32 $0x100, s19;
	[sflag:s8] =	ssyncadd.s32 $0xFFFFF000  }
.Ltmp1:
0x36e: {  	(pc) =	sbr.rel @p0 .LBB2_3-.Ltmp1, $2  }
0x36f: {  	_ =	sdelay $0x2  }
0x370: {  	s18 =	simm.s32 $0x1;
	p1 =	por $0x0, $0x0  }
0x371: {  	s15 =	sadd.s32 $0x1, s15  }
0x372: {  	p0 =	sne.s32 s15, $0x4  }
.Ltmp2:
0x373: {  	_ = 	snop;
	(pc) =	sbr.rel @p0 .LBB2_2-.Ltmp2, $2  }
0x374: {  	_ =	sdelay $0x2  }
0x375: {  	s14 =	sadd.s32 $0xC00, s14  }
0x376: {  	s13 =	sadd.s32 $0x1, s13  }
0x377: {  	p0 =	sne.s32 s13, s6  }
.Ltmp3:
0x378: {  	_ = 	snop;
	(pc) =	sbr.rel @p0 .LBB2_1-.Ltmp3, $1  }
0x379: {  	_ =	sdelay $0x3  }
0x37a: {  	_ =	sfence.sel $0x180000  }
0x37b: {  	[bflag:$0x0] =	sbarrier.arrive $0xFFFF  }
0x37c: {  	p0 =	sne.s32 s3, $0x0;
	_ =	strace $0x90000047  }
0x37d: {  	s0 =	sadd.s32 @!p0 $0x100000, s0;
	[bflag:$0x2] =	sbarrier.arrive $0xFFFF  }
0x37e: {  	[sflag:s0] =	ssyncadd.tile.s32 @!p0 $0x1;
	_ =	shalt  }
.Lfunc_end2:
_tile_overlayer_lowered:
.L_overlay_start_2:
0x37f: {  	(tag) =	ssettag $0x2  }
0x380: {  	s0 =	rddreg [dreg:$0x0];
	s2 =	stileid.u32  }
0x381: {  	s1 =	rddreg [dreg:$0x1];
	p0 =	sne.s32 s2, $0x0  }
0x382: {  	s3 =	rddreg [dreg:$0x2];
	[bflag:$0x3] =	sbarrier.arrive $0xFFFF;
	s2 =	simm.s32 @!p0 $0x1C01  }
0x383: {  	[timem:s3], [sflag:s2] =	dma.local @!p0 [hbm:s0], s1  }
0x384: {  	s0 =	simm.s32 @!p0 $0x1  }
0x385: {  	_ =	swait.ge @!p0 [sflag:s0], s1  }
0x386: {  	s1 =	ssub.s32 @!p0 $0x0, s1;
	[sflag:s0] =	ssyncset.done @!p0 $0x0  }
0x387: {  	[sflag:s0] =	ssyncadd.s32 @!p0 s1  }
0x388: {  	[bflag:$0x3] =	sbarrier.arrive $0xFFFF  }
0x389: {  	_ =	shalt  }

// kernel: sparse-core-data-format-call.cloned.1.call-start
scs
called_computation_lowered:
.L_overlay_start_0:
0x0: {  	s1 =	sld [smem:$0x3FD9]  }
0x1: {  	s2 =	sld [smem:$0x3FFE];
	_ =	sdelay $0x1  }
0x2: {  	s3 =	srdreg.scid  }
0x3: {  	s0 =	sand.u32 $0x1, s3  }
0x4: {  	s17 =	sshll.u32 s0, $0xA;
	s1 =	sadd.s32 s2, s1  }
0x5: {  	s1 =	sadd.s32 s1, s17  }
0x6: {  	[smem:$0x3FC1] =	sst s1  }
0x7: {  	_ = 	snop  }
0x8: {  	(tm) =	ssettm $0x1  }
0x9: {  	s18 =	sld [smem:$0x3FFB];
	_ =	sdelay $0x3  }
0xa: {  	_ =	strace s18  }
0xb: {  	s1 =	sld [smem:$0x3FFC];
	_ =	sdelay $0x3  }
0xc: {  	_ =	strace s1  }
0xd: {  	s1 =	sld [smem:$0x3FFD];
	_ =	sdelay $0x3  }
0xe: {  	_ =	strace s1  }
0xf: {  	_ =	strace $0x8FFFFFFF  }
0x10: {  	s19 =	sld [smem:$0x3FDB];
	_ =	sdelay $0x1  }
0x11: {  	s20 =	simm.s32 $_scs_section_size  }
0x12: {  	s4 =	simm.s32 $_size__tile_overlayer_lowered;
	s5 =	simm.s32 $_tile_overlayer_lowered  }
0x13: {  	s23 =	simm.s32 $0x1BFF;
	s22 =	sshll.u32 s5, $0x1;
	s1 =	sadd.s32 s20, s19  }
0x14: {  	s6 =	simm.s32 $0x0;
	s21 =	sshll.u32 s4, $0x1;
	s4 =	sadd.s32 s22, s1  }
0x15: {  	[timem:s6], [sflag:s23] =	dma.local [hbm:s4], s21  }
0x16: {  	_ =	swait.ge [sflag:s23], s21  }
0x17: {  	s2 =	ssub.s32 $0x0, s21;
	[sflag:s23] =	ssyncset.done $0x0  }
0x18: {  	[sflag:s23] =	ssyncadd.s32 s2;
	_ =	sdelay $0x1  }
0x19: {  	s24 =	simm.s32 $0x1B8B  }
0x1a: {  	_ =	swait.ge [sflag:s24], $0x1  }
0x1b: {  	[sflag:s24] =	ssyncset.done $0x0  }
0x1c: {  	s26 =	simm.s32 $0x1B8E;
	s25 =	sld [smem:$0x3FFE];
	[sflag:s24] =	ssyncadd.s32 $0xFFFFFFFF  }
0x1d: {  	s27 =	simm.s32 $execute0_lowered;
	[smem:$0x3FD2] =	sst s26  }
0x1e: {  	s4 =	sshll.u32 s27, $0x1;
	_ =	strace $0x80000049;
	[dreg:$0x1] =	wrdreg $0xFFFFFFFF  }
0x1f: {  	s28 =	simm.s32 $_size_execute0_lowered;
	s1 =	sadd.s32 s1, s4;
	[dreg:$0x0] =	wrdreg $0x0  }
0x20: {  	s4 =	sshll.u32 s28, $0x1;
	[dreg:$0x2] =	wrdreg s1  }
0x21: {  	[dreg:$0x3] =	wrdreg s4  }
0x22: {  	[dreg:$0x4] =	wrdreg $0xC0  }
0x23: {  	_ =	task [dreg:s6], $0x5FFFF  }
0x24: {  	[dreg:$0x1] =	wrdreg $0xFFFFFFFF  }
0x25: {  	[dreg:$0x0] =	wrdreg $0x60  }
0x26: {  	[dreg:$0x2] =	wrdreg s25  }
0x27: {  	[dreg:$0x3] =	wrdreg $0x9  }
0x28: {  	_ =	task.clear_ibuf [dreg:s6], $0x4FFFF;
	_ =	strace $0x90000049  }
0x29: {  	s29 =	simm.s32 $0x9;
	_ =	strace $0x8000004B  }
0x2a: {  	_ =	swait.ge [sflag:s29], $0x1  }
0x2b: {  	[sflag:s29] =	ssyncadd.s32 $0xFFFFFFFF  }
0x2c: {  	_ =	strace $0x9000004B  }
0x2d: {  	_ =	sfence  }
0x2e: {  	s30 =	sld [smem:$0x0];
	_ =	sdelay $0x2  }
0x2f: {  	s31 =	sshll.u32 s3, $0xD;
	s3 =	sshrl.u32 s3, $0x2  }
0x30: {  	s2 =	sand.u32 $0x4000, s31;
	s1 =	sadd.s32 s3, s30  }
0x31: {  	s0 =	sor.u32 s2, s0;
	s1 =	sshll.u32 s1, $0x11  }
0x32: {  	s0 =	sor.u32 s1, s0  }
0x33: {  	s0 =	sadd.s32 $0x8F2B, s0  }
0x34: {  	[sflag:s0] =	ssyncadd.remote.s32 $0x1  }
0x35: {  	_ =	sfence.sel $0xFFFF  }
0x36: {  	[dreg:$0x0] =	wrdreg $0xFFFFFFFF;
	(pc) =	sbr.abs _section_cstart, $3  }
0x37: {  	[dreg:$0x1] =	wrdreg $0xFFFFFFFF  }
0x38: {  	_ =	task.clear_ibuf [dreg:s6], $0x2FFFF;
	_ =	strace $0x9FFFFFFF  }
0x39: {  	(tm) =	ssettm $0x7FFFFFFF  }
tec
execute0_lowered:
.L_overlay_start_1:
0x0: {  	(tag) =	ssettag $0x1  }
0x1: {  	s0 =	rddreg [dreg:$0x0]  }
0x2: {  	s2 =	stileid.u32;
	s4 =	srdreg.scid;
	_ =	strace $0x8000004A  }
0x3: {  	s9 =	simm.s32 $0x2;
	s19 =	simm.s32 $0x0;
	s11 =	simm.s32 $0x0  }
0x4: {  	s17 =	simm.s32 $0x0;
	s20 =	simm.s32 $0x0;
	s1 =	sshll.u32 s2, $0x2  }
0x5: {  	s18 =	simm.s32 $0x0;
	s13 =	simm.s32 $0x0;
	s3 =	sand.u32 $0x38, s1  }
0x6: {  	s2 =	sand.u32 $0x1, s2;
	s27 =	sshll.u32 s4, $0x8;
	s6 =	ssub.s32 $0x40, s3  }
0x7: {  	s5 =	ssub.s32 $0x2, s2;
	s4 =	sand.u32 $0x100, s27;
	s7 =	sand.u32 $0x38, s6  }
0x8: {  	s28 =	sshrl.u32 s5, $0x1;
	p0 =	sne.s32 s7, $0x0;
	s7 =	simm.s32 $0x1  }
0x9: {  	s5 =	sand.u32 $0x1, s5;
	s6 =	sshrl.u32 s6, $0x6;
	s7 =	simm.s32 @!p0 $0x0  }
0xa: {  	s8 =	ssub.s32 $0x3000, s4;
	s1 =	sadd.s32 s5, s28;
	s29 =	sadd.s32 s7, s6  }
0xb: {  	s16 =	simm.s32 $0x0;
	s30 =	sshrl.u32 s8, $0x8;
	s1 =	smul.u32 s1, s29  }
.Ltmp0:
0xc: {  	s31 =	sshrl.u32 s8, $0x9;
	s6 =	sand.u32 $0x1, s30;
	(pc) =	sbr.rel .LBB1_1-.Ltmp0, $4  }
0xd: {  	s26 =	simm.s32 $0x0;
	s15 =	smov.u32 s2;
	s6 =	sadd.s32 s31, s6  }
0xe: {  	s12 =	smov.u32 s4;
	s5 =	simm.s32 $0x1;
	s6 =	smul.u32 s6, s1  }
0xf: {  	s14 =	smov.u32 s3;
	s8 =	sadd.s32 $0x1D2000, s0;
	[sflag:s5] =	ssyncpa.u1 $0x0  }
0x10: {  	[sflag:s9] =	ssyncpa.u1 $0x0;
	s7 =	sadd.s32 $0x52000, s0;
	s9 =	sadd.s32 $0x1, s6  }
.LBB1_7:
0x11: {  	s0 =	sadd.s32 $0x200, s12  }
0x12: {  	s1 =	sadd.s32 $0x8, s13;
	s10 =	smov.u32 s13;
	p1 =	sgt.s32 s0, $0x2FFF  }
0x13: {  	s10 =	smov.u32 @p1 s1  }
0x14: {  	s21 =	smov.u32 s14;
	s1 =	sadd.s32 $0x40, s14;
	p2 =	sgt.s32 s10, $0x7  }
0x15: {  	s21 =	smov.u32 @p2 s1  }
0x16: {  	s22 =	smov.u32 s15;
	s1 =	sadd.s32 $0x2, s15;
	p3 =	sgt.s32 s21, $0x3F  }
0x17: {  	p0 =	slt.u32 s16, $0x2;
	s22 =	smov.u32 @p3 s1  }
0x18: {  	s19 =	smov.u32 s12;
	s0 =	smov.u32 @p1 s4;
	p1 =	sgt.s32 s22, $0x1  }
0x19: {  	s17 =	smov.u32 s13;
	s22 =	smov.u32 @p1 s2;
	p1 =	sne.s32 s16, s9  }
.Ltmp1:
0x1a: {  	s20 =	smov.u32 s14;
	s18 =	smov.u32 s15;
	(pc) =	sbr.rel @!p1 .LBB1_8-.Ltmp1, $4  }
0x1b: {  	s11 =	sadd.s32 $0x4000, s11;
	s12 =	smov.u32 s0;
	s1 =	simm.s32 @!p0 $0x2  }
0x1c: {  	s10 =	simm.s32 @p2 $0x0;
	s21 =	smov.u32 @p3 s3;
	_ =	swait.ge @!p0 [sflag:s1], $0x4000  }
0x1d: {  	s13 =	smov.u32 s10;
	s14 =	smov.u32 s21;
	[sflag:s1] =	ssyncset.done @!p0 $0x0  }
0x1e: {  	s16 =	sadd.s32 $0x1, s16;
	[sflag:s1] =	ssyncadd.s32 @!p0 $0xFFFFC000;
	s15 =	smov.u32 s22  }
.LBB1_1:
0x1f: {  	p0 =	sge.u32 s16, s6  }
0x20: {  	s0 =	sshrl.u32 @!p0 s13, $0x3  }
0x21: {  	s1 =	sshll.u32 @!p0 s12, $0x3;
	s10 =	sshll.u32 @!p0 s13, $0x7;
	s0 =	smul.u32 @!p0 $0x18000, s0  }
0x22: {  	s21 =	sand.u32 @!p0 $0x7F, s12;
	s1 =	sand.u32 @!p0 $0xFFFFFC00, s1;
	s10 =	sand.u32 @!p0 $0x380, s10  }
0x23: {  	s0 =	sadd.s32 @!p0 s0, s1;
	s1 =	sor.u32 @!p0 s21, s10  }
0x24: {  	s1 =	sor.u32 @!p0 s0, s1  }
0x25: {  	s10 =	smulhi.u32 @!p0 $0xAAAAAAAB, s1  }
0x26: {  	s0 =	smulhi.u32 @!p0 $0xAAAAAAAB, s0  }
0x27: {  	s31 =	sadd.s32 $0xFFFFFFFF, s16;
	s22 =	smul.u32 @!p0 $0xC0000, s15;
	s10 =	sshrl.u32 @!p0 s10, $0xD  }
0x28: {  	s21 =	sxor.u32 @!p0 $0xFFFFFFFF, s16;
	s0 =	sshrl.u32 @!p0 s0, $0xD;
	s10 =	smul.u32 @!p0 $0x3000, s10  }
0x29: {  	s23 =	smul.u32 @!p0 $0x3000, s14;
	s21 =	sshll.u32 @!p0 s21, $0xE;
	s0 =	sand.u32 @!p0 $0x7, s0  }
0x2a: {  	s0 =	smul.u32 @!p0 $0x600, s0;
	s1 =	ssub.s32 @!p0 s1, s10;
	s10 =	sadd.s32 @!p0 s7, s22  }
0x2b: {  	s21 =	sand.u32 @!p0 $0x4000, s21;
	s10 =	sadd.s32 @!p0 s23, s10;
	s22 =	sand.u32 @!p0 $0x7, s1  }
0x2c: {  	s1 =	sshrl.u32 @!p0 s1, $0x3;
	s0 =	sadd.s32 @!p0 s0, s10;
	s10 =	sshll.u32 @!p0 s22, $0x12  }
0x2d: {  	s0 =	sadd.s32 @!p0 s1, s0;
	s1 =	sor.u32 @!p0 $0x800, s10;
	s10 =	simm.s32 @!p0 $0x18000  }
0x2e: {  	[tilespmem:s21], [sflag:$0x1] =	stream.strided.gather @!p0 [hbm4b:s0+s1], $0x4000, s10, s1, $0x38;
	[tilespmem:$0x10000] =	vst v63  }
0x2f: {  	p0 =	sge.u32 s31, s6  }
.Ltmp2:
0x30: {  	_ = 	snop;
	(pc) =	sbr.rel @p0 .LBB1_7-.Ltmp2, $1  }
0x31: {  	_ =	sdelay $0x3  }
0x32: {  	s0 =	sshll.u32 s11, $0x2;
	_ =	swait.ge [sflag:s5], $0x4000;
	s1 =	sshll.u32 s16, $0xE  }
0x33: {  	p0 =	por $0x0, $0x0;
	s27 =	simm.s32 $0x0;
	s28 =	simm.s32 $0x0  }
0x34: {  	s0 =	sand.u32 $0x10000, s0;
	[sflag:s5] =	ssyncset.done $0x0;
	s24 =	sand.u32 $0x4000, s1  }
0x35: {  	s0 =	sshrl.u32 s0, $0x2;
	[sflag:s5] =	ssyncadd.s32 $0xFFFFC000;
	s21 =	sor.u32 $0x8000, s24  }
0x36: {  	s22 =	sor.u32 $0x40, s0;
	s23 =	sor.u32 $0x8410, s0;
	s25 =	sadd.s32 $0x8400, s0  }
.LBB1_3:
0x37: {  	v1 =	vld [tilespmem:s22+$0xFFFFFFD0]  }
0x38: {  	v2 =	vld [tilespmem:s22+$0x430]  }
0x39: {  	s0 =	sshll.u32 s28, $0xB;
	v4 =	vld [tilespmem:s22+$0xFFFFFFE0]  }
0x3a: {  	v7 =	vld [tilespmem:s22+$0xFFFFFFF0];
	v0 =	vmov s0  }
0x3b: {  	v8 =	vld [tilespmem:s22+$0x0]  }
0x3c: {  	s10 =	sand.u32 $0x300, s26;
	v9 =	vld [tilespmem:s22+$0x10]  }
0x3d: {  	s1 =	sand.u32 $0x80, s26;
	v10 =	vld [tilespmem:s22+$0x20];
	s0 =	sadd.s32 s10, s24  }
0x3e: {  	v11 =	vld [tilespmem:s22+$0x30];
	s0 =	sadd.s32 s1, s0;
	s1 =	simm.s32 $0x1;
	[tilespmem:s23+$0x60] =	vst v2  }
0x3f: {  	s10 =	sshll.u32 s27, $0x2;
	s1 =	simm.s32 @!p0 $0x0;
	[tilespmem:s23+$0xFFFFFC00] =	vst v1;
	v3 =	vld.idx.msk [tilespmem:v0+s0+$0x400 ss:$0x1], $0xffff  }
0x40: {  	v6 =	vld [tilespmem:s22+$0x3D0];
	s1 =	sshll.u32 s1, $0x9;
	[tilespmem:s23+$0xFFFFFC10] =	vst v4;
	s0 =	sand.u32 $0xFFFFFC00, s10  }
0x41: {  	v5 =	vld [tilespmem:s22+$0x3E0];
	[tilespmem:s23+$0xFFFFFC20] =	vst v7;
	s0 =	sor.u32 s1, s0  }
0x42: {  	[tilespmem:s23+$0xFFFFFC30] =	vst v8;
	v4 =	vld [tilespmem:s22+$0x400];
	s0 =	sshrl.u32 s0, $0x2  }
0x43: {  	[tilespmem:s23+$0xFFFFFC40] =	vst v9;
	v1 =	vld [tilespmem:s22+$0x410];
	s29 =	sadd.s32 s0, s25  }
0x44: {  	[tilespmem:s29+$0x0] =	vst v3;
	v3 =	vld [tilespmem:s22+$0x3F0]  }
0x45: {  	s30 =	sadd.s32 $0x80, s22;
	[tilespmem:s23+$0xFFFFFC50] =	vst v10;
	v2 =	vld [tilespmem:s22+$0x420];
	s1 =	simm.s32 $0x80  }
0x46: {  	s31 =	smov.u32 s23;
	v7 =	vld [tilespmem:s22+$0xFFFFFFC0];
	[tilespmem:s23+$0xFFFFFC60] =	vst v11;
	s10 =	sand.u32 $0x300, s1;
	s0 =	simm.s32 $0x100  }
.LBB1_4:
0x47: {  	p1 =	sne.s32 s0, $0x380;
	v8 =	vld [tilespmem:s30+$0xFFFFFFD0];
	s1 =	sand.u32 $0x80, s1;
	s10 =	sadd.s32 s10, s24;
	[tilespmem:s31+$0x0] =	vst v6  }
0x48: {  	s10 =	sadd.s32 s1, s10;
	v6 =	vld [tilespmem:s30+$0x430];
	[tilespmem:s31+$0x10] =	vst v5;
	s1 =	smov.u32 s0  }
0x49: {  	v5 =	vld.idx.msk [tilespmem:v0+s10+$0x400 ss:$0x1], $0xffff;
	[tilespmem:s31+$0x20] =	vst v3  }
0x4a: {  	v3 =	vld [tilespmem:s30+$0xFFFFFFE0];
	[tilespmem:s31+$0x30] =	vst v4  }
0x4b: {  	v4 =	vld [tilespmem:s30+$0xFFFFFFF0];
	[tilespmem:s31+$0xFFFFFBF0] =	vst v7  }
0x4c: {  	v7 =	vld [tilespmem:s30+$0x0];
	[tilespmem:s31+$0x40] =	vst v1  }
0x4d: {  	v1 =	vld [tilespmem:s30+$0x10];
	[tilespmem:s31+$0x50] =	vst v2;
	s31 =	sadd.s32 $0x800, s31  }
0x4e: {  	s29 =	sadd.s32 $0x800, s29;
	v2 =	vld [tilespmem:s30+$0x20];
	[tilespmem:s31+$0x60] =	vst v6  }
0x4f: {  	v9 =	vld [tilespmem:s30+$0x30];
	[tilespmem:s29+$0x0] =	vst v5  }
0x50: {  	[tilespmem:s31+$0xFFFFFC00] =	vst v8;
	v6 =	vld [tilespmem:s30+$0x3D0]  }
0x51: {  	[tilespmem:s31+$0xFFFFFC10] =	vst v3;
	v5 =	vld [tilespmem:s30+$0x3E0]  }
.Ltmp3:
0x52: {  	[tilespmem:s31+$0xFFFFFC20] =	vst v4;
	v3 =	vld [tilespmem:s30+$0x3F0];
	(pc) =	sbr.rel @p1 .LBB1_4-.Ltmp3, $4  }
0x53: {  	[tilespmem:s31+$0xFFFFFC30] =	vst v7;
	v4 =	vld [tilespmem:s30+$0x400]  }
0x54: {  	[tilespmem:s31+$0xFFFFFC40] =	vst v1;
	v1 =	vld [tilespmem:s30+$0x410]  }
0x55: {  	[tilespmem:s31+$0xFFFFFC50] =	vst v2;
	v2 =	vld [tilespmem:s30+$0x420]  }
0x56: {  	s0 =	sadd.s32 $0x80, s0;
	s10 =	sand.u32 $0x300, s1;
	v7 =	vld [tilespmem:s30+$0xFFFFFFC0];
	[tilespmem:s31+$0xFFFFFC60] =	vst v9;
	s30 =	sadd.s32 $0x80, s30  }
0x57: {  	[tilespmem:s31+$0x0] =	vst v6  }
0x58: {  	[tilespmem:s31+$0x10] =	vst v5  }
0x59: {  	v49 =	vld [tilespmem:s30+$0x430];
	[tilespmem:s31+$0x20] =	vst v3  }
0x5a: {  	v50 =	vld [tilespmem:s30+$0xFFFFFFD0];
	[tilespmem:s31+$0x30] =	vst v4  }
0x5b: {  	v51 =	vld [tilespmem:s30+$0xFFFFFFE0];
	[tilespmem:s31+$0x40] =	vst v1  }
0x5c: {  	s0 =	sand.u32 $0x80, s1;
	s10 =	sadd.s32 s10, s24;
	v52 =	vld [tilespmem:s30+$0xFFFFFFF0];
	[tilespmem:s31+$0x50] =	vst v2  }
0x5d: {  	v53 =	vld [tilespmem:s30+$0x0];
	s0 =	sadd.s32 s0, s10;
	s10 =	sadd.s32 $0x800, s31;
	[tilespmem:s31+$0xFFFFFBF0] =	vst v7  }
0x5e: {  	v54 =	vld [tilespmem:s30+$0x10];
	[tilespmem:s10+$0x60] =	vst v49  }
0x5f: {  	v55 =	vld [tilespmem:s30+$0x20];
	[tilespmem:s10+$0xFFFFFC00] =	vst v50  }
0x60: {  	v56 =	vld [tilespmem:s30+$0x30];
	[tilespmem:s10+$0xFFFFFC10] =	vst v51  }
0x61: {  	v57 =	vld [tilespmem:s30+$0x3D0];
	[tilespmem:s10+$0xFFFFFC20] =	vst v52  }
0x62: {  	v58 =	vld [tilespmem:s30+$0x3E0];
	[tilespmem:s10+$0xFFFFFC30] =	vst v53  }
0x63: {  	v59 =	vld [tilespmem:s30+$0x3F0];
	[tilespmem:s10+$0xFFFFFC40] =	vst v54  }
0x64: {  	v60 =	vld [tilespmem:s30+$0x400];
	[tilespmem:s10+$0xFFFFFC50] =	vst v55  }
0x65: {  	v61 =	vld [tilespmem:s30+$0xFFFFFFC0];
	[tilespmem:s10+$0xFFFFFC60] =	vst v56  }
0x66: {  	v62 =	vld [tilespmem:s30+$0x410];
	[tilespmem:s10+$0x0] =	vst v57  }
0x67: {  	v63 =	vld [tilespmem:s30+$0x420];
	s28 =	sadd.s32 $0x1, s28;
	[tilespmem:s10+$0x10] =	vst v58  }
0x68: {  	p1 =	sne.s32 s28, $0x8;
	v0 =	vld.idx.msk [tilespmem:v0+s0+$0x400 ss:$0x1], $0xffff;
	[tilespmem:s10+$0x20] =	vst v59  }
.Ltmp4:
0x69: {  	[tilespmem:s10+$0x30] =	vst v60;
	(pc) =	sbr.rel @p1 .LBB1_3-.Ltmp4, $4  }
0x6a: {  	[tilespmem:s10+$0xFFFFFBF0] =	vst v61  }
0x6b: {  	[tilespmem:s10+$0x40] =	vst v62  }
0x6c: {  	s22 =	sadd.s32 $0x800, s22;
	s31 =	sadd.s32 $0x800, s29;
	[tilespmem:s10+$0x50] =	vst v63  }
0x6d: {  	s27 =	sadd.s32 $0x80, s27;
	p0 =	por !p0, !p0;
	s23 =	sadd.s32 $0x80, s23;
	[tilespmem:s31+$0x0] =	vst v0  }
0x6e: {  	s0 =	sshrl.u32 s20, $0x3  }
0x6f: {  	s1 =	sshll.u32 s19, $0x3;
	s10 =	sshll.u32 s20, $0x7;
	s0 =	smul.u32 $0x18000, s0  }
0x70: {  	s23 =	sand.u32 $0x7F, s19;
	s1 =	sand.u32 $0xFFFFFC00, s1;
	s10 =	sand.u32 $0x380, s10  }
0x71: {  	s24 =	sor.u32 s10, s23;
	s0 =	sadd.s32 s0, s1  }
0x72: {  	s1 =	sor.u32 s0, s24;
	s0 =	smulhi.u32 $0xAAAAAAAB, s0  }
0x73: {  	s25 =	smulhi.u32 $0xAAAAAAAB, s1  }
0x74: {  	s18 =	smul.u32 $0xC0000, s18  }
0x75: {  	s17 =	smul.u32 $0x18000, s17;
	s0 =	sshrl.u32 s0, $0xD;
	s10 =	sshrl.u32 s25, $0xD  }
0x76: {  	s0 =	sand.u32 $0x3F, s0;
	s10 =	smul.u32 $0x3000, s10  }
0x77: {  	s0 =	smul.u32 $0x600, s0  }
.Ltmp5:
0x78: {  	s27 =	sadd.s32 s8, s18;
	s1 =	ssub.s32 s1, s10;
	(pc) =	sbr.rel .LBB1_7-.Ltmp5, $4  }
0x79: {  	s10 =	sadd.s32 s17, s27;
	s28 =	sand.u32 $0x7, s1  }
0x7a: {  	s1 =	sshrl.u32 s1, $0x3;
	s0 =	sadd.s32 s0, s10;
	s29 =	sshll.u32 s28, $0x12  }
0x7b: {  	s31 =	simm.s32 $0xC0000;
	s0 =	sadd.s32 s1, s0;
	s30 =	sor.u32 $0x800, s29  }
0x7c: {  	[hbm4b:s0+s30] =	stream.strided.scatter [tilespmem:s21], [sflag:$0x2], $0x4000, s31, s30, $0x38;
	[tilespmem:$0x10000] =	vst v63  }
.LBB1_8:
0x7d: {  	_ =	sfence.sel $0x180000  }
0x7e: {  	s0 =	simm.s32 $0x1;
	[bflag:$0x0] =	sbarrier.arrive $0xFFFF  }
0x7f: {  	s30 =	simm.s32 $0x2;
	[sflag:s0] =	ssyncpa.u1 $0x1  }
0x80: {  	[sflag:s30] =	ssyncpa.u1 $0x1  }
0x81: {  	_ =	strace $0x9000004A  }
0x82: {  	s31 =	stileid.u32;
	[bflag:$0x2] =	sbarrier.arrive $0xFFFF  }
0x83: {  	p0 =	sne.s32 s31, $0x0;
	s0 =	rddreg [dreg:$0x1]  }
0x84: {  	s0 =	sadd.s32 @!p0 $0x100000, s0  }
0x85: {  	[sflag:s0] =	ssyncadd.tile.s32 @!p0 $0x1;
	_ =	shalt  }
.Lfunc_end1:
_tile_overlayer_lowered:
.L_overlay_start_2:
0x86: {  	(tag) =	ssettag $0x2  }
0x87: {  	s0 =	rddreg [dreg:$0x0];
	s2 =	stileid.u32  }
0x88: {  	s1 =	rddreg [dreg:$0x1];
	p0 =	sne.s32 s2, $0x0  }
0x89: {  	s3 =	rddreg [dreg:$0x2];
	[bflag:$0x3] =	sbarrier.arrive $0xFFFF;
	s2 =	simm.s32 @!p0 $0x1C01  }
0x8a: {  	[timem:s3], [sflag:s2] =	dma.local @!p0 [hbm:s0], s1  }
0x8b: {  	s0 =	simm.s32 @!p0 $0x1  }
0x8c: {  	_ =	swait.ge @!p0 [sflag:s0], s1  }
0x8d: {  	s1 =	ssub.s32 @!p0 $0x0, s1;
	[sflag:s0] =	ssyncset.done @!p0 $0x0  }
0x8e: {  	[sflag:s0] =	ssyncadd.s32 @!p0 s1  }
0x8f: {  	[bflag:$0x3] =	sbarrier.arrive $0xFFFF  }
0x90: {  	_ =	shalt  }

</sc_bundles>
